<compile_context>
chip_gen: v7x
topology: tpu7x:2x2x1
jax: 0.10.2.dev20260603
libtpu: 0.0.44.dev20260713+nightly
codegen_flags: <defaults>
</compile_context>

<pallas_src>
import numpy as np
import jax
import jax.numpy as jnp
from jax.experimental import pallas as pl
from jax.experimental.pallas import tpu as pltpu

_N = 16
_S = 256
_SFULL = 512
_A = 4
_K = 128
_D = 64
_C = 16
_R = _N - 1
_POOL = _N + _R * _K
_W = _A * _S + _S + _D + 64
_MO = _A * _S
_EO = _MO + _S
_CO = _EO + _D
_PRIOR_BL = 0.1
_LOG_A = float(np.log(_A))
_CEXP = float(_A) / (_A - 1.0)
_LOG_K = float(np.log(_K))
_LOG_PS = [float(np.log((_N - r) * (_N - r - 1) // 2)) for r in range(_R)]


def _dotx(a, b):
    return jnp.dot(a, b, preferred_element_type=jnp.float32,
                   precision=jax.lax.Precision.HIGHEST)


def _split3(x):
    hi = x.astype(jnp.bfloat16)
    r1 = x - hi.astype(jnp.float32)
    mid = r1.astype(jnp.bfloat16)
    lo = (r1 - mid.astype(jnp.float32)).astype(jnp.bfloat16)
    return hi, mid, lo


def _gather3(oh_bf, refs, rsl, csl):
    acc = jnp.dot(oh_bf, refs[0][rsl, csl],
                  preferred_element_type=jnp.float32)
    acc = acc + jnp.dot(oh_bf, refs[1][rsl, csl],
                        preferred_element_type=jnp.float32)
    return acc + jnp.dot(oh_bf, refs[2][rsl, csl],
                         preferred_element_type=jnp.float32)


def _max4(blocks):
    return jnp.maximum(jnp.maximum(blocks[0], blocks[1]),
                       jnp.maximum(blocks[2], blocks[3]))


def _body(g_ref, i1_ref, i2_ref, leaves_ref, data_ref, encw_ref, sitewt_ref,
          spost_ref, wrate_ref, wm_ref, br_ref,
          logz_ref, ll_ref, m1_ref, m2_ref, b1_ref, b2_ref, embr_ref,
          ph_ref, pm_ref, pl_ref):
    f32 = jnp.float32
    bf16 = jnp.bfloat16
    iota_k_col = jax.lax.broadcasted_iota(jnp.int32, (_K, 1), 0).astype(f32)
    iota_k_row = jax.lax.broadcasted_iota(jnp.int32, (1, _K), 1).astype(f32)
    iota_16_row = jax.lax.broadcasted_iota(jnp.int32, (1, 16), 1).astype(f32)
    iota_pool = jax.lax.broadcasted_iota(jnp.int32, (1, _POOL),
                                         1).astype(f32)
    eye_k = (iota_k_col == iota_k_row).astype(f32)
    ones_row = jnp.ones((1, _K), f32)
    pool_refs = (ph_ref, pm_ref, pl_ref)

    m_cs = jnp.dot(sitewt_ref[...], spost_ref[...],
                   preferred_element_type=f32)
    rate_logit = jnp.dot(wrate_ref[...], m_cs, preferred_element_type=f32)
    rate_row = jax.nn.softplus(rate_logit) + 1e-4
    emb_leaf = jnp.tanh(jnp.dot(data_ref[...], encw_ref[...],
                                preferred_element_type=f32))

    dleaf = leaves_ref[...]
    dblk = [dleaf[:, a * _S:(a + 1) * _S] for a in range(_A)]
    dmax = _max4(dblk)
    m_leaf = jnp.log(dmax)
    rmax = 1.0 / dmax
    qblk = [d * rmax for d in dblk]
    tq_leaf = qblk[0] + qblk[1] + qblk[2] + qblk[3]
    ctr_leaf = jnp.sum(m_leaf + jnp.log(tq_leaf) - _LOG_A, axis=1,
                       keepdims=True)
    s0 = jnp.sum(ctr_leaf)
    leaf_rows = jnp.concatenate(
        qblk + [m_leaf, emb_leaf, ctr_leaf, jnp.zeros((_N, 63), f32)],
        axis=1)
    lh, lm, ll3 = _split3(leaf_rows)
    ph_ref[0:_N, :] = lh
    pm_ref[0:_N, :] = lm
    pl_ref[0:_N, :] = ll3

    br = br_ref[...]
    br0 = br[0:1, 0:1]
    br1 = br[0:1, 1:2]
    br2 = br[0:1, 2:3]
    br3 = br[0:1, 3:4]
    wm = wm_ref[...]

    mapv = jax.lax.broadcasted_iota(jnp.int32, (_K, 16), 1).astype(f32)
    lp = jnp.zeros((_K, 1), f32)
    lw = jnp.full((_K, 1), -_LOG_K, f32)
    logz = jnp.zeros((1, 1), f32)
    idx_hist = []
    b1_hist = []
    b2_hist = []

    for r in range(_R):
        t = _N - r
        live = _N + r * _K

        gm = g_ref[r * _K:(r + 1) * _K, :] + lw
        mx = jnp.max(gm, axis=0, keepdims=True)
        idx_row = jnp.min(jnp.where(gm == mx, iota_k_col, float(_K)),
                          axis=0, keepdims=True)
        sel = (iota_k_col == idx_row).astype(f32)
        st = jax.lax.dot_general(
            sel, jnp.concatenate([mapv, lp], axis=1),
            dimension_numbers=(((0,), (0,)), ((), ())),
            preferred_element_type=f32,
            precision=jax.lax.Precision.HIGHEST)
        mapv = jnp.round(st[:, 0:16])
        lp = st[:, 16:17]
        idx_hist.append(idx_row)

        i1 = i1_ref[:, r:r + 1]
        i2 = i2_ref[:, r:r + 1]
        oh1 = (iota_16_row == i1).astype(f32)
        oh2 = (iota_16_row == i2).astype(f32)
        n1 = jnp.round(jnp.sum(oh1 * mapv, axis=1, keepdims=True))
        n2 = jnp.round(jnp.sum(oh2 * mapv, axis=1, keepdims=True))

        nstack = jnp.concatenate([n1, n2], axis=0)
        ohs = (iota_pool[:, 0:live] == nstack).astype(bf16)
        gath = _gather3(ohs, pool_refs, slice(0, live), slice(None))
        e1 = gath[0:_K, _EO:_EO + _D]
        e2 = gath[_K:2 * _K, _EO:_EO + _D]
        c1v = gath[0:_K, _CO:_CO + 1]
        c2v = gath[_K:2 * _K, _CO:_CO + 1]

        diff = e1 - e2
        dist = jnp.sqrt(jnp.sum(diff * diff, axis=1, keepdims=True) + 1e-8)
        b1v = jax.nn.softplus(br0 * dist + br1) * _PRIOR_BL + 1e-4
        b2v = jax.nn.softplus(br2 * dist + br3) * _PRIOR_BL + 1e-4
        e_m = jnp.tanh(jnp.dot(jnp.concatenate([e1, e2], axis=1), wm,
                               preferred_element_type=f32))

        qs = [gath[:, a * _S:(a + 1) * _S] for a in range(_A)]
        ms = gath[:, _MO:_MO + _S]
        bstack = jnp.concatenate([b1v, b2v], axis=0)
        exn = jnp.exp(-(_CEXP * rate_row * bstack + 1e-8))
        pd = (1.0 - exn) * (1.0 / _A)
        tq = qs[0] + qs[1] + qs[2] + qs[3]
        pdt = pd * tq
        us = [pdt + exn * q for q in qs]
        prod = [us[a][0:_K, :] * us[a][_K:2 * _K, :] for a in range(_A)]
        m_new0 = ms[0:_K, :] + ms[_K:2 * _K, :]
        nm = _max4(prod)
        rnm = 1.0 / nm
        qn = [p * rnm for p in prod]
        m_new = m_new0 + jnp.log(nm)
        sq = qn[0] + qn[1] + qn[2] + qn[3]
        ctr_m = jnp.sum(m_new + jnp.log(sq) - _LOG_A, axis=1,
                        keepdims=True)

        new_rows = jnp.concatenate(
            qn + [m_new, e_m, ctr_m, jnp.zeros((_K, 63), f32)], axis=1)
        nh, nm, nl = _split3(new_rows)
        ph_ref[live:live + _K, :] = nh
        pm_ref[live:live + _K, :] = nm
        pl_ref[live:live + _K, :] = nl

        base = s0 if r == 0 else lp
        lp_new = base - c1v - c2v + ctr_m
        log_prior = -2.0 * float(np.log(_PRIOR_BL)) - (b1v + b2v) / _PRIOR_BL
        lw = lp_new - lp + log_prior + _LOG_PS[r]
        lp = lp_new
        mxw = jnp.max(lw)
        logz = logz + (mxw + jnp.log(jnp.sum(jnp.exp(lw - mxw))) - _LOG_K)
        b1_hist.append(b1v)
        b2_hist.append(b2v)

        map_s1 = jnp.concatenate([mapv[:, 1:], mapv[:, :1]], axis=1)
        map_s2 = jnp.concatenate([mapv[:, 2:], mapv[:, :2]], axis=1)
        mapn = jnp.where(iota_16_row < i1, mapv,
                         jnp.where(iota_16_row < i2 - 1.0, map_s1, map_s2))
        newid = float(live) + iota_k_col
        mapv = jnp.where(iota_16_row == float(t - 2), newid, mapn)

    ll_ref[...] = lp
    logz_ref[...] = logz
    ll_row = _dotx(ones_row, eye_k * lp)
    mxl = jnp.max(ll_row, axis=1, keepdims=True)
    jf = jnp.min(jnp.where(ll_row == mxl, iota_k_row, float(_K)),
                 axis=1, keepdims=True)
    oh_rows = [None] * _R
    cid_rows = [None] * _R
    for r in range(_R - 1, -1, -1):
        ohj = (iota_k_row == jf).astype(f32)
        oh_rows[r] = ohj
        cid_rows[r] = float(_N + r * _K) + jf
        jf = jnp.round(jnp.sum(ohj * idx_hist[r], axis=1, keepdims=True))
    ohm = jnp.concatenate(oh_rows + [jnp.zeros((1, _K), f32)],
                          axis=0)
    recs = jnp.concatenate(
        [i1_ref[...], i2_ref[...],
         jnp.concatenate(b1_hist, axis=1), jnp.concatenate(b2_hist, axis=1)],
        axis=1)
    y = _dotx(ohm, recs)
    eye16 = (jax.lax.broadcasted_iota(jnp.int32, (16, 16), 0)
             == jax.lax.broadcasted_iota(jnp.int32, (16, 16), 1)).astype(f32)
    d1615 = (jax.lax.broadcasted_iota(jnp.int32, (16, 15), 0)
             == jax.lax.broadcasted_iota(jnp.int32, (16, 15), 1)).astype(f32)
    m1_ref[...] = jnp.sum(y[:, 0:16] * eye16, axis=0, keepdims=True)
    m2_ref[...] = jnp.sum(y[:, 16:32] * eye16, axis=0, keepdims=True)
    b1_ref[0:1, 0:_R] = jnp.sum(y[:, 32:47] * d1615, axis=0, keepdims=True)
    b2_ref[0:1, 0:_R] = jnp.sum(y[:, 47:62] * d1615, axis=0, keepdims=True)
    cids = jnp.concatenate(cid_rows + [jnp.full((1, 1), -1.0, f32)],
                           axis=0)
    ohp = (iota_pool == cids).astype(bf16)
    embr_ref[...] = _gather3(ohp, pool_refs, slice(0, _POOL),
                             slice(_EO, _EO + _D))


def kernel(data_NxSxA, data_batched_NxSxA, site_positions_batched_SxSfull,
           enc_W, site_enc_W, w_rate, W_merge, br_params):
    f32 = jnp.float32
    kb = jax.random.key(42)
    rr = jnp.arange(_R)
    gkeys = jax.vmap(lambda i: jax.random.fold_in(kb, i))(2 * rr)
    pkeys = jax.vmap(lambda i: jax.random.fold_in(kb, i))(2 * rr + 1)
    gall = jax.vmap(lambda k: jax.random.gumbel(k, (_K, _K), f32))(gkeys)
    g_flat = jnp.transpose(gall, (0, 2, 1)).reshape(_R * _K, _K)
    ps = jnp.asarray([(_N - r) * (_N - r - 1) // 2 for r in range(_R)],
                     jnp.int32)
    pairs = jax.vmap(lambda k, p: jax.random.randint(k, (_K,), 0, p))(
        pkeys, ps)
    pmax = _N * (_N - 1) // 2
    tu0 = np.zeros((_R, pmax), np.int32)
    tu1 = np.zeros((_R, pmax), np.int32)
    for r in range(_R):
        a, b = np.triu_indices(_N - r, 1)
        tu0[r, :len(a)] = a
        tu1[r, :len(b)] = b
    i1m = jnp.take_along_axis(jnp.asarray(tu0), pairs, axis=1).T
    i2m = jnp.take_along_axis(jnp.asarray(tu1), pairs, axis=1).T
    i1 = jnp.pad(i1m.astype(f32), ((0, 0), (0, 16 - _R)))
    i2 = jnp.pad(i2m.astype(f32), ((0, 0), (0, 16 - _R)))
    leaves_t = jnp.transpose(data_batched_NxSxA, (0, 2, 1)).reshape(_N,
                                                                    _A * _S)
    data_flat = data_NxSxA.reshape(_N, _SFULL * _A)
    sitewt = site_enc_W.T
    spost = site_positions_batched_SxSfull.T
    wrow = w_rate.reshape(1, _C)
    brrow = br_params.reshape(1, 4)

    out_shape = [
        jax.ShapeDtypeStruct((1, 1), f32),
        jax.ShapeDtypeStruct((_K, 1), f32),
        jax.ShapeDtypeStruct((1, 16), f32),
        jax.ShapeDtypeStruct((1, 16), f32),
        jax.ShapeDtypeStruct((1, 16), f32),
        jax.ShapeDtypeStruct((1, 16), f32),
        jax.ShapeDtypeStruct((16, _D), f32),
    ]
    scratch = [pltpu.VMEM((_POOL, _W), jnp.bfloat16) for _ in range(3)]
    logz, ll, m1o, m2o, b1o, b2o, embro = pl.pallas_call(
        _body, out_shape=out_shape, scratch_shapes=scratch,
    )(g_flat, i1, i2, leaves_t, data_flat, enc_W, sitewt, spost, wrow,
      W_merge, brrow)
    return (logz[0, 0], ll[:, 0],
            jnp.round(m1o[0, :_R]).astype(jnp.int32),
            jnp.round(m2o[0, :_R]).astype(jnp.int32),
            b1o[0, :_R], b2o[0, :_R], embro[:_R, :])

# --- scband reference (transcript-rebuilt; emitter-appended) ---
"""Pipeline reference for scband-vcsmc-30777735643644 (READ-ONLY COPY).

The authoritative reference and input builder live on the scoring server;
editing this copy changes nothing except your own understanding.
"""

import jax, jax.numpy as jnp
import numpy as np
from jax.scipy.special import logsumexp

N = 16
S = 256
SFULL = 512
A = 4
K = 128
D = 64
C = 16
PRIOR_BL = 0.1


def setup_inputs(seed: int = 0) -> dict:
    key = jax.random.key(seed)
    ks = jax.random.split(key, 8)
    d = jax.random.uniform(ks[0], (N, SFULL, A), jnp.float32, 1e-3, 1.0)
    data_NxSxA = d / d.sum(-1, keepdims=True)
    db = jax.random.uniform(ks[1], (N, S, A), jnp.float32, 1e-3, 1.0)
    data_batched_NxSxA = db / db.sum(-1, keepdims=True)
    site_positions_batched_SxSfull = jnp.eye(SFULL, dtype=jnp.float32)[:S]
    enc_W = 0.02 * jax.random.normal(ks[2], (SFULL * A, D), jnp.float32)
    site_enc_W = 0.1 * jax.random.normal(ks[3], (SFULL, C), jnp.float32)
    w_rate = 0.1 * jax.random.normal(ks[4], (C,), jnp.float32)
    W_merge = 0.05 * jax.random.normal(ks[5], (2 * D, D), jnp.float32)
    br_params = 0.1 * jax.random.normal(ks[6], (4,), jnp.float32)
    return {
        "data_NxSxA": data_NxSxA,
        "data_batched_NxSxA": data_batched_NxSxA,
        "site_positions_batched_SxSfull": site_positions_batched_SxSfull,
        "enc_W": enc_W,
        "site_enc_W": site_enc_W,
        "w_rate": w_rate,
        "W_merge": W_merge,
        "br_params": br_params,
    }


def _vcsmc(data_NxSxA, data_batched_NxSxA, site_pos_SxSfull, enc_W, site_enc_W, w_rate, W_merge, br_params):
    kb = jax.random.key(42)
    site_SxC = site_pos_SxSfull @ site_enc_W
    rate_S = jax.nn.softplus(site_SxC @ w_rate) + 1e-4
    log_stat = -jnp.log(float(A))
    emb_N = jnp.tanh(data_NxSxA.reshape(N, -1) @ enc_W)
    emb = jnp.tile(emb_N[None], (K, 1, 1))
    logfels = jnp.tile(jnp.log(data_batched_NxSxA)[None], (K, 1, 1, 1))
    lc = jnp.ones((K, N), jnp.int32)
    log_pi = jnp.zeros((K,), jnp.float32)
    log_w = jnp.full((K,), -jnp.log(float(K)), jnp.float32)
    m1 = jnp.zeros((K, 0), jnp.int32)
    m2 = jnp.zeros((K, 0), jnp.int32)
    b1r = jnp.zeros((K, 0), jnp.float32)
    b2r = jnp.zeros((K, 0), jnp.float32)
    embr = jnp.zeros((K, 0, D), jnp.float32)
    lw_list = []
    arK = jnp.arange(K)
    cexp = float(A) / (A - 1.0)
    for r in range(N - 1):
        t = N - r
        # multinomial resampling of particles (memory-bound gather)
        idxK = jax.random.categorical(jax.random.fold_in(kb, 2 * r), log_w, shape=(K,))
        emb = emb[idxK]
        logfels = logfels[idxK]
        lc = lc[idxK]
        log_pi = log_pi[idxK]
        m1 = m1[idxK]
        m2 = m2[idxK]
        b1r = b1r[idxK]
        b2r = b2r[idxK]
        embr = embr[idxK]
        # proposal: uniform pair, learned branch lengths and merged embedding (J=1)
        P = t * (t - 1) // 2
        iu0, iu1 = np.triu_indices(t, 1)
        pair = jax.random.randint(jax.random.fold_in(kb, 2 * r + 1), (K,), 0, P)
        idx1 = jnp.asarray(iu0, jnp.int32)[pair]
        idx2 = jnp.asarray(iu1, jnp.int32)[pair]
        e1 = emb[arK, idx1]
        e2 = emb[arK, idx2]
        dist = jnp.sqrt(jnp.sum((e1 - e2) ** 2, -1) + 1e-8)
        branch1 = jax.nn.softplus(br_params[0] * dist + br_params[1]) * PRIOR_BL + 1e-4
        branch2 = jax.nn.softplus(br_params[2] * dist + br_params[3]) * PRIOR_BL + 1e-4
        e_m = jnp.tanh(jnp.concatenate([e1, e2], -1) @ W_merge)
        f1 = logfels[arK, idx1]
        f2 = logfels[arK, idx2]

        def contrib(f, b):
            ex = cexp * rate_S[None, :] * b[:, None] + 1e-8
            log_pdiff = jnp.log1p(-jnp.exp(-ex)) - jnp.log(float(A))
            tot = logsumexp(f, axis=-1)
            return jnp.logaddexp((log_pdiff + tot)[..., None], (-ex)[..., None] + f)

        merged = contrib(f1, branch1) + contrib(f2, branch2)
        # remove the two merged nodes, append the merged node (per-particle dynamic)
        pos = jnp.arange(t)
        removed = (pos[None, :] == idx1[:, None]) | (pos[None, :] == idx2[:, None])
        order = jnp.argsort(jnp.where(removed, t + pos[None, :], pos[None, :]), axis=1)[:, : t - 2]
        logfels = jnp.concatenate([jnp.take_along_axis(logfels, order[:, :, None, None], axis=1), merged[:, None]], axis=1)
        emb = jnp.concatenate([jnp.take_along_axis(emb, order[:, :, None], axis=1), e_m[:, None]], axis=1)
        lc_m = lc[arK, idx1] + lc[arK, idx2]
        lc = jnp.concatenate([jnp.take_along_axis(lc, order, axis=1), lc_m[:, None]], axis=1)
        # forest log-likelihood under uniform stationary distribution
        log_pi_new = jnp.sum(jnp.sum(logsumexp(log_stat + logfels, axis=-1), axis=-1), axis=-1)
        log_prior = -2.0 * jnp.log(PRIOR_BL) - (branch1 + branch2) / PRIOR_BL
        log_w = log_pi_new - log_pi + log_prior + jnp.log(float(P))
        lw_list.append(log_w)
        log_pi = log_pi_new
        m1 = jnp.concatenate([m1, idx1[:, None]], 1)
        m2 = jnp.concatenate([m2, idx2[:, None]], 1)
        b1r = jnp.concatenate([b1r, branch1[:, None]], 1)
        b2r = jnp.concatenate([b2r, branch2[:, None]], 1)
        embr = jnp.concatenate([embr, e_m[:, None]], 1)
    log_Z = sum(logsumexp(lw) - jnp.log(float(K)) for lw in lw_list)
    ll_K = log_pi
    best = jnp.argmax(ll_K)
    return (log_Z, ll_K, m1[best], m2[best], b1r[best], b2r[best], embr[best])


def reference(data_NxSxA, data_batched_NxSxA, site_positions_batched_SxSfull, enc_W, site_enc_W, w_rate, W_merge, br_params):
    return _vcsmc(data_NxSxA, data_batched_NxSxA, site_positions_batched_SxSfull, enc_W, site_enc_W, w_rate, W_merge, br_params)

if __name__ == "__main__":
    import jax
    _d = setup_inputs()
    print(jax.jit(kernel)(*tuple(_d.values())))

</pallas_src>

<mosaic_0001>
module attributes {stable_mosaic.version = 14 : i64} {
  func.func @_body(%arg0: memref<1920x128xf32, #tpu.memory_space<vmem>>, %arg1: memref<128x16xf32, #tpu.memory_space<vmem>>, %arg2: memref<128x16xf32, #tpu.memory_space<vmem>>, %arg3: memref<16x1024xf32, #tpu.memory_space<vmem>>, %arg4: memref<16x2048xf32, #tpu.memory_space<vmem>>, %arg5: memref<2048x64xf32, #tpu.memory_space<vmem>>, %arg6: memref<16x512xf32, #tpu.memory_space<vmem>>, %arg7: memref<512x256xf32, #tpu.memory_space<vmem>>, %arg8: memref<1x16xf32, #tpu.memory_space<vmem>>, %arg9: memref<128x64xf32, #tpu.memory_space<vmem>>, %arg10: memref<1x4xf32, #tpu.memory_space<vmem>>, %arg11: memref<1x1xf32, #tpu.memory_space<vmem>>, %arg12: memref<128x1xf32, #tpu.memory_space<vmem>>, %arg13: memref<1x16xf32, #tpu.memory_space<vmem>>, %arg14: memref<1x16xf32, #tpu.memory_space<vmem>>, %arg15: memref<1x16xf32, #tpu.memory_space<vmem>>, %arg16: memref<1x16xf32, #tpu.memory_space<vmem>>, %arg17: memref<16x64xf32, #tpu.memory_space<vmem>>, %arg18: memref<1936x1408xbf16, #tpu.memory_space<vmem>>, %arg19: memref<1936x1408xbf16, #tpu.memory_space<vmem>>, %arg20: memref<1936x1408xbf16, #tpu.memory_space<vmem>>) attributes {dimension_semantics = [], scalar_prefetch = 0 : i64, scratch_operands = 3 : i64, tpu.core_type = #tpu.core_type<tc>} {
    %iota3A = tpu.iota {dimensions = array<i32: 0>} : vector<128x1xi32>
    %convert_element_type3A = arith.sitofp %iota3A : vector<128x1xi32> to vector<128x1xf32>
    %iota3A_0 = tpu.iota {dimensions = array<i32: 1>} : vector<1x128xi32>
    %convert_element_type3A_1 = arith.sitofp %iota3A_0 : vector<1x128xi32> to vector<1x128xf32>
    %iota3A_2 = tpu.iota {dimensions = array<i32: 1>} : vector<1x16xi32>
    %convert_element_type3A_3 = arith.sitofp %iota3A_2 : vector<1x16xi32> to vector<1x16xf32>
    %iota3A_4 = tpu.iota {dimensions = array<i32: 1>} : vector<1x1936xi32>
    %convert_element_type3A_5 = arith.sitofp %iota3A_4 : vector<1x1936xi32> to vector<1x1936xf32>
    %eq3A = vector.broadcast %convert_element_type3A : vector<128x1xf32> to vector<128x128xf32>
    %eq3A_6 = vector.broadcast %convert_element_type3A_1 : vector<1x128xf32> to vector<128x128xf32>
    %eq3A_7 = arith.cmpf oeq, %eq3A, %eq3A_6 : vector<128x128xf32>
    %convert_element_type3A_8 = arith.extui %eq3A_7 : vector<128x128xi1> to vector<128x128xi32>
    %convert_element_type3A_9 = arith.sitofp %convert_element_type3A_8 : vector<128x128xi32> to vector<128x128xf32>
    %broadcast_in_dim3A = arith.constant 1.000000e+00 : f32
    %broadcast_in_dim3A_10 = vector.broadcast %broadcast_in_dim3A : f32 to vector<1x128xf32>
    %get3A = arith.constant 0 : index
    %get3A_11 = arith.constant 0 : index
    %get3A_12 = vector.load %arg6[%get3A, %get3A_11] : memref<16x512xf32, #tpu.memory_space<vmem>>, vector<16x512xf32>
    %get3A_13 = arith.constant 0 : index
    %get3A_14 = arith.constant 0 : index
    %get3A_15 = vector.load %arg7[%get3A_13, %get3A_14] : memref<512x256xf32, #tpu.memory_space<vmem>>, vector<512x256xf32>
    %dot_general3A = arith.constant dense<0.000000e+00> : vector<16x256xf32>
    %dot_general3A_16 = tpu.matmul %get3A_12, %get3A_15, %dot_general3A {dimension_numbers = #tpu.dot_dimension_numbers<[1], [0], [0], [1], [0, 0, 1, 1], [], []>, transpose_lhs_hint = false} : vector<16x512xf32>, vector<512x256xf32>, vector<16x256xf32> -> vector<16x256xf32>
    %get3A_17 = arith.constant 0 : index
    %get3A_18 = arith.constant 0 : index
    %get3A_19 = vector.load %arg8[%get3A_17, %get3A_18] : memref<1x16xf32, #tpu.memory_space<vmem>>, vector<1x16xf32>
    %dot_general3A_20 = arith.constant dense<0.000000e+00> : vector<1x256xf32>
    %dot_general3A_21 = tpu.matmul %get3A_19, %dot_general3A_16, %dot_general3A_20 {dimension_numbers = #tpu.dot_dimension_numbers<[1], [0], [0], [1], [0, 0, 1, 1], [], []>, transpose_lhs_hint = false} : vector<1x16xf32>, vector<16x256xf32>, vector<1x256xf32> -> vector<1x256xf32>
    %custom_jvp_call3A = arith.constant 0.000000e+00 : f32
    %max3A = vector.broadcast %custom_jvp_call3A : f32 to vector<1x256xf32>
    %max3A_22 = arith.maximumf %dot_general3A_21, %max3A : vector<1x256xf32>
    %sub3A = vector.broadcast %custom_jvp_call3A : f32 to vector<1x256xf32>
    %sub3A_23 = arith.subf %dot_general3A_21, %sub3A : vector<1x256xf32>
    %ne3A = arith.cmpf one, %sub3A_23, %sub3A_23 : vector<1x256xf32>
    %add3A = vector.broadcast %custom_jvp_call3A : f32 to vector<1x256xf32>
    %add3A_24 = arith.addf %dot_general3A_21, %add3A : vector<1x256xf32>
    %abs3A = math.absf %sub3A_23 : vector<1x256xf32>
    %neg3A = arith.constant 0.000000e+00 : f32
    %neg3A_25 = vector.broadcast %neg3A : f32 to vector<1x256xf32>
    %neg3A_26 = arith.subf %neg3A_25, %abs3A : vector<1x256xf32>
    %exp3A = math.exp %neg3A_26 : vector<1x256xf32>
    %log1p3A = math.log1p %exp3A : vector<1x256xf32>
    %add3A_27 = arith.addf %max3A_22, %log1p3A : vector<1x256xf32>
    %select_n3A = arith.select %ne3A, %add3A_24, %add3A_27 : vector<1x256xi1>, vector<1x256xf32>
    %add3A_28 = arith.constant 9.99999974E-5 : f32
    %add3A_29 = vector.broadcast %add3A_28 : f32 to vector<1x256xf32>
    %add3A_30 = arith.addf %select_n3A, %add3A_29 : vector<1x256xf32>
    %get3A_31 = arith.constant 0 : index
    %get3A_32 = arith.constant 0 : index
    %get3A_33 = vector.load %arg4[%get3A_31, %get3A_32] : memref<16x2048xf32, #tpu.memory_space<vmem>>, vector<16x2048xf32>
    %get3A_34 = arith.constant 0 : index
    %get3A_35 = arith.constant 0 : index
    %get3A_36 = vector.load %arg5[%get3A_34, %get3A_35] : memref<2048x64xf32, #tpu.memory_space<vmem>>, vector<2048x64xf32>
    %dot_general3A_37 = arith.constant dense<0.000000e+00> : vector<16x64xf32>
    %dot_general3A_38 = tpu.matmul %get3A_33, %get3A_36, %dot_general3A_37 {dimension_numbers = #tpu.dot_dimension_numbers<[1], [0], [0], [1], [0, 0, 1, 1], [], []>, transpose_lhs_hint = false} : vector<16x2048xf32>, vector<2048x64xf32>, vector<16x64xf32> -> vector<16x64xf32>
    %tanh3A = math.tanh %dot_general3A_38 : vector<16x64xf32>
    %get3A_39 = arith.constant 0 : index
    %get3A_40 = arith.constant 0 : index
    %get3A_41 = vector.load %arg3[%get3A_39, %get3A_40] : memref<16x1024xf32, #tpu.memory_space<vmem>>, vector<16x1024xf32>
    %slice3A = vector.extract_strided_slice %get3A_41 {offsets = [0, 0], sizes = [16, 256], strides = [1, 1]} : vector<16x1024xf32> to vector<16x256xf32>
    %slice3A_42 = vector.extract_strided_slice %get3A_41 {offsets = [0, 256], sizes = [16, 256], strides = [1, 1]} : vector<16x1024xf32> to vector<16x256xf32>
    %slice3A_43 = vector.extract_strided_slice %get3A_41 {offsets = [0, 512], sizes = [16, 256], strides = [1, 1]} : vector<16x1024xf32> to vector<16x256xf32>
    %slice3A_44 = vector.extract_strided_slice %get3A_41 {offsets = [0, 768], sizes = [16, 256], strides = [1, 1]} : vector<16x1024xf32> to vector<16x256xf32>
    %max3A_45 = arith.maximumf %slice3A, %slice3A_42 : vector<16x256xf32>
    %max3A_46 = arith.maximumf %slice3A_43, %slice3A_44 : vector<16x256xf32>
    %max3A_47 = arith.maximumf %max3A_45, %max3A_46 : vector<16x256xf32>
    %log3A = math.log %max3A_47 : vector<16x256xf32>
    %div3A = arith.constant 1.000000e+00 : f32
    %div3A_48 = vector.broadcast %div3A : f32 to vector<16x256xf32>
    %div3A_49 = arith.divf %div3A_48, %max3A_47 : vector<16x256xf32>
    %mul3A = arith.mulf %slice3A, %div3A_49 : vector<16x256xf32>
    %mul3A_50 = arith.mulf %slice3A_42, %div3A_49 : vector<16x256xf32>
    %mul3A_51 = arith.mulf %slice3A_43, %div3A_49 : vector<16x256xf32>
    %mul3A_52 = arith.mulf %slice3A_44, %div3A_49 : vector<16x256xf32>
    %add3A_53 = arith.addf %mul3A, %mul3A_50 : vector<16x256xf32>
    %add3A_54 = arith.addf %add3A_53, %mul3A_51 : vector<16x256xf32>
    %add3A_55 = arith.addf %add3A_54, %mul3A_52 : vector<16x256xf32>
    %log3A_56 = math.log %add3A_55 : vector<16x256xf32>
    %add3A_57 = arith.addf %log3A, %log3A_56 : vector<16x256xf32>
    %sub3A_58 = arith.constant 1.38629436 : f32
    %sub3A_59 = vector.broadcast %sub3A_58 : f32 to vector<16x256xf32>
    %sub3A_60 = arith.subf %add3A_57, %sub3A_59 : vector<16x256xf32>
    %reduce_sum3A = arith.constant dense<0.000000e+00> : vector<16xf32>
    %reduce_sum3A_61 = vector.multi_reduction <add>, %sub3A_60, %reduce_sum3A [1] : vector<16x256xf32> to vector<16xf32>
    %broadcast_in_dim3A_62 = vector.shape_cast %reduce_sum3A_61 : vector<16xf32> to vector<16x1xf32>
    %reduce_sum3A_63 = vector.shape_cast %broadcast_in_dim3A_62 : vector<16x1xf32> to vector<1x16x1xf32>
    %reduce_sum3A_64 = arith.constant dense<0.000000e+00> : vector<1xf32>
    %reduce_sum3A_65 = vector.multi_reduction <add>, %reduce_sum3A_63, %reduce_sum3A_64 [1, 2] : vector<1x16x1xf32> to vector<1xf32>
    %reduce_sum3A_66 = vector.shape_cast %reduce_sum3A_65 : vector<1xf32> to vector<1x1x1xf32>
    %reduce_sum3A_67 = vector.extract %reduce_sum3A_66[0, 0, 0] : f32 from vector<1x1x1xf32>
    %broadcast_in_dim3A_68 = arith.constant 0.000000e+00 : f32
    %broadcast_in_dim3A_69 = vector.broadcast %broadcast_in_dim3A_68 : f32 to vector<16x63xf32>
    %concatenate3A = tpu.concatenate %mul3A, %mul3A_50, %mul3A_51, %mul3A_52, %log3A, %tanh3A, %broadcast_in_dim3A_62, %broadcast_in_dim3A_69 in 1 : vector<16x256xf32>, vector<16x256xf32>, vector<16x256xf32>, vector<16x256xf32>, vector<16x256xf32>, vector<16x64xf32>, vector<16x1xf32>, vector<16x63xf32> -> vector<16x1408xf32>
    %convert_element_type3A_70 = arith.truncf %concatenate3A : vector<16x1408xf32> to vector<16x1408xbf16>
    %convert_element_type3A_71 = arith.extf %convert_element_type3A_70 : vector<16x1408xbf16> to vector<16x1408xf32>
    %sub3A_72 = arith.subf %concatenate3A, %convert_element_type3A_71 : vector<16x1408xf32>
    %convert_element_type3A_73 = arith.truncf %sub3A_72 : vector<16x1408xf32> to vector<16x1408xbf16>
    %convert_element_type3A_74 = arith.extf %convert_element_type3A_73 : vector<16x1408xbf16> to vector<16x1408xf32>
    %sub3A_75 = arith.subf %sub3A_72, %convert_element_type3A_74 : vector<16x1408xf32>
    %convert_element_type3A_76 = arith.truncf %sub3A_75 : vector<16x1408xf32> to vector<16x1408xbf16>
    %swap3A = arith.constant 0 : index
    %swap3A_77 = arith.constant 0 : index
    %swap3A_78 = vector.load %arg18[%swap3A, %swap3A_77] : memref<1936x1408xbf16, #tpu.memory_space<vmem>>, vector<16x1408xbf16>
    tpu.vector_store %arg18[%swap3A, %swap3A_77], %convert_element_type3A_70 {strides = array<i32>} : memref<1936x1408xbf16, #tpu.memory_space<vmem>>, vector<16x1408xbf16>,
    %swap3A_79 = arith.constant 0 : index
    %swap3A_80 = arith.constant 0 : index
    %swap3A_81 = vector.load %arg19[%swap3A_79, %swap3A_80] : memref<1936x1408xbf16, #tpu.memory_space<vmem>>, vector<16x1408xbf16>
    tpu.vector_store %arg19[%swap3A_79, %swap3A_80], %convert_element_type3A_73 {strides = array<i32>} : memref<1936x1408xbf16, #tpu.memory_space<vmem>>, vector<16x1408xbf16>,
    %swap3A_82 = arith.constant 0 : index
    %swap3A_83 = arith.constant 0 : index
    %swap3A_84 = vector.load %arg20[%swap3A_82, %swap3A_83] : memref<1936x1408xbf16, #tpu.memory_space<vmem>>, vector<16x1408xbf16>
    tpu.vector_store %arg20[%swap3A_82, %swap3A_83], %convert_element_type3A_76 {strides = array<i32>} : memref<1936x1408xbf16, #tpu.memory_space<vmem>>, vector<16x1408xbf16>,
    %get3A_85 = arith.constant 0 : index
    %get3A_86 = arith.constant 0 : index
    %get3A_87 = vector.load %arg10[%get3A_85, %get3A_86] : memref<1x4xf32, #tpu.memory_space<vmem>>, vector<1x4xf32>
    %slice3A_88 = vector.extract_strided_slice %get3A_87 {offsets = [0, 0], sizes = [1, 1], strides = [1, 1]} : vector<1x4xf32> to vector<1x1xf32>
    %slice3A_89 = vector.extract_strided_slice %get3A_87 {offsets = [0, 1], sizes = [1, 1], strides = [1, 1]} : vector<1x4xf32> to vector<1x1xf32>
    %slice3A_90 = vector.extract_strided_slice %get3A_87 {offsets = [0, 2], sizes = [1, 1], strides = [1, 1]} : vector<1x4xf32> to vector<1x1xf32>
    %slice3A_91 = vector.extract_strided_slice %get3A_87 {offsets = [0, 3], sizes = [1, 1], strides = [1, 1]} : vector<1x4xf32> to vector<1x1xf32>
    %get3A_92 = arith.constant 0 : index
    %get3A_93 = arith.constant 0 : index
    %get3A_94 = vector.load %arg9[%get3A_92, %get3A_93] : memref<128x64xf32, #tpu.memory_space<vmem>>, vector<128x64xf32>
    %iota3A_95 = tpu.iota {dimensions = array<i32: 1>} : vector<128x16xi32>
    %convert_element_type3A_96 = arith.sitofp %iota3A_95 : vector<128x16xi32> to vector<128x16xf32>
    %broadcast_in_dim3A_97 = arith.constant 0.000000e+00 : f32
    %broadcast_in_dim3A_98 = vector.broadcast %broadcast_in_dim3A_97 : f32 to vector<128x1xf32>
    %broadcast_in_dim3A_99 = arith.constant -4.85203028 : f32
    %broadcast_in_dim3A_100 = vector.broadcast %broadcast_in_dim3A_99 : f32 to vector<128x1xf32>
    %broadcast_in_dim3A_101 = arith.constant 0.000000e+00 : f32
    %broadcast_in_dim3A_102 = vector.broadcast %broadcast_in_dim3A_101 : f32 to vector<1x1xf32>
    %get3A_103 = arith.constant 0 : index
    %get3A_104 = arith.constant 0 : index
    %get3A_105 = vector.load %arg0[%get3A_103, %get3A_104] : memref<1920x128xf32, #tpu.memory_space<vmem>>, vector<128x128xf32>
    %add3A_106 = vector.broadcast %broadcast_in_dim3A_100 : vector<128x1xf32> to vector<128x128xf32>
    %add3A_107 = arith.addf %get3A_105, %add3A_106 : vector<128x128xf32>
    %reduce_max3A = arith.constant dense<0xFF800000> : vector<128xf32>
    %reduce_max3A_108 = vector.multi_reduction <maximumf>, %add3A_107, %reduce_max3A [0] : vector<128x128xf32> to vector<128xf32>
    %broadcast_in_dim3A_109 = vector.shape_cast %reduce_max3A_108 : vector<128xf32> to vector<1x128xf32>
    %eq3A_110 = vector.broadcast %broadcast_in_dim3A_109 : vector<1x128xf32> to vector<128x128xf32>
    %eq3A_111 = arith.cmpf oeq, %add3A_107, %eq3A_110 : vector<128x128xf32>
    %jit3A = arith.constant 1.280000e+02 : f32
    %broadcast_in_dim3A_112 = vector.shape_cast %convert_element_type3A : vector<128x1xf32> to vector<128x1xf32>
    %broadcast_in_dim3A_113 = vector.broadcast %broadcast_in_dim3A_112 : vector<128x1xf32> to vector<128x128xf32>
    %broadcast_in_dim3A_114 = vector.broadcast %jit3A : f32 to vector<128x128xf32>
    %select_n3A_115 = arith.select %eq3A_111, %broadcast_in_dim3A_113, %broadcast_in_dim3A_114 : vector<128x128xi1>, vector<128x128xf32>
    %reduce_min3A = arith.constant dense<0x7F800000> : vector<128xf32>
    %reduce_min3A_116 = vector.multi_reduction <minimumf>, %select_n3A_115, %reduce_min3A [0] : vector<128x128xf32> to vector<128xf32>
    %broadcast_in_dim3A_117 = vector.shape_cast %reduce_min3A_116 : vector<128xf32> to vector<1x128xf32>
    %eq3A_118 = vector.broadcast %convert_element_type3A : vector<128x1xf32> to vector<128x128xf32>
    %eq3A_119 = vector.broadcast %broadcast_in_dim3A_117 : vector<1x128xf32> to vector<128x128xf32>
    %eq3A_120 = arith.cmpf oeq, %eq3A_118, %eq3A_119 : vector<128x128xf32>
    %convert_element_type3A_121 = arith.extui %eq3A_120 : vector<128x128xi1> to vector<128x128xi32>
    %convert_element_type3A_122 = arith.sitofp %convert_element_type3A_121 : vector<128x128xi32> to vector<128x128xf32>
    %concatenate3A_123 = tpu.concatenate %convert_element_type3A_96, %broadcast_in_dim3A_98 in 1 : vector<128x16xf32>, vector<128x1xf32> -> vector<128x17xf32>
    %dot_general3A_124 = arith.constant dense<0.000000e+00> : vector<128x17xf32>
    %dot_general3A_125 = tpu.matmul %convert_element_type3A_122, %concatenate3A_123, %dot_general3A_124 {dimension_numbers = #tpu.dot_dimension_numbers<[0], [0], [1], [1], [0, 1, 1, 1], [], []>, precision = #tpu.contract_precision<fp32>, transpose_lhs_hint = false} : vector<128x128xf32>, vector<128x17xf32>, vector<128x17xf32> -> vector<128x17xf32>
    %slice3A_126 = vector.extract_strided_slice %dot_general3A_125 {offsets = [0, 0], sizes = [128, 16], strides = [1, 1]} : vector<128x17xf32> to vector<128x16xf32>
    %round3A = math.roundeven %slice3A_126 : vector<128x16xf32>
    %slice3A_127 = vector.extract_strided_slice %dot_general3A_125 {offsets = [0, 16], sizes = [128, 1], strides = [1, 1]} : vector<128x17xf32> to vector<128x1xf32>
    %get3A_128 = arith.constant 0 : index
    %get3A_129 = arith.constant 0 : index
    %get3A_130 = vector.load %arg1[%get3A_128, %get3A_129] : memref<128x16xf32, #tpu.memory_space<vmem>>, vector<128x1xf32>
    %get3A_131 = arith.constant 0 : index
    %get3A_132 = arith.constant 0 : index
    %get3A_133 = vector.load %arg2[%get3A_131, %get3A_132] : memref<128x16xf32, #tpu.memory_space<vmem>>, vector<128x1xf32>
    %eq3A_134 = vector.broadcast %convert_element_type3A_3 : vector<1x16xf32> to vector<128x16xf32>
    %eq3A_135 = vector.broadcast %get3A_130 : vector<128x1xf32> to vector<128x16xf32>
    %eq3A_136 = arith.cmpf oeq, %eq3A_134, %eq3A_135 : vector<128x16xf32>
    %convert_element_type3A_137 = arith.extui %eq3A_136 : vector<128x16xi1> to vector<128x16xi32>
    %convert_element_type3A_138 = arith.sitofp %convert_element_type3A_137 : vector<128x16xi32> to vector<128x16xf32>
    %eq3A_139 = vector.broadcast %convert_element_type3A_3 : vector<1x16xf32> to vector<128x16xf32>
    %eq3A_140 = vector.broadcast %get3A_133 : vector<128x1xf32> to vector<128x16xf32>
    %eq3A_141 = arith.cmpf oeq, %eq3A_139, %eq3A_140 : vector<128x16xf32>
    %convert_element_type3A_142 = arith.extui %eq3A_141 : vector<128x16xi1> to vector<128x16xi32>
    %convert_element_type3A_143 = arith.sitofp %convert_element_type3A_142 : vector<128x16xi32> to vector<128x16xf32>
    %mul3A_144 = arith.mulf %convert_element_type3A_138, %round3A : vector<128x16xf32>
    %reduce_sum3A_145 = arith.constant dense<0.000000e+00> : vector<128xf32>
    %reduce_sum3A_146 = vector.multi_reduction <add>, %mul3A_144, %reduce_sum3A_145 [1] : vector<128x16xf32> to vector<128xf32>
    %broadcast_in_dim3A_147 = vector.shape_cast %reduce_sum3A_146 : vector<128xf32> to vector<128x1xf32>
    %round3A_148 = math.roundeven %broadcast_in_dim3A_147 : vector<128x1xf32>
    %mul3A_149 = arith.mulf %convert_element_type3A_143, %round3A : vector<128x16xf32>
    %reduce_sum3A_150 = arith.constant dense<0.000000e+00> : vector<128xf32>
    %reduce_sum3A_151 = vector.multi_reduction <add>, %mul3A_149, %reduce_sum3A_150 [1] : vector<128x16xf32> to vector<128xf32>
    %broadcast_in_dim3A_152 = vector.shape_cast %reduce_sum3A_151 : vector<128xf32> to vector<128x1xf32>
    %round3A_153 = math.roundeven %broadcast_in_dim3A_152 : vector<128x1xf32>
    %concatenate3A_154 = tpu.concatenate %round3A_148, %round3A_153 in 0 : vector<128x1xf32>, vector<128x1xf32> -> vector<256x1xf32>
    %slice3A_155 = vector.extract_strided_slice %convert_element_type3A_5 {offsets = [0, 0], sizes = [1, 16], strides = [1, 1]} : vector<1x1936xf32> to vector<1x16xf32>
    %eq3A_156 = vector.broadcast %slice3A_155 : vector<1x16xf32> to vector<256x16xf32>
    %eq3A_157 = vector.broadcast %concatenate3A_154 : vector<256x1xf32> to vector<256x16xf32>
    %eq3A_158 = arith.cmpf oeq, %eq3A_156, %eq3A_157 : vector<256x16xf32>
    %convert_element_type3A_159 = arith.extui %eq3A_158 : vector<256x16xi1> to vector<256x16xi32>
    %convert_element_type3A_160 = arith.sitofp %convert_element_type3A_159 : vector<256x16xi32> to vector<256x16xf32>
    %convert_element_type3A_161 = arith.truncf %convert_element_type3A_160 : vector<256x16xf32> to vector<256x16xbf16>
    %get3A_162 = arith.constant 0 : index
    %get3A_163 = arith.constant 0 : index
    %get3A_164 = vector.load %arg18[%get3A_162, %get3A_163] : memref<1936x1408xbf16, #tpu.memory_space<vmem>>, vector<16x1408xbf16>
    %dot_general3A_165 = arith.constant dense<0.000000e+00> : vector<256x1408xf32>
    %dot_general3A_166 = tpu.matmul %convert_element_type3A_161, %get3A_164, %dot_general3A_165 {dimension_numbers = #tpu.dot_dimension_numbers<[1], [0], [0], [1], [0, 0, 1, 1], [], []>, transpose_lhs_hint = false} : vector<256x16xbf16>, vector<16x1408xbf16>, vector<256x1408xf32> -> vector<256x1408xf32>
    %get3A_167 = arith.constant 0 : index
    %get3A_168 = arith.constant 0 : index
    %get3A_169 = vector.load %arg19[%get3A_167, %get3A_168] : memref<1936x1408xbf16, #tpu.memory_space<vmem>>, vector<16x1408xbf16>
    %dot_general3A_170 = arith.constant dense<0.000000e+00> : vector<256x1408xf32>
    %dot_general3A_171 = tpu.matmul %convert_element_type3A_161, %get3A_169, %dot_general3A_170 {dimension_numbers = #tpu.dot_dimension_numbers<[1], [0], [0], [1], [0, 0, 1, 1], [], []>, transpose_lhs_hint = false} : vector<256x16xbf16>, vector<16x1408xbf16>, vector<256x1408xf32> -> vector<256x1408xf32>
    %add3A_172 = arith.addf %dot_general3A_166, %dot_general3A_171 : vector<256x1408xf32>
    %get3A_173 = arith.constant 0 : index
    %get3A_174 = arith.constant 0 : index
    %get3A_175 = vector.load %arg20[%get3A_173, %get3A_174] : memref<1936x1408xbf16, #tpu.memory_space<vmem>>, vector<16x1408xbf16>
    %dot_general3A_176 = arith.constant dense<0.000000e+00> : vector<256x1408xf32>
    %dot_general3A_177 = tpu.matmul %convert_element_type3A_161, %get3A_175, %dot_general3A_176 {dimension_numbers = #tpu.dot_dimension_numbers<[1], [0], [0], [1], [0, 0, 1, 1], [], []>, transpose_lhs_hint = false} : vector<256x16xbf16>, vector<16x1408xbf16>, vector<256x1408xf32> -> vector<256x1408xf32>
    %add3A_178 = arith.addf %add3A_172, %dot_general3A_177 : vector<256x1408xf32>
    %slice3A_179 = vector.extract_strided_slice %add3A_178 {offsets = [0, 1280], sizes = [128, 64], strides = [1, 1]} : vector<256x1408xf32> to vector<128x64xf32>
    %slice3A_180 = vector.extract_strided_slice %add3A_178 {offsets = [128, 1280], sizes = [128, 64], strides = [1, 1]} : vector<256x1408xf32> to vector<128x64xf32>
    %slice3A_181 = vector.extract_strided_slice %add3A_178 {offsets = [0, 1344], sizes = [128, 1], strides = [1, 1]} : vector<256x1408xf32> to vector<128x1xf32>
    %slice3A_182 = vector.extract_strided_slice %add3A_178 {offsets = [128, 1344], sizes = [128, 1], strides = [1, 1]} : vector<256x1408xf32> to vector<128x1xf32>
    %sub3A_183 = arith.subf %slice3A_179, %slice3A_180 : vector<128x64xf32>
    %mul3A_184 = arith.mulf %sub3A_183, %sub3A_183 : vector<128x64xf32>
    %reduce_sum3A_185 = arith.constant dense<0.000000e+00> : vector<128xf32>
    %reduce_sum3A_186 = vector.multi_reduction <add>, %mul3A_184, %reduce_sum3A_185 [1] : vector<128x64xf32> to vector<128xf32>
    %broadcast_in_dim3A_187 = vector.shape_cast %reduce_sum3A_186 : vector<128xf32> to vector<128x1xf32>
    %add3A_188 = arith.constant 9.99999993E-9 : f32
    %add3A_189 = vector.broadcast %add3A_188 : f32 to vector<128x1xf32>
    %add3A_190 = arith.addf %broadcast_in_dim3A_187, %add3A_189 : vector<128x1xf32>
    %sqrt3A = math.sqrt %add3A_190 : vector<128x1xf32>
    %mul3A_191 = vector.broadcast %slice3A_88 : vector<1x1xf32> to vector<128x1xf32>
    %mul3A_192 = arith.mulf %mul3A_191, %sqrt3A : vector<128x1xf32>
    %add3A_193 = vector.broadcast %slice3A_89 : vector<1x1xf32> to vector<128x1xf32>
    %add3A_194 = arith.addf %mul3A_192, %add3A_193 : vector<128x1xf32>
    %custom_jvp_call3A_195 = arith.constant 0.000000e+00 : f32
    %max3A_196 = vector.broadcast %custom_jvp_call3A_195 : f32 to vector<128x1xf32>
    %max3A_197 = arith.maximumf %add3A_194, %max3A_196 : vector<128x1xf32>
    %sub3A_198 = vector.broadcast %custom_jvp_call3A_195 : f32 to vector<128x1xf32>
    %sub3A_199 = arith.subf %add3A_194, %sub3A_198 : vector<128x1xf32>
    %ne3A_200 = arith.cmpf one, %sub3A_199, %sub3A_199 : vector<128x1xf32>
    %add3A_201 = vector.broadcast %custom_jvp_call3A_195 : f32 to vector<128x1xf32>
    %add3A_202 = arith.addf %add3A_194, %add3A_201 : vector<128x1xf32>
    %abs3A_203 = math.absf %sub3A_199 : vector<128x1xf32>
    %neg3A_204 = arith.constant 0.000000e+00 : f32
    %neg3A_205 = vector.broadcast %neg3A_204 : f32 to vector<128x1xf32>
    %neg3A_206 = arith.subf %neg3A_205, %abs3A_203 : vector<128x1xf32>
    %exp3A_207 = math.exp %neg3A_206 : vector<128x1xf32>
    %log1p3A_208 = math.log1p %exp3A_207 : vector<128x1xf32>
    %add3A_209 = arith.addf %max3A_197, %log1p3A_208 : vector<128x1xf32>
    %select_n3A_210 = arith.select %ne3A_200, %add3A_202, %add3A_209 : vector<128x1xi1>, vector<128x1xf32>
    %mul3A_211 = arith.constant 1.000000e-01 : f32
    %mul3A_212 = vector.broadcast %mul3A_211 : f32 to vector<128x1xf32>
    %mul3A_213 = arith.mulf %select_n3A_210, %mul3A_212 : vector<128x1xf32>
    %add3A_214 = arith.constant 9.99999974E-5 : f32
    %add3A_215 = vector.broadcast %add3A_214 : f32 to vector<128x1xf32>
    %add3A_216 = arith.addf %mul3A_213, %add3A_215 : vector<128x1xf32>
    %mul3A_217 = vector.broadcast %slice3A_90 : vector<1x1xf32> to vector<128x1xf32>
    %mul3A_218 = arith.mulf %mul3A_217, %sqrt3A : vector<128x1xf32>
    %add3A_219 = vector.broadcast %slice3A_91 : vector<1x1xf32> to vector<128x1xf32>
    %add3A_220 = arith.addf %mul3A_218, %add3A_219 : vector<128x1xf32>
    %custom_jvp_call3A_221 = arith.constant 0.000000e+00 : f32
    %max3A_222 = vector.broadcast %custom_jvp_call3A_221 : f32 to vector<128x1xf32>
    %max3A_223 = arith.maximumf %add3A_220, %max3A_222 : vector<128x1xf32>
    %sub3A_224 = vector.broadcast %custom_jvp_call3A_221 : f32 to vector<128x1xf32>
    %sub3A_225 = arith.subf %add3A_220, %sub3A_224 : vector<128x1xf32>
    %ne3A_226 = arith.cmpf one, %sub3A_225, %sub3A_225 : vector<128x1xf32>
    %add3A_227 = vector.broadcast %custom_jvp_call3A_221 : f32 to vector<128x1xf32>
    %add3A_228 = arith.addf %add3A_220, %add3A_227 : vector<128x1xf32>
    %abs3A_229 = math.absf %sub3A_225 : vector<128x1xf32>
    %neg3A_230 = arith.constant 0.000000e+00 : f32
    %neg3A_231 = vector.broadcast %neg3A_230 : f32 to vector<128x1xf32>
    %neg3A_232 = arith.subf %neg3A_231, %abs3A_229 : vector<128x1xf32>
    %exp3A_233 = math.exp %neg3A_232 : vector<128x1xf32>
    %log1p3A_234 = math.log1p %exp3A_233 : vector<128x1xf32>
    %add3A_235 = arith.addf %max3A_223, %log1p3A_234 : vector<128x1xf32>
    %select_n3A_236 = arith.select %ne3A_226, %add3A_228, %add3A_235 : vector<128x1xi1>, vector<128x1xf32>
    %mul3A_237 = arith.constant 1.000000e-01 : f32
    %mul3A_238 = vector.broadcast %mul3A_237 : f32 to vector<128x1xf32>
    %mul3A_239 = arith.mulf %select_n3A_236, %mul3A_238 : vector<128x1xf32>
    %add3A_240 = arith.constant 9.99999974E-5 : f32
    %add3A_241 = vector.broadcast %add3A_240 : f32 to vector<128x1xf32>
    %add3A_242 = arith.addf %mul3A_239, %add3A_241 : vector<128x1xf32>
    %concatenate3A_243 = tpu.concatenate %slice3A_179, %slice3A_180 in 1 : vector<128x64xf32>, vector<128x64xf32> -> vector<128x128xf32>
    %dot_general3A_244 = arith.constant dense<0.000000e+00> : vector<128x64xf32>
    %dot_general3A_245 = tpu.matmul %concatenate3A_243, %get3A_94, %dot_general3A_244 {dimension_numbers = #tpu.dot_dimension_numbers<[1], [0], [0], [1], [0, 0, 1, 1], [], []>, transpose_lhs_hint = false} : vector<128x128xf32>, vector<128x64xf32>, vector<128x64xf32> -> vector<128x64xf32>
    %tanh3A_246 = math.tanh %dot_general3A_245 : vector<128x64xf32>
    %slice3A_247 = vector.extract_strided_slice %add3A_178 {offsets = [0, 0], sizes = [256, 256], strides = [1, 1]} : vector<256x1408xf32> to vector<256x256xf32>
    %slice3A_248 = vector.extract_strided_slice %add3A_178 {offsets = [0, 256], sizes = [256, 256], strides = [1, 1]} : vector<256x1408xf32> to vector<256x256xf32>
    %slice3A_249 = vector.extract_strided_slice %add3A_178 {offsets = [0, 512], sizes = [256, 256], strides = [1, 1]} : vector<256x1408xf32> to vector<256x256xf32>
    %slice3A_250 = vector.extract_strided_slice %add3A_178 {offsets = [0, 768], sizes = [256, 256], strides = [1, 1]} : vector<256x1408xf32> to vector<256x256xf32>
    %slice3A_251 = vector.extract_strided_slice %add3A_178 {offsets = [0, 1024], sizes = [256, 256], strides = [1, 1]} : vector<256x1408xf32> to vector<256x256xf32>
    %concatenate3A_252 = tpu.concatenate %add3A_216, %add3A_242 in 0 : vector<128x1xf32>, vector<128x1xf32> -> vector<256x1xf32>
    %mul3A_253 = arith.constant 1.33333337 : f32
    %mul3A_254 = vector.broadcast %mul3A_253 : f32 to vector<1x256xf32>
    %mul3A_255 = arith.mulf %mul3A_254, %add3A_30 : vector<1x256xf32>
    %mul3A_256 = vector.broadcast %mul3A_255 : vector<1x256xf32> to vector<256x256xf32>
    %mul3A_257 = vector.broadcast %concatenate3A_252 : vector<256x1xf32> to vector<256x256xf32>
    %mul3A_258 = arith.mulf %mul3A_256, %mul3A_257 : vector<256x256xf32>
    %add3A_259 = arith.constant 9.99999993E-9 : f32
    %add3A_260 = vector.broadcast %add3A_259 : f32 to vector<256x256xf32>
    %add3A_261 = arith.addf %mul3A_258, %add3A_260 : vector<256x256xf32>
    %neg3A_262 = arith.constant 0.000000e+00 : f32
    %neg3A_263 = vector.broadcast %neg3A_262 : f32 to vector<256x256xf32>
    %neg3A_264 = arith.subf %neg3A_263, %add3A_261 : vector<256x256xf32>
    %exp3A_265 = math.exp %neg3A_264 : vector<256x256xf32>
    %sub3A_266 = arith.constant 1.000000e+00 : f32
    %sub3A_267 = vector.broadcast %sub3A_266 : f32 to vector<256x256xf32>
    %sub3A_268 = arith.subf %sub3A_267, %exp3A_265 : vector<256x256xf32>
    %mul3A_269 = arith.constant 2.500000e-01 : f32
    %mul3A_270 = vector.broadcast %mul3A_269 : f32 to vector<256x256xf32>
    %mul3A_271 = arith.mulf %sub3A_268, %mul3A_270 : vector<256x256xf32>
    %add3A_272 = arith.addf %slice3A_247, %slice3A_248 : vector<256x256xf32>
    %add3A_273 = arith.addf %add3A_272, %slice3A_249 : vector<256x256xf32>
    %add3A_274 = arith.addf %add3A_273, %slice3A_250 : vector<256x256xf32>
    %mul3A_275 = arith.mulf %mul3A_271, %add3A_274 : vector<256x256xf32>
    %mul3A_276 = arith.mulf %exp3A_265, %slice3A_247 : vector<256x256xf32>
    %add3A_277 = arith.addf %mul3A_275, %mul3A_276 : vector<256x256xf32>
    %mul3A_278 = arith.mulf %exp3A_265, %slice3A_248 : vector<256x256xf32>
    %add3A_279 = arith.addf %mul3A_275, %mul3A_278 : vector<256x256xf32>
    %mul3A_280 = arith.mulf %exp3A_265, %slice3A_249 : vector<256x256xf32>
    %add3A_281 = arith.addf %mul3A_275, %mul3A_280 : vector<256x256xf32>
    %mul3A_282 = arith.mulf %exp3A_265, %slice3A_250 : vector<256x256xf32>
    %add3A_283 = arith.addf %mul3A_275, %mul3A_282 : vector<256x256xf32>
    %slice3A_284 = vector.extract_strided_slice %add3A_277 {offsets = [0, 0], sizes = [128, 256], strides = [1, 1]} : vector<256x256xf32> to vector<128x256xf32>
    %slice3A_285 = vector.extract_strided_slice %add3A_277 {offsets = [128, 0], sizes = [128, 256], strides = [1, 1]} : vector<256x256xf32> to vector<128x256xf32>
    %mul3A_286 = arith.mulf %slice3A_284, %slice3A_285 : vector<128x256xf32>
    %slice3A_287 = vector.extract_strided_slice %add3A_279 {offsets = [0, 0], sizes = [128, 256], strides = [1, 1]} : vector<256x256xf32> to vector<128x256xf32>
    %slice3A_288 = vector.extract_strided_slice %add3A_279 {offsets = [128, 0], sizes = [128, 256], strides = [1, 1]} : vector<256x256xf32> to vector<128x256xf32>
    %mul3A_289 = arith.mulf %slice3A_287, %slice3A_288 : vector<128x256xf32>
    %slice3A_290 = vector.extract_strided_slice %add3A_281 {offsets = [0, 0], sizes = [128, 256], strides = [1, 1]} : vector<256x256xf32> to vector<128x256xf32>
    %slice3A_291 = vector.extract_strided_slice %add3A_281 {offsets = [128, 0], sizes = [128, 256], strides = [1, 1]} : vector<256x256xf32> to vector<128x256xf32>
    %mul3A_292 = arith.mulf %slice3A_290, %slice3A_291 : vector<128x256xf32>
    %slice3A_293 = vector.extract_strided_slice %add3A_283 {offsets = [0, 0], sizes = [128, 256], strides = [1, 1]} : vector<256x256xf32> to vector<128x256xf32>
    %slice3A_294 = vector.extract_strided_slice %add3A_283 {offsets = [128, 0], sizes = [128, 256], strides = [1, 1]} : vector<256x256xf32> to vector<128x256xf32>
    %mul3A_295 = arith.mulf %slice3A_293, %slice3A_294 : vector<128x256xf32>
    %slice3A_296 = vector.extract_strided_slice %slice3A_251 {offsets = [0, 0], sizes = [128, 256], strides = [1, 1]} : vector<256x256xf32> to vector<128x256xf32>
    %slice3A_297 = vector.extract_strided_slice %slice3A_251 {offsets = [128, 0], sizes = [128, 256], strides = [1, 1]} : vector<256x256xf32> to vector<128x256xf32>
    %add3A_298 = arith.addf %slice3A_296, %slice3A_297 : vector<128x256xf32>
    %max3A_299 = arith.maximumf %mul3A_286, %mul3A_289 : vector<128x256xf32>
    %max3A_300 = arith.maximumf %mul3A_292, %mul3A_295 : vector<128x256xf32>
    %max3A_301 = arith.maximumf %max3A_299, %max3A_300 : vector<128x256xf32>
    %div3A_302 = arith.constant 1.000000e+00 : f32
    %div3A_303 = vector.broadcast %div3A_302 : f32 to vector<128x256xf32>
    %div3A_304 = arith.divf %div3A_303, %max3A_301 : vector<128x256xf32>
    %mul3A_305 = arith.mulf %mul3A_286, %div3A_304 : vector<128x256xf32>
    %mul3A_306 = arith.mulf %mul3A_289, %div3A_304 : vector<128x256xf32>
    %mul3A_307 = arith.mulf %mul3A_292, %div3A_304 : vector<128x256xf32>
    %mul3A_308 = arith.mulf %mul3A_295, %div3A_304 : vector<128x256xf32>
    %log3A_309 = math.log %max3A_301 : vector<128x256xf32>
    %add3A_310 = arith.addf %add3A_298, %log3A_309 : vector<128x256xf32>
    %add3A_311 = arith.addf %mul3A_305, %mul3A_306 : vector<128x256xf32>
    %add3A_312 = arith.addf %add3A_311, %mul3A_307 : vector<128x256xf32>
    %add3A_313 = arith.addf %add3A_312, %mul3A_308 : vector<128x256xf32>
    %log3A_314 = math.log %add3A_313 : vector<128x256xf32>
    %add3A_315 = arith.addf %add3A_310, %log3A_314 : vector<128x256xf32>
    %sub3A_316 = arith.constant 1.38629436 : f32
    %sub3A_317 = vector.broadcast %sub3A_316 : f32 to vector<128x256xf32>
    %sub3A_318 = arith.subf %add3A_315, %sub3A_317 : vector<128x256xf32>
    %reduce_sum3A_319 = arith.constant dense<0.000000e+00> : vector<128xf32>
    %reduce_sum3A_320 = vector.multi_reduction <add>, %sub3A_318, %reduce_sum3A_319 [1] : vector<128x256xf32> to vector<128xf32>
    %broadcast_in_dim3A_321 = vector.shape_cast %reduce_sum3A_320 : vector<128xf32> to vector<128x1xf32>
    %broadcast_in_dim3A_322 = arith.constant 0.000000e+00 : f32
    %broadcast_in_dim3A_323 = vector.broadcast %broadcast_in_dim3A_322 : f32 to vector<128x63xf32>
    %concatenate3A_324 = tpu.concatenate %mul3A_305, %mul3A_306, %mul3A_307, %mul3A_308, %add3A_310, %tanh3A_246, %broadcast_in_dim3A_321, %broadcast_in_dim3A_323 in 1 : vector<128x256xf32>, vector<128x256xf32>, vector<128x256xf32>, vector<128x256xf32>, vector<128x256xf32>, vector<128x64xf32>, vector<128x1xf32>, vector<128x63xf32> -> vector<128x1408xf32>
    %convert_element_type3A_325 = arith.truncf %concatenate3A_324 : vector<128x1408xf32> to vector<128x1408xbf16>
    %convert_element_type3A_326 = arith.extf %convert_element_type3A_325 : vector<128x1408xbf16> to vector<128x1408xf32>
    %sub3A_327 = arith.subf %concatenate3A_324, %convert_element_type3A_326 : vector<128x1408xf32>
    %convert_element_type3A_328 = arith.truncf %sub3A_327 : vector<128x1408xf32> to vector<128x1408xbf16>
    %convert_element_type3A_329 = arith.extf %convert_element_type3A_328 : vector<128x1408xbf16> to vector<128x1408xf32>
    %sub3A_330 = arith.subf %sub3A_327, %convert_element_type3A_329 : vector<128x1408xf32>
    %convert_element_type3A_331 = arith.truncf %sub3A_330 : vector<128x1408xf32> to vector<128x1408xbf16>
    %swap3A_332 = arith.constant 16 : index
    %swap3A_333 = arith.constant 0 : index
    %swap3A_334 = vector.load %arg18[%swap3A_332, %swap3A_333] : memref<1936x1408xbf16, #tpu.memory_space<vmem>>, vector<128x1408xbf16>
    tpu.vector_store %arg18[%swap3A_332, %swap3A_333], %convert_element_type3A_325 {strides = array<i32>} : memref<1936x1408xbf16, #tpu.memory_space<vmem>>, vector<128x1408xbf16>,
    %swap3A_335 = arith.constant 16 : index
    %swap3A_336 = arith.constant 0 : index
    %swap3A_337 = vector.load %arg19[%swap3A_335, %swap3A_336] : memref<1936x1408xbf16, #tpu.memory_space<vmem>>, vector<128x1408xbf16>
    tpu.vector_store %arg19[%swap3A_335, %swap3A_336], %convert_element_type3A_328 {strides = array<i32>} : memref<1936x1408xbf16, #tpu.memory_space<vmem>>, vector<128x1408xbf16>,
    %swap3A_338 = arith.constant 16 : index
    %swap3A_339 = arith.constant 0 : index
    %swap3A_340 = vector.load %arg20[%swap3A_338, %swap3A_339] : memref<1936x1408xbf16, #tpu.memory_space<vmem>>, vector<128x1408xbf16>
    tpu.vector_store %arg20[%swap3A_338, %swap3A_339], %convert_element_type3A_331 {strides = array<i32>} : memref<1936x1408xbf16, #tpu.memory_space<vmem>>, vector<128x1408xbf16>,
    %sub3A_341 = vector.broadcast %reduce_sum3A_67 : f32 to vector<128x1xf32>
    %sub3A_342 = arith.subf %sub3A_341, %slice3A_181 : vector<128x1xf32>
    %sub3A_343 = arith.subf %sub3A_342, %slice3A_182 : vector<128x1xf32>
    %add3A_344 = arith.addf %sub3A_343, %broadcast_in_dim3A_321 : vector<128x1xf32>
    %add3A_345 = arith.addf %add3A_216, %add3A_242 : vector<128x1xf32>
    %div3A_346 = arith.constant 1.000000e-01 : f32
    %div3A_347 = vector.broadcast %div3A_346 : f32 to vector<128x1xf32>
    %div3A_348 = arith.divf %add3A_345, %div3A_347 : vector<128x1xf32>
    %sub3A_349 = arith.constant 4.60517025 : f32
    %sub3A_350 = vector.broadcast %sub3A_349 : f32 to vector<128x1xf32>
    %sub3A_351 = arith.subf %sub3A_350, %div3A_348 : vector<128x1xf32>
    %sub3A_352 = arith.subf %add3A_344, %slice3A_127 : vector<128x1xf32>
    %add3A_353 = arith.addf %sub3A_352, %sub3A_351 : vector<128x1xf32>
    %add3A_354 = arith.constant 4.7874918 : f32
    %add3A_355 = vector.broadcast %add3A_354 : f32 to vector<128x1xf32>
    %add3A_356 = arith.addf %add3A_353, %add3A_355 : vector<128x1xf32>
    %reduce_max3A_357 = vector.shape_cast %add3A_356 : vector<128x1xf32> to vector<1x128x1xf32>
    %reduce_max3A_358 = arith.constant dense<0xFF800000> : vector<1xf32>
    %reduce_max3A_359 = vector.multi_reduction <maximumf>, %reduce_max3A_357, %reduce_max3A_358 [1, 2] : vector<1x128x1xf32> to vector<1xf32>
    %reduce_max3A_360 = vector.shape_cast %reduce_max3A_359 : vector<1xf32> to vector<1x1x1xf32>
    %reduce_max3A_361 = vector.extract %reduce_max3A_360[0, 0, 0] : f32 from vector<1x1x1xf32>
    %sub3A_362 = vector.broadcast %reduce_max3A_361 : f32 to vector<128x1xf32>
    %sub3A_363 = arith.subf %add3A_356, %sub3A_362 : vector<128x1xf32>
    %exp3A_364 = math.exp %sub3A_363 : vector<128x1xf32>
    %reduce_sum3A_365 = vector.shape_cast %exp3A_364 : vector<128x1xf32> to vector<1x128x1xf32>
    %reduce_sum3A_366 = arith.constant dense<0.000000e+00> : vector<1xf32>
    %reduce_sum3A_367 = vector.multi_reduction <add>, %reduce_sum3A_365, %reduce_sum3A_366 [1, 2] : vector<1x128x1xf32> to vector<1xf32>
    %reduce_sum3A_368 = vector.shape_cast %reduce_sum3A_367 : vector<1xf32> to vector<1x1x1xf32>
    %reduce_sum3A_369 = vector.extract %reduce_sum3A_368[0, 0, 0] : f32 from vector<1x1x1xf32>
    %log3A_370 = math.log %reduce_sum3A_369 : f32
    %add3A_371 = arith.addf %reduce_max3A_361, %log3A_370 : f32
    %sub3A_372 = arith.constant 4.85203028 : f32
    %sub3A_373 = arith.subf %add3A_371, %sub3A_372 : f32
    %add3A_374 = vector.broadcast %sub3A_373 : f32 to vector<1x1xf32>
    %add3A_375 = arith.addf %broadcast_in_dim3A_102, %add3A_374 : vector<1x1xf32>
    %slice3A_376 = vector.extract_strided_slice %round3A {offsets = [0, 1], sizes = [128, 15], strides = [1, 1]} : vector<128x16xf32> to vector<128x15xf32>
    %slice3A_377 = vector.extract_strided_slice %round3A {offsets = [0, 0], sizes = [128, 1], strides = [1, 1]} : vector<128x16xf32> to vector<128x1xf32>
    %concatenate3A_378 = tpu.concatenate %slice3A_376, %slice3A_377 in 1 : vector<128x15xf32>, vector<128x1xf32> -> vector<128x16xf32>
    %slice3A_379 = vector.extract_strided_slice %round3A {offsets = [0, 2], sizes = [128, 14], strides = [1, 1]} : vector<128x16xf32> to vector<128x14xf32>
    %slice3A_380 = vector.extract_strided_slice %round3A {offsets = [0, 0], sizes = [128, 2], strides = [1, 1]} : vector<128x16xf32> to vector<128x2xf32>
    %concatenate3A_381 = tpu.concatenate %slice3A_379, %slice3A_380 in 1 : vector<128x14xf32>, vector<128x2xf32> -> vector<128x16xf32>
    %lt3A = vector.broadcast %convert_element_type3A_3 : vector<1x16xf32> to vector<128x16xf32>
    %lt3A_382 = vector.broadcast %get3A_130 : vector<128x1xf32> to vector<128x16xf32>
    %lt3A_383 = arith.cmpf olt, %lt3A, %lt3A_382 : vector<128x16xf32>
    %sub3A_384 = arith.constant 1.000000e+00 : f32
    %sub3A_385 = vector.broadcast %sub3A_384 : f32 to vector<128x1xf32>
    %sub3A_386 = arith.subf %get3A_133, %sub3A_385 : vector<128x1xf32>
    %lt3A_387 = vector.broadcast %convert_element_type3A_3 : vector<1x16xf32> to vector<128x16xf32>
    %lt3A_388 = vector.broadcast %sub3A_386 : vector<128x1xf32> to vector<128x16xf32>
    %lt3A_389 = arith.cmpf olt, %lt3A_387, %lt3A_388 : vector<128x16xf32>
    %select_n3A_390 = arith.select %lt3A_389, %concatenate3A_378, %concatenate3A_381 : vector<128x16xi1>, vector<128x16xf32>
    %select_n3A_391 = arith.select %lt3A_383, %round3A, %select_n3A_390 : vector<128x16xi1>, vector<128x16xf32>
    %add3A_392 = arith.constant 1.600000e+01 : f32
    %add3A_393 = vector.broadcast %add3A_392 : f32 to vector<128x1xf32>
    %add3A_394 = arith.addf %add3A_393, %convert_element_type3A : vector<128x1xf32>
    %eq3A_395 = arith.constant 1.400000e+01 : f32
    %eq3A_396 = vector.broadcast %eq3A_395 : f32 to vector<1x16xf32>
    %eq3A_397 = arith.cmpf oeq, %convert_element_type3A_3, %eq3A_396 : vector<1x16xf32>
    %broadcast_in_dim3A_398 = vector.shape_cast %eq3A_397 : vector<1x16xi1> to vector<1x16xi1>
    %broadcast_in_dim3A_399 = vector.broadcast %broadcast_in_dim3A_398 : vector<1x16xi1> to vector<128x16xi1>
    %broadcast_in_dim3A_400 = vector.shape_cast %add3A_394 : vector<128x1xf32> to vector<128x1xf32>
    %broadcast_in_dim3A_401 = vector.broadcast %broadcast_in_dim3A_400 : vector<128x1xf32> to vector<128x16xf32>
    %select_n3A_402 = arith.select %broadcast_in_dim3A_399, %broadcast_in_dim3A_401, %select_n3A_391 : vector<128x16xi1>, vector<128x16xf32>
    %get3A_403 = arith.constant 128 : index
    %get3A_404 = arith.constant 0 : index
    %get3A_405 = vector.load %arg0[%get3A_403, %get3A_404] : memref<1920x128xf32, #tpu.memory_space<vmem>>, vector<128x128xf32>
    %add3A_406 = vector.broadcast %add3A_356 : vector<128x1xf32> to vector<128x128xf32>
    %add3A_407 = arith.addf %get3A_405, %add3A_406 : vector<128x128xf32>
    %reduce_max3A_408 = arith.constant dense<0xFF800000> : vector<128xf32>
    %reduce_max3A_409 = vector.multi_reduction <maximumf>, %add3A_407, %reduce_max3A_408 [0] : vector<128x128xf32> to vector<128xf32>
    %broadcast_in_dim3A_410 = vector.shape_cast %reduce_max3A_409 : vector<128xf32> to vector<1x128xf32>
    %eq3A_411 = vector.broadcast %broadcast_in_dim3A_410 : vector<1x128xf32> to vector<128x128xf32>
    %eq3A_412 = arith.cmpf oeq, %add3A_407, %eq3A_411 : vector<128x128xf32>
    %jit3A_413 = arith.constant 1.280000e+02 : f32
    %broadcast_in_dim3A_414 = vector.shape_cast %convert_element_type3A : vector<128x1xf32> to vector<128x1xf32>
    %broadcast_in_dim3A_415 = vector.broadcast %broadcast_in_dim3A_414 : vector<128x1xf32> to vector<128x128xf32>
    %broadcast_in_dim3A_416 = vector.broadcast %jit3A_413 : f32 to vector<128x128xf32>
    %select_n3A_417 = arith.select %eq3A_412, %broadcast_in_dim3A_415, %broadcast_in_dim3A_416 : vector<128x128xi1>, vector<128x128xf32>
    %reduce_min3A_418 = arith.constant dense<0x7F800000> : vector<128xf32>
    %reduce_min3A_419 = vector.multi_reduction <minimumf>, %select_n3A_417, %reduce_min3A_418 [0] : vector<128x128xf32> to vector<128xf32>
    %broadcast_in_dim3A_420 = vector.shape_cast %reduce_min3A_419 : vector<128xf32> to vector<1x128xf32>
    %eq3A_421 = vector.broadcast %convert_element_type3A : vector<128x1xf32> to vector<128x128xf32>
    %eq3A_422 = vector.broadcast %broadcast_in_dim3A_420 : vector<1x128xf32> to vector<128x128xf32>
    %eq3A_423 = arith.cmpf oeq, %eq3A_421, %eq3A_422 : vector<128x128xf32>
    %convert_element_type3A_424 = arith.extui %eq3A_423 : vector<128x128xi1> to vector<128x128xi32>
    %convert_element_type3A_425 = arith.sitofp %convert_element_type3A_424 : vector<128x128xi32> to vector<128x128xf32>
    %concatenate3A_426 = tpu.concatenate %select_n3A_402, %add3A_344 in 1 : vector<128x16xf32>, vector<128x1xf32> -> vector<128x17xf32>
    %dot_general3A_427 = arith.constant dense<0.000000e+00> : vector<128x17xf32>
    %dot_general3A_428 = tpu.matmul %convert_element_type3A_425, %concatenate3A_426, %dot_general3A_427 {dimension_numbers = #tpu.dot_dimension_numbers<[0], [0], [1], [1], [0, 1, 1, 1], [], []>, precision = #tpu.contract_precision<fp32>, transpose_lhs_hint = false} : vector<128x128xf32>, vector<128x17xf32>, vector<128x17xf32> -> vector<128x17xf32>
    %slice3A_429 = vector.extract_strided_slice %dot_general3A_428 {offsets = [0, 0], sizes = [128, 16], strides = [1, 1]} : vector<128x17xf32> to vector<128x16xf32>
    %round3A_430 = math.roundeven %slice3A_429 : vector<128x16xf32>
    %slice3A_431 = vector.extract_strided_slice %dot_general3A_428 {offsets = [0, 16], sizes = [128, 1], strides = [1, 1]} : vector<128x17xf32> to vector<128x1xf32>
    %get3A_432 = arith.constant 0 : index
    %get3A_433 = arith.constant 1 : index
    %get3A_434 = vector.load %arg1[%get3A_432, %get3A_433] : memref<128x16xf32, #tpu.memory_space<vmem>>, vector<128x1xf32>
    %get3A_435 = arith.constant 0 : index
    %get3A_436 = arith.constant 1 : index
    %get3A_437 = vector.load %arg2[%get3A_435, %get3A_436] : memref<128x16xf32, #tpu.memory_space<vmem>>, vector<128x1xf32>
    %eq3A_438 = vector.broadcast %convert_element_type3A_3 : vector<1x16xf32> to vector<128x16xf32>
    %eq3A_439 = vector.broadcast %get3A_434 : vector<128x1xf32> to vector<128x16xf32>
    %eq3A_440 = arith.cmpf oeq, %eq3A_438, %eq3A_439 : vector<128x16xf32>
    %convert_element_type3A_441 = arith.extui %eq3A_440 : vector<128x16xi1> to vector<128x16xi32>
    %convert_element_type3A_442 = arith.sitofp %convert_element_type3A_441 : vector<128x16xi32> to vector<128x16xf32>
    %eq3A_443 = vector.broadcast %convert_element_type3A_3 : vector<1x16xf32> to vector<128x16xf32>
    %eq3A_444 = vector.broadcast %get3A_437 : vector<128x1xf32> to vector<128x16xf32>
    %eq3A_445 = arith.cmpf oeq, %eq3A_443, %eq3A_444 : vector<128x16xf32>
    %convert_element_type3A_446 = arith.extui %eq3A_445 : vector<128x16xi1> to vector<128x16xi32>
    %convert_element_type3A_447 = arith.sitofp %convert_element_type3A_446 : vector<128x16xi32> to vector<128x16xf32>
    %mul3A_448 = arith.mulf %convert_element_type3A_442, %round3A_430 : vector<128x16xf32>
    %reduce_sum3A_449 = arith.constant dense<0.000000e+00> : vector<128xf32>
    %reduce_sum3A_450 = vector.multi_reduction <add>, %mul3A_448, %reduce_sum3A_449 [1] : vector<128x16xf32> to vector<128xf32>
    %broadcast_in_dim3A_451 = vector.shape_cast %reduce_sum3A_450 : vector<128xf32> to vector<128x1xf32>
    %round3A_452 = math.roundeven %broadcast_in_dim3A_451 : vector<128x1xf32>
    %mul3A_453 = arith.mulf %convert_element_type3A_447, %round3A_430 : vector<128x16xf32>
    %reduce_sum3A_454 = arith.constant dense<0.000000e+00> : vector<128xf32>
    %reduce_sum3A_455 = vector.multi_reduction <add>, %mul3A_453, %reduce_sum3A_454 [1] : vector<128x16xf32> to vector<128xf32>
    %broadcast_in_dim3A_456 = vector.shape_cast %reduce_sum3A_455 : vector<128xf32> to vector<128x1xf32>
    %round3A_457 = math.roundeven %broadcast_in_dim3A_456 : vector<128x1xf32>
    %concatenate3A_458 = tpu.concatenate %round3A_452, %round3A_457 in 0 : vector<128x1xf32>, vector<128x1xf32> -> vector<256x1xf32>
    %slice3A_459 = vector.extract_strided_slice %convert_element_type3A_5 {offsets = [0, 0], sizes = [1, 144], strides = [1, 1]} : vector<1x1936xf32> to vector<1x144xf32>
    %eq3A_460 = vector.broadcast %slice3A_459 : vector<1x144xf32> to vector<256x144xf32>
    %eq3A_461 = vector.broadcast %concatenate3A_458 : vector<256x1xf32> to vector<256x144xf32>
    %eq3A_462 = arith.cmpf oeq, %eq3A_460, %eq3A_461 : vector<256x144xf32>
    %convert_element_type3A_463 = arith.extui %eq3A_462 : vector<256x144xi1> to vector<256x144xi32>
    %convert_element_type3A_464 = arith.sitofp %convert_element_type3A_463 : vector<256x144xi32> to vector<256x144xf32>
    %convert_element_type3A_465 = arith.truncf %convert_element_type3A_464 : vector<256x144xf32> to vector<256x144xbf16>
    %get3A_466 = arith.constant 0 : index
    %get3A_467 = arith.constant 0 : index
    %get3A_468 = vector.load %arg18[%get3A_466, %get3A_467] : memref<1936x1408xbf16, #tpu.memory_space<vmem>>, vector<144x1408xbf16>
    %dot_general3A_469 = arith.constant dense<0.000000e+00> : vector<256x1408xf32>
    %dot_general3A_470 = tpu.matmul %convert_element_type3A_465, %get3A_468, %dot_general3A_469 {dimension_numbers = #tpu.dot_dimension_numbers<[1], [0], [0], [1], [0, 0, 1, 1], [], []>, transpose_lhs_hint = false} : vector<256x144xbf16>, vector<144x1408xbf16>, vector<256x1408xf32> -> vector<256x1408xf32>
    %get3A_471 = arith.constant 0 : index
    %get3A_472 = arith.constant 0 : index
    %get3A_473 = vector.load %arg19[%get3A_471, %get3A_472] : memref<1936x1408xbf16, #tpu.memory_space<vmem>>, vector<144x1408xbf16>
    %dot_general3A_474 = arith.constant dense<0.000000e+00> : vector<256x1408xf32>
    %dot_general3A_475 = tpu.matmul %convert_element_type3A_465, %get3A_473, %dot_general3A_474 {dimension_numbers = #tpu.dot_dimension_numbers<[1], [0], [0], [1], [0, 0, 1, 1], [], []>, transpose_lhs_hint = false} : vector<256x144xbf16>, vector<144x1408xbf16>, vector<256x1408xf32> -> vector<256x1408xf32>
    %add3A_476 = arith.addf %dot_general3A_470, %dot_general3A_475 : vector<256x1408xf32>
    %get3A_477 = arith.constant 0 : index
    %get3A_478 = arith.constant 0 : index
    %get3A_479 = vector.load %arg20[%get3A_477, %get3A_478] : memref<1936x1408xbf16, #tpu.memory_space<vmem>>, vector<144x1408xbf16>
    %dot_general3A_480 = arith.constant dense<0.000000e+00> : vector<256x1408xf32>
    %dot_general3A_481 = tpu.matmul %convert_element_type3A_465, %get3A_479, %dot_general3A_480 {dimension_numbers = #tpu.dot_dimension_numbers<[1], [0], [0], [1], [0, 0, 1, 1], [], []>, transpose_lhs_hint = false} : vector<256x144xbf16>, vector<144x1408xbf16>, vector<256x1408xf32> -> vector<256x1408xf32>
    %add3A_482 = arith.addf %add3A_476, %dot_general3A_481 : vector<256x1408xf32>
    %slice3A_483 = vector.extract_strided_slice %add3A_482 {offsets = [0, 1280], sizes = [128, 64], strides = [1, 1]} : vector<256x1408xf32> to vector<128x64xf32>
    %slice3A_484 = vector.extract_strided_slice %add3A_482 {offsets = [128, 1280], sizes = [128, 64], strides = [1, 1]} : vector<256x1408xf32> to vector<128x64xf32>
    %slice3A_485 = vector.extract_strided_slice %add3A_482 {offsets = [0, 1344], sizes = [128, 1], strides = [1, 1]} : vector<256x1408xf32> to vector<128x1xf32>
    %slice3A_486 = vector.extract_strided_slice %add3A_482 {offsets = [128, 1344], sizes = [128, 1], strides = [1, 1]} : vector<256x1408xf32> to vector<128x1xf32>
    %sub3A_487 = arith.subf %slice3A_483, %slice3A_484 : vector<128x64xf32>
    %mul3A_488 = arith.mulf %sub3A_487, %sub3A_487 : vector<128x64xf32>
    %reduce_sum3A_489 = arith.constant dense<0.000000e+00> : vector<128xf32>
    %reduce_sum3A_490 = vector.multi_reduction <add>, %mul3A_488, %reduce_sum3A_489 [1] : vector<128x64xf32> to vector<128xf32>
    %broadcast_in_dim3A_491 = vector.shape_cast %reduce_sum3A_490 : vector<128xf32> to vector<128x1xf32>
    %add3A_492 = arith.constant 9.99999993E-9 : f32
    %add3A_493 = vector.broadcast %add3A_492 : f32 to vector<128x1xf32>
    %add3A_494 = arith.addf %broadcast_in_dim3A_491, %add3A_493 : vector<128x1xf32>
    %sqrt3A_495 = math.sqrt %add3A_494 : vector<128x1xf32>
    %mul3A_496 = vector.broadcast %slice3A_88 : vector<1x1xf32> to vector<128x1xf32>
    %mul3A_497 = arith.mulf %mul3A_496, %sqrt3A_495 : vector<128x1xf32>
    %add3A_498 = vector.broadcast %slice3A_89 : vector<1x1xf32> to vector<128x1xf32>
    %add3A_499 = arith.addf %mul3A_497, %add3A_498 : vector<128x1xf32>
    %custom_jvp_call3A_500 = arith.constant 0.000000e+00 : f32
    %max3A_501 = vector.broadcast %custom_jvp_call3A_500 : f32 to vector<128x1xf32>
    %max3A_502 = arith.maximumf %add3A_499, %max3A_501 : vector<128x1xf32>
    %sub3A_503 = vector.broadcast %custom_jvp_call3A_500 : f32 to vector<128x1xf32>
    %sub3A_504 = arith.subf %add3A_499, %sub3A_503 : vector<128x1xf32>
    %ne3A_505 = arith.cmpf one, %sub3A_504, %sub3A_504 : vector<128x1xf32>
    %add3A_506 = vector.broadcast %custom_jvp_call3A_500 : f32 to vector<128x1xf32>
    %add3A_507 = arith.addf %add3A_499, %add3A_506 : vector<128x1xf32>
    %abs3A_508 = math.absf %sub3A_504 : vector<128x1xf32>
    %neg3A_509 = arith.constant 0.000000e+00 : f32
    %neg3A_510 = vector.broadcast %neg3A_509 : f32 to vector<128x1xf32>
    %neg3A_511 = arith.subf %neg3A_510, %abs3A_508 : vector<128x1xf32>
    %exp3A_512 = math.exp %neg3A_511 : vector<128x1xf32>
    %log1p3A_513 = math.log1p %exp3A_512 : vector<128x1xf32>
    %add3A_514 = arith.addf %max3A_502, %log1p3A_513 : vector<128x1xf32>
    %select_n3A_515 = arith.select %ne3A_505, %add3A_507, %add3A_514 : vector<128x1xi1>, vector<128x1xf32>
    %mul3A_516 = arith.constant 1.000000e-01 : f32
    %mul3A_517 = vector.broadcast %mul3A_516 : f32 to vector<128x1xf32>
    %mul3A_518 = arith.mulf %select_n3A_515, %mul3A_517 : vector<128x1xf32>
    %add3A_519 = arith.constant 9.99999974E-5 : f32
    %add3A_520 = vector.broadcast %add3A_519 : f32 to vector<128x1xf32>
    %add3A_521 = arith.addf %mul3A_518, %add3A_520 : vector<128x1xf32>
    %mul3A_522 = vector.broadcast %slice3A_90 : vector<1x1xf32> to vector<128x1xf32>
    %mul3A_523 = arith.mulf %mul3A_522, %sqrt3A_495 : vector<128x1xf32>
    %add3A_524 = vector.broadcast %slice3A_91 : vector<1x1xf32> to vector<128x1xf32>
    %add3A_525 = arith.addf %mul3A_523, %add3A_524 : vector<128x1xf32>
    %custom_jvp_call3A_526 = arith.constant 0.000000e+00 : f32
    %max3A_527 = vector.broadcast %custom_jvp_call3A_526 : f32 to vector<128x1xf32>
    %max3A_528 = arith.maximumf %add3A_525, %max3A_527 : vector<128x1xf32>
    %sub3A_529 = vector.broadcast %custom_jvp_call3A_526 : f32 to vector<128x1xf32>
    %sub3A_530 = arith.subf %add3A_525, %sub3A_529 : vector<128x1xf32>
    %ne3A_531 = arith.cmpf one, %sub3A_530, %sub3A_530 : vector<128x1xf32>
    %add3A_532 = vector.broadcast %custom_jvp_call3A_526 : f32 to vector<128x1xf32>
    %add3A_533 = arith.addf %add3A_525, %add3A_532 : vector<128x1xf32>
    %abs3A_534 = math.absf %sub3A_530 : vector<128x1xf32>
    %neg3A_535 = arith.constant 0.000000e+00 : f32
    %neg3A_536 = vector.broadcast %neg3A_535 : f32 to vector<128x1xf32>
    %neg3A_537 = arith.subf %neg3A_536, %abs3A_534 : vector<128x1xf32>
    %exp3A_538 = math.exp %neg3A_537 : vector<128x1xf32>
    %log1p3A_539 = math.log1p %exp3A_538 : vector<128x1xf32>
    %add3A_540 = arith.addf %max3A_528, %log1p3A_539 : vector<128x1xf32>
    %select_n3A_541 = arith.select %ne3A_531, %add3A_533, %add3A_540 : vector<128x1xi1>, vector<128x1xf32>
    %mul3A_542 = arith.constant 1.000000e-01 : f32
    %mul3A_543 = vector.broadcast %mul3A_542 : f32 to vector<128x1xf32>
    %mul3A_544 = arith.mulf %select_n3A_541, %mul3A_543 : vector<128x1xf32>
    %add3A_545 = arith.constant 9.99999974E-5 : f32
    %add3A_546 = vector.broadcast %add3A_545 : f32 to vector<128x1xf32>
    %add3A_547 = arith.addf %mul3A_544, %add3A_546 : vector<128x1xf32>
    %concatenate3A_548 = tpu.concatenate %slice3A_483, %slice3A_484 in 1 : vector<128x64xf32>, vector<128x64xf32> -> vector<128x128xf32>
    %dot_general3A_549 = arith.constant dense<0.000000e+00> : vector<128x64xf32>
    %dot_general3A_550 = tpu.matmul %concatenate3A_548, %get3A_94, %dot_general3A_549 {dimension_numbers = #tpu.dot_dimension_numbers<[1], [0], [0], [1], [0, 0, 1, 1], [], []>, transpose_lhs_hint = false} : vector<128x128xf32>, vector<128x64xf32>, vector<128x64xf32> -> vector<128x64xf32>
    %tanh3A_551 = math.tanh %dot_general3A_550 : vector<128x64xf32>
    %slice3A_552 = vector.extract_strided_slice %add3A_482 {offsets = [0, 0], sizes = [256, 256], strides = [1, 1]} : vector<256x1408xf32> to vector<256x256xf32>
    %slice3A_553 = vector.extract_strided_slice %add3A_482 {offsets = [0, 256], sizes = [256, 256], strides = [1, 1]} : vector<256x1408xf32> to vector<256x256xf32>
    %slice3A_554 = vector.extract_strided_slice %add3A_482 {offsets = [0, 512], sizes = [256, 256], strides = [1, 1]} : vector<256x1408xf32> to vector<256x256xf32>
    %slice3A_555 = vector.extract_strided_slice %add3A_482 {offsets = [0, 768], sizes = [256, 256], strides = [1, 1]} : vector<256x1408xf32> to vector<256x256xf32>
    %slice3A_556 = vector.extract_strided_slice %add3A_482 {offsets = [0, 1024], sizes = [256, 256], strides = [1, 1]} : vector<256x1408xf32> to vector<256x256xf32>
    %concatenate3A_557 = tpu.concatenate %add3A_521, %add3A_547 in 0 : vector<128x1xf32>, vector<128x1xf32> -> vector<256x1xf32>
    %mul3A_558 = arith.constant 1.33333337 : f32
    %mul3A_559 = vector.broadcast %mul3A_558 : f32 to vector<1x256xf32>
    %mul3A_560 = arith.mulf %mul3A_559, %add3A_30 : vector<1x256xf32>
    %mul3A_561 = vector.broadcast %mul3A_560 : vector<1x256xf32> to vector<256x256xf32>
    %mul3A_562 = vector.broadcast %concatenate3A_557 : vector<256x1xf32> to vector<256x256xf32>
    %mul3A_563 = arith.mulf %mul3A_561, %mul3A_562 : vector<256x256xf32>
    %add3A_564 = arith.constant 9.99999993E-9 : f32
    %add3A_565 = vector.broadcast %add3A_564 : f32 to vector<256x256xf32>
    %add3A_566 = arith.addf %mul3A_563, %add3A_565 : vector<256x256xf32>
    %neg3A_567 = arith.constant 0.000000e+00 : f32
    %neg3A_568 = vector.broadcast %neg3A_567 : f32 to vector<256x256xf32>
    %neg3A_569 = arith.subf %neg3A_568, %add3A_566 : vector<256x256xf32>
    %exp3A_570 = math.exp %neg3A_569 : vector<256x256xf32>
    %sub3A_571 = arith.constant 1.000000e+00 : f32
    %sub3A_572 = vector.broadcast %sub3A_571 : f32 to vector<256x256xf32>
    %sub3A_573 = arith.subf %sub3A_572, %exp3A_570 : vector<256x256xf32>
    %mul3A_574 = arith.constant 2.500000e-01 : f32
    %mul3A_575 = vector.broadcast %mul3A_574 : f32 to vector<256x256xf32>
    %mul3A_576 = arith.mulf %sub3A_573, %mul3A_575 : vector<256x256xf32>
    %add3A_577 = arith.addf %slice3A_552, %slice3A_553 : vector<256x256xf32>
    %add3A_578 = arith.addf %add3A_577, %slice3A_554 : vector<256x256xf32>
    %add3A_579 = arith.addf %add3A_578, %slice3A_555 : vector<256x256xf32>
    %mul3A_580 = arith.mulf %mul3A_576, %add3A_579 : vector<256x256xf32>
    %mul3A_581 = arith.mulf %exp3A_570, %slice3A_552 : vector<256x256xf32>
    %add3A_582 = arith.addf %mul3A_580, %mul3A_581 : vector<256x256xf32>
    %mul3A_583 = arith.mulf %exp3A_570, %slice3A_553 : vector<256x256xf32>
    %add3A_584 = arith.addf %mul3A_580, %mul3A_583 : vector<256x256xf32>
    %mul3A_585 = arith.mulf %exp3A_570, %slice3A_554 : vector<256x256xf32>
    %add3A_586 = arith.addf %mul3A_580, %mul3A_585 : vector<256x256xf32>
    %mul3A_587 = arith.mulf %exp3A_570, %slice3A_555 : vector<256x256xf32>
    %add3A_588 = arith.addf %mul3A_580, %mul3A_587 : vector<256x256xf32>
    %slice3A_589 = vector.extract_strided_slice %add3A_582 {offsets = [0, 0], sizes = [128, 256], strides = [1, 1]} : vector<256x256xf32> to vector<128x256xf32>
    %slice3A_590 = vector.extract_strided_slice %add3A_582 {offsets = [128, 0], sizes = [128, 256], strides = [1, 1]} : vector<256x256xf32> to vector<128x256xf32>
    %mul3A_591 = arith.mulf %slice3A_589, %slice3A_590 : vector<128x256xf32>
    %slice3A_592 = vector.extract_strided_slice %add3A_584 {offsets = [0, 0], sizes = [128, 256], strides = [1, 1]} : vector<256x256xf32> to vector<128x256xf32>
    %slice3A_593 = vector.extract_strided_slice %add3A_584 {offsets = [128, 0], sizes = [128, 256], strides = [1, 1]} : vector<256x256xf32> to vector<128x256xf32>
    %mul3A_594 = arith.mulf %slice3A_592, %slice3A_593 : vector<128x256xf32>
    %slice3A_595 = vector.extract_strided_slice %add3A_586 {offsets = [0, 0], sizes = [128, 256], strides = [1, 1]} : vector<256x256xf32> to vector<128x256xf32>
    %slice3A_596 = vector.extract_strided_slice %add3A_586 {offsets = [128, 0], sizes = [128, 256], strides = [1, 1]} : vector<256x256xf32> to vector<128x256xf32>
    %mul3A_597 = arith.mulf %slice3A_595, %slice3A_596 : vector<128x256xf32>
    %slice3A_598 = vector.extract_strided_slice %add3A_588 {offsets = [0, 0], sizes = [128, 256], strides = [1, 1]} : vector<256x256xf32> to vector<128x256xf32>
    %slice3A_599 = vector.extract_strided_slice %add3A_588 {offsets = [128, 0], sizes = [128, 256], strides = [1, 1]} : vector<256x256xf32> to vector<128x256xf32>
    %mul3A_600 = arith.mulf %slice3A_598, %slice3A_599 : vector<128x256xf32>
    %slice3A_601 = vector.extract_strided_slice %slice3A_556 {offsets = [0, 0], sizes = [128, 256], strides = [1, 1]} : vector<256x256xf32> to vector<128x256xf32>
    %slice3A_602 = vector.extract_strided_slice %slice3A_556 {offsets = [128, 0], sizes = [128, 256], strides = [1, 1]} : vector<256x256xf32> to vector<128x256xf32>
    %add3A_603 = arith.addf %slice3A_601, %slice3A_602 : vector<128x256xf32>
    %max3A_604 = arith.maximumf %mul3A_591, %mul3A_594 : vector<128x256xf32>
    %max3A_605 = arith.maximumf %mul3A_597, %mul3A_600 : vector<128x256xf32>
    %max3A_606 = arith.maximumf %max3A_604, %max3A_605 : vector<128x256xf32>
    %div3A_607 = arith.constant 1.000000e+00 : f32
    %div3A_608 = vector.broadcast %div3A_607 : f32 to vector<128x256xf32>
    %div3A_609 = arith.divf %div3A_608, %max3A_606 : vector<128x256xf32>
    %mul3A_610 = arith.mulf %mul3A_591, %div3A_609 : vector<128x256xf32>
    %mul3A_611 = arith.mulf %mul3A_594, %div3A_609 : vector<128x256xf32>
    %mul3A_612 = arith.mulf %mul3A_597, %div3A_609 : vector<128x256xf32>
    %mul3A_613 = arith.mulf %mul3A_600, %div3A_609 : vector<128x256xf32>
    %log3A_614 = math.log %max3A_606 : vector<128x256xf32>
    %add3A_615 = arith.addf %add3A_603, %log3A_614 : vector<128x256xf32>
    %add3A_616 = arith.addf %mul3A_610, %mul3A_611 : vector<128x256xf32>
    %add3A_617 = arith.addf %add3A_616, %mul3A_612 : vector<128x256xf32>
    %add3A_618 = arith.addf %add3A_617, %mul3A_613 : vector<128x256xf32>
    %log3A_619 = math.log %add3A_618 : vector<128x256xf32>
    %add3A_620 = arith.addf %add3A_615, %log3A_619 : vector<128x256xf32>
    %sub3A_621 = arith.constant 1.38629436 : f32
    %sub3A_622 = vector.broadcast %sub3A_621 : f32 to vector<128x256xf32>
    %sub3A_623 = arith.subf %add3A_620, %sub3A_622 : vector<128x256xf32>
    %reduce_sum3A_624 = arith.constant dense<0.000000e+00> : vector<128xf32>
    %reduce_sum3A_625 = vector.multi_reduction <add>, %sub3A_623, %reduce_sum3A_624 [1] : vector<128x256xf32> to vector<128xf32>
    %broadcast_in_dim3A_626 = vector.shape_cast %reduce_sum3A_625 : vector<128xf32> to vector<128x1xf32>
    %broadcast_in_dim3A_627 = arith.constant 0.000000e+00 : f32
    %broadcast_in_dim3A_628 = vector.broadcast %broadcast_in_dim3A_627 : f32 to vector<128x63xf32>
    %concatenate3A_629 = tpu.concatenate %mul3A_610, %mul3A_611, %mul3A_612, %mul3A_613, %add3A_615, %tanh3A_551, %broadcast_in_dim3A_626, %broadcast_in_dim3A_628 in 1 : vector<128x256xf32>, vector<128x256xf32>, vector<128x256xf32>, vector<128x256xf32>, vector<128x256xf32>, vector<128x64xf32>, vector<128x1xf32>, vector<128x63xf32> -> vector<128x1408xf32>
    %convert_element_type3A_630 = arith.truncf %concatenate3A_629 : vector<128x1408xf32> to vector<128x1408xbf16>
    %convert_element_type3A_631 = arith.extf %convert_element_type3A_630 : vector<128x1408xbf16> to vector<128x1408xf32>
    %sub3A_632 = arith.subf %concatenate3A_629, %convert_element_type3A_631 : vector<128x1408xf32>
    %convert_element_type3A_633 = arith.truncf %sub3A_632 : vector<128x1408xf32> to vector<128x1408xbf16>
    %convert_element_type3A_634 = arith.extf %convert_element_type3A_633 : vector<128x1408xbf16> to vector<128x1408xf32>
    %sub3A_635 = arith.subf %sub3A_632, %convert_element_type3A_634 : vector<128x1408xf32>
    %convert_element_type3A_636 = arith.truncf %sub3A_635 : vector<128x1408xf32> to vector<128x1408xbf16>
    %swap3A_637 = arith.constant 144 : index
    %swap3A_638 = arith.constant 0 : index
    %swap3A_639 = vector.load %arg18[%swap3A_637, %swap3A_638] : memref<1936x1408xbf16, #tpu.memory_space<vmem>>, vector<128x1408xbf16>
    tpu.vector_store %arg18[%swap3A_637, %swap3A_638], %convert_element_type3A_630 {strides = array<i32>} : memref<1936x1408xbf16, #tpu.memory_space<vmem>>, vector<128x1408xbf16>,
    %swap3A_640 = arith.constant 144 : index
    %swap3A_641 = arith.constant 0 : index
    %swap3A_642 = vector.load %arg19[%swap3A_640, %swap3A_641] : memref<1936x1408xbf16, #tpu.memory_space<vmem>>, vector<128x1408xbf16>
    tpu.vector_store %arg19[%swap3A_640, %swap3A_641], %convert_element_type3A_633 {strides = array<i32>} : memref<1936x1408xbf16, #tpu.memory_space<vmem>>, vector<128x1408xbf16>,
    %swap3A_643 = arith.constant 144 : index
    %swap3A_644 = arith.constant 0 : index
    %swap3A_645 = vector.load %arg20[%swap3A_643, %swap3A_644] : memref<1936x1408xbf16, #tpu.memory_space<vmem>>, vector<128x1408xbf16>
    tpu.vector_store %arg20[%swap3A_643, %swap3A_644], %convert_element_type3A_636 {strides = array<i32>} : memref<1936x1408xbf16, #tpu.memory_space<vmem>>, vector<128x1408xbf16>,
    %sub3A_646 = arith.subf %slice3A_431, %slice3A_485 : vector<128x1xf32>
    %sub3A_647 = arith.subf %sub3A_646, %slice3A_486 : vector<128x1xf32>
    %add3A_648 = arith.addf %sub3A_647, %broadcast_in_dim3A_626 : vector<128x1xf32>
    %add3A_649 = arith.addf %add3A_521, %add3A_547 : vector<128x1xf32>
    %div3A_650 = arith.constant 1.000000e-01 : f32
    %div3A_651 = vector.broadcast %div3A_650 : f32 to vector<128x1xf32>
    %div3A_652 = arith.divf %add3A_649, %div3A_651 : vector<128x1xf32>
    %sub3A_653 = arith.constant 4.60517025 : f32
    %sub3A_654 = vector.broadcast %sub3A_653 : f32 to vector<128x1xf32>
    %sub3A_655 = arith.subf %sub3A_654, %div3A_652 : vector<128x1xf32>
    %sub3A_656 = arith.subf %add3A_648, %slice3A_431 : vector<128x1xf32>
    %add3A_657 = arith.addf %sub3A_656, %sub3A_655 : vector<128x1xf32>
    %add3A_658 = arith.constant 4.653960e+00 : f32
    %add3A_659 = vector.broadcast %add3A_658 : f32 to vector<128x1xf32>
    %add3A_660 = arith.addf %add3A_657, %add3A_659 : vector<128x1xf32>
    %reduce_max3A_661 = vector.shape_cast %add3A_660 : vector<128x1xf32> to vector<1x128x1xf32>
    %reduce_max3A_662 = arith.constant dense<0xFF800000> : vector<1xf32>
    %reduce_max3A_663 = vector.multi_reduction <maximumf>, %reduce_max3A_661, %reduce_max3A_662 [1, 2] : vector<1x128x1xf32> to vector<1xf32>
    %reduce_max3A_664 = vector.shape_cast %reduce_max3A_663 : vector<1xf32> to vector<1x1x1xf32>
    %reduce_max3A_665 = vector.extract %reduce_max3A_664[0, 0, 0] : f32 from vector<1x1x1xf32>
    %sub3A_666 = vector.broadcast %reduce_max3A_665 : f32 to vector<128x1xf32>
    %sub3A_667 = arith.subf %add3A_660, %sub3A_666 : vector<128x1xf32>
    %exp3A_668 = math.exp %sub3A_667 : vector<128x1xf32>
    %reduce_sum3A_669 = vector.shape_cast %exp3A_668 : vector<128x1xf32> to vector<1x128x1xf32>
    %reduce_sum3A_670 = arith.constant dense<0.000000e+00> : vector<1xf32>
    %reduce_sum3A_671 = vector.multi_reduction <add>, %reduce_sum3A_669, %reduce_sum3A_670 [1, 2] : vector<1x128x1xf32> to vector<1xf32>
    %reduce_sum3A_672 = vector.shape_cast %reduce_sum3A_671 : vector<1xf32> to vector<1x1x1xf32>
    %reduce_sum3A_673 = vector.extract %reduce_sum3A_672[0, 0, 0] : f32 from vector<1x1x1xf32>
    %log3A_674 = math.log %reduce_sum3A_673 : f32
    %add3A_675 = arith.addf %reduce_max3A_665, %log3A_674 : f32
    %sub3A_676 = arith.constant 4.85203028 : f32
    %sub3A_677 = arith.subf %add3A_675, %sub3A_676 : f32
    %add3A_678 = vector.broadcast %sub3A_677 : f32 to vector<1x1xf32>
    %add3A_679 = arith.addf %add3A_375, %add3A_678 : vector<1x1xf32>
    %slice3A_680 = vector.extract_strided_slice %round3A_430 {offsets = [0, 1], sizes = [128, 15], strides = [1, 1]} : vector<128x16xf32> to vector<128x15xf32>
    %slice3A_681 = vector.extract_strided_slice %round3A_430 {offsets = [0, 0], sizes = [128, 1], strides = [1, 1]} : vector<128x16xf32> to vector<128x1xf32>
    %concatenate3A_682 = tpu.concatenate %slice3A_680, %slice3A_681 in 1 : vector<128x15xf32>, vector<128x1xf32> -> vector<128x16xf32>
    %slice3A_683 = vector.extract_strided_slice %round3A_430 {offsets = [0, 2], sizes = [128, 14], strides = [1, 1]} : vector<128x16xf32> to vector<128x14xf32>
    %slice3A_684 = vector.extract_strided_slice %round3A_430 {offsets = [0, 0], sizes = [128, 2], strides = [1, 1]} : vector<128x16xf32> to vector<128x2xf32>
    %concatenate3A_685 = tpu.concatenate %slice3A_683, %slice3A_684 in 1 : vector<128x14xf32>, vector<128x2xf32> -> vector<128x16xf32>
    %lt3A_686 = vector.broadcast %convert_element_type3A_3 : vector<1x16xf32> to vector<128x16xf32>
    %lt3A_687 = vector.broadcast %get3A_434 : vector<128x1xf32> to vector<128x16xf32>
    %lt3A_688 = arith.cmpf olt, %lt3A_686, %lt3A_687 : vector<128x16xf32>
    %sub3A_689 = arith.constant 1.000000e+00 : f32
    %sub3A_690 = vector.broadcast %sub3A_689 : f32 to vector<128x1xf32>
    %sub3A_691 = arith.subf %get3A_437, %sub3A_690 : vector<128x1xf32>
    %lt3A_692 = vector.broadcast %convert_element_type3A_3 : vector<1x16xf32> to vector<128x16xf32>
    %lt3A_693 = vector.broadcast %sub3A_691 : vector<128x1xf32> to vector<128x16xf32>
    %lt3A_694 = arith.cmpf olt, %lt3A_692, %lt3A_693 : vector<128x16xf32>
    %select_n3A_695 = arith.select %lt3A_694, %concatenate3A_682, %concatenate3A_685 : vector<128x16xi1>, vector<128x16xf32>
    %select_n3A_696 = arith.select %lt3A_688, %round3A_430, %select_n3A_695 : vector<128x16xi1>, vector<128x16xf32>
    %add3A_697 = arith.constant 1.440000e+02 : f32
    %add3A_698 = vector.broadcast %add3A_697 : f32 to vector<128x1xf32>
    %add3A_699 = arith.addf %add3A_698, %convert_element_type3A : vector<128x1xf32>
    %eq3A_700 = arith.constant 1.300000e+01 : f32
    %eq3A_701 = vector.broadcast %eq3A_700 : f32 to vector<1x16xf32>
    %eq3A_702 = arith.cmpf oeq, %convert_element_type3A_3, %eq3A_701 : vector<1x16xf32>
    %broadcast_in_dim3A_703 = vector.shape_cast %eq3A_702 : vector<1x16xi1> to vector<1x16xi1>
    %broadcast_in_dim3A_704 = vector.broadcast %broadcast_in_dim3A_703 : vector<1x16xi1> to vector<128x16xi1>
    %broadcast_in_dim3A_705 = vector.shape_cast %add3A_699 : vector<128x1xf32> to vector<128x1xf32>
    %broadcast_in_dim3A_706 = vector.broadcast %broadcast_in_dim3A_705 : vector<128x1xf32> to vector<128x16xf32>
    %select_n3A_707 = arith.select %broadcast_in_dim3A_704, %broadcast_in_dim3A_706, %select_n3A_696 : vector<128x16xi1>, vector<128x16xf32>
    %get3A_708 = arith.constant 256 : index
    %get3A_709 = arith.constant 0 : index
    %get3A_710 = vector.load %arg0[%get3A_708, %get3A_709] : memref<1920x128xf32, #tpu.memory_space<vmem>>, vector<128x128xf32>
    %add3A_711 = vector.broadcast %add3A_660 : vector<128x1xf32> to vector<128x128xf32>
    %add3A_712 = arith.addf %get3A_710, %add3A_711 : vector<128x128xf32>
    %reduce_max3A_713 = arith.constant dense<0xFF800000> : vector<128xf32>
    %reduce_max3A_714 = vector.multi_reduction <maximumf>, %add3A_712, %reduce_max3A_713 [0] : vector<128x128xf32> to vector<128xf32>
    %broadcast_in_dim3A_715 = vector.shape_cast %reduce_max3A_714 : vector<128xf32> to vector<1x128xf32>
    %eq3A_716 = vector.broadcast %broadcast_in_dim3A_715 : vector<1x128xf32> to vector<128x128xf32>
    %eq3A_717 = arith.cmpf oeq, %add3A_712, %eq3A_716 : vector<128x128xf32>
    %jit3A_718 = arith.constant 1.280000e+02 : f32
    %broadcast_in_dim3A_719 = vector.shape_cast %convert_element_type3A : vector<128x1xf32> to vector<128x1xf32>
    %broadcast_in_dim3A_720 = vector.broadcast %broadcast_in_dim3A_719 : vector<128x1xf32> to vector<128x128xf32>
    %broadcast_in_dim3A_721 = vector.broadcast %jit3A_718 : f32 to vector<128x128xf32>
    %select_n3A_722 = arith.select %eq3A_717, %broadcast_in_dim3A_720, %broadcast_in_dim3A_721 : vector<128x128xi1>, vector<128x128xf32>
    %reduce_min3A_723 = arith.constant dense<0x7F800000> : vector<128xf32>
    %reduce_min3A_724 = vector.multi_reduction <minimumf>, %select_n3A_722, %reduce_min3A_723 [0] : vector<128x128xf32> to vector<128xf32>
    %broadcast_in_dim3A_725 = vector.shape_cast %reduce_min3A_724 : vector<128xf32> to vector<1x128xf32>
    %eq3A_726 = vector.broadcast %convert_element_type3A : vector<128x1xf32> to vector<128x128xf32>
    %eq3A_727 = vector.broadcast %broadcast_in_dim3A_725 : vector<1x128xf32> to vector<128x128xf32>
    %eq3A_728 = arith.cmpf oeq, %eq3A_726, %eq3A_727 : vector<128x128xf32>
    %convert_element_type3A_729 = arith.extui %eq3A_728 : vector<128x128xi1> to vector<128x128xi32>
    %convert_element_type3A_730 = arith.sitofp %convert_element_type3A_729 : vector<128x128xi32> to vector<128x128xf32>
    %concatenate3A_731 = tpu.concatenate %select_n3A_707, %add3A_648 in 1 : vector<128x16xf32>, vector<128x1xf32> -> vector<128x17xf32>
    %dot_general3A_732 = arith.constant dense<0.000000e+00> : vector<128x17xf32>
    %dot_general3A_733 = tpu.matmul %convert_element_type3A_730, %concatenate3A_731, %dot_general3A_732 {dimension_numbers = #tpu.dot_dimension_numbers<[0], [0], [1], [1], [0, 1, 1, 1], [], []>, precision = #tpu.contract_precision<fp32>, transpose_lhs_hint = false} : vector<128x128xf32>, vector<128x17xf32>, vector<128x17xf32> -> vector<128x17xf32>
    %slice3A_734 = vector.extract_strided_slice %dot_general3A_733 {offsets = [0, 0], sizes = [128, 16], strides = [1, 1]} : vector<128x17xf32> to vector<128x16xf32>
    %round3A_735 = math.roundeven %slice3A_734 : vector<128x16xf32>
    %slice3A_736 = vector.extract_strided_slice %dot_general3A_733 {offsets = [0, 16], sizes = [128, 1], strides = [1, 1]} : vector<128x17xf32> to vector<128x1xf32>
    %get3A_737 = arith.constant 0 : index
    %get3A_738 = arith.constant 2 : index
    %get3A_739 = vector.load %arg1[%get3A_737, %get3A_738] : memref<128x16xf32, #tpu.memory_space<vmem>>, vector<128x1xf32>
    %get3A_740 = arith.constant 0 : index
    %get3A_741 = arith.constant 2 : index
    %get3A_742 = vector.load %arg2[%get3A_740, %get3A_741] : memref<128x16xf32, #tpu.memory_space<vmem>>, vector<128x1xf32>
    %eq3A_743 = vector.broadcast %convert_element_type3A_3 : vector<1x16xf32> to vector<128x16xf32>
    %eq3A_744 = vector.broadcast %get3A_739 : vector<128x1xf32> to vector<128x16xf32>
    %eq3A_745 = arith.cmpf oeq, %eq3A_743, %eq3A_744 : vector<128x16xf32>
    %convert_element_type3A_746 = arith.extui %eq3A_745 : vector<128x16xi1> to vector<128x16xi32>
    %convert_element_type3A_747 = arith.sitofp %convert_element_type3A_746 : vector<128x16xi32> to vector<128x16xf32>
    %eq3A_748 = vector.broadcast %convert_element_type3A_3 : vector<1x16xf32> to vector<128x16xf32>
    %eq3A_749 = vector.broadcast %get3A_742 : vector<128x1xf32> to vector<128x16xf32>
    %eq3A_750 = arith.cmpf oeq, %eq3A_748, %eq3A_749 : vector<128x16xf32>
    %convert_element_type3A_751 = arith.extui %eq3A_750 : vector<128x16xi1> to vector<128x16xi32>
    %convert_element_type3A_752 = arith.sitofp %convert_element_type3A_751 : vector<128x16xi32> to vector<128x16xf32>
    %mul3A_753 = arith.mulf %convert_element_type3A_747, %round3A_735 : vector<128x16xf32>
    %reduce_sum3A_754 = arith.constant dense<0.000000e+00> : vector<128xf32>
    %reduce_sum3A_755 = vector.multi_reduction <add>, %mul3A_753, %reduce_sum3A_754 [1] : vector<128x16xf32> to vector<128xf32>
    %broadcast_in_dim3A_756 = vector.shape_cast %reduce_sum3A_755 : vector<128xf32> to vector<128x1xf32>
    %round3A_757 = math.roundeven %broadcast_in_dim3A_756 : vector<128x1xf32>
    %mul3A_758 = arith.mulf %convert_element_type3A_752, %round3A_735 : vector<128x16xf32>
    %reduce_sum3A_759 = arith.constant dense<0.000000e+00> : vector<128xf32>
    %reduce_sum3A_760 = vector.multi_reduction <add>, %mul3A_758, %reduce_sum3A_759 [1] : vector<128x16xf32> to vector<128xf32>
    %broadcast_in_dim3A_761 = vector.shape_cast %reduce_sum3A_760 : vector<128xf32> to vector<128x1xf32>
    %round3A_762 = math.roundeven %broadcast_in_dim3A_761 : vector<128x1xf32>
    %concatenate3A_763 = tpu.concatenate %round3A_757, %round3A_762 in 0 : vector<128x1xf32>, vector<128x1xf32> -> vector<256x1xf32>
    %slice3A_764 = vector.extract_strided_slice %convert_element_type3A_5 {offsets = [0, 0], sizes = [1, 272], strides = [1, 1]} : vector<1x1936xf32> to vector<1x272xf32>
    %eq3A_765 = vector.broadcast %slice3A_764 : vector<1x272xf32> to vector<256x272xf32>
    %eq3A_766 = vector.broadcast %concatenate3A_763 : vector<256x1xf32> to vector<256x272xf32>
    %eq3A_767 = arith.cmpf oeq, %eq3A_765, %eq3A_766 : vector<256x272xf32>
    %convert_element_type3A_768 = arith.extui %eq3A_767 : vector<256x272xi1> to vector<256x272xi32>
    %convert_element_type3A_769 = arith.sitofp %convert_element_type3A_768 : vector<256x272xi32> to vector<256x272xf32>
    %convert_element_type3A_770 = arith.truncf %convert_element_type3A_769 : vector<256x272xf32> to vector<256x272xbf16>
    %get3A_771 = arith.constant 0 : index
    %get3A_772 = arith.constant 0 : index
    %get3A_773 = vector.load %arg18[%get3A_771, %get3A_772] : memref<1936x1408xbf16, #tpu.memory_space<vmem>>, vector<272x1408xbf16>
    %dot_general3A_774 = arith.constant dense<0.000000e+00> : vector<256x1408xf32>
    %dot_general3A_775 = tpu.matmul %convert_element_type3A_770, %get3A_773, %dot_general3A_774 {dimension_numbers = #tpu.dot_dimension_numbers<[1], [0], [0], [1], [0, 0, 1, 1], [], []>, transpose_lhs_hint = false} : vector<256x272xbf16>, vector<272x1408xbf16>, vector<256x1408xf32> -> vector<256x1408xf32>
    %get3A_776 = arith.constant 0 : index
    %get3A_777 = arith.constant 0 : index
    %get3A_778 = vector.load %arg19[%get3A_776, %get3A_777] : memref<1936x1408xbf16, #tpu.memory_space<vmem>>, vector<272x1408xbf16>
    %dot_general3A_779 = arith.constant dense<0.000000e+00> : vector<256x1408xf32>
    %dot_general3A_780 = tpu.matmul %convert_element_type3A_770, %get3A_778, %dot_general3A_779 {dimension_numbers = #tpu.dot_dimension_numbers<[1], [0], [0], [1], [0, 0, 1, 1], [], []>, transpose_lhs_hint = false} : vector<256x272xbf16>, vector<272x1408xbf16>, vector<256x1408xf32> -> vector<256x1408xf32>
    %add3A_781 = arith.addf %dot_general3A_775, %dot_general3A_780 : vector<256x1408xf32>
    %get3A_782 = arith.constant 0 : index
    %get3A_783 = arith.constant 0 : index
    %get3A_784 = vector.load %arg20[%get3A_782, %get3A_783] : memref<1936x1408xbf16, #tpu.memory_space<vmem>>, vector<272x1408xbf16>
    %dot_general3A_785 = arith.constant dense<0.000000e+00> : vector<256x1408xf32>
    %dot_general3A_786 = tpu.matmul %convert_element_type3A_770, %get3A_784, %dot_general3A_785 {dimension_numbers = #tpu.dot_dimension_numbers<[1], [0], [0], [1], [0, 0, 1, 1], [], []>, transpose_lhs_hint = false} : vector<256x272xbf16>, vector<272x1408xbf16>, vector<256x1408xf32> -> vector<256x1408xf32>
    %add3A_787 = arith.addf %add3A_781, %dot_general3A_786 : vector<256x1408xf32>
    %slice3A_788 = vector.extract_strided_slice %add3A_787 {offsets = [0, 1280], sizes = [128, 64], strides = [1, 1]} : vector<256x1408xf32> to vector<128x64xf32>
    %slice3A_789 = vector.extract_strided_slice %add3A_787 {offsets = [128, 1280], sizes = [128, 64], strides = [1, 1]} : vector<256x1408xf32> to vector<128x64xf32>
    %slice3A_790 = vector.extract_strided_slice %add3A_787 {offsets = [0, 1344], sizes = [128, 1], strides = [1, 1]} : vector<256x1408xf32> to vector<128x1xf32>
    %slice3A_791 = vector.extract_strided_slice %add3A_787 {offsets = [128, 1344], sizes = [128, 1], strides = [1, 1]} : vector<256x1408xf32> to vector<128x1xf32>
    %sub3A_792 = arith.subf %slice3A_788, %slice3A_789 : vector<128x64xf32>
    %mul3A_793 = arith.mulf %sub3A_792, %sub3A_792 : vector<128x64xf32>
    %reduce_sum3A_794 = arith.constant dense<0.000000e+00> : vector<128xf32>
    %reduce_sum3A_795 = vector.multi_reduction <add>, %mul3A_793, %reduce_sum3A_794 [1] : vector<128x64xf32> to vector<128xf32>
    %broadcast_in_dim3A_796 = vector.shape_cast %reduce_sum3A_795 : vector<128xf32> to vector<128x1xf32>
    %add3A_797 = arith.constant 9.99999993E-9 : f32
    %add3A_798 = vector.broadcast %add3A_797 : f32 to vector<128x1xf32>
    %add3A_799 = arith.addf %broadcast_in_dim3A_796, %add3A_798 : vector<128x1xf32>
    %sqrt3A_800 = math.sqrt %add3A_799 : vector<128x1xf32>
    %mul3A_801 = vector.broadcast %slice3A_88 : vector<1x1xf32> to vector<128x1xf32>
    %mul3A_802 = arith.mulf %mul3A_801, %sqrt3A_800 : vector<128x1xf32>
    %add3A_803 = vector.broadcast %slice3A_89 : vector<1x1xf32> to vector<128x1xf32>
    %add3A_804 = arith.addf %mul3A_802, %add3A_803 : vector<128x1xf32>
    %custom_jvp_call3A_805 = arith.constant 0.000000e+00 : f32
    %max3A_806 = vector.broadcast %custom_jvp_call3A_805 : f32 to vector<128x1xf32>
    %max3A_807 = arith.maximumf %add3A_804, %max3A_806 : vector<128x1xf32>
    %sub3A_808 = vector.broadcast %custom_jvp_call3A_805 : f32 to vector<128x1xf32>
    %sub3A_809 = arith.subf %add3A_804, %sub3A_808 : vector<128x1xf32>
    %ne3A_810 = arith.cmpf one, %sub3A_809, %sub3A_809 : vector<128x1xf32>
    %add3A_811 = vector.broadcast %custom_jvp_call3A_805 : f32 to vector<128x1xf32>
    %add3A_812 = arith.addf %add3A_804, %add3A_811 : vector<128x1xf32>
    %abs3A_813 = math.absf %sub3A_809 : vector<128x1xf32>
    %neg3A_814 = arith.constant 0.000000e+00 : f32
    %neg3A_815 = vector.broadcast %neg3A_814 : f32 to vector<128x1xf32>
    %neg3A_816 = arith.subf %neg3A_815, %abs3A_813 : vector<128x1xf32>
    %exp3A_817 = math.exp %neg3A_816 : vector<128x1xf32>
    %log1p3A_818 = math.log1p %exp3A_817 : vector<128x1xf32>
    %add3A_819 = arith.addf %max3A_807, %log1p3A_818 : vector<128x1xf32>
    %select_n3A_820 = arith.select %ne3A_810, %add3A_812, %add3A_819 : vector<128x1xi1>, vector<128x1xf32>
    %mul3A_821 = arith.constant 1.000000e-01 : f32
    %mul3A_822 = vector.broadcast %mul3A_821 : f32 to vector<128x1xf32>
    %mul3A_823 = arith.mulf %select_n3A_820, %mul3A_822 : vector<128x1xf32>
    %add3A_824 = arith.constant 9.99999974E-5 : f32
    %add3A_825 = vector.broadcast %add3A_824 : f32 to vector<128x1xf32>
    %add3A_826 = arith.addf %mul3A_823, %add3A_825 : vector<128x1xf32>
    %mul3A_827 = vector.broadcast %slice3A_90 : vector<1x1xf32> to vector<128x1xf32>
    %mul3A_828 = arith.mulf %mul3A_827, %sqrt3A_800 : vector<128x1xf32>
    %add3A_829 = vector.broadcast %slice3A_91 : vector<1x1xf32> to vector<128x1xf32>
    %add3A_830 = arith.addf %mul3A_828, %add3A_829 : vector<128x1xf32>
    %custom_jvp_call3A_831 = arith.constant 0.000000e+00 : f32
    %max3A_832 = vector.broadcast %custom_jvp_call3A_831 : f32 to vector<128x1xf32>
    %max3A_833 = arith.maximumf %add3A_830, %max3A_832 : vector<128x1xf32>
    %sub3A_834 = vector.broadcast %custom_jvp_call3A_831 : f32 to vector<128x1xf32>
    %sub3A_835 = arith.subf %add3A_830, %sub3A_834 : vector<128x1xf32>
    %ne3A_836 = arith.cmpf one, %sub3A_835, %sub3A_835 : vector<128x1xf32>
    %add3A_837 = vector.broadcast %custom_jvp_call3A_831 : f32 to vector<128x1xf32>
    %add3A_838 = arith.addf %add3A_830, %add3A_837 : vector<128x1xf32>
    %abs3A_839 = math.absf %sub3A_835 : vector<128x1xf32>
    %neg3A_840 = arith.constant 0.000000e+00 : f32
    %neg3A_841 = vector.broadcast %neg3A_840 : f32 to vector<128x1xf32>
    %neg3A_842 = arith.subf %neg3A_841, %abs3A_839 : vector<128x1xf32>
    %exp3A_843 = math.exp %neg3A_842 : vector<128x1xf32>
    %log1p3A_844 = math.log1p %exp3A_843 : vector<128x1xf32>
    %add3A_845 = arith.addf %max3A_833, %log1p3A_844 : vector<128x1xf32>
    %select_n3A_846 = arith.select %ne3A_836, %add3A_838, %add3A_845 : vector<128x1xi1>, vector<128x1xf32>
    %mul3A_847 = arith.constant 1.000000e-01 : f32
    %mul3A_848 = vector.broadcast %mul3A_847 : f32 to vector<128x1xf32>
    %mul3A_849 = arith.mulf %select_n3A_846, %mul3A_848 : vector<128x1xf32>
    %add3A_850 = arith.constant 9.99999974E-5 : f32
    %add3A_851 = vector.broadcast %add3A_850 : f32 to vector<128x1xf32>
    %add3A_852 = arith.addf %mul3A_849, %add3A_851 : vector<128x1xf32>
    %concatenate3A_853 = tpu.concatenate %slice3A_788, %slice3A_789 in 1 : vector<128x64xf32>, vector<128x64xf32> -> vector<128x128xf32>
    %dot_general3A_854 = arith.constant dense<0.000000e+00> : vector<128x64xf32>
    %dot_general3A_855 = tpu.matmul %concatenate3A_853, %get3A_94, %dot_general3A_854 {dimension_numbers = #tpu.dot_dimension_numbers<[1], [0], [0], [1], [0, 0, 1, 1], [], []>, transpose_lhs_hint = false} : vector<128x128xf32>, vector<128x64xf32>, vector<128x64xf32> -> vector<128x64xf32>
    %tanh3A_856 = math.tanh %dot_general3A_855 : vector<128x64xf32>
    %slice3A_857 = vector.extract_strided_slice %add3A_787 {offsets = [0, 0], sizes = [256, 256], strides = [1, 1]} : vector<256x1408xf32> to vector<256x256xf32>
    %slice3A_858 = vector.extract_strided_slice %add3A_787 {offsets = [0, 256], sizes = [256, 256], strides = [1, 1]} : vector<256x1408xf32> to vector<256x256xf32>
    %slice3A_859 = vector.extract_strided_slice %add3A_787 {offsets = [0, 512], sizes = [256, 256], strides = [1, 1]} : vector<256x1408xf32> to vector<256x256xf32>
    %slice3A_860 = vector.extract_strided_slice %add3A_787 {offsets = [0, 768], sizes = [256, 256], strides = [1, 1]} : vector<256x1408xf32> to vector<256x256xf32>
    %slice3A_861 = vector.extract_strided_slice %add3A_787 {offsets = [0, 1024], sizes = [256, 256], strides = [1, 1]} : vector<256x1408xf32> to vector<256x256xf32>
    %concatenate3A_862 = tpu.concatenate %add3A_826, %add3A_852 in 0 : vector<128x1xf32>, vector<128x1xf32> -> vector<256x1xf32>
    %mul3A_863 = arith.constant 1.33333337 : f32
    %mul3A_864 = vector.broadcast %mul3A_863 : f32 to vector<1x256xf32>
    %mul3A_865 = arith.mulf %mul3A_864, %add3A_30 : vector<1x256xf32>
    %mul3A_866 = vector.broadcast %mul3A_865 : vector<1x256xf32> to vector<256x256xf32>
    %mul3A_867 = vector.broadcast %concatenate3A_862 : vector<256x1xf32> to vector<256x256xf32>
    %mul3A_868 = arith.mulf %mul3A_866, %mul3A_867 : vector<256x256xf32>
    %add3A_869 = arith.constant 9.99999993E-9 : f32
    %add3A_870 = vector.broadcast %add3A_869 : f32 to vector<256x256xf32>
    %add3A_871 = arith.addf %mul3A_868, %add3A_870 : vector<256x256xf32>
    %neg3A_872 = arith.constant 0.000000e+00 : f32
    %neg3A_873 = vector.broadcast %neg3A_872 : f32 to vector<256x256xf32>
    %neg3A_874 = arith.subf %neg3A_873, %add3A_871 : vector<256x256xf32>
    %exp3A_875 = math.exp %neg3A_874 : vector<256x256xf32>
    %sub3A_876 = arith.constant 1.000000e+00 : f32
    %sub3A_877 = vector.broadcast %sub3A_876 : f32 to vector<256x256xf32>
    %sub3A_878 = arith.subf %sub3A_877, %exp3A_875 : vector<256x256xf32>
    %mul3A_879 = arith.constant 2.500000e-01 : f32
    %mul3A_880 = vector.broadcast %mul3A_879 : f32 to vector<256x256xf32>
    %mul3A_881 = arith.mulf %sub3A_878, %mul3A_880 : vector<256x256xf32>
    %add3A_882 = arith.addf %slice3A_857, %slice3A_858 : vector<256x256xf32>
    %add3A_883 = arith.addf %add3A_882, %slice3A_859 : vector<256x256xf32>
    %add3A_884 = arith.addf %add3A_883, %slice3A_860 : vector<256x256xf32>
    %mul3A_885 = arith.mulf %mul3A_881, %add3A_884 : vector<256x256xf32>
    %mul3A_886 = arith.mulf %exp3A_875, %slice3A_857 : vector<256x256xf32>
    %add3A_887 = arith.addf %mul3A_885, %mul3A_886 : vector<256x256xf32>
    %mul3A_888 = arith.mulf %exp3A_875, %slice3A_858 : vector<256x256xf32>
    %add3A_889 = arith.addf %mul3A_885, %mul3A_888 : vector<256x256xf32>
    %mul3A_890 = arith.mulf %exp3A_875, %slice3A_859 : vector<256x256xf32>
    %add3A_891 = arith.addf %mul3A_885, %mul3A_890 : vector<256x256xf32>
    %mul3A_892 = arith.mulf %exp3A_875, %slice3A_860 : vector<256x256xf32>
    %add3A_893 = arith.addf %mul3A_885, %mul3A_892 : vector<256x256xf32>
    %slice3A_894 = vector.extract_strided_slice %add3A_887 {offsets = [0, 0], sizes = [128, 256], strides = [1, 1]} : vector<256x256xf32> to vector<128x256xf32>
    %slice3A_895 = vector.extract_strided_slice %add3A_887 {offsets = [128, 0], sizes = [128, 256], strides = [1, 1]} : vector<256x256xf32> to vector<128x256xf32>
    %mul3A_896 = arith.mulf %slice3A_894, %slice3A_895 : vector<128x256xf32>
    %slice3A_897 = vector.extract_strided_slice %add3A_889 {offsets = [0, 0], sizes = [128, 256], strides = [1, 1]} : vector<256x256xf32> to vector<128x256xf32>
    %slice3A_898 = vector.extract_strided_slice %add3A_889 {offsets = [128, 0], sizes = [128, 256], strides = [1, 1]} : vector<256x256xf32> to vector<128x256xf32>
    %mul3A_899 = arith.mulf %slice3A_897, %slice3A_898 : vector<128x256xf32>
    %slice3A_900 = vector.extract_strided_slice %add3A_891 {offsets = [0, 0], sizes = [128, 256], strides = [1, 1]} : vector<256x256xf32> to vector<128x256xf32>
    %slice3A_901 = vector.extract_strided_slice %add3A_891 {offsets = [128, 0], sizes = [128, 256], strides = [1, 1]} : vector<256x256xf32> to vector<128x256xf32>
    %mul3A_902 = arith.mulf %slice3A_900, %slice3A_901 : vector<128x256xf32>
    %slice3A_903 = vector.extract_strided_slice %add3A_893 {offsets = [0, 0], sizes = [128, 256], strides = [1, 1]} : vector<256x256xf32> to vector<128x256xf32>
    %slice3A_904 = vector.extract_strided_slice %add3A_893 {offsets = [128, 0], sizes = [128, 256], strides = [1, 1]} : vector<256x256xf32> to vector<128x256xf32>
    %mul3A_905 = arith.mulf %slice3A_903, %slice3A_904 : vector<128x256xf32>
    %slice3A_906 = vector.extract_strided_slice %slice3A_861 {offsets = [0, 0], sizes = [128, 256], strides = [1, 1]} : vector<256x256xf32> to vector<128x256xf32>
    %slice3A_907 = vector.extract_strided_slice %slice3A_861 {offsets = [128, 0], sizes = [128, 256], strides = [1, 1]} : vector<256x256xf32> to vector<128x256xf32>
    %add3A_908 = arith.addf %slice3A_906, %slice3A_907 : vector<128x256xf32>
    %max3A_909 = arith.maximumf %mul3A_896, %mul3A_899 : vector<128x256xf32>
    %max3A_910 = arith.maximumf %mul3A_902, %mul3A_905 : vector<128x256xf32>
    %max3A_911 = arith.maximumf %max3A_909, %max3A_910 : vector<128x256xf32>
    %div3A_912 = arith.constant 1.000000e+00 : f32
    %div3A_913 = vector.broadcast %div3A_912 : f32 to vector<128x256xf32>
    %div3A_914 = arith.divf %div3A_913, %max3A_911 : vector<128x256xf32>
    %mul3A_915 = arith.mulf %mul3A_896, %div3A_914 : vector<128x256xf32>
    %mul3A_916 = arith.mulf %mul3A_899, %div3A_914 : vector<128x256xf32>
    %mul3A_917 = arith.mulf %mul3A_902, %div3A_914 : vector<128x256xf32>
    %mul3A_918 = arith.mulf %mul3A_905, %div3A_914 : vector<128x256xf32>
    %log3A_919 = math.log %max3A_911 : vector<128x256xf32>
    %add3A_920 = arith.addf %add3A_908, %log3A_919 : vector<128x256xf32>
    %add3A_921 = arith.addf %mul3A_915, %mul3A_916 : vector<128x256xf32>
    %add3A_922 = arith.addf %add3A_921, %mul3A_917 : vector<128x256xf32>
    %add3A_923 = arith.addf %add3A_922, %mul3A_918 : vector<128x256xf32>
    %log3A_924 = math.log %add3A_923 : vector<128x256xf32>
    %add3A_925 = arith.addf %add3A_920, %log3A_924 : vector<128x256xf32>
    %sub3A_926 = arith.constant 1.38629436 : f32
    %sub3A_927 = vector.broadcast %sub3A_926 : f32 to vector<128x256xf32>
    %sub3A_928 = arith.subf %add3A_925, %sub3A_927 : vector<128x256xf32>
    %reduce_sum3A_929 = arith.constant dense<0.000000e+00> : vector<128xf32>
    %reduce_sum3A_930 = vector.multi_reduction <add>, %sub3A_928, %reduce_sum3A_929 [1] : vector<128x256xf32> to vector<128xf32>
    %broadcast_in_dim3A_931 = vector.shape_cast %reduce_sum3A_930 : vector<128xf32> to vector<128x1xf32>
    %broadcast_in_dim3A_932 = arith.constant 0.000000e+00 : f32
    %broadcast_in_dim3A_933 = vector.broadcast %broadcast_in_dim3A_932 : f32 to vector<128x63xf32>
    %concatenate3A_934 = tpu.concatenate %mul3A_915, %mul3A_916, %mul3A_917, %mul3A_918, %add3A_920, %tanh3A_856, %broadcast_in_dim3A_931, %broadcast_in_dim3A_933 in 1 : vector<128x256xf32>, vector<128x256xf32>, vector<128x256xf32>, vector<128x256xf32>, vector<128x256xf32>, vector<128x64xf32>, vector<128x1xf32>, vector<128x63xf32> -> vector<128x1408xf32>
    %convert_element_type3A_935 = arith.truncf %concatenate3A_934 : vector<128x1408xf32> to vector<128x1408xbf16>
    %convert_element_type3A_936 = arith.extf %convert_element_type3A_935 : vector<128x1408xbf16> to vector<128x1408xf32>
    %sub3A_937 = arith.subf %concatenate3A_934, %convert_element_type3A_936 : vector<128x1408xf32>
    %convert_element_type3A_938 = arith.truncf %sub3A_937 : vector<128x1408xf32> to vector<128x1408xbf16>
    %convert_element_type3A_939 = arith.extf %convert_element_type3A_938 : vector<128x1408xbf16> to vector<128x1408xf32>
    %sub3A_940 = arith.subf %sub3A_937, %convert_element_type3A_939 : vector<128x1408xf32>
    %convert_element_type3A_941 = arith.truncf %sub3A_940 : vector<128x1408xf32> to vector<128x1408xbf16>
    %swap3A_942 = arith.constant 272 : index
    %swap3A_943 = arith.constant 0 : index
    %swap3A_944 = vector.load %arg18[%swap3A_942, %swap3A_943] : memref<1936x1408xbf16, #tpu.memory_space<vmem>>, vector<128x1408xbf16>
    tpu.vector_store %arg18[%swap3A_942, %swap3A_943], %convert_element_type3A_935 {strides = array<i32>} : memref<1936x1408xbf16, #tpu.memory_space<vmem>>, vector<128x1408xbf16>,
    %swap3A_945 = arith.constant 272 : index
    %swap3A_946 = arith.constant 0 : index
    %swap3A_947 = vector.load %arg19[%swap3A_945, %swap3A_946] : memref<1936x1408xbf16, #tpu.memory_space<vmem>>, vector<128x1408xbf16>
    tpu.vector_store %arg19[%swap3A_945, %swap3A_946], %convert_element_type3A_938 {strides = array<i32>} : memref<1936x1408xbf16, #tpu.memory_space<vmem>>, vector<128x1408xbf16>,
    %swap3A_948 = arith.constant 272 : index
    %swap3A_949 = arith.constant 0 : index
    %swap3A_950 = vector.load %arg20[%swap3A_948, %swap3A_949] : memref<1936x1408xbf16, #tpu.memory_space<vmem>>, vector<128x1408xbf16>
    tpu.vector_store %arg20[%swap3A_948, %swap3A_949], %convert_element_type3A_941 {strides = array<i32>} : memref<1936x1408xbf16, #tpu.memory_space<vmem>>, vector<128x1408xbf16>,
    %sub3A_951 = arith.subf %slice3A_736, %slice3A_790 : vector<128x1xf32>
    %sub3A_952 = arith.subf %sub3A_951, %slice3A_791 : vector<128x1xf32>
    %add3A_953 = arith.addf %sub3A_952, %broadcast_in_dim3A_931 : vector<128x1xf32>
    %add3A_954 = arith.addf %add3A_826, %add3A_852 : vector<128x1xf32>
    %div3A_955 = arith.constant 1.000000e-01 : f32
    %div3A_956 = vector.broadcast %div3A_955 : f32 to vector<128x1xf32>
    %div3A_957 = arith.divf %add3A_954, %div3A_956 : vector<128x1xf32>
    %sub3A_958 = arith.constant 4.60517025 : f32
    %sub3A_959 = vector.broadcast %sub3A_958 : f32 to vector<128x1xf32>
    %sub3A_960 = arith.subf %sub3A_959, %div3A_957 : vector<128x1xf32>
    %sub3A_961 = arith.subf %add3A_953, %slice3A_736 : vector<128x1xf32>
    %add3A_962 = arith.addf %sub3A_961, %sub3A_960 : vector<128x1xf32>
    %add3A_963 = arith.constant 4.51085949 : f32
    %add3A_964 = vector.broadcast %add3A_963 : f32 to vector<128x1xf32>
    %add3A_965 = arith.addf %add3A_962, %add3A_964 : vector<128x1xf32>
    %reduce_max3A_966 = vector.shape_cast %add3A_965 : vector<128x1xf32> to vector<1x128x1xf32>
    %reduce_max3A_967 = arith.constant dense<0xFF800000> : vector<1xf32>
    %reduce_max3A_968 = vector.multi_reduction <maximumf>, %reduce_max3A_966, %reduce_max3A_967 [1, 2] : vector<1x128x1xf32> to vector<1xf32>
    %reduce_max3A_969 = vector.shape_cast %reduce_max3A_968 : vector<1xf32> to vector<1x1x1xf32>
    %reduce_max3A_970 = vector.extract %reduce_max3A_969[0, 0, 0] : f32 from vector<1x1x1xf32>
    %sub3A_971 = vector.broadcast %reduce_max3A_970 : f32 to vector<128x1xf32>
    %sub3A_972 = arith.subf %add3A_965, %sub3A_971 : vector<128x1xf32>
    %exp3A_973 = math.exp %sub3A_972 : vector<128x1xf32>
    %reduce_sum3A_974 = vector.shape_cast %exp3A_973 : vector<128x1xf32> to vector<1x128x1xf32>
    %reduce_sum3A_975 = arith.constant dense<0.000000e+00> : vector<1xf32>
    %reduce_sum3A_976 = vector.multi_reduction <add>, %reduce_sum3A_974, %reduce_sum3A_975 [1, 2] : vector<1x128x1xf32> to vector<1xf32>
    %reduce_sum3A_977 = vector.shape_cast %reduce_sum3A_976 : vector<1xf32> to vector<1x1x1xf32>
    %reduce_sum3A_978 = vector.extract %reduce_sum3A_977[0, 0, 0] : f32 from vector<1x1x1xf32>
    %log3A_979 = math.log %reduce_sum3A_978 : f32
    %add3A_980 = arith.addf %reduce_max3A_970, %log3A_979 : f32
    %sub3A_981 = arith.constant 4.85203028 : f32
    %sub3A_982 = arith.subf %add3A_980, %sub3A_981 : f32
    %add3A_983 = vector.broadcast %sub3A_982 : f32 to vector<1x1xf32>
    %add3A_984 = arith.addf %add3A_679, %add3A_983 : vector<1x1xf32>
    %slice3A_985 = vector.extract_strided_slice %round3A_735 {offsets = [0, 1], sizes = [128, 15], strides = [1, 1]} : vector<128x16xf32> to vector<128x15xf32>
    %slice3A_986 = vector.extract_strided_slice %round3A_735 {offsets = [0, 0], sizes = [128, 1], strides = [1, 1]} : vector<128x16xf32> to vector<128x1xf32>
    %concatenate3A_987 = tpu.concatenate %slice3A_985, %slice3A_986 in 1 : vector<128x15xf32>, vector<128x1xf32> -> vector<128x16xf32>
    %slice3A_988 = vector.extract_strided_slice %round3A_735 {offsets = [0, 2], sizes = [128, 14], strides = [1, 1]} : vector<128x16xf32> to vector<128x14xf32>
    %slice3A_989 = vector.extract_strided_slice %round3A_735 {offsets = [0, 0], sizes = [128, 2], strides = [1, 1]} : vector<128x16xf32> to vector<128x2xf32>
    %concatenate3A_990 = tpu.concatenate %slice3A_988, %slice3A_989 in 1 : vector<128x14xf32>, vector<128x2xf32> -> vector<128x16xf32>
    %lt3A_991 = vector.broadcast %convert_element_type3A_3 : vector<1x16xf32> to vector<128x16xf32>
    %lt3A_992 = vector.broadcast %get3A_739 : vector<128x1xf32> to vector<128x16xf32>
    %lt3A_993 = arith.cmpf olt, %lt3A_991, %lt3A_992 : vector<128x16xf32>
    %sub3A_994 = arith.constant 1.000000e+00 : f32
    %sub3A_995 = vector.broadcast %sub3A_994 : f32 to vector<128x1xf32>
    %sub3A_996 = arith.subf %get3A_742, %sub3A_995 : vector<128x1xf32>
    %lt3A_997 = vector.broadcast %convert_element_type3A_3 : vector<1x16xf32> to vector<128x16xf32>
    %lt3A_998 = vector.broadcast %sub3A_996 : vector<128x1xf32> to vector<128x16xf32>
    %lt3A_999 = arith.cmpf olt, %lt3A_997, %lt3A_998 : vector<128x16xf32>
    %select_n3A_1000 = arith.select %lt3A_999, %concatenate3A_987, %concatenate3A_990 : vector<128x16xi1>, vector<128x16xf32>
    %select_n3A_1001 = arith.select %lt3A_993, %round3A_735, %select_n3A_1000 : vector<128x16xi1>, vector<128x16xf32>
    %add3A_1002 = arith.constant 2.720000e+02 : f32
    %add3A_1003 = vector.broadcast %add3A_1002 : f32 to vector<128x1xf32>
    %add3A_1004 = arith.addf %add3A_1003, %convert_element_type3A : vector<128x1xf32>
    %eq3A_1005 = arith.constant 1.200000e+01 : f32
    %eq3A_1006 = vector.broadcast %eq3A_1005 : f32 to vector<1x16xf32>
    %eq3A_1007 = arith.cmpf oeq, %convert_element_type3A_3, %eq3A_1006 : vector<1x16xf32>
    %broadcast_in_dim3A_1008 = vector.shape_cast %eq3A_1007 : vector<1x16xi1> to vector<1x16xi1>
    %broadcast_in_dim3A_1009 = vector.broadcast %broadcast_in_dim3A_1008 : vector<1x16xi1> to vector<128x16xi1>
    %broadcast_in_dim3A_1010 = vector.shape_cast %add3A_1004 : vector<128x1xf32> to vector<128x1xf32>
    %broadcast_in_dim3A_1011 = vector.broadcast %broadcast_in_dim3A_1010 : vector<128x1xf32> to vector<128x16xf32>
    %select_n3A_1012 = arith.select %broadcast_in_dim3A_1009, %broadcast_in_dim3A_1011, %select_n3A_1001 : vector<128x16xi1>, vector<128x16xf32>
    %get3A_1013 = arith.constant 384 : index
    %get3A_1014 = arith.constant 0 : index
    %get3A_1015 = vector.load %arg0[%get3A_1013, %get3A_1014] : memref<1920x128xf32, #tpu.memory_space<vmem>>, vector<128x128xf32>
    %add3A_1016 = vector.broadcast %add3A_965 : vector<128x1xf32> to vector<128x128xf32>
    %add3A_1017 = arith.addf %get3A_1015, %add3A_1016 : vector<128x128xf32>
    %reduce_max3A_1018 = arith.constant dense<0xFF800000> : vector<128xf32>
    %reduce_max3A_1019 = vector.multi_reduction <maximumf>, %add3A_1017, %reduce_max3A_1018 [0] : vector<128x128xf32> to vector<128xf32>
    %broadcast_in_dim3A_1020 = vector.shape_cast %reduce_max3A_1019 : vector<128xf32> to vector<1x128xf32>
    %eq3A_1021 = vector.broadcast %broadcast_in_dim3A_1020 : vector<1x128xf32> to vector<128x128xf32>
    %eq3A_1022 = arith.cmpf oeq, %add3A_1017, %eq3A_1021 : vector<128x128xf32>
    %jit3A_1023 = arith.constant 1.280000e+02 : f32
    %broadcast_in_dim3A_1024 = vector.shape_cast %convert_element_type3A : vector<128x1xf32> to vector<128x1xf32>
    %broadcast_in_dim3A_1025 = vector.broadcast %broadcast_in_dim3A_1024 : vector<128x1xf32> to vector<128x128xf32>
    %broadcast_in_dim3A_1026 = vector.broadcast %jit3A_1023 : f32 to vector<128x128xf32>
    %select_n3A_1027 = arith.select %eq3A_1022, %broadcast_in_dim3A_1025, %broadcast_in_dim3A_1026 : vector<128x128xi1>, vector<128x128xf32>
    %reduce_min3A_1028 = arith.constant dense<0x7F800000> : vector<128xf32>
    %reduce_min3A_1029 = vector.multi_reduction <minimumf>, %select_n3A_1027, %reduce_min3A_1028 [0] : vector<128x128xf32> to vector<128xf32>
    %broadcast_in_dim3A_1030 = vector.shape_cast %reduce_min3A_1029 : vector<128xf32> to vector<1x128xf32>
    %eq3A_1031 = vector.broadcast %convert_element_type3A : vector<128x1xf32> to vector<128x128xf32>
    %eq3A_1032 = vector.broadcast %broadcast_in_dim3A_1030 : vector<1x128xf32> to vector<128x128xf32>
    %eq3A_1033 = arith.cmpf oeq, %eq3A_1031, %eq3A_1032 : vector<128x128xf32>
    %convert_element_type3A_1034 = arith.extui %eq3A_1033 : vector<128x128xi1> to vector<128x128xi32>
    %convert_element_type3A_1035 = arith.sitofp %convert_element_type3A_1034 : vector<128x128xi32> to vector<128x128xf32>
    %concatenate3A_1036 = tpu.concatenate %select_n3A_1012, %add3A_953 in 1 : vector<128x16xf32>, vector<128x1xf32> -> vector<128x17xf32>
    %dot_general3A_1037 = arith.constant dense<0.000000e+00> : vector<128x17xf32>
    %dot_general3A_1038 = tpu.matmul %convert_element_type3A_1035, %concatenate3A_1036, %dot_general3A_1037 {dimension_numbers = #tpu.dot_dimension_numbers<[0], [0], [1], [1], [0, 1, 1, 1], [], []>, precision = #tpu.contract_precision<fp32>, transpose_lhs_hint = false} : vector<128x128xf32>, vector<128x17xf32>, vector<128x17xf32> -> vector<128x17xf32>
    %slice3A_1039 = vector.extract_strided_slice %dot_general3A_1038 {offsets = [0, 0], sizes = [128, 16], strides = [1, 1]} : vector<128x17xf32> to vector<128x16xf32>
    %round3A_1040 = math.roundeven %slice3A_1039 : vector<128x16xf32>
    %slice3A_1041 = vector.extract_strided_slice %dot_general3A_1038 {offsets = [0, 16], sizes = [128, 1], strides = [1, 1]} : vector<128x17xf32> to vector<128x1xf32>
    %get3A_1042 = arith.constant 0 : index
    %get3A_1043 = arith.constant 3 : index
    %get3A_1044 = vector.load %arg1[%get3A_1042, %get3A_1043] : memref<128x16xf32, #tpu.memory_space<vmem>>, vector<128x1xf32>
    %get3A_1045 = arith.constant 0 : index
    %get3A_1046 = arith.constant 3 : index
    %get3A_1047 = vector.load %arg2[%get3A_1045, %get3A_1046] : memref<128x16xf32, #tpu.memory_space<vmem>>, vector<128x1xf32>
    %eq3A_1048 = vector.broadcast %convert_element_type3A_3 : vector<1x16xf32> to vector<128x16xf32>
    %eq3A_1049 = vector.broadcast %get3A_1044 : vector<128x1xf32> to vector<128x16xf32>
    %eq3A_1050 = arith.cmpf oeq, %eq3A_1048, %eq3A_1049 : vector<128x16xf32>
    %convert_element_type3A_1051 = arith.extui %eq3A_1050 : vector<128x16xi1> to vector<128x16xi32>
    %convert_element_type3A_1052 = arith.sitofp %convert_element_type3A_1051 : vector<128x16xi32> to vector<128x16xf32>
    %eq3A_1053 = vector.broadcast %convert_element_type3A_3 : vector<1x16xf32> to vector<128x16xf32>
    %eq3A_1054 = vector.broadcast %get3A_1047 : vector<128x1xf32> to vector<128x16xf32>
    %eq3A_1055 = arith.cmpf oeq, %eq3A_1053, %eq3A_1054 : vector<128x16xf32>
    %convert_element_type3A_1056 = arith.extui %eq3A_1055 : vector<128x16xi1> to vector<128x16xi32>
    %convert_element_type3A_1057 = arith.sitofp %convert_element_type3A_1056 : vector<128x16xi32> to vector<128x16xf32>
    %mul3A_1058 = arith.mulf %convert_element_type3A_1052, %round3A_1040 : vector<128x16xf32>
    %reduce_sum3A_1059 = arith.constant dense<0.000000e+00> : vector<128xf32>
    %reduce_sum3A_1060 = vector.multi_reduction <add>, %mul3A_1058, %reduce_sum3A_1059 [1] : vector<128x16xf32> to vector<128xf32>
    %broadcast_in_dim3A_1061 = vector.shape_cast %reduce_sum3A_1060 : vector<128xf32> to vector<128x1xf32>
    %round3A_1062 = math.roundeven %broadcast_in_dim3A_1061 : vector<128x1xf32>
    %mul3A_1063 = arith.mulf %convert_element_type3A_1057, %round3A_1040 : vector<128x16xf32>
    %reduce_sum3A_1064 = arith.constant dense<0.000000e+00> : vector<128xf32>
    %reduce_sum3A_1065 = vector.multi_reduction <add>, %mul3A_1063, %reduce_sum3A_1064 [1] : vector<128x16xf32> to vector<128xf32>
    %broadcast_in_dim3A_1066 = vector.shape_cast %reduce_sum3A_1065 : vector<128xf32> to vector<128x1xf32>
    %round3A_1067 = math.roundeven %broadcast_in_dim3A_1066 : vector<128x1xf32>
    %concatenate3A_1068 = tpu.concatenate %round3A_1062, %round3A_1067 in 0 : vector<128x1xf32>, vector<128x1xf32> -> vector<256x1xf32>
    %slice3A_1069 = vector.extract_strided_slice %convert_element_type3A_5 {offsets = [0, 0], sizes = [1, 400], strides = [1, 1]} : vector<1x1936xf32> to vector<1x400xf32>
    %eq3A_1070 = vector.broadcast %slice3A_1069 : vector<1x400xf32> to vector<256x400xf32>
    %eq3A_1071 = vector.broadcast %concatenate3A_1068 : vector<256x1xf32> to vector<256x400xf32>
    %eq3A_1072 = arith.cmpf oeq, %eq3A_1070, %eq3A_1071 : vector<256x400xf32>
    %convert_element_type3A_1073 = arith.extui %eq3A_1072 : vector<256x400xi1> to vector<256x400xi32>
    %convert_element_type3A_1074 = arith.sitofp %convert_element_type3A_1073 : vector<256x400xi32> to vector<256x400xf32>
    %convert_element_type3A_1075 = arith.truncf %convert_element_type3A_1074 : vector<256x400xf32> to vector<256x400xbf16>
    %get3A_1076 = arith.constant 0 : index
    %get3A_1077 = arith.constant 0 : index
    %get3A_1078 = vector.load %arg18[%get3A_1076, %get3A_1077] : memref<1936x1408xbf16, #tpu.memory_space<vmem>>, vector<400x1408xbf16>
    %dot_general3A_1079 = arith.constant dense<0.000000e+00> : vector<256x1408xf32>
    %dot_general3A_1080 = tpu.matmul %convert_element_type3A_1075, %get3A_1078, %dot_general3A_1079 {dimension_numbers = #tpu.dot_dimension_numbers<[1], [0], [0], [1], [0, 0, 1, 1], [], []>, transpose_lhs_hint = false} : vector<256x400xbf16>, vector<400x1408xbf16>, vector<256x1408xf32> -> vector<256x1408xf32>
    %get3A_1081 = arith.constant 0 : index
    %get3A_1082 = arith.constant 0 : index
    %get3A_1083 = vector.load %arg19[%get3A_1081, %get3A_1082] : memref<1936x1408xbf16, #tpu.memory_space<vmem>>, vector<400x1408xbf16>
    %dot_general3A_1084 = arith.constant dense<0.000000e+00> : vector<256x1408xf32>
    %dot_general3A_1085 = tpu.matmul %convert_element_type3A_1075, %get3A_1083, %dot_general3A_1084 {dimension_numbers = #tpu.dot_dimension_numbers<[1], [0], [0], [1], [0, 0, 1, 1], [], []>, transpose_lhs_hint = false} : vector<256x400xbf16>, vector<400x1408xbf16>, vector<256x1408xf32> -> vector<256x1408xf32>
    %add3A_1086 = arith.addf %dot_general3A_1080, %dot_general3A_1085 : vector<256x1408xf32>
    %get3A_1087 = arith.constant 0 : index
    %get3A_1088 = arith.constant 0 : index
    %get3A_1089 = vector.load %arg20[%get3A_1087, %get3A_1088] : memref<1936x1408xbf16, #tpu.memory_space<vmem>>, vector<400x1408xbf16>
    %dot_general3A_1090 = arith.constant dense<0.000000e+00> : vector<256x1408xf32>
    %dot_general3A_1091 = tpu.matmul %convert_element_type3A_1075, %get3A_1089, %dot_general3A_1090 {dimension_numbers = #tpu.dot_dimension_numbers<[1], [0], [0], [1], [0, 0, 1, 1], [], []>, transpose_lhs_hint = false} : vector<256x400xbf16>, vector<400x1408xbf16>, vector<256x1408xf32> -> vector<256x1408xf32>
    %add3A_1092 = arith.addf %add3A_1086, %dot_general3A_1091 : vector<256x1408xf32>
    %slice3A_1093 = vector.extract_strided_slice %add3A_1092 {offsets = [0, 1280], sizes = [128, 64], strides = [1, 1]} : vector<256x1408xf32> to vector<128x64xf32>
    %slice3A_1094 = vector.extract_strided_slice %add3A_1092 {offsets = [128, 1280], sizes = [128, 64], strides = [1, 1]} : vector<256x1408xf32> to vector<128x64xf32>
    %slice3A_1095 = vector.extract_strided_slice %add3A_1092 {offsets = [0, 1344], sizes = [128, 1], strides = [1, 1]} : vector<256x1408xf32> to vector<128x1xf32>
    %slice3A_1096 = vector.extract_strided_slice %add3A_1092 {offsets = [128, 1344], sizes = [128, 1], strides = [1, 1]} : vector<256x1408xf32> to vector<128x1xf32>
    %sub3A_1097 = arith.subf %slice3A_1093, %slice3A_1094 : vector<128x64xf32>
    %mul3A_1098 = arith.mulf %sub3A_1097, %sub3A_1097 : vector<128x64xf32>
    %reduce_sum3A_1099 = arith.constant dense<0.000000e+00> : vector<128xf32>
    %reduce_sum3A_1100 = vector.multi_reduction <add>, %mul3A_1098, %reduce_sum3A_1099 [1] : vector<128x64xf32> to vector<128xf32>
    %broadcast_in_dim3A_1101 = vector.shape_cast %reduce_sum3A_1100 : vector<128xf32> to vector<128x1xf32>
    %add3A_1102 = arith.constant 9.99999993E-9 : f32
    %add3A_1103 = vector.broadcast %add3A_1102 : f32 to vector<128x1xf32>
    %add3A_1104 = arith.addf %broadcast_in_dim3A_1101, %add3A_1103 : vector<128x1xf32>
    %sqrt3A_1105 = math.sqrt %add3A_1104 : vector<128x1xf32>
    %mul3A_1106 = vector.broadcast %slice3A_88 : vector<1x1xf32> to vector<128x1xf32>
    %mul3A_1107 = arith.mulf %mul3A_1106, %sqrt3A_1105 : vector<128x1xf32>
    %add3A_1108 = vector.broadcast %slice3A_89 : vector<1x1xf32> to vector<128x1xf32>
    %add3A_1109 = arith.addf %mul3A_1107, %add3A_1108 : vector<128x1xf32>
    %custom_jvp_call3A_1110 = arith.constant 0.000000e+00 : f32
    %max3A_1111 = vector.broadcast %custom_jvp_call3A_1110 : f32 to vector<128x1xf32>
    %max3A_1112 = arith.maximumf %add3A_1109, %max3A_1111 : vector<128x1xf32>
    %sub3A_1113 = vector.broadcast %custom_jvp_call3A_1110 : f32 to vector<128x1xf32>
    %sub3A_1114 = arith.subf %add3A_1109, %sub3A_1113 : vector<128x1xf32>
    %ne3A_1115 = arith.cmpf one, %sub3A_1114, %sub3A_1114 : vector<128x1xf32>
    %add3A_1116 = vector.broadcast %custom_jvp_call3A_1110 : f32 to vector<128x1xf32>
    %add3A_1117 = arith.addf %add3A_1109, %add3A_1116 : vector<128x1xf32>
    %abs3A_1118 = math.absf %sub3A_1114 : vector<128x1xf32>
    %neg3A_1119 = arith.constant 0.000000e+00 : f32
    %neg3A_1120 = vector.broadcast %neg3A_1119 : f32 to vector<128x1xf32>
    %neg3A_1121 = arith.subf %neg3A_1120, %abs3A_1118 : vector<128x1xf32>
    %exp3A_1122 = math.exp %neg3A_1121 : vector<128x1xf32>
    %log1p3A_1123 = math.log1p %exp3A_1122 : vector<128x1xf32>
    %add3A_1124 = arith.addf %max3A_1112, %log1p3A_1123 : vector<128x1xf32>
    %select_n3A_1125 = arith.select %ne3A_1115, %add3A_1117, %add3A_1124 : vector<128x1xi1>, vector<128x1xf32>
    %mul3A_1126 = arith.constant 1.000000e-01 : f32
    %mul3A_1127 = vector.broadcast %mul3A_1126 : f32 to vector<128x1xf32>
    %mul3A_1128 = arith.mulf %select_n3A_1125, %mul3A_1127 : vector<128x1xf32>
    %add3A_1129 = arith.constant 9.99999974E-5 : f32
    %add3A_1130 = vector.broadcast %add3A_1129 : f32 to vector<128x1xf32>
    %add3A_1131 = arith.addf %mul3A_1128, %add3A_1130 : vector<128x1xf32>
    %mul3A_1132 = vector.broadcast %slice3A_90 : vector<1x1xf32> to vector<128x1xf32>
    %mul3A_1133 = arith.mulf %mul3A_1132, %sqrt3A_1105 : vector<128x1xf32>
    %add3A_1134 = vector.broadcast %slice3A_91 : vector<1x1xf32> to vector<128x1xf32>
    %add3A_1135 = arith.addf %mul3A_1133, %add3A_1134 : vector<128x1xf32>
    %custom_jvp_call3A_1136 = arith.constant 0.000000e+00 : f32
    %max3A_1137 = vector.broadcast %custom_jvp_call3A_1136 : f32 to vector<128x1xf32>
    %max3A_1138 = arith.maximumf %add3A_1135, %max3A_1137 : vector<128x1xf32>
    %sub3A_1139 = vector.broadcast %custom_jvp_call3A_1136 : f32 to vector<128x1xf32>
    %sub3A_1140 = arith.subf %add3A_1135, %sub3A_1139 : vector<128x1xf32>
    %ne3A_1141 = arith.cmpf one, %sub3A_1140, %sub3A_1140 : vector<128x1xf32>
    %add3A_1142 = vector.broadcast %custom_jvp_call3A_1136 : f32 to vector<128x1xf32>
    %add3A_1143 = arith.addf %add3A_1135, %add3A_1142 : vector<128x1xf32>
    %abs3A_1144 = math.absf %sub3A_1140 : vector<128x1xf32>
    %neg3A_1145 = arith.constant 0.000000e+00 : f32
    %neg3A_1146 = vector.broadcast %neg3A_1145 : f32 to vector<128x1xf32>
    %neg3A_1147 = arith.subf %neg3A_1146, %abs3A_1144 : vector<128x1xf32>
    %exp3A_1148 = math.exp %neg3A_1147 : vector<128x1xf32>
    %log1p3A_1149 = math.log1p %exp3A_1148 : vector<128x1xf32>
    %add3A_1150 = arith.addf %max3A_1138, %log1p3A_1149 : vector<128x1xf32>
    %select_n3A_1151 = arith.select %ne3A_1141, %add3A_1143, %add3A_1150 : vector<128x1xi1>, vector<128x1xf32>
    %mul3A_1152 = arith.constant 1.000000e-01 : f32
    %mul3A_1153 = vector.broadcast %mul3A_1152 : f32 to vector<128x1xf32>
    %mul3A_1154 = arith.mulf %select_n3A_1151, %mul3A_1153 : vector<128x1xf32>
    %add3A_1155 = arith.constant 9.99999974E-5 : f32
    %add3A_1156 = vector.broadcast %add3A_1155 : f32 to vector<128x1xf32>
    %add3A_1157 = arith.addf %mul3A_1154, %add3A_1156 : vector<128x1xf32>
    %concatenate3A_1158 = tpu.concatenate %slice3A_1093, %slice3A_1094 in 1 : vector<128x64xf32>, vector<128x64xf32> -> vector<128x128xf32>
    %dot_general3A_1159 = arith.constant dense<0.000000e+00> : vector<128x64xf32>
    %dot_general3A_1160 = tpu.matmul %concatenate3A_1158, %get3A_94, %dot_general3A_1159 {dimension_numbers = #tpu.dot_dimension_numbers<[1], [0], [0], [1], [0, 0, 1, 1], [], []>, transpose_lhs_hint = false} : vector<128x128xf32>, vector<128x64xf32>, vector<128x64xf32> -> vector<128x64xf32>
    %tanh3A_1161 = math.tanh %dot_general3A_1160 : vector<128x64xf32>
    %slice3A_1162 = vector.extract_strided_slice %add3A_1092 {offsets = [0, 0], sizes = [256, 256], strides = [1, 1]} : vector<256x1408xf32> to vector<256x256xf32>
    %slice3A_1163 = vector.extract_strided_slice %add3A_1092 {offsets = [0, 256], sizes = [256, 256], strides = [1, 1]} : vector<256x1408xf32> to vector<256x256xf32>
    %slice3A_1164 = vector.extract_strided_slice %add3A_1092 {offsets = [0, 512], sizes = [256, 256], strides = [1, 1]} : vector<256x1408xf32> to vector<256x256xf32>
    %slice3A_1165 = vector.extract_strided_slice %add3A_1092 {offsets = [0, 768], sizes = [256, 256], strides = [1, 1]} : vector<256x1408xf32> to vector<256x256xf32>
    %slice3A_1166 = vector.extract_strided_slice %add3A_1092 {offsets = [0, 1024], sizes = [256, 256], strides = [1, 1]} : vector<256x1408xf32> to vector<256x256xf32>
    %concatenate3A_1167 = tpu.concatenate %add3A_1131, %add3A_1157 in 0 : vector<128x1xf32>, vector<128x1xf32> -> vector<256x1xf32>
    %mul3A_1168 = arith.constant 1.33333337 : f32
    %mul3A_1169 = vector.broadcast %mul3A_1168 : f32 to vector<1x256xf32>
    %mul3A_1170 = arith.mulf %mul3A_1169, %add3A_30 : vector<1x256xf32>
    %mul3A_1171 = vector.broadcast %mul3A_1170 : vector<1x256xf32> to vector<256x256xf32>
    %mul3A_1172 = vector.broadcast %concatenate3A_1167 : vector<256x1xf32> to vector<256x256xf32>
    %mul3A_1173 = arith.mulf %mul3A_1171, %mul3A_1172 : vector<256x256xf32>
    %add3A_1174 = arith.constant 9.99999993E-9 : f32
    %add3A_1175 = vector.broadcast %add3A_1174 : f32 to vector<256x256xf32>
    %add3A_1176 = arith.addf %mul3A_1173, %add3A_1175 : vector<256x256xf32>
    %neg3A_1177 = arith.constant 0.000000e+00 : f32
    %neg3A_1178 = vector.broadcast %neg3A_1177 : f32 to vector<256x256xf32>
    %neg3A_1179 = arith.subf %neg3A_1178, %add3A_1176 : vector<256x256xf32>
    %exp3A_1180 = math.exp %neg3A_1179 : vector<256x256xf32>
    %sub3A_1181 = arith.constant 1.000000e+00 : f32
    %sub3A_1182 = vector.broadcast %sub3A_1181 : f32 to vector<256x256xf32>
    %sub3A_1183 = arith.subf %sub3A_1182, %exp3A_1180 : vector<256x256xf32>
    %mul3A_1184 = arith.constant 2.500000e-01 : f32
    %mul3A_1185 = vector.broadcast %mul3A_1184 : f32 to vector<256x256xf32>
    %mul3A_1186 = arith.mulf %sub3A_1183, %mul3A_1185 : vector<256x256xf32>
    %add3A_1187 = arith.addf %slice3A_1162, %slice3A_1163 : vector<256x256xf32>
    %add3A_1188 = arith.addf %add3A_1187, %slice3A_1164 : vector<256x256xf32>
    %add3A_1189 = arith.addf %add3A_1188, %slice3A_1165 : vector<256x256xf32>
    %mul3A_1190 = arith.mulf %mul3A_1186, %add3A_1189 : vector<256x256xf32>
    %mul3A_1191 = arith.mulf %exp3A_1180, %slice3A_1162 : vector<256x256xf32>
    %add3A_1192 = arith.addf %mul3A_1190, %mul3A_1191 : vector<256x256xf32>
    %mul3A_1193 = arith.mulf %exp3A_1180, %slice3A_1163 : vector<256x256xf32>
    %add3A_1194 = arith.addf %mul3A_1190, %mul3A_1193 : vector<256x256xf32>
    %mul3A_1195 = arith.mulf %exp3A_1180, %slice3A_1164 : vector<256x256xf32>
    %add3A_1196 = arith.addf %mul3A_1190, %mul3A_1195 : vector<256x256xf32>
    %mul3A_1197 = arith.mulf %exp3A_1180, %slice3A_1165 : vector<256x256xf32>
    %add3A_1198 = arith.addf %mul3A_1190, %mul3A_1197 : vector<256x256xf32>
    %slice3A_1199 = vector.extract_strided_slice %add3A_1192 {offsets = [0, 0], sizes = [128, 256], strides = [1, 1]} : vector<256x256xf32> to vector<128x256xf32>
    %slice3A_1200 = vector.extract_strided_slice %add3A_1192 {offsets = [128, 0], sizes = [128, 256], strides = [1, 1]} : vector<256x256xf32> to vector<128x256xf32>
    %mul3A_1201 = arith.mulf %slice3A_1199, %slice3A_1200 : vector<128x256xf32>
    %slice3A_1202 = vector.extract_strided_slice %add3A_1194 {offsets = [0, 0], sizes = [128, 256], strides = [1, 1]} : vector<256x256xf32> to vector<128x256xf32>
    %slice3A_1203 = vector.extract_strided_slice %add3A_1194 {offsets = [128, 0], sizes = [128, 256], strides = [1, 1]} : vector<256x256xf32> to vector<128x256xf32>
    %mul3A_1204 = arith.mulf %slice3A_1202, %slice3A_1203 : vector<128x256xf32>
    %slice3A_1205 = vector.extract_strided_slice %add3A_1196 {offsets = [0, 0], sizes = [128, 256], strides = [1, 1]} : vector<256x256xf32> to vector<128x256xf32>
    %slice3A_1206 = vector.extract_strided_slice %add3A_1196 {offsets = [128, 0], sizes = [128, 256], strides = [1, 1]} : vector<256x256xf32> to vector<128x256xf32>
    %mul3A_1207 = arith.mulf %slice3A_1205, %slice3A_1206 : vector<128x256xf32>
    %slice3A_1208 = vector.extract_strided_slice %add3A_1198 {offsets = [0, 0], sizes = [128, 256], strides = [1, 1]} : vector<256x256xf32> to vector<128x256xf32>
    %slice3A_1209 = vector.extract_strided_slice %add3A_1198 {offsets = [128, 0], sizes = [128, 256], strides = [1, 1]} : vector<256x256xf32> to vector<128x256xf32>
    %mul3A_1210 = arith.mulf %slice3A_1208, %slice3A_1209 : vector<128x256xf32>
    %slice3A_1211 = vector.extract_strided_slice %slice3A_1166 {offsets = [0, 0], sizes = [128, 256], strides = [1, 1]} : vector<256x256xf32> to vector<128x256xf32>
    %slice3A_1212 = vector.extract_strided_slice %slice3A_1166 {offsets = [128, 0], sizes = [128, 256], strides = [1, 1]} : vector<256x256xf32> to vector<128x256xf32>
    %add3A_1213 = arith.addf %slice3A_1211, %slice3A_1212 : vector<128x256xf32>
    %max3A_1214 = arith.maximumf %mul3A_1201, %mul3A_1204 : vector<128x256xf32>
    %max3A_1215 = arith.maximumf %mul3A_1207, %mul3A_1210 : vector<128x256xf32>
    %max3A_1216 = arith.maximumf %max3A_1214, %max3A_1215 : vector<128x256xf32>
    %div3A_1217 = arith.constant 1.000000e+00 : f32
    %div3A_1218 = vector.broadcast %div3A_1217 : f32 to vector<128x256xf32>
    %div3A_1219 = arith.divf %div3A_1218, %max3A_1216 : vector<128x256xf32>
    %mul3A_1220 = arith.mulf %mul3A_1201, %div3A_1219 : vector<128x256xf32>
    %mul3A_1221 = arith.mulf %mul3A_1204, %div3A_1219 : vector<128x256xf32>
    %mul3A_1222 = arith.mulf %mul3A_1207, %div3A_1219 : vector<128x256xf32>
    %mul3A_1223 = arith.mulf %mul3A_1210, %div3A_1219 : vector<128x256xf32>
    %log3A_1224 = math.log %max3A_1216 : vector<128x256xf32>
    %add3A_1225 = arith.addf %add3A_1213, %log3A_1224 : vector<128x256xf32>
    %add3A_1226 = arith.addf %mul3A_1220, %mul3A_1221 : vector<128x256xf32>
    %add3A_1227 = arith.addf %add3A_1226, %mul3A_1222 : vector<128x256xf32>
    %add3A_1228 = arith.addf %add3A_1227, %mul3A_1223 : vector<128x256xf32>
    %log3A_1229 = math.log %add3A_1228 : vector<128x256xf32>
    %add3A_1230 = arith.addf %add3A_1225, %log3A_1229 : vector<128x256xf32>
    %sub3A_1231 = arith.constant 1.38629436 : f32
    %sub3A_1232 = vector.broadcast %sub3A_1231 : f32 to vector<128x256xf32>
    %sub3A_1233 = arith.subf %add3A_1230, %sub3A_1232 : vector<128x256xf32>
    %reduce_sum3A_1234 = arith.constant dense<0.000000e+00> : vector<128xf32>
    %reduce_sum3A_1235 = vector.multi_reduction <add>, %sub3A_1233, %reduce_sum3A_1234 [1] : vector<128x256xf32> to vector<128xf32>
    %broadcast_in_dim3A_1236 = vector.shape_cast %reduce_sum3A_1235 : vector<128xf32> to vector<128x1xf32>
    %broadcast_in_dim3A_1237 = arith.constant 0.000000e+00 : f32
    %broadcast_in_dim3A_1238 = vector.broadcast %broadcast_in_dim3A_1237 : f32 to vector<128x63xf32>
    %concatenate3A_1239 = tpu.concatenate %mul3A_1220, %mul3A_1221, %mul3A_1222, %mul3A_1223, %add3A_1225, %tanh3A_1161, %broadcast_in_dim3A_1236, %broadcast_in_dim3A_1238 in 1 : vector<128x256xf32>, vector<128x256xf32>, vector<128x256xf32>, vector<128x256xf32>, vector<128x256xf32>, vector<128x64xf32>, vector<128x1xf32>, vector<128x63xf32> -> vector<128x1408xf32>
    %convert_element_type3A_1240 = arith.truncf %concatenate3A_1239 : vector<128x1408xf32> to vector<128x1408xbf16>
    %convert_element_type3A_1241 = arith.extf %convert_element_type3A_1240 : vector<128x1408xbf16> to vector<128x1408xf32>
    %sub3A_1242 = arith.subf %concatenate3A_1239, %convert_element_type3A_1241 : vector<128x1408xf32>
    %convert_element_type3A_1243 = arith.truncf %sub3A_1242 : vector<128x1408xf32> to vector<128x1408xbf16>
    %convert_element_type3A_1244 = arith.extf %convert_element_type3A_1243 : vector<128x1408xbf16> to vector<128x1408xf32>
    %sub3A_1245 = arith.subf %sub3A_1242, %convert_element_type3A_1244 : vector<128x1408xf32>
    %convert_element_type3A_1246 = arith.truncf %sub3A_1245 : vector<128x1408xf32> to vector<128x1408xbf16>
    %swap3A_1247 = arith.constant 400 : index
    %swap3A_1248 = arith.constant 0 : index
    %swap3A_1249 = vector.load %arg18[%swap3A_1247, %swap3A_1248] : memref<1936x1408xbf16, #tpu.memory_space<vmem>>, vector<128x1408xbf16>
    tpu.vector_store %arg18[%swap3A_1247, %swap3A_1248], %convert_element_type3A_1240 {strides = array<i32>} : memref<1936x1408xbf16, #tpu.memory_space<vmem>>, vector<128x1408xbf16>,
    %swap3A_1250 = arith.constant 400 : index
    %swap3A_1251 = arith.constant 0 : index
    %swap3A_1252 = vector.load %arg19[%swap3A_1250, %swap3A_1251] : memref<1936x1408xbf16, #tpu.memory_space<vmem>>, vector<128x1408xbf16>
    tpu.vector_store %arg19[%swap3A_1250, %swap3A_1251], %convert_element_type3A_1243 {strides = array<i32>} : memref<1936x1408xbf16, #tpu.memory_space<vmem>>, vector<128x1408xbf16>,
    %swap3A_1253 = arith.constant 400 : index
    %swap3A_1254 = arith.constant 0 : index
    %swap3A_1255 = vector.load %arg20[%swap3A_1253, %swap3A_1254] : memref<1936x1408xbf16, #tpu.memory_space<vmem>>, vector<128x1408xbf16>
    tpu.vector_store %arg20[%swap3A_1253, %swap3A_1254], %convert_element_type3A_1246 {strides = array<i32>} : memref<1936x1408xbf16, #tpu.memory_space<vmem>>, vector<128x1408xbf16>,
    %sub3A_1256 = arith.subf %slice3A_1041, %slice3A_1095 : vector<128x1xf32>
    %sub3A_1257 = arith.subf %sub3A_1256, %slice3A_1096 : vector<128x1xf32>
    %add3A_1258 = arith.addf %sub3A_1257, %broadcast_in_dim3A_1236 : vector<128x1xf32>
    %add3A_1259 = arith.addf %add3A_1131, %add3A_1157 : vector<128x1xf32>
    %div3A_1260 = arith.constant 1.000000e-01 : f32
    %div3A_1261 = vector.broadcast %div3A_1260 : f32 to vector<128x1xf32>
    %div3A_1262 = arith.divf %add3A_1259, %div3A_1261 : vector<128x1xf32>
    %sub3A_1263 = arith.constant 4.60517025 : f32
    %sub3A_1264 = vector.broadcast %sub3A_1263 : f32 to vector<128x1xf32>
    %sub3A_1265 = arith.subf %sub3A_1264, %div3A_1262 : vector<128x1xf32>
    %sub3A_1266 = arith.subf %add3A_1258, %slice3A_1041 : vector<128x1xf32>
    %add3A_1267 = arith.addf %sub3A_1266, %sub3A_1265 : vector<128x1xf32>
    %add3A_1268 = arith.constant 4.356709 : f32
    %add3A_1269 = vector.broadcast %add3A_1268 : f32 to vector<128x1xf32>
    %add3A_1270 = arith.addf %add3A_1267, %add3A_1269 : vector<128x1xf32>
    %reduce_max3A_1271 = vector.shape_cast %add3A_1270 : vector<128x1xf32> to vector<1x128x1xf32>
    %reduce_max3A_1272 = arith.constant dense<0xFF800000> : vector<1xf32>
    %reduce_max3A_1273 = vector.multi_reduction <maximumf>, %reduce_max3A_1271, %reduce_max3A_1272 [1, 2] : vector<1x128x1xf32> to vector<1xf32>
    %reduce_max3A_1274 = vector.shape_cast %reduce_max3A_1273 : vector<1xf32> to vector<1x1x1xf32>
    %reduce_max3A_1275 = vector.extract %reduce_max3A_1274[0, 0, 0] : f32 from vector<1x1x1xf32>
    %sub3A_1276 = vector.broadcast %reduce_max3A_1275 : f32 to vector<128x1xf32>
    %sub3A_1277 = arith.subf %add3A_1270, %sub3A_1276 : vector<128x1xf32>
    %exp3A_1278 = math.exp %sub3A_1277 : vector<128x1xf32>
    %reduce_sum3A_1279 = vector.shape_cast %exp3A_1278 : vector<128x1xf32> to vector<1x128x1xf32>
    %reduce_sum3A_1280 = arith.constant dense<0.000000e+00> : vector<1xf32>
    %reduce_sum3A_1281 = vector.multi_reduction <add>, %reduce_sum3A_1279, %reduce_sum3A_1280 [1, 2] : vector<1x128x1xf32> to vector<1xf32>
    %reduce_sum3A_1282 = vector.shape_cast %reduce_sum3A_1281 : vector<1xf32> to vector<1x1x1xf32>
    %reduce_sum3A_1283 = vector.extract %reduce_sum3A_1282[0, 0, 0] : f32 from vector<1x1x1xf32>
    %log3A_1284 = math.log %reduce_sum3A_1283 : f32
    %add3A_1285 = arith.addf %reduce_max3A_1275, %log3A_1284 : f32
    %sub3A_1286 = arith.constant 4.85203028 : f32
    %sub3A_1287 = arith.subf %add3A_1285, %sub3A_1286 : f32
    %add3A_1288 = vector.broadcast %sub3A_1287 : f32 to vector<1x1xf32>
    %add3A_1289 = arith.addf %add3A_984, %add3A_1288 : vector<1x1xf32>
    %slice3A_1290 = vector.extract_strided_slice %round3A_1040 {offsets = [0, 1], sizes = [128, 15], strides = [1, 1]} : vector<128x16xf32> to vector<128x15xf32>
    %slice3A_1291 = vector.extract_strided_slice %round3A_1040 {offsets = [0, 0], sizes = [128, 1], strides = [1, 1]} : vector<128x16xf32> to vector<128x1xf32>
    %concatenate3A_1292 = tpu.concatenate %slice3A_1290, %slice3A_1291 in 1 : vector<128x15xf32>, vector<128x1xf32> -> vector<128x16xf32>
    %slice3A_1293 = vector.extract_strided_slice %round3A_1040 {offsets = [0, 2], sizes = [128, 14], strides = [1, 1]} : vector<128x16xf32> to vector<128x14xf32>
    %slice3A_1294 = vector.extract_strided_slice %round3A_1040 {offsets = [0, 0], sizes = [128, 2], strides = [1, 1]} : vector<128x16xf32> to vector<128x2xf32>
    %concatenate3A_1295 = tpu.concatenate %slice3A_1293, %slice3A_1294 in 1 : vector<128x14xf32>, vector<128x2xf32> -> vector<128x16xf32>
    %lt3A_1296 = vector.broadcast %convert_element_type3A_3 : vector<1x16xf32> to vector<128x16xf32>
    %lt3A_1297 = vector.broadcast %get3A_1044 : vector<128x1xf32> to vector<128x16xf32>
    %lt3A_1298 = arith.cmpf olt, %lt3A_1296, %lt3A_1297 : vector<128x16xf32>
    %sub3A_1299 = arith.constant 1.000000e+00 : f32
    %sub3A_1300 = vector.broadcast %sub3A_1299 : f32 to vector<128x1xf32>
    %sub3A_1301 = arith.subf %get3A_1047, %sub3A_1300 : vector<128x1xf32>
    %lt3A_1302 = vector.broadcast %convert_element_type3A_3 : vector<1x16xf32> to vector<128x16xf32>
    %lt3A_1303 = vector.broadcast %sub3A_1301 : vector<128x1xf32> to vector<128x16xf32>
    %lt3A_1304 = arith.cmpf olt, %lt3A_1302, %lt3A_1303 : vector<128x16xf32>
    %select_n3A_1305 = arith.select %lt3A_1304, %concatenate3A_1292, %concatenate3A_1295 : vector<128x16xi1>, vector<128x16xf32>
    %select_n3A_1306 = arith.select %lt3A_1298, %round3A_1040, %select_n3A_1305 : vector<128x16xi1>, vector<128x16xf32>
    %add3A_1307 = arith.constant 4.000000e+02 : f32
    %add3A_1308 = vector.broadcast %add3A_1307 : f32 to vector<128x1xf32>
    %add3A_1309 = arith.addf %add3A_1308, %convert_element_type3A : vector<128x1xf32>
    %eq3A_1310 = arith.constant 1.100000e+01 : f32
    %eq3A_1311 = vector.broadcast %eq3A_1310 : f32 to vector<1x16xf32>
    %eq3A_1312 = arith.cmpf oeq, %convert_element_type3A_3, %eq3A_1311 : vector<1x16xf32>
    %broadcast_in_dim3A_1313 = vector.shape_cast %eq3A_1312 : vector<1x16xi1> to vector<1x16xi1>
    %broadcast_in_dim3A_1314 = vector.broadcast %broadcast_in_dim3A_1313 : vector<1x16xi1> to vector<128x16xi1>
    %broadcast_in_dim3A_1315 = vector.shape_cast %add3A_1309 : vector<128x1xf32> to vector<128x1xf32>
    %broadcast_in_dim3A_1316 = vector.broadcast %broadcast_in_dim3A_1315 : vector<128x1xf32> to vector<128x16xf32>
    %select_n3A_1317 = arith.select %broadcast_in_dim3A_1314, %broadcast_in_dim3A_1316, %select_n3A_1306 : vector<128x16xi1>, vector<128x16xf32>
    %get3A_1318 = arith.constant 512 : index
    %get3A_1319 = arith.constant 0 : index
    %get3A_1320 = vector.load %arg0[%get3A_1318, %get3A_1319] : memref<1920x128xf32, #tpu.memory_space<vmem>>, vector<128x128xf32>
    %add3A_1321 = vector.broadcast %add3A_1270 : vector<128x1xf32> to vector<128x128xf32>
    %add3A_1322 = arith.addf %get3A_1320, %add3A_1321 : vector<128x128xf32>
    %reduce_max3A_1323 = arith.constant dense<0xFF800000> : vector<128xf32>
    %reduce_max3A_1324 = vector.multi_reduction <maximumf>, %add3A_1322, %reduce_max3A_1323 [0] : vector<128x128xf32> to vector<128xf32>
    %broadcast_in_dim3A_1325 = vector.shape_cast %reduce_max3A_1324 : vector<128xf32> to vector<1x128xf32>
    %eq3A_1326 = vector.broadcast %broadcast_in_dim3A_1325 : vector<1x128xf32> to vector<128x128xf32>
    %eq3A_1327 = arith.cmpf oeq, %add3A_1322, %eq3A_1326 : vector<128x128xf32>
    %jit3A_1328 = arith.constant 1.280000e+02 : f32
    %broadcast_in_dim3A_1329 = vector.shape_cast %convert_element_type3A : vector<128x1xf32> to vector<128x1xf32>
    %broadcast_in_dim3A_1330 = vector.broadcast %broadcast_in_dim3A_1329 : vector<128x1xf32> to vector<128x128xf32>
    %broadcast_in_dim3A_1331 = vector.broadcast %jit3A_1328 : f32 to vector<128x128xf32>
    %select_n3A_1332 = arith.select %eq3A_1327, %broadcast_in_dim3A_1330, %broadcast_in_dim3A_1331 : vector<128x128xi1>, vector<128x128xf32>
    %reduce_min3A_1333 = arith.constant dense<0x7F800000> : vector<128xf32>
    %reduce_min3A_1334 = vector.multi_reduction <minimumf>, %select_n3A_1332, %reduce_min3A_1333 [0] : vector<128x128xf32> to vector<128xf32>
    %broadcast_in_dim3A_1335 = vector.shape_cast %reduce_min3A_1334 : vector<128xf32> to vector<1x128xf32>
    %eq3A_1336 = vector.broadcast %convert_element_type3A : vector<128x1xf32> to vector<128x128xf32>
    %eq3A_1337 = vector.broadcast %broadcast_in_dim3A_1335 : vector<1x128xf32> to vector<128x128xf32>
    %eq3A_1338 = arith.cmpf oeq, %eq3A_1336, %eq3A_1337 : vector<128x128xf32>
    %convert_element_type3A_1339 = arith.extui %eq3A_1338 : vector<128x128xi1> to vector<128x128xi32>
    %convert_element_type3A_1340 = arith.sitofp %convert_element_type3A_1339 : vector<128x128xi32> to vector<128x128xf32>
    %concatenate3A_1341 = tpu.concatenate %select_n3A_1317, %add3A_1258 in 1 : vector<128x16xf32>, vector<128x1xf32> -> vector<128x17xf32>
    %dot_general3A_1342 = arith.constant dense<0.000000e+00> : vector<128x17xf32>
    %dot_general3A_1343 = tpu.matmul %convert_element_type3A_1340, %concatenate3A_1341, %dot_general3A_1342 {dimension_numbers = #tpu.dot_dimension_numbers<[0], [0], [1], [1], [0, 1, 1, 1], [], []>, precision = #tpu.contract_precision<fp32>, transpose_lhs_hint = false} : vector<128x128xf32>, vector<128x17xf32>, vector<128x17xf32> -> vector<128x17xf32>
    %slice3A_1344 = vector.extract_strided_slice %dot_general3A_1343 {offsets = [0, 0], sizes = [128, 16], strides = [1, 1]} : vector<128x17xf32> to vector<128x16xf32>
    %round3A_1345 = math.roundeven %slice3A_1344 : vector<128x16xf32>
    %slice3A_1346 = vector.extract_strided_slice %dot_general3A_1343 {offsets = [0, 16], sizes = [128, 1], strides = [1, 1]} : vector<128x17xf32> to vector<128x1xf32>
    %get3A_1347 = arith.constant 0 : index
    %get3A_1348 = arith.constant 4 : index
    %get3A_1349 = vector.load %arg1[%get3A_1347, %get3A_1348] : memref<128x16xf32, #tpu.memory_space<vmem>>, vector<128x1xf32>
    %get3A_1350 = arith.constant 0 : index
    %get3A_1351 = arith.constant 4 : index
    %get3A_1352 = vector.load %arg2[%get3A_1350, %get3A_1351] : memref<128x16xf32, #tpu.memory_space<vmem>>, vector<128x1xf32>
    %eq3A_1353 = vector.broadcast %convert_element_type3A_3 : vector<1x16xf32> to vector<128x16xf32>
    %eq3A_1354 = vector.broadcast %get3A_1349 : vector<128x1xf32> to vector<128x16xf32>
    %eq3A_1355 = arith.cmpf oeq, %eq3A_1353, %eq3A_1354 : vector<128x16xf32>
    %convert_element_type3A_1356 = arith.extui %eq3A_1355 : vector<128x16xi1> to vector<128x16xi32>
    %convert_element_type3A_1357 = arith.sitofp %convert_element_type3A_1356 : vector<128x16xi32> to vector<128x16xf32>
    %eq3A_1358 = vector.broadcast %convert_element_type3A_3 : vector<1x16xf32> to vector<128x16xf32>
    %eq3A_1359 = vector.broadcast %get3A_1352 : vector<128x1xf32> to vector<128x16xf32>
    %eq3A_1360 = arith.cmpf oeq, %eq3A_1358, %eq3A_1359 : vector<128x16xf32>
    %convert_element_type3A_1361 = arith.extui %eq3A_1360 : vector<128x16xi1> to vector<128x16xi32>
    %convert_element_type3A_1362 = arith.sitofp %convert_element_type3A_1361 : vector<128x16xi32> to vector<128x16xf32>
    %mul3A_1363 = arith.mulf %convert_element_type3A_1357, %round3A_1345 : vector<128x16xf32>
    %reduce_sum3A_1364 = arith.constant dense<0.000000e+00> : vector<128xf32>
    %reduce_sum3A_1365 = vector.multi_reduction <add>, %mul3A_1363, %reduce_sum3A_1364 [1] : vector<128x16xf32> to vector<128xf32>
    %broadcast_in_dim3A_1366 = vector.shape_cast %reduce_sum3A_1365 : vector<128xf32> to vector<128x1xf32>
    %round3A_1367 = math.roundeven %broadcast_in_dim3A_1366 : vector<128x1xf32>
    %mul3A_1368 = arith.mulf %convert_element_type3A_1362, %round3A_1345 : vector<128x16xf32>
    %reduce_sum3A_1369 = arith.constant dense<0.000000e+00> : vector<128xf32>
    %reduce_sum3A_1370 = vector.multi_reduction <add>, %mul3A_1368, %reduce_sum3A_1369 [1] : vector<128x16xf32> to vector<128xf32>
    %broadcast_in_dim3A_1371 = vector.shape_cast %reduce_sum3A_1370 : vector<128xf32> to vector<128x1xf32>
    %round3A_1372 = math.roundeven %broadcast_in_dim3A_1371 : vector<128x1xf32>
    %concatenate3A_1373 = tpu.concatenate %round3A_1367, %round3A_1372 in 0 : vector<128x1xf32>, vector<128x1xf32> -> vector<256x1xf32>
    %slice3A_1374 = vector.extract_strided_slice %convert_element_type3A_5 {offsets = [0, 0], sizes = [1, 528], strides = [1, 1]} : vector<1x1936xf32> to vector<1x528xf32>
    %eq3A_1375 = vector.broadcast %slice3A_1374 : vector<1x528xf32> to vector<256x528xf32>
    %eq3A_1376 = vector.broadcast %concatenate3A_1373 : vector<256x1xf32> to vector<256x528xf32>
    %eq3A_1377 = arith.cmpf oeq, %eq3A_1375, %eq3A_1376 : vector<256x528xf32>
    %convert_element_type3A_1378 = arith.extui %eq3A_1377 : vector<256x528xi1> to vector<256x528xi32>
    %convert_element_type3A_1379 = arith.sitofp %convert_element_type3A_1378 : vector<256x528xi32> to vector<256x528xf32>
    %convert_element_type3A_1380 = arith.truncf %convert_element_type3A_1379 : vector<256x528xf32> to vector<256x528xbf16>
    %get3A_1381 = arith.constant 0 : index
    %get3A_1382 = arith.constant 0 : index
    %get3A_1383 = vector.load %arg18[%get3A_1381, %get3A_1382] : memref<1936x1408xbf16, #tpu.memory_space<vmem>>, vector<528x1408xbf16>
    %dot_general3A_1384 = arith.constant dense<0.000000e+00> : vector<256x1408xf32>
    %dot_general3A_1385 = tpu.matmul %convert_element_type3A_1380, %get3A_1383, %dot_general3A_1384 {dimension_numbers = #tpu.dot_dimension_numbers<[1], [0], [0], [1], [0, 0, 1, 1], [], []>, transpose_lhs_hint = false} : vector<256x528xbf16>, vector<528x1408xbf16>, vector<256x1408xf32> -> vector<256x1408xf32>
    %get3A_1386 = arith.constant 0 : index
    %get3A_1387 = arith.constant 0 : index
    %get3A_1388 = vector.load %arg19[%get3A_1386, %get3A_1387] : memref<1936x1408xbf16, #tpu.memory_space<vmem>>, vector<528x1408xbf16>
    %dot_general3A_1389 = arith.constant dense<0.000000e+00> : vector<256x1408xf32>
    %dot_general3A_1390 = tpu.matmul %convert_element_type3A_1380, %get3A_1388, %dot_general3A_1389 {dimension_numbers = #tpu.dot_dimension_numbers<[1], [0], [0], [1], [0, 0, 1, 1], [], []>, transpose_lhs_hint = false} : vector<256x528xbf16>, vector<528x1408xbf16>, vector<256x1408xf32> -> vector<256x1408xf32>
    %add3A_1391 = arith.addf %dot_general3A_1385, %dot_general3A_1390 : vector<256x1408xf32>
    %get3A_1392 = arith.constant 0 : index
    %get3A_1393 = arith.constant 0 : index
    %get3A_1394 = vector.load %arg20[%get3A_1392, %get3A_1393] : memref<1936x1408xbf16, #tpu.memory_space<vmem>>, vector<528x1408xbf16>
    %dot_general3A_1395 = arith.constant dense<0.000000e+00> : vector<256x1408xf32>
    %dot_general3A_1396 = tpu.matmul %convert_element_type3A_1380, %get3A_1394, %dot_general3A_1395 {dimension_numbers = #tpu.dot_dimension_numbers<[1], [0], [0], [1], [0, 0, 1, 1], [], []>, transpose_lhs_hint = false} : vector<256x528xbf16>, vector<528x1408xbf16>, vector<256x1408xf32> -> vector<256x1408xf32>
    %add3A_1397 = arith.addf %add3A_1391, %dot_general3A_1396 : vector<256x1408xf32>
    %slice3A_1398 = vector.extract_strided_slice %add3A_1397 {offsets = [0, 1280], sizes = [128, 64], strides = [1, 1]} : vector<256x1408xf32> to vector<128x64xf32>
    %slice3A_1399 = vector.extract_strided_slice %add3A_1397 {offsets = [128, 1280], sizes = [128, 64], strides = [1, 1]} : vector<256x1408xf32> to vector<128x64xf32>
    %slice3A_1400 = vector.extract_strided_slice %add3A_1397 {offsets = [0, 1344], sizes = [128, 1], strides = [1, 1]} : vector<256x1408xf32> to vector<128x1xf32>
    %slice3A_1401 = vector.extract_strided_slice %add3A_1397 {offsets = [128, 1344], sizes = [128, 1], strides = [1, 1]} : vector<256x1408xf32> to vector<128x1xf32>
    %sub3A_1402 = arith.subf %slice3A_1398, %slice3A_1399 : vector<128x64xf32>
    %mul3A_1403 = arith.mulf %sub3A_1402, %sub3A_1402 : vector<128x64xf32>
    %reduce_sum3A_1404 = arith.constant dense<0.000000e+00> : vector<128xf32>
    %reduce_sum3A_1405 = vector.multi_reduction <add>, %mul3A_1403, %reduce_sum3A_1404 [1] : vector<128x64xf32> to vector<128xf32>
    %broadcast_in_dim3A_1406 = vector.shape_cast %reduce_sum3A_1405 : vector<128xf32> to vector<128x1xf32>
    %add3A_1407 = arith.constant 9.99999993E-9 : f32
    %add3A_1408 = vector.broadcast %add3A_1407 : f32 to vector<128x1xf32>
    %add3A_1409 = arith.addf %broadcast_in_dim3A_1406, %add3A_1408 : vector<128x1xf32>
    %sqrt3A_1410 = math.sqrt %add3A_1409 : vector<128x1xf32>
    %mul3A_1411 = vector.broadcast %slice3A_88 : vector<1x1xf32> to vector<128x1xf32>
    %mul3A_1412 = arith.mulf %mul3A_1411, %sqrt3A_1410 : vector<128x1xf32>
    %add3A_1413 = vector.broadcast %slice3A_89 : vector<1x1xf32> to vector<128x1xf32>
    %add3A_1414 = arith.addf %mul3A_1412, %add3A_1413 : vector<128x1xf32>
    %custom_jvp_call3A_1415 = arith.constant 0.000000e+00 : f32
    %max3A_1416 = vector.broadcast %custom_jvp_call3A_1415 : f32 to vector<128x1xf32>
    %max3A_1417 = arith.maximumf %add3A_1414, %max3A_1416 : vector<128x1xf32>
    %sub3A_1418 = vector.broadcast %custom_jvp_call3A_1415 : f32 to vector<128x1xf32>
    %sub3A_1419 = arith.subf %add3A_1414, %sub3A_1418 : vector<128x1xf32>
    %ne3A_1420 = arith.cmpf one, %sub3A_1419, %sub3A_1419 : vector<128x1xf32>
    %add3A_1421 = vector.broadcast %custom_jvp_call3A_1415 : f32 to vector<128x1xf32>
    %add3A_1422 = arith.addf %add3A_1414, %add3A_1421 : vector<128x1xf32>
    %abs3A_1423 = math.absf %sub3A_1419 : vector<128x1xf32>
    %neg3A_1424 = arith.constant 0.000000e+00 : f32
    %neg3A_1425 = vector.broadcast %neg3A_1424 : f32 to vector<128x1xf32>
    %neg3A_1426 = arith.subf %neg3A_1425, %abs3A_1423 : vector<128x1xf32>
    %exp3A_1427 = math.exp %neg3A_1426 : vector<128x1xf32>
    %log1p3A_1428 = math.log1p %exp3A_1427 : vector<128x1xf32>
    %add3A_1429 = arith.addf %max3A_1417, %log1p3A_1428 : vector<128x1xf32>
    %select_n3A_1430 = arith.select %ne3A_1420, %add3A_1422, %add3A_1429 : vector<128x1xi1>, vector<128x1xf32>
    %mul3A_1431 = arith.constant 1.000000e-01 : f32
    %mul3A_1432 = vector.broadcast %mul3A_1431 : f32 to vector<128x1xf32>
    %mul3A_1433 = arith.mulf %select_n3A_1430, %mul3A_1432 : vector<128x1xf32>
    %add3A_1434 = arith.constant 9.99999974E-5 : f32
    %add3A_1435 = vector.broadcast %add3A_1434 : f32 to vector<128x1xf32>
    %add3A_1436 = arith.addf %mul3A_1433, %add3A_1435 : vector<128x1xf32>
    %mul3A_1437 = vector.broadcast %slice3A_90 : vector<1x1xf32> to vector<128x1xf32>
    %mul3A_1438 = arith.mulf %mul3A_1437, %sqrt3A_1410 : vector<128x1xf32>
    %add3A_1439 = vector.broadcast %slice3A_91 : vector<1x1xf32> to vector<128x1xf32>
    %add3A_1440 = arith.addf %mul3A_1438, %add3A_1439 : vector<128x1xf32>
    %custom_jvp_call3A_1441 = arith.constant 0.000000e+00 : f32
    %max3A_1442 = vector.broadcast %custom_jvp_call3A_1441 : f32 to vector<128x1xf32>
    %max3A_1443 = arith.maximumf %add3A_1440, %max3A_1442 : vector<128x1xf32>
    %sub3A_1444 = vector.broadcast %custom_jvp_call3A_1441 : f32 to vector<128x1xf32>
    %sub3A_1445 = arith.subf %add3A_1440, %sub3A_1444 : vector<128x1xf32>
    %ne3A_1446 = arith.cmpf one, %sub3A_1445, %sub3A_1445 : vector<128x1xf32>
    %add3A_1447 = vector.broadcast %custom_jvp_call3A_1441 : f32 to vector<128x1xf32>
    %add3A_1448 = arith.addf %add3A_1440, %add3A_1447 : vector<128x1xf32>
    %abs3A_1449 = math.absf %sub3A_1445 : vector<128x1xf32>
    %neg3A_1450 = arith.constant 0.000000e+00 : f32
    %neg3A_1451 = vector.broadcast %neg3A_1450 : f32 to vector<128x1xf32>
    %neg3A_1452 = arith.subf %neg3A_1451, %abs3A_1449 : vector<128x1xf32>
    %exp3A_1453 = math.exp %neg3A_1452 : vector<128x1xf32>
    %log1p3A_1454 = math.log1p %exp3A_1453 : vector<128x1xf32>
    %add3A_1455 = arith.addf %max3A_1443, %log1p3A_1454 : vector<128x1xf32>
    %select_n3A_1456 = arith.select %ne3A_1446, %add3A_1448, %add3A_1455 : vector<128x1xi1>, vector<128x1xf32>
    %mul3A_1457 = arith.constant 1.000000e-01 : f32
    %mul3A_1458 = vector.broadcast %mul3A_1457 : f32 to vector<128x1xf32>
    %mul3A_1459 = arith.mulf %select_n3A_1456, %mul3A_1458 : vector<128x1xf32>
    %add3A_1460 = arith.constant 9.99999974E-5 : f32
    %add3A_1461 = vector.broadcast %add3A_1460 : f32 to vector<128x1xf32>
    %add3A_1462 = arith.addf %mul3A_1459, %add3A_1461 : vector<128x1xf32>
    %concatenate3A_1463 = tpu.concatenate %slice3A_1398, %slice3A_1399 in 1 : vector<128x64xf32>, vector<128x64xf32> -> vector<128x128xf32>
    %dot_general3A_1464 = arith.constant dense<0.000000e+00> : vector<128x64xf32>
    %dot_general3A_1465 = tpu.matmul %concatenate3A_1463, %get3A_94, %dot_general3A_1464 {dimension_numbers = #tpu.dot_dimension_numbers<[1], [0], [0], [1], [0, 0, 1, 1], [], []>, transpose_lhs_hint = false} : vector<128x128xf32>, vector<128x64xf32>, vector<128x64xf32> -> vector<128x64xf32>
    %tanh3A_1466 = math.tanh %dot_general3A_1465 : vector<128x64xf32>
    %slice3A_1467 = vector.extract_strided_slice %add3A_1397 {offsets = [0, 0], sizes = [256, 256], strides = [1, 1]} : vector<256x1408xf32> to vector<256x256xf32>
    %slice3A_1468 = vector.extract_strided_slice %add3A_1397 {offsets = [0, 256], sizes = [256, 256], strides = [1, 1]} : vector<256x1408xf32> to vector<256x256xf32>
    %slice3A_1469 = vector.extract_strided_slice %add3A_1397 {offsets = [0, 512], sizes = [256, 256], strides = [1, 1]} : vector<256x1408xf32> to vector<256x256xf32>
    %slice3A_1470 = vector.extract_strided_slice %add3A_1397 {offsets = [0, 768], sizes = [256, 256], strides = [1, 1]} : vector<256x1408xf32> to vector<256x256xf32>
    %slice3A_1471 = vector.extract_strided_slice %add3A_1397 {offsets = [0, 1024], sizes = [256, 256], strides = [1, 1]} : vector<256x1408xf32> to vector<256x256xf32>
    %concatenate3A_1472 = tpu.concatenate %add3A_1436, %add3A_1462 in 0 : vector<128x1xf32>, vector<128x1xf32> -> vector<256x1xf32>
    %mul3A_1473 = arith.constant 1.33333337 : f32
    %mul3A_1474 = vector.broadcast %mul3A_1473 : f32 to vector<1x256xf32>
    %mul3A_1475 = arith.mulf %mul3A_1474, %add3A_30 : vector<1x256xf32>
    %mul3A_1476 = vector.broadcast %mul3A_1475 : vector<1x256xf32> to vector<256x256xf32>
    %mul3A_1477 = vector.broadcast %concatenate3A_1472 : vector<256x1xf32> to vector<256x256xf32>
    %mul3A_1478 = arith.mulf %mul3A_1476, %mul3A_1477 : vector<256x256xf32>
    %add3A_1479 = arith.constant 9.99999993E-9 : f32
    %add3A_1480 = vector.broadcast %add3A_1479 : f32 to vector<256x256xf32>
    %add3A_1481 = arith.addf %mul3A_1478, %add3A_1480 : vector<256x256xf32>
    %neg3A_1482 = arith.constant 0.000000e+00 : f32
    %neg3A_1483 = vector.broadcast %neg3A_1482 : f32 to vector<256x256xf32>
    %neg3A_1484 = arith.subf %neg3A_1483, %add3A_1481 : vector<256x256xf32>
    %exp3A_1485 = math.exp %neg3A_1484 : vector<256x256xf32>
    %sub3A_1486 = arith.constant 1.000000e+00 : f32
    %sub3A_1487 = vector.broadcast %sub3A_1486 : f32 to vector<256x256xf32>
    %sub3A_1488 = arith.subf %sub3A_1487, %exp3A_1485 : vector<256x256xf32>
    %mul3A_1489 = arith.constant 2.500000e-01 : f32
    %mul3A_1490 = vector.broadcast %mul3A_1489 : f32 to vector<256x256xf32>
    %mul3A_1491 = arith.mulf %sub3A_1488, %mul3A_1490 : vector<256x256xf32>
    %add3A_1492 = arith.addf %slice3A_1467, %slice3A_1468 : vector<256x256xf32>
    %add3A_1493 = arith.addf %add3A_1492, %slice3A_1469 : vector<256x256xf32>
    %add3A_1494 = arith.addf %add3A_1493, %slice3A_1470 : vector<256x256xf32>
    %mul3A_1495 = arith.mulf %mul3A_1491, %add3A_1494 : vector<256x256xf32>
    %mul3A_1496 = arith.mulf %exp3A_1485, %slice3A_1467 : vector<256x256xf32>
    %add3A_1497 = arith.addf %mul3A_1495, %mul3A_1496 : vector<256x256xf32>
    %mul3A_1498 = arith.mulf %exp3A_1485, %slice3A_1468 : vector<256x256xf32>
    %add3A_1499 = arith.addf %mul3A_1495, %mul3A_1498 : vector<256x256xf32>
    %mul3A_1500 = arith.mulf %exp3A_1485, %slice3A_1469 : vector<256x256xf32>
    %add3A_1501 = arith.addf %mul3A_1495, %mul3A_1500 : vector<256x256xf32>
    %mul3A_1502 = arith.mulf %exp3A_1485, %slice3A_1470 : vector<256x256xf32>
    %add3A_1503 = arith.addf %mul3A_1495, %mul3A_1502 : vector<256x256xf32>
    %slice3A_1504 = vector.extract_strided_slice %add3A_1497 {offsets = [0, 0], sizes = [128, 256], strides = [1, 1]} : vector<256x256xf32> to vector<128x256xf32>
    %slice3A_1505 = vector.extract_strided_slice %add3A_1497 {offsets = [128, 0], sizes = [128, 256], strides = [1, 1]} : vector<256x256xf32> to vector<128x256xf32>
    %mul3A_1506 = arith.mulf %slice3A_1504, %slice3A_1505 : vector<128x256xf32>
    %slice3A_1507 = vector.extract_strided_slice %add3A_1499 {offsets = [0, 0], sizes = [128, 256], strides = [1, 1]} : vector<256x256xf32> to vector<128x256xf32>
    %slice3A_1508 = vector.extract_strided_slice %add3A_1499 {offsets = [128, 0], sizes = [128, 256], strides = [1, 1]} : vector<256x256xf32> to vector<128x256xf32>
    %mul3A_1509 = arith.mulf %slice3A_1507, %slice3A_1508 : vector<128x256xf32>
    %slice3A_1510 = vector.extract_strided_slice %add3A_1501 {offsets = [0, 0], sizes = [128, 256], strides = [1, 1]} : vector<256x256xf32> to vector<128x256xf32>
    %slice3A_1511 = vector.extract_strided_slice %add3A_1501 {offsets = [128, 0], sizes = [128, 256], strides = [1, 1]} : vector<256x256xf32> to vector<128x256xf32>
    %mul3A_1512 = arith.mulf %slice3A_1510, %slice3A_1511 : vector<128x256xf32>
    %slice3A_1513 = vector.extract_strided_slice %add3A_1503 {offsets = [0, 0], sizes = [128, 256], strides = [1, 1]} : vector<256x256xf32> to vector<128x256xf32>
    %slice3A_1514 = vector.extract_strided_slice %add3A_1503 {offsets = [128, 0], sizes = [128, 256], strides = [1, 1]} : vector<256x256xf32> to vector<128x256xf32>
    %mul3A_1515 = arith.mulf %slice3A_1513, %slice3A_1514 : vector<128x256xf32>
    %slice3A_1516 = vector.extract_strided_slice %slice3A_1471 {offsets = [0, 0], sizes = [128, 256], strides = [1, 1]} : vector<256x256xf32> to vector<128x256xf32>
    %slice3A_1517 = vector.extract_strided_slice %slice3A_1471 {offsets = [128, 0], sizes = [128, 256], strides = [1, 1]} : vector<256x256xf32> to vector<128x256xf32>
    %add3A_1518 = arith.addf %slice3A_1516, %slice3A_1517 : vector<128x256xf32>
    %max3A_1519 = arith.maximumf %mul3A_1506, %mul3A_1509 : vector<128x256xf32>
    %max3A_1520 = arith.maximumf %mul3A_1512, %mul3A_1515 : vector<128x256xf32>
    %max3A_1521 = arith.maximumf %max3A_1519, %max3A_1520 : vector<128x256xf32>
    %div3A_1522 = arith.constant 1.000000e+00 : f32
    %div3A_1523 = vector.broadcast %div3A_1522 : f32 to vector<128x256xf32>
    %div3A_1524 = arith.divf %div3A_1523, %max3A_1521 : vector<128x256xf32>
    %mul3A_1525 = arith.mulf %mul3A_1506, %div3A_1524 : vector<128x256xf32>
    %mul3A_1526 = arith.mulf %mul3A_1509, %div3A_1524 : vector<128x256xf32>
    %mul3A_1527 = arith.mulf %mul3A_1512, %div3A_1524 : vector<128x256xf32>
    %mul3A_1528 = arith.mulf %mul3A_1515, %div3A_1524 : vector<128x256xf32>
    %log3A_1529 = math.log %max3A_1521 : vector<128x256xf32>
    %add3A_1530 = arith.addf %add3A_1518, %log3A_1529 : vector<128x256xf32>
    %add3A_1531 = arith.addf %mul3A_1525, %mul3A_1526 : vector<128x256xf32>
    %add3A_1532 = arith.addf %add3A_1531, %mul3A_1527 : vector<128x256xf32>
    %add3A_1533 = arith.addf %add3A_1532, %mul3A_1528 : vector<128x256xf32>
    %log3A_1534 = math.log %add3A_1533 : vector<128x256xf32>
    %add3A_1535 = arith.addf %add3A_1530, %log3A_1534 : vector<128x256xf32>
    %sub3A_1536 = arith.constant 1.38629436 : f32
    %sub3A_1537 = vector.broadcast %sub3A_1536 : f32 to vector<128x256xf32>
    %sub3A_1538 = arith.subf %add3A_1535, %sub3A_1537 : vector<128x256xf32>
    %reduce_sum3A_1539 = arith.constant dense<0.000000e+00> : vector<128xf32>
    %reduce_sum3A_1540 = vector.multi_reduction <add>, %sub3A_1538, %reduce_sum3A_1539 [1] : vector<128x256xf32> to vector<128xf32>
    %broadcast_in_dim3A_1541 = vector.shape_cast %reduce_sum3A_1540 : vector<128xf32> to vector<128x1xf32>
    %broadcast_in_dim3A_1542 = arith.constant 0.000000e+00 : f32
    %broadcast_in_dim3A_1543 = vector.broadcast %broadcast_in_dim3A_1542 : f32 to vector<128x63xf32>
    %concatenate3A_1544 = tpu.concatenate %mul3A_1525, %mul3A_1526, %mul3A_1527, %mul3A_1528, %add3A_1530, %tanh3A_1466, %broadcast_in_dim3A_1541, %broadcast_in_dim3A_1543 in 1 : vector<128x256xf32>, vector<128x256xf32>, vector<128x256xf32>, vector<128x256xf32>, vector<128x256xf32>, vector<128x64xf32>, vector<128x1xf32>, vector<128x63xf32> -> vector<128x1408xf32>
    %convert_element_type3A_1545 = arith.truncf %concatenate3A_1544 : vector<128x1408xf32> to vector<128x1408xbf16>
    %convert_element_type3A_1546 = arith.extf %convert_element_type3A_1545 : vector<128x1408xbf16> to vector<128x1408xf32>
    %sub3A_1547 = arith.subf %concatenate3A_1544, %convert_element_type3A_1546 : vector<128x1408xf32>
    %convert_element_type3A_1548 = arith.truncf %sub3A_1547 : vector<128x1408xf32> to vector<128x1408xbf16>
    %convert_element_type3A_1549 = arith.extf %convert_element_type3A_1548 : vector<128x1408xbf16> to vector<128x1408xf32>
    %sub3A_1550 = arith.subf %sub3A_1547, %convert_element_type3A_1549 : vector<128x1408xf32>
    %convert_element_type3A_1551 = arith.truncf %sub3A_1550 : vector<128x1408xf32> to vector<128x1408xbf16>
    %swap3A_1552 = arith.constant 528 : index
    %swap3A_1553 = arith.constant 0 : index
    %swap3A_1554 = vector.load %arg18[%swap3A_1552, %swap3A_1553] : memref<1936x1408xbf16, #tpu.memory_space<vmem>>, vector<128x1408xbf16>
    tpu.vector_store %arg18[%swap3A_1552, %swap3A_1553], %convert_element_type3A_1545 {strides = array<i32>} : memref<1936x1408xbf16, #tpu.memory_space<vmem>>, vector<128x1408xbf16>,
    %swap3A_1555 = arith.constant 528 : index
    %swap3A_1556 = arith.constant 0 : index
    %swap3A_1557 = vector.load %arg19[%swap3A_1555, %swap3A_1556] : memref<1936x1408xbf16, #tpu.memory_space<vmem>>, vector<128x1408xbf16>
    tpu.vector_store %arg19[%swap3A_1555, %swap3A_1556], %convert_element_type3A_1548 {strides = array<i32>} : memref<1936x1408xbf16, #tpu.memory_space<vmem>>, vector<128x1408xbf16>,
    %swap3A_1558 = arith.constant 528 : index
    %swap3A_1559 = arith.constant 0 : index
    %swap3A_1560 = vector.load %arg20[%swap3A_1558, %swap3A_1559] : memref<1936x1408xbf16, #tpu.memory_space<vmem>>, vector<128x1408xbf16>
    tpu.vector_store %arg20[%swap3A_1558, %swap3A_1559], %convert_element_type3A_1551 {strides = array<i32>} : memref<1936x1408xbf16, #tpu.memory_space<vmem>>, vector<128x1408xbf16>,
    %sub3A_1561 = arith.subf %slice3A_1346, %slice3A_1400 : vector<128x1xf32>
    %sub3A_1562 = arith.subf %sub3A_1561, %slice3A_1401 : vector<128x1xf32>
    %add3A_1563 = arith.addf %sub3A_1562, %broadcast_in_dim3A_1541 : vector<128x1xf32>
    %add3A_1564 = arith.addf %add3A_1436, %add3A_1462 : vector<128x1xf32>
    %div3A_1565 = arith.constant 1.000000e-01 : f32
    %div3A_1566 = vector.broadcast %div3A_1565 : f32 to vector<128x1xf32>
    %div3A_1567 = arith.divf %add3A_1564, %div3A_1566 : vector<128x1xf32>
    %sub3A_1568 = arith.constant 4.60517025 : f32
    %sub3A_1569 = vector.broadcast %sub3A_1568 : f32 to vector<128x1xf32>
    %sub3A_1570 = arith.subf %sub3A_1569, %div3A_1567 : vector<128x1xf32>
    %sub3A_1571 = arith.subf %add3A_1563, %slice3A_1346 : vector<128x1xf32>
    %add3A_1572 = arith.addf %sub3A_1571, %sub3A_1570 : vector<128x1xf32>
    %add3A_1573 = arith.constant 4.18965483 : f32
    %add3A_1574 = vector.broadcast %add3A_1573 : f32 to vector<128x1xf32>
    %add3A_1575 = arith.addf %add3A_1572, %add3A_1574 : vector<128x1xf32>
    %reduce_max3A_1576 = vector.shape_cast %add3A_1575 : vector<128x1xf32> to vector<1x128x1xf32>
    %reduce_max3A_1577 = arith.constant dense<0xFF800000> : vector<1xf32>
    %reduce_max3A_1578 = vector.multi_reduction <maximumf>, %reduce_max3A_1576, %reduce_max3A_1577 [1, 2] : vector<1x128x1xf32> to vector<1xf32>
    %reduce_max3A_1579 = vector.shape_cast %reduce_max3A_1578 : vector<1xf32> to vector<1x1x1xf32>
    %reduce_max3A_1580 = vector.extract %reduce_max3A_1579[0, 0, 0] : f32 from vector<1x1x1xf32>
    %sub3A_1581 = vector.broadcast %reduce_max3A_1580 : f32 to vector<128x1xf32>
    %sub3A_1582 = arith.subf %add3A_1575, %sub3A_1581 : vector<128x1xf32>
    %exp3A_1583 = math.exp %sub3A_1582 : vector<128x1xf32>
    %reduce_sum3A_1584 = vector.shape_cast %exp3A_1583 : vector<128x1xf32> to vector<1x128x1xf32>
    %reduce_sum3A_1585 = arith.constant dense<0.000000e+00> : vector<1xf32>
    %reduce_sum3A_1586 = vector.multi_reduction <add>, %reduce_sum3A_1584, %reduce_sum3A_1585 [1, 2] : vector<1x128x1xf32> to vector<1xf32>
    %reduce_sum3A_1587 = vector.shape_cast %reduce_sum3A_1586 : vector<1xf32> to vector<1x1x1xf32>
    %reduce_sum3A_1588 = vector.extract %reduce_sum3A_1587[0, 0, 0] : f32 from vector<1x1x1xf32>
    %log3A_1589 = math.log %reduce_sum3A_1588 : f32
    %add3A_1590 = arith.addf %reduce_max3A_1580, %log3A_1589 : f32
    %sub3A_1591 = arith.constant 4.85203028 : f32
    %sub3A_1592 = arith.subf %add3A_1590, %sub3A_1591 : f32
    %add3A_1593 = vector.broadcast %sub3A_1592 : f32 to vector<1x1xf32>
    %add3A_1594 = arith.addf %add3A_1289, %add3A_1593 : vector<1x1xf32>
    %slice3A_1595 = vector.extract_strided_slice %round3A_1345 {offsets = [0, 1], sizes = [128, 15], strides = [1, 1]} : vector<128x16xf32> to vector<128x15xf32>
    %slice3A_1596 = vector.extract_strided_slice %round3A_1345 {offsets = [0, 0], sizes = [128, 1], strides = [1, 1]} : vector<128x16xf32> to vector<128x1xf32>
    %concatenate3A_1597 = tpu.concatenate %slice3A_1595, %slice3A_1596 in 1 : vector<128x15xf32>, vector<128x1xf32> -> vector<128x16xf32>
    %slice3A_1598 = vector.extract_strided_slice %round3A_1345 {offsets = [0, 2], sizes = [128, 14], strides = [1, 1]} : vector<128x16xf32> to vector<128x14xf32>
    %slice3A_1599 = vector.extract_strided_slice %round3A_1345 {offsets = [0, 0], sizes = [128, 2], strides = [1, 1]} : vector<128x16xf32> to vector<128x2xf32>
    %concatenate3A_1600 = tpu.concatenate %slice3A_1598, %slice3A_1599 in 1 : vector<128x14xf32>, vector<128x2xf32> -> vector<128x16xf32>
    %lt3A_1601 = vector.broadcast %convert_element_type3A_3 : vector<1x16xf32> to vector<128x16xf32>
    %lt3A_1602 = vector.broadcast %get3A_1349 : vector<128x1xf32> to vector<128x16xf32>
    %lt3A_1603 = arith.cmpf olt, %lt3A_1601, %lt3A_1602 : vector<128x16xf32>
    %sub3A_1604 = arith.constant 1.000000e+00 : f32
    %sub3A_1605 = vector.broadcast %sub3A_1604 : f32 to vector<128x1xf32>
    %sub3A_1606 = arith.subf %get3A_1352, %sub3A_1605 : vector<128x1xf32>
    %lt3A_1607 = vector.broadcast %convert_element_type3A_3 : vector<1x16xf32> to vector<128x16xf32>
    %lt3A_1608 = vector.broadcast %sub3A_1606 : vector<128x1xf32> to vector<128x16xf32>
    %lt3A_1609 = arith.cmpf olt, %lt3A_1607, %lt3A_1608 : vector<128x16xf32>
    %select_n3A_1610 = arith.select %lt3A_1609, %concatenate3A_1597, %concatenate3A_1600 : vector<128x16xi1>, vector<128x16xf32>
    %select_n3A_1611 = arith.select %lt3A_1603, %round3A_1345, %select_n3A_1610 : vector<128x16xi1>, vector<128x16xf32>
    %add3A_1612 = arith.constant 5.280000e+02 : f32
    %add3A_1613 = vector.broadcast %add3A_1612 : f32 to vector<128x1xf32>
    %add3A_1614 = arith.addf %add3A_1613, %convert_element_type3A : vector<128x1xf32>
    %eq3A_1615 = arith.constant 1.000000e+01 : f32
    %eq3A_1616 = vector.broadcast %eq3A_1615 : f32 to vector<1x16xf32>
    %eq3A_1617 = arith.cmpf oeq, %convert_element_type3A_3, %eq3A_1616 : vector<1x16xf32>
    %broadcast_in_dim3A_1618 = vector.shape_cast %eq3A_1617 : vector<1x16xi1> to vector<1x16xi1>
    %broadcast_in_dim3A_1619 = vector.broadcast %broadcast_in_dim3A_1618 : vector<1x16xi1> to vector<128x16xi1>
    %broadcast_in_dim3A_1620 = vector.shape_cast %add3A_1614 : vector<128x1xf32> to vector<128x1xf32>
    %broadcast_in_dim3A_1621 = vector.broadcast %broadcast_in_dim3A_1620 : vector<128x1xf32> to vector<128x16xf32>
    %select_n3A_1622 = arith.select %broadcast_in_dim3A_1619, %broadcast_in_dim3A_1621, %select_n3A_1611 : vector<128x16xi1>, vector<128x16xf32>
    %get3A_1623 = arith.constant 640 : index
    %get3A_1624 = arith.constant 0 : index
    %get3A_1625 = vector.load %arg0[%get3A_1623, %get3A_1624] : memref<1920x128xf32, #tpu.memory_space<vmem>>, vector<128x128xf32>
    %add3A_1626 = vector.broadcast %add3A_1575 : vector<128x1xf32> to vector<128x128xf32>
    %add3A_1627 = arith.addf %get3A_1625, %add3A_1626 : vector<128x128xf32>
    %reduce_max3A_1628 = arith.constant dense<0xFF800000> : vector<128xf32>
    %reduce_max3A_1629 = vector.multi_reduction <maximumf>, %add3A_1627, %reduce_max3A_1628 [0] : vector<128x128xf32> to vector<128xf32>
    %broadcast_in_dim3A_1630 = vector.shape_cast %reduce_max3A_1629 : vector<128xf32> to vector<1x128xf32>
    %eq3A_1631 = vector.broadcast %broadcast_in_dim3A_1630 : vector<1x128xf32> to vector<128x128xf32>
    %eq3A_1632 = arith.cmpf oeq, %add3A_1627, %eq3A_1631 : vector<128x128xf32>
    %jit3A_1633 = arith.constant 1.280000e+02 : f32
    %broadcast_in_dim3A_1634 = vector.shape_cast %convert_element_type3A : vector<128x1xf32> to vector<128x1xf32>
    %broadcast_in_dim3A_1635 = vector.broadcast %broadcast_in_dim3A_1634 : vector<128x1xf32> to vector<128x128xf32>
    %broadcast_in_dim3A_1636 = vector.broadcast %jit3A_1633 : f32 to vector<128x128xf32>
    %select_n3A_1637 = arith.select %eq3A_1632, %broadcast_in_dim3A_1635, %broadcast_in_dim3A_1636 : vector<128x128xi1>, vector<128x128xf32>
    %reduce_min3A_1638 = arith.constant dense<0x7F800000> : vector<128xf32>
    %reduce_min3A_1639 = vector.multi_reduction <minimumf>, %select_n3A_1637, %reduce_min3A_1638 [0] : vector<128x128xf32> to vector<128xf32>
    %broadcast_in_dim3A_1640 = vector.shape_cast %reduce_min3A_1639 : vector<128xf32> to vector<1x128xf32>
    %eq3A_1641 = vector.broadcast %convert_element_type3A : vector<128x1xf32> to vector<128x128xf32>
    %eq3A_1642 = vector.broadcast %broadcast_in_dim3A_1640 : vector<1x128xf32> to vector<128x128xf32>
    %eq3A_1643 = arith.cmpf oeq, %eq3A_1641, %eq3A_1642 : vector<128x128xf32>
    %convert_element_type3A_1644 = arith.extui %eq3A_1643 : vector<128x128xi1> to vector<128x128xi32>
    %convert_element_type3A_1645 = arith.sitofp %convert_element_type3A_1644 : vector<128x128xi32> to vector<128x128xf32>
    %concatenate3A_1646 = tpu.concatenate %select_n3A_1622, %add3A_1563 in 1 : vector<128x16xf32>, vector<128x1xf32> -> vector<128x17xf32>
    %dot_general3A_1647 = arith.constant dense<0.000000e+00> : vector<128x17xf32>
    %dot_general3A_1648 = tpu.matmul %convert_element_type3A_1645, %concatenate3A_1646, %dot_general3A_1647 {dimension_numbers = #tpu.dot_dimension_numbers<[0], [0], [1], [1], [0, 1, 1, 1], [], []>, precision = #tpu.contract_precision<fp32>, transpose_lhs_hint = false} : vector<128x128xf32>, vector<128x17xf32>, vector<128x17xf32> -> vector<128x17xf32>
    %slice3A_1649 = vector.extract_strided_slice %dot_general3A_1648 {offsets = [0, 0], sizes = [128, 16], strides = [1, 1]} : vector<128x17xf32> to vector<128x16xf32>
    %round3A_1650 = math.roundeven %slice3A_1649 : vector<128x16xf32>
    %slice3A_1651 = vector.extract_strided_slice %dot_general3A_1648 {offsets = [0, 16], sizes = [128, 1], strides = [1, 1]} : vector<128x17xf32> to vector<128x1xf32>
    %get3A_1652 = arith.constant 0 : index
    %get3A_1653 = arith.constant 5 : index
    %get3A_1654 = vector.load %arg1[%get3A_1652, %get3A_1653] : memref<128x16xf32, #tpu.memory_space<vmem>>, vector<128x1xf32>
    %get3A_1655 = arith.constant 0 : index
    %get3A_1656 = arith.constant 5 : index
    %get3A_1657 = vector.load %arg2[%get3A_1655, %get3A_1656] : memref<128x16xf32, #tpu.memory_space<vmem>>, vector<128x1xf32>
    %eq3A_1658 = vector.broadcast %convert_element_type3A_3 : vector<1x16xf32> to vector<128x16xf32>
    %eq3A_1659 = vector.broadcast %get3A_1654 : vector<128x1xf32> to vector<128x16xf32>
    %eq3A_1660 = arith.cmpf oeq, %eq3A_1658, %eq3A_1659 : vector<128x16xf32>
    %convert_element_type3A_1661 = arith.extui %eq3A_1660 : vector<128x16xi1> to vector<128x16xi32>
    %convert_element_type3A_1662 = arith.sitofp %convert_element_type3A_1661 : vector<128x16xi32> to vector<128x16xf32>
    %eq3A_1663 = vector.broadcast %convert_element_type3A_3 : vector<1x16xf32> to vector<128x16xf32>
    %eq3A_1664 = vector.broadcast %get3A_1657 : vector<128x1xf32> to vector<128x16xf32>
    %eq3A_1665 = arith.cmpf oeq, %eq3A_1663, %eq3A_1664 : vector<128x16xf32>
    %convert_element_type3A_1666 = arith.extui %eq3A_1665 : vector<128x16xi1> to vector<128x16xi32>
    %convert_element_type3A_1667 = arith.sitofp %convert_element_type3A_1666 : vector<128x16xi32> to vector<128x16xf32>
    %mul3A_1668 = arith.mulf %convert_element_type3A_1662, %round3A_1650 : vector<128x16xf32>
    %reduce_sum3A_1669 = arith.constant dense<0.000000e+00> : vector<128xf32>
    %reduce_sum3A_1670 = vector.multi_reduction <add>, %mul3A_1668, %reduce_sum3A_1669 [1] : vector<128x16xf32> to vector<128xf32>
    %broadcast_in_dim3A_1671 = vector.shape_cast %reduce_sum3A_1670 : vector<128xf32> to vector<128x1xf32>
    %round3A_1672 = math.roundeven %broadcast_in_dim3A_1671 : vector<128x1xf32>
    %mul3A_1673 = arith.mulf %convert_element_type3A_1667, %round3A_1650 : vector<128x16xf32>
    %reduce_sum3A_1674 = arith.constant dense<0.000000e+00> : vector<128xf32>
    %reduce_sum3A_1675 = vector.multi_reduction <add>, %mul3A_1673, %reduce_sum3A_1674 [1] : vector<128x16xf32> to vector<128xf32>
    %broadcast_in_dim3A_1676 = vector.shape_cast %reduce_sum3A_1675 : vector<128xf32> to vector<128x1xf32>
    %round3A_1677 = math.roundeven %broadcast_in_dim3A_1676 : vector<128x1xf32>
    %concatenate3A_1678 = tpu.concatenate %round3A_1672, %round3A_1677 in 0 : vector<128x1xf32>, vector<128x1xf32> -> vector<256x1xf32>
    %slice3A_1679 = vector.extract_strided_slice %convert_element_type3A_5 {offsets = [0, 0], sizes = [1, 656], strides = [1, 1]} : vector<1x1936xf32> to vector<1x656xf32>
    %eq3A_1680 = vector.broadcast %slice3A_1679 : vector<1x656xf32> to vector<256x656xf32>
    %eq3A_1681 = vector.broadcast %concatenate3A_1678 : vector<256x1xf32> to vector<256x656xf32>
    %eq3A_1682 = arith.cmpf oeq, %eq3A_1680, %eq3A_1681 : vector<256x656xf32>
    %convert_element_type3A_1683 = arith.extui %eq3A_1682 : vector<256x656xi1> to vector<256x656xi32>
    %convert_element_type3A_1684 = arith.sitofp %convert_element_type3A_1683 : vector<256x656xi32> to vector<256x656xf32>
    %convert_element_type3A_1685 = arith.truncf %convert_element_type3A_1684 : vector<256x656xf32> to vector<256x656xbf16>
    %get3A_1686 = arith.constant 0 : index
    %get3A_1687 = arith.constant 0 : index
    %get3A_1688 = vector.load %arg18[%get3A_1686, %get3A_1687] : memref<1936x1408xbf16, #tpu.memory_space<vmem>>, vector<656x1408xbf16>
    %dot_general3A_1689 = arith.constant dense<0.000000e+00> : vector<256x1408xf32>
    %dot_general3A_1690 = tpu.matmul %convert_element_type3A_1685, %get3A_1688, %dot_general3A_1689 {dimension_numbers = #tpu.dot_dimension_numbers<[1], [0], [0], [1], [0, 0, 1, 1], [], []>, transpose_lhs_hint = false} : vector<256x656xbf16>, vector<656x1408xbf16>, vector<256x1408xf32> -> vector<256x1408xf32>
    %get3A_1691 = arith.constant 0 : index
    %get3A_1692 = arith.constant 0 : index
    %get3A_1693 = vector.load %arg19[%get3A_1691, %get3A_1692] : memref<1936x1408xbf16, #tpu.memory_space<vmem>>, vector<656x1408xbf16>
    %dot_general3A_1694 = arith.constant dense<0.000000e+00> : vector<256x1408xf32>
    %dot_general3A_1695 = tpu.matmul %convert_element_type3A_1685, %get3A_1693, %dot_general3A_1694 {dimension_numbers = #tpu.dot_dimension_numbers<[1], [0], [0], [1], [0, 0, 1, 1], [], []>, transpose_lhs_hint = false} : vector<256x656xbf16>, vector<656x1408xbf16>, vector<256x1408xf32> -> vector<256x1408xf32>
    %add3A_1696 = arith.addf %dot_general3A_1690, %dot_general3A_1695 : vector<256x1408xf32>
    %get3A_1697 = arith.constant 0 : index
    %get3A_1698 = arith.constant 0 : index
    %get3A_1699 = vector.load %arg20[%get3A_1697, %get3A_1698] : memref<1936x1408xbf16, #tpu.memory_space<vmem>>, vector<656x1408xbf16>
    %dot_general3A_1700 = arith.constant dense<0.000000e+00> : vector<256x1408xf32>
    %dot_general3A_1701 = tpu.matmul %convert_element_type3A_1685, %get3A_1699, %dot_general3A_1700 {dimension_numbers = #tpu.dot_dimension_numbers<[1], [0], [0], [1], [0, 0, 1, 1], [], []>, transpose_lhs_hint = false} : vector<256x656xbf16>, vector<656x1408xbf16>, vector<256x1408xf32> -> vector<256x1408xf32>
    %add3A_1702 = arith.addf %add3A_1696, %dot_general3A_1701 : vector<256x1408xf32>
    %slice3A_1703 = vector.extract_strided_slice %add3A_1702 {offsets = [0, 1280], sizes = [128, 64], strides = [1, 1]} : vector<256x1408xf32> to vector<128x64xf32>
    %slice3A_1704 = vector.extract_strided_slice %add3A_1702 {offsets = [128, 1280], sizes = [128, 64], strides = [1, 1]} : vector<256x1408xf32> to vector<128x64xf32>
    %slice3A_1705 = vector.extract_strided_slice %add3A_1702 {offsets = [0, 1344], sizes = [128, 1], strides = [1, 1]} : vector<256x1408xf32> to vector<128x1xf32>
    %slice3A_1706 = vector.extract_strided_slice %add3A_1702 {offsets = [128, 1344], sizes = [128, 1], strides = [1, 1]} : vector<256x1408xf32> to vector<128x1xf32>
    %sub3A_1707 = arith.subf %slice3A_1703, %slice3A_1704 : vector<128x64xf32>
    %mul3A_1708 = arith.mulf %sub3A_1707, %sub3A_1707 : vector<128x64xf32>
    %reduce_sum3A_1709 = arith.constant dense<0.000000e+00> : vector<128xf32>
    %reduce_sum3A_1710 = vector.multi_reduction <add>, %mul3A_1708, %reduce_sum3A_1709 [1] : vector<128x64xf32> to vector<128xf32>
    %broadcast_in_dim3A_1711 = vector.shape_cast %reduce_sum3A_1710 : vector<128xf32> to vector<128x1xf32>
    %add3A_1712 = arith.constant 9.99999993E-9 : f32
    %add3A_1713 = vector.broadcast %add3A_1712 : f32 to vector<128x1xf32>
    %add3A_1714 = arith.addf %broadcast_in_dim3A_1711, %add3A_1713 : vector<128x1xf32>
    %sqrt3A_1715 = math.sqrt %add3A_1714 : vector<128x1xf32>
    %mul3A_1716 = vector.broadcast %slice3A_88 : vector<1x1xf32> to vector<128x1xf32>
    %mul3A_1717 = arith.mulf %mul3A_1716, %sqrt3A_1715 : vector<128x1xf32>
    %add3A_1718 = vector.broadcast %slice3A_89 : vector<1x1xf32> to vector<128x1xf32>
    %add3A_1719 = arith.addf %mul3A_1717, %add3A_1718 : vector<128x1xf32>
    %custom_jvp_call3A_1720 = arith.constant 0.000000e+00 : f32
    %max3A_1721 = vector.broadcast %custom_jvp_call3A_1720 : f32 to vector<128x1xf32>
    %max3A_1722 = arith.maximumf %add3A_1719, %max3A_1721 : vector<128x1xf32>
    %sub3A_1723 = vector.broadcast %custom_jvp_call3A_1720 : f32 to vector<128x1xf32>
    %sub3A_1724 = arith.subf %add3A_1719, %sub3A_1723 : vector<128x1xf32>
    %ne3A_1725 = arith.cmpf one, %sub3A_1724, %sub3A_1724 : vector<128x1xf32>
    %add3A_1726 = vector.broadcast %custom_jvp_call3A_1720 : f32 to vector<128x1xf32>
    %add3A_1727 = arith.addf %add3A_1719, %add3A_1726 : vector<128x1xf32>
    %abs3A_1728 = math.absf %sub3A_1724 : vector<128x1xf32>
    %neg3A_1729 = arith.constant 0.000000e+00 : f32
    %neg3A_1730 = vector.broadcast %neg3A_1729 : f32 to vector<128x1xf32>
    %neg3A_1731 = arith.subf %neg3A_1730, %abs3A_1728 : vector<128x1xf32>
    %exp3A_1732 = math.exp %neg3A_1731 : vector<128x1xf32>
    %log1p3A_1733 = math.log1p %exp3A_1732 : vector<128x1xf32>
    %add3A_1734 = arith.addf %max3A_1722, %log1p3A_1733 : vector<128x1xf32>
    %select_n3A_1735 = arith.select %ne3A_1725, %add3A_1727, %add3A_1734 : vector<128x1xi1>, vector<128x1xf32>
    %mul3A_1736 = arith.constant 1.000000e-01 : f32
    %mul3A_1737 = vector.broadcast %mul3A_1736 : f32 to vector<128x1xf32>
    %mul3A_1738 = arith.mulf %select_n3A_1735, %mul3A_1737 : vector<128x1xf32>
    %add3A_1739 = arith.constant 9.99999974E-5 : f32
    %add3A_1740 = vector.broadcast %add3A_1739 : f32 to vector<128x1xf32>
    %add3A_1741 = arith.addf %mul3A_1738, %add3A_1740 : vector<128x1xf32>
    %mul3A_1742 = vector.broadcast %slice3A_90 : vector<1x1xf32> to vector<128x1xf32>
    %mul3A_1743 = arith.mulf %mul3A_1742, %sqrt3A_1715 : vector<128x1xf32>
    %add3A_1744 = vector.broadcast %slice3A_91 : vector<1x1xf32> to vector<128x1xf32>
    %add3A_1745 = arith.addf %mul3A_1743, %add3A_1744 : vector<128x1xf32>
    %custom_jvp_call3A_1746 = arith.constant 0.000000e+00 : f32
    %max3A_1747 = vector.broadcast %custom_jvp_call3A_1746 : f32 to vector<128x1xf32>
    %max3A_1748 = arith.maximumf %add3A_1745, %max3A_1747 : vector<128x1xf32>
    %sub3A_1749 = vector.broadcast %custom_jvp_call3A_1746 : f32 to vector<128x1xf32>
    %sub3A_1750 = arith.subf %add3A_1745, %sub3A_1749 : vector<128x1xf32>
    %ne3A_1751 = arith.cmpf one, %sub3A_1750, %sub3A_1750 : vector<128x1xf32>
    %add3A_1752 = vector.broadcast %custom_jvp_call3A_1746 : f32 to vector<128x1xf32>
    %add3A_1753 = arith.addf %add3A_1745, %add3A_1752 : vector<128x1xf32>
    %abs3A_1754 = math.absf %sub3A_1750 : vector<128x1xf32>
    %neg3A_1755 = arith.constant 0.000000e+00 : f32
    %neg3A_1756 = vector.broadcast %neg3A_1755 : f32 to vector<128x1xf32>
    %neg3A_1757 = arith.subf %neg3A_1756, %abs3A_1754 : vector<128x1xf32>
    %exp3A_1758 = math.exp %neg3A_1757 : vector<128x1xf32>
    %log1p3A_1759 = math.log1p %exp3A_1758 : vector<128x1xf32>
    %add3A_1760 = arith.addf %max3A_1748, %log1p3A_1759 : vector<128x1xf32>
    %select_n3A_1761 = arith.select %ne3A_1751, %add3A_1753, %add3A_1760 : vector<128x1xi1>, vector<128x1xf32>
    %mul3A_1762 = arith.constant 1.000000e-01 : f32
    %mul3A_1763 = vector.broadcast %mul3A_1762 : f32 to vector<128x1xf32>
    %mul3A_1764 = arith.mulf %select_n3A_1761, %mul3A_1763 : vector<128x1xf32>
    %add3A_1765 = arith.constant 9.99999974E-5 : f32
    %add3A_1766 = vector.broadcast %add3A_1765 : f32 to vector<128x1xf32>
    %add3A_1767 = arith.addf %mul3A_1764, %add3A_1766 : vector<128x1xf32>
    %concatenate3A_1768 = tpu.concatenate %slice3A_1703, %slice3A_1704 in 1 : vector<128x64xf32>, vector<128x64xf32> -> vector<128x128xf32>
    %dot_general3A_1769 = arith.constant dense<0.000000e+00> : vector<128x64xf32>
    %dot_general3A_1770 = tpu.matmul %concatenate3A_1768, %get3A_94, %dot_general3A_1769 {dimension_numbers = #tpu.dot_dimension_numbers<[1], [0], [0], [1], [0, 0, 1, 1], [], []>, transpose_lhs_hint = false} : vector<128x128xf32>, vector<128x64xf32>, vector<128x64xf32> -> vector<128x64xf32>
    %tanh3A_1771 = math.tanh %dot_general3A_1770 : vector<128x64xf32>
    %slice3A_1772 = vector.extract_strided_slice %add3A_1702 {offsets = [0, 0], sizes = [256, 256], strides = [1, 1]} : vector<256x1408xf32> to vector<256x256xf32>
    %slice3A_1773 = vector.extract_strided_slice %add3A_1702 {offsets = [0, 256], sizes = [256, 256], strides = [1, 1]} : vector<256x1408xf32> to vector<256x256xf32>
    %slice3A_1774 = vector.extract_strided_slice %add3A_1702 {offsets = [0, 512], sizes = [256, 256], strides = [1, 1]} : vector<256x1408xf32> to vector<256x256xf32>
    %slice3A_1775 = vector.extract_strided_slice %add3A_1702 {offsets = [0, 768], sizes = [256, 256], strides = [1, 1]} : vector<256x1408xf32> to vector<256x256xf32>
    %slice3A_1776 = vector.extract_strided_slice %add3A_1702 {offsets = [0, 1024], sizes = [256, 256], strides = [1, 1]} : vector<256x1408xf32> to vector<256x256xf32>
    %concatenate3A_1777 = tpu.concatenate %add3A_1741, %add3A_1767 in 0 : vector<128x1xf32>, vector<128x1xf32> -> vector<256x1xf32>
    %mul3A_1778 = arith.constant 1.33333337 : f32
    %mul3A_1779 = vector.broadcast %mul3A_1778 : f32 to vector<1x256xf32>
    %mul3A_1780 = arith.mulf %mul3A_1779, %add3A_30 : vector<1x256xf32>
    %mul3A_1781 = vector.broadcast %mul3A_1780 : vector<1x256xf32> to vector<256x256xf32>
    %mul3A_1782 = vector.broadcast %concatenate3A_1777 : vector<256x1xf32> to vector<256x256xf32>
    %mul3A_1783 = arith.mulf %mul3A_1781, %mul3A_1782 : vector<256x256xf32>
    %add3A_1784 = arith.constant 9.99999993E-9 : f32
    %add3A_1785 = vector.broadcast %add3A_1784 : f32 to vector<256x256xf32>
    %add3A_1786 = arith.addf %mul3A_1783, %add3A_1785 : vector<256x256xf32>
    %neg3A_1787 = arith.constant 0.000000e+00 : f32
    %neg3A_1788 = vector.broadcast %neg3A_1787 : f32 to vector<256x256xf32>
    %neg3A_1789 = arith.subf %neg3A_1788, %add3A_1786 : vector<256x256xf32>
    %exp3A_1790 = math.exp %neg3A_1789 : vector<256x256xf32>
    %sub3A_1791 = arith.constant 1.000000e+00 : f32
    %sub3A_1792 = vector.broadcast %sub3A_1791 : f32 to vector<256x256xf32>
    %sub3A_1793 = arith.subf %sub3A_1792, %exp3A_1790 : vector<256x256xf32>
    %mul3A_1794 = arith.constant 2.500000e-01 : f32
    %mul3A_1795 = vector.broadcast %mul3A_1794 : f32 to vector<256x256xf32>
    %mul3A_1796 = arith.mulf %sub3A_1793, %mul3A_1795 : vector<256x256xf32>
    %add3A_1797 = arith.addf %slice3A_1772, %slice3A_1773 : vector<256x256xf32>
    %add3A_1798 = arith.addf %add3A_1797, %slice3A_1774 : vector<256x256xf32>
    %add3A_1799 = arith.addf %add3A_1798, %slice3A_1775 : vector<256x256xf32>
    %mul3A_1800 = arith.mulf %mul3A_1796, %add3A_1799 : vector<256x256xf32>
    %mul3A_1801 = arith.mulf %exp3A_1790, %slice3A_1772 : vector<256x256xf32>
    %add3A_1802 = arith.addf %mul3A_1800, %mul3A_1801 : vector<256x256xf32>
    %mul3A_1803 = arith.mulf %exp3A_1790, %slice3A_1773 : vector<256x256xf32>
    %add3A_1804 = arith.addf %mul3A_1800, %mul3A_1803 : vector<256x256xf32>
    %mul3A_1805 = arith.mulf %exp3A_1790, %slice3A_1774 : vector<256x256xf32>
    %add3A_1806 = arith.addf %mul3A_1800, %mul3A_1805 : vector<256x256xf32>
    %mul3A_1807 = arith.mulf %exp3A_1790, %slice3A_1775 : vector<256x256xf32>
    %add3A_1808 = arith.addf %mul3A_1800, %mul3A_1807 : vector<256x256xf32>
    %slice3A_1809 = vector.extract_strided_slice %add3A_1802 {offsets = [0, 0], sizes = [128, 256], strides = [1, 1]} : vector<256x256xf32> to vector<128x256xf32>
    %slice3A_1810 = vector.extract_strided_slice %add3A_1802 {offsets = [128, 0], sizes = [128, 256], strides = [1, 1]} : vector<256x256xf32> to vector<128x256xf32>
    %mul3A_1811 = arith.mulf %slice3A_1809, %slice3A_1810 : vector<128x256xf32>
    %slice3A_1812 = vector.extract_strided_slice %add3A_1804 {offsets = [0, 0], sizes = [128, 256], strides = [1, 1]} : vector<256x256xf32> to vector<128x256xf32>
    %slice3A_1813 = vector.extract_strided_slice %add3A_1804 {offsets = [128, 0], sizes = [128, 256], strides = [1, 1]} : vector<256x256xf32> to vector<128x256xf32>
    %mul3A_1814 = arith.mulf %slice3A_1812, %slice3A_1813 : vector<128x256xf32>
    %slice3A_1815 = vector.extract_strided_slice %add3A_1806 {offsets = [0, 0], sizes = [128, 256], strides = [1, 1]} : vector<256x256xf32> to vector<128x256xf32>
    %slice3A_1816 = vector.extract_strided_slice %add3A_1806 {offsets = [128, 0], sizes = [128, 256], strides = [1, 1]} : vector<256x256xf32> to vector<128x256xf32>
    %mul3A_1817 = arith.mulf %slice3A_1815, %slice3A_1816 : vector<128x256xf32>
    %slice3A_1818 = vector.extract_strided_slice %add3A_1808 {offsets = [0, 0], sizes = [128, 256], strides = [1, 1]} : vector<256x256xf32> to vector<128x256xf32>
    %slice3A_1819 = vector.extract_strided_slice %add3A_1808 {offsets = [128, 0], sizes = [128, 256], strides = [1, 1]} : vector<256x256xf32> to vector<128x256xf32>
    %mul3A_1820 = arith.mulf %slice3A_1818, %slice3A_1819 : vector<128x256xf32>
    %slice3A_1821 = vector.extract_strided_slice %slice3A_1776 {offsets = [0, 0], sizes = [128, 256], strides = [1, 1]} : vector<256x256xf32> to vector<128x256xf32>
    %slice3A_1822 = vector.extract_strided_slice %slice3A_1776 {offsets = [128, 0], sizes = [128, 256], strides = [1, 1]} : vector<256x256xf32> to vector<128x256xf32>
    %add3A_1823 = arith.addf %slice3A_1821, %slice3A_1822 : vector<128x256xf32>
    %max3A_1824 = arith.maximumf %mul3A_1811, %mul3A_1814 : vector<128x256xf32>
    %max3A_1825 = arith.maximumf %mul3A_1817, %mul3A_1820 : vector<128x256xf32>
    %max3A_1826 = arith.maximumf %max3A_1824, %max3A_1825 : vector<128x256xf32>
    %div3A_1827 = arith.constant 1.000000e+00 : f32
    %div3A_1828 = vector.broadcast %div3A_1827 : f32 to vector<128x256xf32>
    %div3A_1829 = arith.divf %div3A_1828, %max3A_1826 : vector<128x256xf32>
    %mul3A_1830 = arith.mulf %mul3A_1811, %div3A_1829 : vector<128x256xf32>
    %mul3A_1831 = arith.mulf %mul3A_1814, %div3A_1829 : vector<128x256xf32>
    %mul3A_1832 = arith.mulf %mul3A_1817, %div3A_1829 : vector<128x256xf32>
    %mul3A_1833 = arith.mulf %mul3A_1820, %div3A_1829 : vector<128x256xf32>
    %log3A_1834 = math.log %max3A_1826 : vector<128x256xf32>
    %add3A_1835 = arith.addf %add3A_1823, %log3A_1834 : vector<128x256xf32>
    %add3A_1836 = arith.addf %mul3A_1830, %mul3A_1831 : vector<128x256xf32>
    %add3A_1837 = arith.addf %add3A_1836, %mul3A_1832 : vector<128x256xf32>
    %add3A_1838 = arith.addf %add3A_1837, %mul3A_1833 : vector<128x256xf32>
    %log3A_1839 = math.log %add3A_1838 : vector<128x256xf32>
    %add3A_1840 = arith.addf %add3A_1835, %log3A_1839 : vector<128x256xf32>
    %sub3A_1841 = arith.constant 1.38629436 : f32
    %sub3A_1842 = vector.broadcast %sub3A_1841 : f32 to vector<128x256xf32>
    %sub3A_1843 = arith.subf %add3A_1840, %sub3A_1842 : vector<128x256xf32>
    %reduce_sum3A_1844 = arith.constant dense<0.000000e+00> : vector<128xf32>
    %reduce_sum3A_1845 = vector.multi_reduction <add>, %sub3A_1843, %reduce_sum3A_1844 [1] : vector<128x256xf32> to vector<128xf32>
    %broadcast_in_dim3A_1846 = vector.shape_cast %reduce_sum3A_1845 : vector<128xf32> to vector<128x1xf32>
    %broadcast_in_dim3A_1847 = arith.constant 0.000000e+00 : f32
    %broadcast_in_dim3A_1848 = vector.broadcast %broadcast_in_dim3A_1847 : f32 to vector<128x63xf32>
    %concatenate3A_1849 = tpu.concatenate %mul3A_1830, %mul3A_1831, %mul3A_1832, %mul3A_1833, %add3A_1835, %tanh3A_1771, %broadcast_in_dim3A_1846, %broadcast_in_dim3A_1848 in 1 : vector<128x256xf32>, vector<128x256xf32>, vector<128x256xf32>, vector<128x256xf32>, vector<128x256xf32>, vector<128x64xf32>, vector<128x1xf32>, vector<128x63xf32> -> vector<128x1408xf32>
    %convert_element_type3A_1850 = arith.truncf %concatenate3A_1849 : vector<128x1408xf32> to vector<128x1408xbf16>
    %convert_element_type3A_1851 = arith.extf %convert_element_type3A_1850 : vector<128x1408xbf16> to vector<128x1408xf32>
    %sub3A_1852 = arith.subf %concatenate3A_1849, %convert_element_type3A_1851 : vector<128x1408xf32>
    %convert_element_type3A_1853 = arith.truncf %sub3A_1852 : vector<128x1408xf32> to vector<128x1408xbf16>
    %convert_element_type3A_1854 = arith.extf %convert_element_type3A_1853 : vector<128x1408xbf16> to vector<128x1408xf32>
    %sub3A_1855 = arith.subf %sub3A_1852, %convert_element_type3A_1854 : vector<128x1408xf32>
    %convert_element_type3A_1856 = arith.truncf %sub3A_1855 : vector<128x1408xf32> to vector<128x1408xbf16>
    %swap3A_1857 = arith.constant 656 : index
    %swap3A_1858 = arith.constant 0 : index
    %swap3A_1859 = vector.load %arg18[%swap3A_1857, %swap3A_1858] : memref<1936x1408xbf16, #tpu.memory_space<vmem>>, vector<128x1408xbf16>
    tpu.vector_store %arg18[%swap3A_1857, %swap3A_1858], %convert_element_type3A_1850 {strides = array<i32>} : memref<1936x1408xbf16, #tpu.memory_space<vmem>>, vector<128x1408xbf16>,
    %swap3A_1860 = arith.constant 656 : index
    %swap3A_1861 = arith.constant 0 : index
    %swap3A_1862 = vector.load %arg19[%swap3A_1860, %swap3A_1861] : memref<1936x1408xbf16, #tpu.memory_space<vmem>>, vector<128x1408xbf16>
    tpu.vector_store %arg19[%swap3A_1860, %swap3A_1861], %convert_element_type3A_1853 {strides = array<i32>} : memref<1936x1408xbf16, #tpu.memory_space<vmem>>, vector<128x1408xbf16>,
    %swap3A_1863 = arith.constant 656 : index
    %swap3A_1864 = arith.constant 0 : index
    %swap3A_1865 = vector.load %arg20[%swap3A_1863, %swap3A_1864] : memref<1936x1408xbf16, #tpu.memory_space<vmem>>, vector<128x1408xbf16>
    tpu.vector_store %arg20[%swap3A_1863, %swap3A_1864], %convert_element_type3A_1856 {strides = array<i32>} : memref<1936x1408xbf16, #tpu.memory_space<vmem>>, vector<128x1408xbf16>,
    %sub3A_1866 = arith.subf %slice3A_1651, %slice3A_1705 : vector<128x1xf32>
    %sub3A_1867 = arith.subf %sub3A_1866, %slice3A_1706 : vector<128x1xf32>
    %add3A_1868 = arith.addf %sub3A_1867, %broadcast_in_dim3A_1846 : vector<128x1xf32>
    %add3A_1869 = arith.addf %add3A_1741, %add3A_1767 : vector<128x1xf32>
    %div3A_1870 = arith.constant 1.000000e-01 : f32
    %div3A_1871 = vector.broadcast %div3A_1870 : f32 to vector<128x1xf32>
    %div3A_1872 = arith.divf %add3A_1869, %div3A_1871 : vector<128x1xf32>
    %sub3A_1873 = arith.constant 4.60517025 : f32
    %sub3A_1874 = vector.broadcast %sub3A_1873 : f32 to vector<128x1xf32>
    %sub3A_1875 = arith.subf %sub3A_1874, %div3A_1872 : vector<128x1xf32>
    %sub3A_1876 = arith.subf %add3A_1868, %slice3A_1651 : vector<128x1xf32>
    %add3A_1877 = arith.addf %sub3A_1876, %sub3A_1875 : vector<128x1xf32>
    %add3A_1878 = arith.constant 4.00733328 : f32
    %add3A_1879 = vector.broadcast %add3A_1878 : f32 to vector<128x1xf32>
    %add3A_1880 = arith.addf %add3A_1877, %add3A_1879 : vector<128x1xf32>
    %reduce_max3A_1881 = vector.shape_cast %add3A_1880 : vector<128x1xf32> to vector<1x128x1xf32>
    %reduce_max3A_1882 = arith.constant dense<0xFF800000> : vector<1xf32>
    %reduce_max3A_1883 = vector.multi_reduction <maximumf>, %reduce_max3A_1881, %reduce_max3A_1882 [1, 2] : vector<1x128x1xf32> to vector<1xf32>
    %reduce_max3A_1884 = vector.shape_cast %reduce_max3A_1883 : vector<1xf32> to vector<1x1x1xf32>
    %reduce_max3A_1885 = vector.extract %reduce_max3A_1884[0, 0, 0] : f32 from vector<1x1x1xf32>
    %sub3A_1886 = vector.broadcast %reduce_max3A_1885 : f32 to vector<128x1xf32>
    %sub3A_1887 = arith.subf %add3A_1880, %sub3A_1886 : vector<128x1xf32>
    %exp3A_1888 = math.exp %sub3A_1887 : vector<128x1xf32>
    %reduce_sum3A_1889 = vector.shape_cast %exp3A_1888 : vector<128x1xf32> to vector<1x128x1xf32>
    %reduce_sum3A_1890 = arith.constant dense<0.000000e+00> : vector<1xf32>
    %reduce_sum3A_1891 = vector.multi_reduction <add>, %reduce_sum3A_1889, %reduce_sum3A_1890 [1, 2] : vector<1x128x1xf32> to vector<1xf32>
    %reduce_sum3A_1892 = vector.shape_cast %reduce_sum3A_1891 : vector<1xf32> to vector<1x1x1xf32>
    %reduce_sum3A_1893 = vector.extract %reduce_sum3A_1892[0, 0, 0] : f32 from vector<1x1x1xf32>
    %log3A_1894 = math.log %reduce_sum3A_1893 : f32
    %add3A_1895 = arith.addf %reduce_max3A_1885, %log3A_1894 : f32
    %sub3A_1896 = arith.constant 4.85203028 : f32
    %sub3A_1897 = arith.subf %add3A_1895, %sub3A_1896 : f32
    %add3A_1898 = vector.broadcast %sub3A_1897 : f32 to vector<1x1xf32>
    %add3A_1899 = arith.addf %add3A_1594, %add3A_1898 : vector<1x1xf32>
    %slice3A_1900 = vector.extract_strided_slice %round3A_1650 {offsets = [0, 1], sizes = [128, 15], strides = [1, 1]} : vector<128x16xf32> to vector<128x15xf32>
    %slice3A_1901 = vector.extract_strided_slice %round3A_1650 {offsets = [0, 0], sizes = [128, 1], strides = [1, 1]} : vector<128x16xf32> to vector<128x1xf32>
    %concatenate3A_1902 = tpu.concatenate %slice3A_1900, %slice3A_1901 in 1 : vector<128x15xf32>, vector<128x1xf32> -> vector<128x16xf32>
    %slice3A_1903 = vector.extract_strided_slice %round3A_1650 {offsets = [0, 2], sizes = [128, 14], strides = [1, 1]} : vector<128x16xf32> to vector<128x14xf32>
    %slice3A_1904 = vector.extract_strided_slice %round3A_1650 {offsets = [0, 0], sizes = [128, 2], strides = [1, 1]} : vector<128x16xf32> to vector<128x2xf32>
    %concatenate3A_1905 = tpu.concatenate %slice3A_1903, %slice3A_1904 in 1 : vector<128x14xf32>, vector<128x2xf32> -> vector<128x16xf32>
    %lt3A_1906 = vector.broadcast %convert_element_type3A_3 : vector<1x16xf32> to vector<128x16xf32>
    %lt3A_1907 = vector.broadcast %get3A_1654 : vector<128x1xf32> to vector<128x16xf32>
    %lt3A_1908 = arith.cmpf olt, %lt3A_1906, %lt3A_1907 : vector<128x16xf32>
    %sub3A_1909 = arith.constant 1.000000e+00 : f32
    %sub3A_1910 = vector.broadcast %sub3A_1909 : f32 to vector<128x1xf32>
    %sub3A_1911 = arith.subf %get3A_1657, %sub3A_1910 : vector<128x1xf32>
    %lt3A_1912 = vector.broadcast %convert_element_type3A_3 : vector<1x16xf32> to vector<128x16xf32>
    %lt3A_1913 = vector.broadcast %sub3A_1911 : vector<128x1xf32> to vector<128x16xf32>
    %lt3A_1914 = arith.cmpf olt, %lt3A_1912, %lt3A_1913 : vector<128x16xf32>
    %select_n3A_1915 = arith.select %lt3A_1914, %concatenate3A_1902, %concatenate3A_1905 : vector<128x16xi1>, vector<128x16xf32>
    %select_n3A_1916 = arith.select %lt3A_1908, %round3A_1650, %select_n3A_1915 : vector<128x16xi1>, vector<128x16xf32>
    %add3A_1917 = arith.constant 6.560000e+02 : f32
    %add3A_1918 = vector.broadcast %add3A_1917 : f32 to vector<128x1xf32>
    %add3A_1919 = arith.addf %add3A_1918, %convert_element_type3A : vector<128x1xf32>
    %eq3A_1920 = arith.constant 9.000000e+00 : f32
    %eq3A_1921 = vector.broadcast %eq3A_1920 : f32 to vector<1x16xf32>
    %eq3A_1922 = arith.cmpf oeq, %convert_element_type3A_3, %eq3A_1921 : vector<1x16xf32>
    %broadcast_in_dim3A_1923 = vector.shape_cast %eq3A_1922 : vector<1x16xi1> to vector<1x16xi1>
    %broadcast_in_dim3A_1924 = vector.broadcast %broadcast_in_dim3A_1923 : vector<1x16xi1> to vector<128x16xi1>
    %broadcast_in_dim3A_1925 = vector.shape_cast %add3A_1919 : vector<128x1xf32> to vector<128x1xf32>
    %broadcast_in_dim3A_1926 = vector.broadcast %broadcast_in_dim3A_1925 : vector<128x1xf32> to vector<128x16xf32>
    %select_n3A_1927 = arith.select %broadcast_in_dim3A_1924, %broadcast_in_dim3A_1926, %select_n3A_1916 : vector<128x16xi1>, vector<128x16xf32>
    %get3A_1928 = arith.constant 768 : index
    %get3A_1929 = arith.constant 0 : index
    %get3A_1930 = vector.load %arg0[%get3A_1928, %get3A_1929] : memref<1920x128xf32, #tpu.memory_space<vmem>>, vector<128x128xf32>
    %add3A_1931 = vector.broadcast %add3A_1880 : vector<128x1xf32> to vector<128x128xf32>
    %add3A_1932 = arith.addf %get3A_1930, %add3A_1931 : vector<128x128xf32>
    %reduce_max3A_1933 = arith.constant dense<0xFF800000> : vector<128xf32>
    %reduce_max3A_1934 = vector.multi_reduction <maximumf>, %add3A_1932, %reduce_max3A_1933 [0] : vector<128x128xf32> to vector<128xf32>
    %broadcast_in_dim3A_1935 = vector.shape_cast %reduce_max3A_1934 : vector<128xf32> to vector<1x128xf32>
    %eq3A_1936 = vector.broadcast %broadcast_in_dim3A_1935 : vector<1x128xf32> to vector<128x128xf32>
    %eq3A_1937 = arith.cmpf oeq, %add3A_1932, %eq3A_1936 : vector<128x128xf32>
    %jit3A_1938 = arith.constant 1.280000e+02 : f32
    %broadcast_in_dim3A_1939 = vector.shape_cast %convert_element_type3A : vector<128x1xf32> to vector<128x1xf32>
    %broadcast_in_dim3A_1940 = vector.broadcast %broadcast_in_dim3A_1939 : vector<128x1xf32> to vector<128x128xf32>
    %broadcast_in_dim3A_1941 = vector.broadcast %jit3A_1938 : f32 to vector<128x128xf32>
    %select_n3A_1942 = arith.select %eq3A_1937, %broadcast_in_dim3A_1940, %broadcast_in_dim3A_1941 : vector<128x128xi1>, vector<128x128xf32>
    %reduce_min3A_1943 = arith.constant dense<0x7F800000> : vector<128xf32>
    %reduce_min3A_1944 = vector.multi_reduction <minimumf>, %select_n3A_1942, %reduce_min3A_1943 [0] : vector<128x128xf32> to vector<128xf32>
    %broadcast_in_dim3A_1945 = vector.shape_cast %reduce_min3A_1944 : vector<128xf32> to vector<1x128xf32>
    %eq3A_1946 = vector.broadcast %convert_element_type3A : vector<128x1xf32> to vector<128x128xf32>
    %eq3A_1947 = vector.broadcast %broadcast_in_dim3A_1945 : vector<1x128xf32> to vector<128x128xf32>
    %eq3A_1948 = arith.cmpf oeq, %eq3A_1946, %eq3A_1947 : vector<128x128xf32>
    %convert_element_type3A_1949 = arith.extui %eq3A_1948 : vector<128x128xi1> to vector<128x128xi32>
    %convert_element_type3A_1950 = arith.sitofp %convert_element_type3A_1949 : vector<128x128xi32> to vector<128x128xf32>
    %concatenate3A_1951 = tpu.concatenate %select_n3A_1927, %add3A_1868 in 1 : vector<128x16xf32>, vector<128x1xf32> -> vector<128x17xf32>
    %dot_general3A_1952 = arith.constant dense<0.000000e+00> : vector<128x17xf32>
    %dot_general3A_1953 = tpu.matmul %convert_element_type3A_1950, %concatenate3A_1951, %dot_general3A_1952 {dimension_numbers = #tpu.dot_dimension_numbers<[0], [0], [1], [1], [0, 1, 1, 1], [], []>, precision = #tpu.contract_precision<fp32>, transpose_lhs_hint = false} : vector<128x128xf32>, vector<128x17xf32>, vector<128x17xf32> -> vector<128x17xf32>
    %slice3A_1954 = vector.extract_strided_slice %dot_general3A_1953 {offsets = [0, 0], sizes = [128, 16], strides = [1, 1]} : vector<128x17xf32> to vector<128x16xf32>
    %round3A_1955 = math.roundeven %slice3A_1954 : vector<128x16xf32>
    %slice3A_1956 = vector.extract_strided_slice %dot_general3A_1953 {offsets = [0, 16], sizes = [128, 1], strides = [1, 1]} : vector<128x17xf32> to vector<128x1xf32>
    %get3A_1957 = arith.constant 0 : index
    %get3A_1958 = arith.constant 6 : index
    %get3A_1959 = vector.load %arg1[%get3A_1957, %get3A_1958] : memref<128x16xf32, #tpu.memory_space<vmem>>, vector<128x1xf32>
    %get3A_1960 = arith.constant 0 : index
    %get3A_1961 = arith.constant 6 : index
    %get3A_1962 = vector.load %arg2[%get3A_1960, %get3A_1961] : memref<128x16xf32, #tpu.memory_space<vmem>>, vector<128x1xf32>
    %eq3A_1963 = vector.broadcast %convert_element_type3A_3 : vector<1x16xf32> to vector<128x16xf32>
    %eq3A_1964 = vector.broadcast %get3A_1959 : vector<128x1xf32> to vector<128x16xf32>
    %eq3A_1965 = arith.cmpf oeq, %eq3A_1963, %eq3A_1964 : vector<128x16xf32>
    %convert_element_type3A_1966 = arith.extui %eq3A_1965 : vector<128x16xi1> to vector<128x16xi32>
    %convert_element_type3A_1967 = arith.sitofp %convert_element_type3A_1966 : vector<128x16xi32> to vector<128x16xf32>
    %eq3A_1968 = vector.broadcast %convert_element_type3A_3 : vector<1x16xf32> to vector<128x16xf32>
    %eq3A_1969 = vector.broadcast %get3A_1962 : vector<128x1xf32> to vector<128x16xf32>
    %eq3A_1970 = arith.cmpf oeq, %eq3A_1968, %eq3A_1969 : vector<128x16xf32>
    %convert_element_type3A_1971 = arith.extui %eq3A_1970 : vector<128x16xi1> to vector<128x16xi32>
    %convert_element_type3A_1972 = arith.sitofp %convert_element_type3A_1971 : vector<128x16xi32> to vector<128x16xf32>
    %mul3A_1973 = arith.mulf %convert_element_type3A_1967, %round3A_1955 : vector<128x16xf32>
    %reduce_sum3A_1974 = arith.constant dense<0.000000e+00> : vector<128xf32>
    %reduce_sum3A_1975 = vector.multi_reduction <add>, %mul3A_1973, %reduce_sum3A_1974 [1] : vector<128x16xf32> to vector<128xf32>
    %broadcast_in_dim3A_1976 = vector.shape_cast %reduce_sum3A_1975 : vector<128xf32> to vector<128x1xf32>
    %round3A_1977 = math.roundeven %broadcast_in_dim3A_1976 : vector<128x1xf32>
    %mul3A_1978 = arith.mulf %convert_element_type3A_1972, %round3A_1955 : vector<128x16xf32>
    %reduce_sum3A_1979 = arith.constant dense<0.000000e+00> : vector<128xf32>
    %reduce_sum3A_1980 = vector.multi_reduction <add>, %mul3A_1978, %reduce_sum3A_1979 [1] : vector<128x16xf32> to vector<128xf32>
    %broadcast_in_dim3A_1981 = vector.shape_cast %reduce_sum3A_1980 : vector<128xf32> to vector<128x1xf32>
    %round3A_1982 = math.roundeven %broadcast_in_dim3A_1981 : vector<128x1xf32>
    %concatenate3A_1983 = tpu.concatenate %round3A_1977, %round3A_1982 in 0 : vector<128x1xf32>, vector<128x1xf32> -> vector<256x1xf32>
    %slice3A_1984 = vector.extract_strided_slice %convert_element_type3A_5 {offsets = [0, 0], sizes = [1, 784], strides = [1, 1]} : vector<1x1936xf32> to vector<1x784xf32>
    %eq3A_1985 = vector.broadcast %slice3A_1984 : vector<1x784xf32> to vector<256x784xf32>
    %eq3A_1986 = vector.broadcast %concatenate3A_1983 : vector<256x1xf32> to vector<256x784xf32>
    %eq3A_1987 = arith.cmpf oeq, %eq3A_1985, %eq3A_1986 : vector<256x784xf32>
    %convert_element_type3A_1988 = arith.extui %eq3A_1987 : vector<256x784xi1> to vector<256x784xi32>
    %convert_element_type3A_1989 = arith.sitofp %convert_element_type3A_1988 : vector<256x784xi32> to vector<256x784xf32>
    %convert_element_type3A_1990 = arith.truncf %convert_element_type3A_1989 : vector<256x784xf32> to vector<256x784xbf16>
    %get3A_1991 = arith.constant 0 : index
    %get3A_1992 = arith.constant 0 : index
    %get3A_1993 = vector.load %arg18[%get3A_1991, %get3A_1992] : memref<1936x1408xbf16, #tpu.memory_space<vmem>>, vector<784x1408xbf16>
    %dot_general3A_1994 = arith.constant dense<0.000000e+00> : vector<256x1408xf32>
    %dot_general3A_1995 = tpu.matmul %convert_element_type3A_1990, %get3A_1993, %dot_general3A_1994 {dimension_numbers = #tpu.dot_dimension_numbers<[1], [0], [0], [1], [0, 0, 1, 1], [], []>, transpose_lhs_hint = false} : vector<256x784xbf16>, vector<784x1408xbf16>, vector<256x1408xf32> -> vector<256x1408xf32>
    %get3A_1996 = arith.constant 0 : index
    %get3A_1997 = arith.constant 0 : index
    %get3A_1998 = vector.load %arg19[%get3A_1996, %get3A_1997] : memref<1936x1408xbf16, #tpu.memory_space<vmem>>, vector<784x1408xbf16>
    %dot_general3A_1999 = arith.constant dense<0.000000e+00> : vector<256x1408xf32>
    %dot_general3A_2000 = tpu.matmul %convert_element_type3A_1990, %get3A_1998, %dot_general3A_1999 {dimension_numbers = #tpu.dot_dimension_numbers<[1], [0], [0], [1], [0, 0, 1, 1], [], []>, transpose_lhs_hint = false} : vector<256x784xbf16>, vector<784x1408xbf16>, vector<256x1408xf32> -> vector<256x1408xf32>
    %add3A_2001 = arith.addf %dot_general3A_1995, %dot_general3A_2000 : vector<256x1408xf32>
    %get3A_2002 = arith.constant 0 : index
    %get3A_2003 = arith.constant 0 : index
    %get3A_2004 = vector.load %arg20[%get3A_2002, %get3A_2003] : memref<1936x1408xbf16, #tpu.memory_space<vmem>>, vector<784x1408xbf16>
    %dot_general3A_2005 = arith.constant dense<0.000000e+00> : vector<256x1408xf32>
    %dot_general3A_2006 = tpu.matmul %convert_element_type3A_1990, %get3A_2004, %dot_general3A_2005 {dimension_numbers = #tpu.dot_dimension_numbers<[1], [0], [0], [1], [0, 0, 1, 1], [], []>, transpose_lhs_hint = false} : vector<256x784xbf16>, vector<784x1408xbf16>, vector<256x1408xf32> -> vector<256x1408xf32>
    %add3A_2007 = arith.addf %add3A_2001, %dot_general3A_2006 : vector<256x1408xf32>
    %slice3A_2008 = vector.extract_strided_slice %add3A_2007 {offsets = [0, 1280], sizes = [128, 64], strides = [1, 1]} : vector<256x1408xf32> to vector<128x64xf32>
    %slice3A_2009 = vector.extract_strided_slice %add3A_2007 {offsets = [128, 1280], sizes = [128, 64], strides = [1, 1]} : vector<256x1408xf32> to vector<128x64xf32>
    %slice3A_2010 = vector.extract_strided_slice %add3A_2007 {offsets = [0, 1344], sizes = [128, 1], strides = [1, 1]} : vector<256x1408xf32> to vector<128x1xf32>
    %slice3A_2011 = vector.extract_strided_slice %add3A_2007 {offsets = [128, 1344], sizes = [128, 1], strides = [1, 1]} : vector<256x1408xf32> to vector<128x1xf32>
    %sub3A_2012 = arith.subf %slice3A_2008, %slice3A_2009 : vector<128x64xf32>
    %mul3A_2013 = arith.mulf %sub3A_2012, %sub3A_2012 : vector<128x64xf32>
    %reduce_sum3A_2014 = arith.constant dense<0.000000e+00> : vector<128xf32>
    %reduce_sum3A_2015 = vector.multi_reduction <add>, %mul3A_2013, %reduce_sum3A_2014 [1] : vector<128x64xf32> to vector<128xf32>
    %broadcast_in_dim3A_2016 = vector.shape_cast %reduce_sum3A_2015 : vector<128xf32> to vector<128x1xf32>
    %add3A_2017 = arith.constant 9.99999993E-9 : f32
    %add3A_2018 = vector.broadcast %add3A_2017 : f32 to vector<128x1xf32>
    %add3A_2019 = arith.addf %broadcast_in_dim3A_2016, %add3A_2018 : vector<128x1xf32>
    %sqrt3A_2020 = math.sqrt %add3A_2019 : vector<128x1xf32>
    %mul3A_2021 = vector.broadcast %slice3A_88 : vector<1x1xf32> to vector<128x1xf32>
    %mul3A_2022 = arith.mulf %mul3A_2021, %sqrt3A_2020 : vector<128x1xf32>
    %add3A_2023 = vector.broadcast %slice3A_89 : vector<1x1xf32> to vector<128x1xf32>
    %add3A_2024 = arith.addf %mul3A_2022, %add3A_2023 : vector<128x1xf32>
    %custom_jvp_call3A_2025 = arith.constant 0.000000e+00 : f32
    %max3A_2026 = vector.broadcast %custom_jvp_call3A_2025 : f32 to vector<128x1xf32>
    %max3A_2027 = arith.maximumf %add3A_2024, %max3A_2026 : vector<128x1xf32>
    %sub3A_2028 = vector.broadcast %custom_jvp_call3A_2025 : f32 to vector<128x1xf32>
    %sub3A_2029 = arith.subf %add3A_2024, %sub3A_2028 : vector<128x1xf32>
    %ne3A_2030 = arith.cmpf one, %sub3A_2029, %sub3A_2029 : vector<128x1xf32>
    %add3A_2031 = vector.broadcast %custom_jvp_call3A_2025 : f32 to vector<128x1xf32>
    %add3A_2032 = arith.addf %add3A_2024, %add3A_2031 : vector<128x1xf32>
    %abs3A_2033 = math.absf %sub3A_2029 : vector<128x1xf32>
    %neg3A_2034 = arith.constant 0.000000e+00 : f32
    %neg3A_2035 = vector.broadcast %neg3A_2034 : f32 to vector<128x1xf32>
    %neg3A_2036 = arith.subf %neg3A_2035, %abs3A_2033 : vector<128x1xf32>
    %exp3A_2037 = math.exp %neg3A_2036 : vector<128x1xf32>
    %log1p3A_2038 = math.log1p %exp3A_2037 : vector<128x1xf32>
    %add3A_2039 = arith.addf %max3A_2027, %log1p3A_2038 : vector<128x1xf32>
    %select_n3A_2040 = arith.select %ne3A_2030, %add3A_2032, %add3A_2039 : vector<128x1xi1>, vector<128x1xf32>
    %mul3A_2041 = arith.constant 1.000000e-01 : f32
    %mul3A_2042 = vector.broadcast %mul3A_2041 : f32 to vector<128x1xf32>
    %mul3A_2043 = arith.mulf %select_n3A_2040, %mul3A_2042 : vector<128x1xf32>
    %add3A_2044 = arith.constant 9.99999974E-5 : f32
    %add3A_2045 = vector.broadcast %add3A_2044 : f32 to vector<128x1xf32>
    %add3A_2046 = arith.addf %mul3A_2043, %add3A_2045 : vector<128x1xf32>
    %mul3A_2047 = vector.broadcast %slice3A_90 : vector<1x1xf32> to vector<128x1xf32>
    %mul3A_2048 = arith.mulf %mul3A_2047, %sqrt3A_2020 : vector<128x1xf32>
    %add3A_2049 = vector.broadcast %slice3A_91 : vector<1x1xf32> to vector<128x1xf32>
    %add3A_2050 = arith.addf %mul3A_2048, %add3A_2049 : vector<128x1xf32>
    %custom_jvp_call3A_2051 = arith.constant 0.000000e+00 : f32
    %max3A_2052 = vector.broadcast %custom_jvp_call3A_2051 : f32 to vector<128x1xf32>
    %max3A_2053 = arith.maximumf %add3A_2050, %max3A_2052 : vector<128x1xf32>
    %sub3A_2054 = vector.broadcast %custom_jvp_call3A_2051 : f32 to vector<128x1xf32>
    %sub3A_2055 = arith.subf %add3A_2050, %sub3A_2054 : vector<128x1xf32>
    %ne3A_2056 = arith.cmpf one, %sub3A_2055, %sub3A_2055 : vector<128x1xf32>
    %add3A_2057 = vector.broadcast %custom_jvp_call3A_2051 : f32 to vector<128x1xf32>
    %add3A_2058 = arith.addf %add3A_2050, %add3A_2057 : vector<128x1xf32>
    %abs3A_2059 = math.absf %sub3A_2055 : vector<128x1xf32>
    %neg3A_2060 = arith.constant 0.000000e+00 : f32
    %neg3A_2061 = vector.broadcast %neg3A_2060 : f32 to vector<128x1xf32>
    %neg3A_2062 = arith.subf %neg3A_2061, %abs3A_2059 : vector<128x1xf32>
    %exp3A_2063 = math.exp %neg3A_2062 : vector<128x1xf32>
    %log1p3A_2064 = math.log1p %exp3A_2063 : vector<128x1xf32>
    %add3A_2065 = arith.addf %max3A_2053, %log1p3A_2064 : vector<128x1xf32>
    %select_n3A_2066 = arith.select %ne3A_2056, %add3A_2058, %add3A_2065 : vector<128x1xi1>, vector<128x1xf32>
    %mul3A_2067 = arith.constant 1.000000e-01 : f32
    %mul3A_2068 = vector.broadcast %mul3A_2067 : f32 to vector<128x1xf32>
    %mul3A_2069 = arith.mulf %select_n3A_2066, %mul3A_2068 : vector<128x1xf32>
    %add3A_2070 = arith.constant 9.99999974E-5 : f32
    %add3A_2071 = vector.broadcast %add3A_2070 : f32 to vector<128x1xf32>
    %add3A_2072 = arith.addf %mul3A_2069, %add3A_2071 : vector<128x1xf32>
    %concatenate3A_2073 = tpu.concatenate %slice3A_2008, %slice3A_2009 in 1 : vector<128x64xf32>, vector<128x64xf32> -> vector<128x128xf32>
    %dot_general3A_2074 = arith.constant dense<0.000000e+00> : vector<128x64xf32>
    %dot_general3A_2075 = tpu.matmul %concatenate3A_2073, %get3A_94, %dot_general3A_2074 {dimension_numbers = #tpu.dot_dimension_numbers<[1], [0], [0], [1], [0, 0, 1, 1], [], []>, transpose_lhs_hint = false} : vector<128x128xf32>, vector<128x64xf32>, vector<128x64xf32> -> vector<128x64xf32>
    %tanh3A_2076 = math.tanh %dot_general3A_2075 : vector<128x64xf32>
    %slice3A_2077 = vector.extract_strided_slice %add3A_2007 {offsets = [0, 0], sizes = [256, 256], strides = [1, 1]} : vector<256x1408xf32> to vector<256x256xf32>
    %slice3A_2078 = vector.extract_strided_slice %add3A_2007 {offsets = [0, 256], sizes = [256, 256], strides = [1, 1]} : vector<256x1408xf32> to vector<256x256xf32>
    %slice3A_2079 = vector.extract_strided_slice %add3A_2007 {offsets = [0, 512], sizes = [256, 256], strides = [1, 1]} : vector<256x1408xf32> to vector<256x256xf32>
    %slice3A_2080 = vector.extract_strided_slice %add3A_2007 {offsets = [0, 768], sizes = [256, 256], strides = [1, 1]} : vector<256x1408xf32> to vector<256x256xf32>
    %slice3A_2081 = vector.extract_strided_slice %add3A_2007 {offsets = [0, 1024], sizes = [256, 256], strides = [1, 1]} : vector<256x1408xf32> to vector<256x256xf32>
    %concatenate3A_2082 = tpu.concatenate %add3A_2046, %add3A_2072 in 0 : vector<128x1xf32>, vector<128x1xf32> -> vector<256x1xf32>
    %mul3A_2083 = arith.constant 1.33333337 : f32
    %mul3A_2084 = vector.broadcast %mul3A_2083 : f32 to vector<1x256xf32>
    %mul3A_2085 = arith.mulf %mul3A_2084, %add3A_30 : vector<1x256xf32>
    %mul3A_2086 = vector.broadcast %mul3A_2085 : vector<1x256xf32> to vector<256x256xf32>
    %mul3A_2087 = vector.broadcast %concatenate3A_2082 : vector<256x1xf32> to vector<256x256xf32>
    %mul3A_2088 = arith.mulf %mul3A_2086, %mul3A_2087 : vector<256x256xf32>
    %add3A_2089 = arith.constant 9.99999993E-9 : f32
    %add3A_2090 = vector.broadcast %add3A_2089 : f32 to vector<256x256xf32>
    %add3A_2091 = arith.addf %mul3A_2088, %add3A_2090 : vector<256x256xf32>
    %neg3A_2092 = arith.constant 0.000000e+00 : f32
    %neg3A_2093 = vector.broadcast %neg3A_2092 : f32 to vector<256x256xf32>
    %neg3A_2094 = arith.subf %neg3A_2093, %add3A_2091 : vector<256x256xf32>
    %exp3A_2095 = math.exp %neg3A_2094 : vector<256x256xf32>
    %sub3A_2096 = arith.constant 1.000000e+00 : f32
    %sub3A_2097 = vector.broadcast %sub3A_2096 : f32 to vector<256x256xf32>
    %sub3A_2098 = arith.subf %sub3A_2097, %exp3A_2095 : vector<256x256xf32>
    %mul3A_2099 = arith.constant 2.500000e-01 : f32
    %mul3A_2100 = vector.broadcast %mul3A_2099 : f32 to vector<256x256xf32>
    %mul3A_2101 = arith.mulf %sub3A_2098, %mul3A_2100 : vector<256x256xf32>
    %add3A_2102 = arith.addf %slice3A_2077, %slice3A_2078 : vector<256x256xf32>
    %add3A_2103 = arith.addf %add3A_2102, %slice3A_2079 : vector<256x256xf32>
    %add3A_2104 = arith.addf %add3A_2103, %slice3A_2080 : vector<256x256xf32>
    %mul3A_2105 = arith.mulf %mul3A_2101, %add3A_2104 : vector<256x256xf32>
    %mul3A_2106 = arith.mulf %exp3A_2095, %slice3A_2077 : vector<256x256xf32>
    %add3A_2107 = arith.addf %mul3A_2105, %mul3A_2106 : vector<256x256xf32>
    %mul3A_2108 = arith.mulf %exp3A_2095, %slice3A_2078 : vector<256x256xf32>
    %add3A_2109 = arith.addf %mul3A_2105, %mul3A_2108 : vector<256x256xf32>
    %mul3A_2110 = arith.mulf %exp3A_2095, %slice3A_2079 : vector<256x256xf32>
    %add3A_2111 = arith.addf %mul3A_2105, %mul3A_2110 : vector<256x256xf32>
    %mul3A_2112 = arith.mulf %exp3A_2095, %slice3A_2080 : vector<256x256xf32>
    %add3A_2113 = arith.addf %mul3A_2105, %mul3A_2112 : vector<256x256xf32>
    %slice3A_2114 = vector.extract_strided_slice %add3A_2107 {offsets = [0, 0], sizes = [128, 256], strides = [1, 1]} : vector<256x256xf32> to vector<128x256xf32>
    %slice3A_2115 = vector.extract_strided_slice %add3A_2107 {offsets = [128, 0], sizes = [128, 256], strides = [1, 1]} : vector<256x256xf32> to vector<128x256xf32>
    %mul3A_2116 = arith.mulf %slice3A_2114, %slice3A_2115 : vector<128x256xf32>
    %slice3A_2117 = vector.extract_strided_slice %add3A_2109 {offsets = [0, 0], sizes = [128, 256], strides = [1, 1]} : vector<256x256xf32> to vector<128x256xf32>
    %slice3A_2118 = vector.extract_strided_slice %add3A_2109 {offsets = [128, 0], sizes = [128, 256], strides = [1, 1]} : vector<256x256xf32> to vector<128x256xf32>
    %mul3A_2119 = arith.mulf %slice3A_2117, %slice3A_2118 : vector<128x256xf32>
    %slice3A_2120 = vector.extract_strided_slice %add3A_2111 {offsets = [0, 0], sizes = [128, 256], strides = [1, 1]} : vector<256x256xf32> to vector<128x256xf32>
    %slice3A_2121 = vector.extract_strided_slice %add3A_2111 {offsets = [128, 0], sizes = [128, 256], strides = [1, 1]} : vector<256x256xf32> to vector<128x256xf32>
    %mul3A_2122 = arith.mulf %slice3A_2120, %slice3A_2121 : vector<128x256xf32>
    %slice3A_2123 = vector.extract_strided_slice %add3A_2113 {offsets = [0, 0], sizes = [128, 256], strides = [1, 1]} : vector<256x256xf32> to vector<128x256xf32>
    %slice3A_2124 = vector.extract_strided_slice %add3A_2113 {offsets = [128, 0], sizes = [128, 256], strides = [1, 1]} : vector<256x256xf32> to vector<128x256xf32>
    %mul3A_2125 = arith.mulf %slice3A_2123, %slice3A_2124 : vector<128x256xf32>
    %slice3A_2126 = vector.extract_strided_slice %slice3A_2081 {offsets = [0, 0], sizes = [128, 256], strides = [1, 1]} : vector<256x256xf32> to vector<128x256xf32>
    %slice3A_2127 = vector.extract_strided_slice %slice3A_2081 {offsets = [128, 0], sizes = [128, 256], strides = [1, 1]} : vector<256x256xf32> to vector<128x256xf32>
    %add3A_2128 = arith.addf %slice3A_2126, %slice3A_2127 : vector<128x256xf32>
    %max3A_2129 = arith.maximumf %mul3A_2116, %mul3A_2119 : vector<128x256xf32>
    %max3A_2130 = arith.maximumf %mul3A_2122, %mul3A_2125 : vector<128x256xf32>
    %max3A_2131 = arith.maximumf %max3A_2129, %max3A_2130 : vector<128x256xf32>
    %div3A_2132 = arith.constant 1.000000e+00 : f32
    %div3A_2133 = vector.broadcast %div3A_2132 : f32 to vector<128x256xf32>
    %div3A_2134 = arith.divf %div3A_2133, %max3A_2131 : vector<128x256xf32>
    %mul3A_2135 = arith.mulf %mul3A_2116, %div3A_2134 : vector<128x256xf32>
    %mul3A_2136 = arith.mulf %mul3A_2119, %div3A_2134 : vector<128x256xf32>
    %mul3A_2137 = arith.mulf %mul3A_2122, %div3A_2134 : vector<128x256xf32>
    %mul3A_2138 = arith.mulf %mul3A_2125, %div3A_2134 : vector<128x256xf32>
    %log3A_2139 = math.log %max3A_2131 : vector<128x256xf32>
    %add3A_2140 = arith.addf %add3A_2128, %log3A_2139 : vector<128x256xf32>
    %add3A_2141 = arith.addf %mul3A_2135, %mul3A_2136 : vector<128x256xf32>
    %add3A_2142 = arith.addf %add3A_2141, %mul3A_2137 : vector<128x256xf32>
    %add3A_2143 = arith.addf %add3A_2142, %mul3A_2138 : vector<128x256xf32>
    %log3A_2144 = math.log %add3A_2143 : vector<128x256xf32>
    %add3A_2145 = arith.addf %add3A_2140, %log3A_2144 : vector<128x256xf32>
    %sub3A_2146 = arith.constant 1.38629436 : f32
    %sub3A_2147 = vector.broadcast %sub3A_2146 : f32 to vector<128x256xf32>
    %sub3A_2148 = arith.subf %add3A_2145, %sub3A_2147 : vector<128x256xf32>
    %reduce_sum3A_2149 = arith.constant dense<0.000000e+00> : vector<128xf32>
    %reduce_sum3A_2150 = vector.multi_reduction <add>, %sub3A_2148, %reduce_sum3A_2149 [1] : vector<128x256xf32> to vector<128xf32>
    %broadcast_in_dim3A_2151 = vector.shape_cast %reduce_sum3A_2150 : vector<128xf32> to vector<128x1xf32>
    %broadcast_in_dim3A_2152 = arith.constant 0.000000e+00 : f32
    %broadcast_in_dim3A_2153 = vector.broadcast %broadcast_in_dim3A_2152 : f32 to vector<128x63xf32>
    %concatenate3A_2154 = tpu.concatenate %mul3A_2135, %mul3A_2136, %mul3A_2137, %mul3A_2138, %add3A_2140, %tanh3A_2076, %broadcast_in_dim3A_2151, %broadcast_in_dim3A_2153 in 1 : vector<128x256xf32>, vector<128x256xf32>, vector<128x256xf32>, vector<128x256xf32>, vector<128x256xf32>, vector<128x64xf32>, vector<128x1xf32>, vector<128x63xf32> -> vector<128x1408xf32>
    %convert_element_type3A_2155 = arith.truncf %concatenate3A_2154 : vector<128x1408xf32> to vector<128x1408xbf16>
    %convert_element_type3A_2156 = arith.extf %convert_element_type3A_2155 : vector<128x1408xbf16> to vector<128x1408xf32>
    %sub3A_2157 = arith.subf %concatenate3A_2154, %convert_element_type3A_2156 : vector<128x1408xf32>
    %convert_element_type3A_2158 = arith.truncf %sub3A_2157 : vector<128x1408xf32> to vector<128x1408xbf16>
    %convert_element_type3A_2159 = arith.extf %convert_element_type3A_2158 : vector<128x1408xbf16> to vector<128x1408xf32>
    %sub3A_2160 = arith.subf %sub3A_2157, %convert_element_type3A_2159 : vector<128x1408xf32>
    %convert_element_type3A_2161 = arith.truncf %sub3A_2160 : vector<128x1408xf32> to vector<128x1408xbf16>
    %swap3A_2162 = arith.constant 784 : index
    %swap3A_2163 = arith.constant 0 : index
    %swap3A_2164 = vector.load %arg18[%swap3A_2162, %swap3A_2163] : memref<1936x1408xbf16, #tpu.memory_space<vmem>>, vector<128x1408xbf16>
    tpu.vector_store %arg18[%swap3A_2162, %swap3A_2163], %convert_element_type3A_2155 {strides = array<i32>} : memref<1936x1408xbf16, #tpu.memory_space<vmem>>, vector<128x1408xbf16>,
    %swap3A_2165 = arith.constant 784 : index
    %swap3A_2166 = arith.constant 0 : index
    %swap3A_2167 = vector.load %arg19[%swap3A_2165, %swap3A_2166] : memref<1936x1408xbf16, #tpu.memory_space<vmem>>, vector<128x1408xbf16>
    tpu.vector_store %arg19[%swap3A_2165, %swap3A_2166], %convert_element_type3A_2158 {strides = array<i32>} : memref<1936x1408xbf16, #tpu.memory_space<vmem>>, vector<128x1408xbf16>,
    %swap3A_2168 = arith.constant 784 : index
    %swap3A_2169 = arith.constant 0 : index
    %swap3A_2170 = vector.load %arg20[%swap3A_2168, %swap3A_2169] : memref<1936x1408xbf16, #tpu.memory_space<vmem>>, vector<128x1408xbf16>
    tpu.vector_store %arg20[%swap3A_2168, %swap3A_2169], %convert_element_type3A_2161 {strides = array<i32>} : memref<1936x1408xbf16, #tpu.memory_space<vmem>>, vector<128x1408xbf16>,
    %sub3A_2171 = arith.subf %slice3A_1956, %slice3A_2010 : vector<128x1xf32>
    %sub3A_2172 = arith.subf %sub3A_2171, %slice3A_2011 : vector<128x1xf32>
    %add3A_2173 = arith.addf %sub3A_2172, %broadcast_in_dim3A_2151 : vector<128x1xf32>
    %add3A_2174 = arith.addf %add3A_2046, %add3A_2072 : vector<128x1xf32>
    %div3A_2175 = arith.constant 1.000000e-01 : f32
    %div3A_2176 = vector.broadcast %div3A_2175 : f32 to vector<128x1xf32>
    %div3A_2177 = arith.divf %add3A_2174, %div3A_2176 : vector<128x1xf32>
    %sub3A_2178 = arith.constant 4.60517025 : f32
    %sub3A_2179 = vector.broadcast %sub3A_2178 : f32 to vector<128x1xf32>
    %sub3A_2180 = arith.subf %sub3A_2179, %div3A_2177 : vector<128x1xf32>
    %sub3A_2181 = arith.subf %add3A_2173, %slice3A_1956 : vector<128x1xf32>
    %add3A_2182 = arith.addf %sub3A_2181, %sub3A_2180 : vector<128x1xf32>
    %add3A_2183 = arith.constant 3.80666256 : f32
    %add3A_2184 = vector.broadcast %add3A_2183 : f32 to vector<128x1xf32>
    %add3A_2185 = arith.addf %add3A_2182, %add3A_2184 : vector<128x1xf32>
    %reduce_max3A_2186 = vector.shape_cast %add3A_2185 : vector<128x1xf32> to vector<1x128x1xf32>
    %reduce_max3A_2187 = arith.constant dense<0xFF800000> : vector<1xf32>
    %reduce_max3A_2188 = vector.multi_reduction <maximumf>, %reduce_max3A_2186, %reduce_max3A_2187 [1, 2] : vector<1x128x1xf32> to vector<1xf32>
    %reduce_max3A_2189 = vector.shape_cast %reduce_max3A_2188 : vector<1xf32> to vector<1x1x1xf32>
    %reduce_max3A_2190 = vector.extract %reduce_max3A_2189[0, 0, 0] : f32 from vector<1x1x1xf32>
    %sub3A_2191 = vector.broadcast %reduce_max3A_2190 : f32 to vector<128x1xf32>
    %sub3A_2192 = arith.subf %add3A_2185, %sub3A_2191 : vector<128x1xf32>
    %exp3A_2193 = math.exp %sub3A_2192 : vector<128x1xf32>
    %reduce_sum3A_2194 = vector.shape_cast %exp3A_2193 : vector<128x1xf32> to vector<1x128x1xf32>
    %reduce_sum3A_2195 = arith.constant dense<0.000000e+00> : vector<1xf32>
    %reduce_sum3A_2196 = vector.multi_reduction <add>, %reduce_sum3A_2194, %reduce_sum3A_2195 [1, 2] : vector<1x128x1xf32> to vector<1xf32>
    %reduce_sum3A_2197 = vector.shape_cast %reduce_sum3A_2196 : vector<1xf32> to vector<1x1x1xf32>
    %reduce_sum3A_2198 = vector.extract %reduce_sum3A_2197[0, 0, 0] : f32 from vector<1x1x1xf32>
    %log3A_2199 = math.log %reduce_sum3A_2198 : f32
    %add3A_2200 = arith.addf %reduce_max3A_2190, %log3A_2199 : f32
    %sub3A_2201 = arith.constant 4.85203028 : f32
    %sub3A_2202 = arith.subf %add3A_2200, %sub3A_2201 : f32
    %add3A_2203 = vector.broadcast %sub3A_2202 : f32 to vector<1x1xf32>
    %add3A_2204 = arith.addf %add3A_1899, %add3A_2203 : vector<1x1xf32>
    %slice3A_2205 = vector.extract_strided_slice %round3A_1955 {offsets = [0, 1], sizes = [128, 15], strides = [1, 1]} : vector<128x16xf32> to vector<128x15xf32>
    %slice3A_2206 = vector.extract_strided_slice %round3A_1955 {offsets = [0, 0], sizes = [128, 1], strides = [1, 1]} : vector<128x16xf32> to vector<128x1xf32>
    %concatenate3A_2207 = tpu.concatenate %slice3A_2205, %slice3A_2206 in 1 : vector<128x15xf32>, vector<128x1xf32> -> vector<128x16xf32>
    %slice3A_2208 = vector.extract_strided_slice %round3A_1955 {offsets = [0, 2], sizes = [128, 14], strides = [1, 1]} : vector<128x16xf32> to vector<128x14xf32>
    %slice3A_2209 = vector.extract_strided_slice %round3A_1955 {offsets = [0, 0], sizes = [128, 2], strides = [1, 1]} : vector<128x16xf32> to vector<128x2xf32>
    %concatenate3A_2210 = tpu.concatenate %slice3A_2208, %slice3A_2209 in 1 : vector<128x14xf32>, vector<128x2xf32> -> vector<128x16xf32>
    %lt3A_2211 = vector.broadcast %convert_element_type3A_3 : vector<1x16xf32> to vector<128x16xf32>
    %lt3A_2212 = vector.broadcast %get3A_1959 : vector<128x1xf32> to vector<128x16xf32>
    %lt3A_2213 = arith.cmpf olt, %lt3A_2211, %lt3A_2212 : vector<128x16xf32>
    %sub3A_2214 = arith.constant 1.000000e+00 : f32
    %sub3A_2215 = vector.broadcast %sub3A_2214 : f32 to vector<128x1xf32>
    %sub3A_2216 = arith.subf %get3A_1962, %sub3A_2215 : vector<128x1xf32>
    %lt3A_2217 = vector.broadcast %convert_element_type3A_3 : vector<1x16xf32> to vector<128x16xf32>
    %lt3A_2218 = vector.broadcast %sub3A_2216 : vector<128x1xf32> to vector<128x16xf32>
    %lt3A_2219 = arith.cmpf olt, %lt3A_2217, %lt3A_2218 : vector<128x16xf32>
    %select_n3A_2220 = arith.select %lt3A_2219, %concatenate3A_2207, %concatenate3A_2210 : vector<128x16xi1>, vector<128x16xf32>
    %select_n3A_2221 = arith.select %lt3A_2213, %round3A_1955, %select_n3A_2220 : vector<128x16xi1>, vector<128x16xf32>
    %add3A_2222 = arith.constant 7.840000e+02 : f32
    %add3A_2223 = vector.broadcast %add3A_2222 : f32 to vector<128x1xf32>
    %add3A_2224 = arith.addf %add3A_2223, %convert_element_type3A : vector<128x1xf32>
    %eq3A_2225 = arith.constant 8.000000e+00 : f32
    %eq3A_2226 = vector.broadcast %eq3A_2225 : f32 to vector<1x16xf32>
    %eq3A_2227 = arith.cmpf oeq, %convert_element_type3A_3, %eq3A_2226 : vector<1x16xf32>
    %broadcast_in_dim3A_2228 = vector.shape_cast %eq3A_2227 : vector<1x16xi1> to vector<1x16xi1>
    %broadcast_in_dim3A_2229 = vector.broadcast %broadcast_in_dim3A_2228 : vector<1x16xi1> to vector<128x16xi1>
    %broadcast_in_dim3A_2230 = vector.shape_cast %add3A_2224 : vector<128x1xf32> to vector<128x1xf32>
    %broadcast_in_dim3A_2231 = vector.broadcast %broadcast_in_dim3A_2230 : vector<128x1xf32> to vector<128x16xf32>
    %select_n3A_2232 = arith.select %broadcast_in_dim3A_2229, %broadcast_in_dim3A_2231, %select_n3A_2221 : vector<128x16xi1>, vector<128x16xf32>
    %get3A_2233 = arith.constant 896 : index
    %get3A_2234 = arith.constant 0 : index
    %get3A_2235 = vector.load %arg0[%get3A_2233, %get3A_2234] : memref<1920x128xf32, #tpu.memory_space<vmem>>, vector<128x128xf32>
    %add3A_2236 = vector.broadcast %add3A_2185 : vector<128x1xf32> to vector<128x128xf32>
    %add3A_2237 = arith.addf %get3A_2235, %add3A_2236 : vector<128x128xf32>
    %reduce_max3A_2238 = arith.constant dense<0xFF800000> : vector<128xf32>
    %reduce_max3A_2239 = vector.multi_reduction <maximumf>, %add3A_2237, %reduce_max3A_2238 [0] : vector<128x128xf32> to vector<128xf32>
    %broadcast_in_dim3A_2240 = vector.shape_cast %reduce_max3A_2239 : vector<128xf32> to vector<1x128xf32>
    %eq3A_2241 = vector.broadcast %broadcast_in_dim3A_2240 : vector<1x128xf32> to vector<128x128xf32>
    %eq3A_2242 = arith.cmpf oeq, %add3A_2237, %eq3A_2241 : vector<128x128xf32>
    %jit3A_2243 = arith.constant 1.280000e+02 : f32
    %broadcast_in_dim3A_2244 = vector.shape_cast %convert_element_type3A : vector<128x1xf32> to vector<128x1xf32>
    %broadcast_in_dim3A_2245 = vector.broadcast %broadcast_in_dim3A_2244 : vector<128x1xf32> to vector<128x128xf32>
    %broadcast_in_dim3A_2246 = vector.broadcast %jit3A_2243 : f32 to vector<128x128xf32>
    %select_n3A_2247 = arith.select %eq3A_2242, %broadcast_in_dim3A_2245, %broadcast_in_dim3A_2246 : vector<128x128xi1>, vector<128x128xf32>
    %reduce_min3A_2248 = arith.constant dense<0x7F800000> : vector<128xf32>
    %reduce_min3A_2249 = vector.multi_reduction <minimumf>, %select_n3A_2247, %reduce_min3A_2248 [0] : vector<128x128xf32> to vector<128xf32>
    %broadcast_in_dim3A_2250 = vector.shape_cast %reduce_min3A_2249 : vector<128xf32> to vector<1x128xf32>
    %eq3A_2251 = vector.broadcast %convert_element_type3A : vector<128x1xf32> to vector<128x128xf32>
    %eq3A_2252 = vector.broadcast %broadcast_in_dim3A_2250 : vector<1x128xf32> to vector<128x128xf32>
    %eq3A_2253 = arith.cmpf oeq, %eq3A_2251, %eq3A_2252 : vector<128x128xf32>
    %convert_element_type3A_2254 = arith.extui %eq3A_2253 : vector<128x128xi1> to vector<128x128xi32>
    %convert_element_type3A_2255 = arith.sitofp %convert_element_type3A_2254 : vector<128x128xi32> to vector<128x128xf32>
    %concatenate3A_2256 = tpu.concatenate %select_n3A_2232, %add3A_2173 in 1 : vector<128x16xf32>, vector<128x1xf32> -> vector<128x17xf32>
    %dot_general3A_2257 = arith.constant dense<0.000000e+00> : vector<128x17xf32>
    %dot_general3A_2258 = tpu.matmul %convert_element_type3A_2255, %concatenate3A_2256, %dot_general3A_2257 {dimension_numbers = #tpu.dot_dimension_numbers<[0], [0], [1], [1], [0, 1, 1, 1], [], []>, precision = #tpu.contract_precision<fp32>, transpose_lhs_hint = false} : vector<128x128xf32>, vector<128x17xf32>, vector<128x17xf32> -> vector<128x17xf32>
    %slice3A_2259 = vector.extract_strided_slice %dot_general3A_2258 {offsets = [0, 0], sizes = [128, 16], strides = [1, 1]} : vector<128x17xf32> to vector<128x16xf32>
    %round3A_2260 = math.roundeven %slice3A_2259 : vector<128x16xf32>
    %slice3A_2261 = vector.extract_strided_slice %dot_general3A_2258 {offsets = [0, 16], sizes = [128, 1], strides = [1, 1]} : vector<128x17xf32> to vector<128x1xf32>
    %get3A_2262 = arith.constant 0 : index
    %get3A_2263 = arith.constant 7 : index
    %get3A_2264 = vector.load %arg1[%get3A_2262, %get3A_2263] : memref<128x16xf32, #tpu.memory_space<vmem>>, vector<128x1xf32>
    %get3A_2265 = arith.constant 0 : index
    %get3A_2266 = arith.constant 7 : index
    %get3A_2267 = vector.load %arg2[%get3A_2265, %get3A_2266] : memref<128x16xf32, #tpu.memory_space<vmem>>, vector<128x1xf32>
    %eq3A_2268 = vector.broadcast %convert_element_type3A_3 : vector<1x16xf32> to vector<128x16xf32>
    %eq3A_2269 = vector.broadcast %get3A_2264 : vector<128x1xf32> to vector<128x16xf32>
    %eq3A_2270 = arith.cmpf oeq, %eq3A_2268, %eq3A_2269 : vector<128x16xf32>
    %convert_element_type3A_2271 = arith.extui %eq3A_2270 : vector<128x16xi1> to vector<128x16xi32>
    %convert_element_type3A_2272 = arith.sitofp %convert_element_type3A_2271 : vector<128x16xi32> to vector<128x16xf32>
    %eq3A_2273 = vector.broadcast %convert_element_type3A_3 : vector<1x16xf32> to vector<128x16xf32>
    %eq3A_2274 = vector.broadcast %get3A_2267 : vector<128x1xf32> to vector<128x16xf32>
    %eq3A_2275 = arith.cmpf oeq, %eq3A_2273, %eq3A_2274 : vector<128x16xf32>
    %convert_element_type3A_2276 = arith.extui %eq3A_2275 : vector<128x16xi1> to vector<128x16xi32>
    %convert_element_type3A_2277 = arith.sitofp %convert_element_type3A_2276 : vector<128x16xi32> to vector<128x16xf32>
    %mul3A_2278 = arith.mulf %convert_element_type3A_2272, %round3A_2260 : vector<128x16xf32>
    %reduce_sum3A_2279 = arith.constant dense<0.000000e+00> : vector<128xf32>
    %reduce_sum3A_2280 = vector.multi_reduction <add>, %mul3A_2278, %reduce_sum3A_2279 [1] : vector<128x16xf32> to vector<128xf32>
    %broadcast_in_dim3A_2281 = vector.shape_cast %reduce_sum3A_2280 : vector<128xf32> to vector<128x1xf32>
    %round3A_2282 = math.roundeven %broadcast_in_dim3A_2281 : vector<128x1xf32>
    %mul3A_2283 = arith.mulf %convert_element_type3A_2277, %round3A_2260 : vector<128x16xf32>
    %reduce_sum3A_2284 = arith.constant dense<0.000000e+00> : vector<128xf32>
    %reduce_sum3A_2285 = vector.multi_reduction <add>, %mul3A_2283, %reduce_sum3A_2284 [1] : vector<128x16xf32> to vector<128xf32>
    %broadcast_in_dim3A_2286 = vector.shape_cast %reduce_sum3A_2285 : vector<128xf32> to vector<128x1xf32>
    %round3A_2287 = math.roundeven %broadcast_in_dim3A_2286 : vector<128x1xf32>
    %concatenate3A_2288 = tpu.concatenate %round3A_2282, %round3A_2287 in 0 : vector<128x1xf32>, vector<128x1xf32> -> vector<256x1xf32>
    %slice3A_2289 = vector.extract_strided_slice %convert_element_type3A_5 {offsets = [0, 0], sizes = [1, 912], strides = [1, 1]} : vector<1x1936xf32> to vector<1x912xf32>
    %eq3A_2290 = vector.broadcast %slice3A_2289 : vector<1x912xf32> to vector<256x912xf32>
    %eq3A_2291 = vector.broadcast %concatenate3A_2288 : vector<256x1xf32> to vector<256x912xf32>
    %eq3A_2292 = arith.cmpf oeq, %eq3A_2290, %eq3A_2291 : vector<256x912xf32>
    %convert_element_type3A_2293 = arith.extui %eq3A_2292 : vector<256x912xi1> to vector<256x912xi32>
    %convert_element_type3A_2294 = arith.sitofp %convert_element_type3A_2293 : vector<256x912xi32> to vector<256x912xf32>
    %convert_element_type3A_2295 = arith.truncf %convert_element_type3A_2294 : vector<256x912xf32> to vector<256x912xbf16>
    %get3A_2296 = arith.constant 0 : index
    %get3A_2297 = arith.constant 0 : index
    %get3A_2298 = vector.load %arg18[%get3A_2296, %get3A_2297] : memref<1936x1408xbf16, #tpu.memory_space<vmem>>, vector<912x1408xbf16>
    %dot_general3A_2299 = arith.constant dense<0.000000e+00> : vector<256x1408xf32>
    %dot_general3A_2300 = tpu.matmul %convert_element_type3A_2295, %get3A_2298, %dot_general3A_2299 {dimension_numbers = #tpu.dot_dimension_numbers<[1], [0], [0], [1], [0, 0, 1, 1], [], []>, transpose_lhs_hint = false} : vector<256x912xbf16>, vector<912x1408xbf16>, vector<256x1408xf32> -> vector<256x1408xf32>
    %get3A_2301 = arith.constant 0 : index
    %get3A_2302 = arith.constant 0 : index
    %get3A_2303 = vector.load %arg19[%get3A_2301, %get3A_2302] : memref<1936x1408xbf16, #tpu.memory_space<vmem>>, vector<912x1408xbf16>
    %dot_general3A_2304 = arith.constant dense<0.000000e+00> : vector<256x1408xf32>
    %dot_general3A_2305 = tpu.matmul %convert_element_type3A_2295, %get3A_2303, %dot_general3A_2304 {dimension_numbers = #tpu.dot_dimension_numbers<[1], [0], [0], [1], [0, 0, 1, 1], [], []>, transpose_lhs_hint = false} : vector<256x912xbf16>, vector<912x1408xbf16>, vector<256x1408xf32> -> vector<256x1408xf32>
    %add3A_2306 = arith.addf %dot_general3A_2300, %dot_general3A_2305 : vector<256x1408xf32>
    %get3A_2307 = arith.constant 0 : index
    %get3A_2308 = arith.constant 0 : index
    %get3A_2309 = vector.load %arg20[%get3A_2307, %get3A_2308] : memref<1936x1408xbf16, #tpu.memory_space<vmem>>, vector<912x1408xbf16>
    %dot_general3A_2310 = arith.constant dense<0.000000e+00> : vector<256x1408xf32>
    %dot_general3A_2311 = tpu.matmul %convert_element_type3A_2295, %get3A_2309, %dot_general3A_2310 {dimension_numbers = #tpu.dot_dimension_numbers<[1], [0], [0], [1], [0, 0, 1, 1], [], []>, transpose_lhs_hint = false} : vector<256x912xbf16>, vector<912x1408xbf16>, vector<256x1408xf32> -> vector<256x1408xf32>
    %add3A_2312 = arith.addf %add3A_2306, %dot_general3A_2311 : vector<256x1408xf32>
    %slice3A_2313 = vector.extract_strided_slice %add3A_2312 {offsets = [0, 1280], sizes = [128, 64], strides = [1, 1]} : vector<256x1408xf32> to vector<128x64xf32>
    %slice3A_2314 = vector.extract_strided_slice %add3A_2312 {offsets = [128, 1280], sizes = [128, 64], strides = [1, 1]} : vector<256x1408xf32> to vector<128x64xf32>
    %slice3A_2315 = vector.extract_strided_slice %add3A_2312 {offsets = [0, 1344], sizes = [128, 1], strides = [1, 1]} : vector<256x1408xf32> to vector<128x1xf32>
    %slice3A_2316 = vector.extract_strided_slice %add3A_2312 {offsets = [128, 1344], sizes = [128, 1], strides = [1, 1]} : vector<256x1408xf32> to vector<128x1xf32>
    %sub3A_2317 = arith.subf %slice3A_2313, %slice3A_2314 : vector<128x64xf32>
    %mul3A_2318 = arith.mulf %sub3A_2317, %sub3A_2317 : vector<128x64xf32>
    %reduce_sum3A_2319 = arith.constant dense<0.000000e+00> : vector<128xf32>
    %reduce_sum3A_2320 = vector.multi_reduction <add>, %mul3A_2318, %reduce_sum3A_2319 [1] : vector<128x64xf32> to vector<128xf32>
    %broadcast_in_dim3A_2321 = vector.shape_cast %reduce_sum3A_2320 : vector<128xf32> to vector<128x1xf32>
    %add3A_2322 = arith.constant 9.99999993E-9 : f32
    %add3A_2323 = vector.broadcast %add3A_2322 : f32 to vector<128x1xf32>
    %add3A_2324 = arith.addf %broadcast_in_dim3A_2321, %add3A_2323 : vector<128x1xf32>
    %sqrt3A_2325 = math.sqrt %add3A_2324 : vector<128x1xf32>
    %mul3A_2326 = vector.broadcast %slice3A_88 : vector<1x1xf32> to vector<128x1xf32>
    %mul3A_2327 = arith.mulf %mul3A_2326, %sqrt3A_2325 : vector<128x1xf32>
    %add3A_2328 = vector.broadcast %slice3A_89 : vector<1x1xf32> to vector<128x1xf32>
    %add3A_2329 = arith.addf %mul3A_2327, %add3A_2328 : vector<128x1xf32>
    %custom_jvp_call3A_2330 = arith.constant 0.000000e+00 : f32
    %max3A_2331 = vector.broadcast %custom_jvp_call3A_2330 : f32 to vector<128x1xf32>
    %max3A_2332 = arith.maximumf %add3A_2329, %max3A_2331 : vector<128x1xf32>
    %sub3A_2333 = vector.broadcast %custom_jvp_call3A_2330 : f32 to vector<128x1xf32>
    %sub3A_2334 = arith.subf %add3A_2329, %sub3A_2333 : vector<128x1xf32>
    %ne3A_2335 = arith.cmpf one, %sub3A_2334, %sub3A_2334 : vector<128x1xf32>
    %add3A_2336 = vector.broadcast %custom_jvp_call3A_2330 : f32 to vector<128x1xf32>
    %add3A_2337 = arith.addf %add3A_2329, %add3A_2336 : vector<128x1xf32>
    %abs3A_2338 = math.absf %sub3A_2334 : vector<128x1xf32>
    %neg3A_2339 = arith.constant 0.000000e+00 : f32
    %neg3A_2340 = vector.broadcast %neg3A_2339 : f32 to vector<128x1xf32>
    %neg3A_2341 = arith.subf %neg3A_2340, %abs3A_2338 : vector<128x1xf32>
    %exp3A_2342 = math.exp %neg3A_2341 : vector<128x1xf32>
    %log1p3A_2343 = math.log1p %exp3A_2342 : vector<128x1xf32>
    %add3A_2344 = arith.addf %max3A_2332, %log1p3A_2343 : vector<128x1xf32>
    %select_n3A_2345 = arith.select %ne3A_2335, %add3A_2337, %add3A_2344 : vector<128x1xi1>, vector<128x1xf32>
    %mul3A_2346 = arith.constant 1.000000e-01 : f32
    %mul3A_2347 = vector.broadcast %mul3A_2346 : f32 to vector<128x1xf32>
    %mul3A_2348 = arith.mulf %select_n3A_2345, %mul3A_2347 : vector<128x1xf32>
    %add3A_2349 = arith.constant 9.99999974E-5 : f32
    %add3A_2350 = vector.broadcast %add3A_2349 : f32 to vector<128x1xf32>
    %add3A_2351 = arith.addf %mul3A_2348, %add3A_2350 : vector<128x1xf32>
    %mul3A_2352 = vector.broadcast %slice3A_90 : vector<1x1xf32> to vector<128x1xf32>
    %mul3A_2353 = arith.mulf %mul3A_2352, %sqrt3A_2325 : vector<128x1xf32>
    %add3A_2354 = vector.broadcast %slice3A_91 : vector<1x1xf32> to vector<128x1xf32>
    %add3A_2355 = arith.addf %mul3A_2353, %add3A_2354 : vector<128x1xf32>
    %custom_jvp_call3A_2356 = arith.constant 0.000000e+00 : f32
    %max3A_2357 = vector.broadcast %custom_jvp_call3A_2356 : f32 to vector<128x1xf32>
    %max3A_2358 = arith.maximumf %add3A_2355, %max3A_2357 : vector<128x1xf32>
    %sub3A_2359 = vector.broadcast %custom_jvp_call3A_2356 : f32 to vector<128x1xf32>
    %sub3A_2360 = arith.subf %add3A_2355, %sub3A_2359 : vector<128x1xf32>
    %ne3A_2361 = arith.cmpf one, %sub3A_2360, %sub3A_2360 : vector<128x1xf32>
    %add3A_2362 = vector.broadcast %custom_jvp_call3A_2356 : f32 to vector<128x1xf32>
    %add3A_2363 = arith.addf %add3A_2355, %add3A_2362 : vector<128x1xf32>
    %abs3A_2364 = math.absf %sub3A_2360 : vector<128x1xf32>
    %neg3A_2365 = arith.constant 0.000000e+00 : f32
    %neg3A_2366 = vector.broadcast %neg3A_2365 : f32 to vector<128x1xf32>
    %neg3A_2367 = arith.subf %neg3A_2366, %abs3A_2364 : vector<128x1xf32>
    %exp3A_2368 = math.exp %neg3A_2367 : vector<128x1xf32>
    %log1p3A_2369 = math.log1p %exp3A_2368 : vector<128x1xf32>
    %add3A_2370 = arith.addf %max3A_2358, %log1p3A_2369 : vector<128x1xf32>
    %select_n3A_2371 = arith.select %ne3A_2361, %add3A_2363, %add3A_2370 : vector<128x1xi1>, vector<128x1xf32>
    %mul3A_2372 = arith.constant 1.000000e-01 : f32
    %mul3A_2373 = vector.broadcast %mul3A_2372 : f32 to vector<128x1xf32>
    %mul3A_2374 = arith.mulf %select_n3A_2371, %mul3A_2373 : vector<128x1xf32>
    %add3A_2375 = arith.constant 9.99999974E-5 : f32
    %add3A_2376 = vector.broadcast %add3A_2375 : f32 to vector<128x1xf32>
    %add3A_2377 = arith.addf %mul3A_2374, %add3A_2376 : vector<128x1xf32>
    %concatenate3A_2378 = tpu.concatenate %slice3A_2313, %slice3A_2314 in 1 : vector<128x64xf32>, vector<128x64xf32> -> vector<128x128xf32>
    %dot_general3A_2379 = arith.constant dense<0.000000e+00> : vector<128x64xf32>
    %dot_general3A_2380 = tpu.matmul %concatenate3A_2378, %get3A_94, %dot_general3A_2379 {dimension_numbers = #tpu.dot_dimension_numbers<[1], [0], [0], [1], [0, 0, 1, 1], [], []>, transpose_lhs_hint = false} : vector<128x128xf32>, vector<128x64xf32>, vector<128x64xf32> -> vector<128x64xf32>
    %tanh3A_2381 = math.tanh %dot_general3A_2380 : vector<128x64xf32>
    %slice3A_2382 = vector.extract_strided_slice %add3A_2312 {offsets = [0, 0], sizes = [256, 256], strides = [1, 1]} : vector<256x1408xf32> to vector<256x256xf32>
    %slice3A_2383 = vector.extract_strided_slice %add3A_2312 {offsets = [0, 256], sizes = [256, 256], strides = [1, 1]} : vector<256x1408xf32> to vector<256x256xf32>
    %slice3A_2384 = vector.extract_strided_slice %add3A_2312 {offsets = [0, 512], sizes = [256, 256], strides = [1, 1]} : vector<256x1408xf32> to vector<256x256xf32>
    %slice3A_2385 = vector.extract_strided_slice %add3A_2312 {offsets = [0, 768], sizes = [256, 256], strides = [1, 1]} : vector<256x1408xf32> to vector<256x256xf32>
    %slice3A_2386 = vector.extract_strided_slice %add3A_2312 {offsets = [0, 1024], sizes = [256, 256], strides = [1, 1]} : vector<256x1408xf32> to vector<256x256xf32>
    %concatenate3A_2387 = tpu.concatenate %add3A_2351, %add3A_2377 in 0 : vector<128x1xf32>, vector<128x1xf32> -> vector<256x1xf32>
    %mul3A_2388 = arith.constant 1.33333337 : f32
    %mul3A_2389 = vector.broadcast %mul3A_2388 : f32 to vector<1x256xf32>
    %mul3A_2390 = arith.mulf %mul3A_2389, %add3A_30 : vector<1x256xf32>
    %mul3A_2391 = vector.broadcast %mul3A_2390 : vector<1x256xf32> to vector<256x256xf32>
    %mul3A_2392 = vector.broadcast %concatenate3A_2387 : vector<256x1xf32> to vector<256x256xf32>
    %mul3A_2393 = arith.mulf %mul3A_2391, %mul3A_2392 : vector<256x256xf32>
    %add3A_2394 = arith.constant 9.99999993E-9 : f32
    %add3A_2395 = vector.broadcast %add3A_2394 : f32 to vector<256x256xf32>
    %add3A_2396 = arith.addf %mul3A_2393, %add3A_2395 : vector<256x256xf32>
    %neg3A_2397 = arith.constant 0.000000e+00 : f32
    %neg3A_2398 = vector.broadcast %neg3A_2397 : f32 to vector<256x256xf32>
    %neg3A_2399 = arith.subf %neg3A_2398, %add3A_2396 : vector<256x256xf32>
    %exp3A_2400 = math.exp %neg3A_2399 : vector<256x256xf32>
    %sub3A_2401 = arith.constant 1.000000e+00 : f32
    %sub3A_2402 = vector.broadcast %sub3A_2401 : f32 to vector<256x256xf32>
    %sub3A_2403 = arith.subf %sub3A_2402, %exp3A_2400 : vector<256x256xf32>
    %mul3A_2404 = arith.constant 2.500000e-01 : f32
    %mul3A_2405 = vector.broadcast %mul3A_2404 : f32 to vector<256x256xf32>
    %mul3A_2406 = arith.mulf %sub3A_2403, %mul3A_2405 : vector<256x256xf32>
    %add3A_2407 = arith.addf %slice3A_2382, %slice3A_2383 : vector<256x256xf32>
    %add3A_2408 = arith.addf %add3A_2407, %slice3A_2384 : vector<256x256xf32>
    %add3A_2409 = arith.addf %add3A_2408, %slice3A_2385 : vector<256x256xf32>
    %mul3A_2410 = arith.mulf %mul3A_2406, %add3A_2409 : vector<256x256xf32>
    %mul3A_2411 = arith.mulf %exp3A_2400, %slice3A_2382 : vector<256x256xf32>
    %add3A_2412 = arith.addf %mul3A_2410, %mul3A_2411 : vector<256x256xf32>
    %mul3A_2413 = arith.mulf %exp3A_2400, %slice3A_2383 : vector<256x256xf32>
    %add3A_2414 = arith.addf %mul3A_2410, %mul3A_2413 : vector<256x256xf32>
    %mul3A_2415 = arith.mulf %exp3A_2400, %slice3A_2384 : vector<256x256xf32>
    %add3A_2416 = arith.addf %mul3A_2410, %mul3A_2415 : vector<256x256xf32>
    %mul3A_2417 = arith.mulf %exp3A_2400, %slice3A_2385 : vector<256x256xf32>
    %add3A_2418 = arith.addf %mul3A_2410, %mul3A_2417 : vector<256x256xf32>
    %slice3A_2419 = vector.extract_strided_slice %add3A_2412 {offsets = [0, 0], sizes = [128, 256], strides = [1, 1]} : vector<256x256xf32> to vector<128x256xf32>
    %slice3A_2420 = vector.extract_strided_slice %add3A_2412 {offsets = [128, 0], sizes = [128, 256], strides = [1, 1]} : vector<256x256xf32> to vector<128x256xf32>
    %mul3A_2421 = arith.mulf %slice3A_2419, %slice3A_2420 : vector<128x256xf32>
    %slice3A_2422 = vector.extract_strided_slice %add3A_2414 {offsets = [0, 0], sizes = [128, 256], strides = [1, 1]} : vector<256x256xf32> to vector<128x256xf32>
    %slice3A_2423 = vector.extract_strided_slice %add3A_2414 {offsets = [128, 0], sizes = [128, 256], strides = [1, 1]} : vector<256x256xf32> to vector<128x256xf32>
    %mul3A_2424 = arith.mulf %slice3A_2422, %slice3A_2423 : vector<128x256xf32>
    %slice3A_2425 = vector.extract_strided_slice %add3A_2416 {offsets = [0, 0], sizes = [128, 256], strides = [1, 1]} : vector<256x256xf32> to vector<128x256xf32>
    %slice3A_2426 = vector.extract_strided_slice %add3A_2416 {offsets = [128, 0], sizes = [128, 256], strides = [1, 1]} : vector<256x256xf32> to vector<128x256xf32>
    %mul3A_2427 = arith.mulf %slice3A_2425, %slice3A_2426 : vector<128x256xf32>
    %slice3A_2428 = vector.extract_strided_slice %add3A_2418 {offsets = [0, 0], sizes = [128, 256], strides = [1, 1]} : vector<256x256xf32> to vector<128x256xf32>
    %slice3A_2429 = vector.extract_strided_slice %add3A_2418 {offsets = [128, 0], sizes = [128, 256], strides = [1, 1]} : vector<256x256xf32> to vector<128x256xf32>
    %mul3A_2430 = arith.mulf %slice3A_2428, %slice3A_2429 : vector<128x256xf32>
    %slice3A_2431 = vector.extract_strided_slice %slice3A_2386 {offsets = [0, 0], sizes = [128, 256], strides = [1, 1]} : vector<256x256xf32> to vector<128x256xf32>
    %slice3A_2432 = vector.extract_strided_slice %slice3A_2386 {offsets = [128, 0], sizes = [128, 256], strides = [1, 1]} : vector<256x256xf32> to vector<128x256xf32>
    %add3A_2433 = arith.addf %slice3A_2431, %slice3A_2432 : vector<128x256xf32>
    %max3A_2434 = arith.maximumf %mul3A_2421, %mul3A_2424 : vector<128x256xf32>
    %max3A_2435 = arith.maximumf %mul3A_2427, %mul3A_2430 : vector<128x256xf32>
    %max3A_2436 = arith.maximumf %max3A_2434, %max3A_2435 : vector<128x256xf32>
    %div3A_2437 = arith.constant 1.000000e+00 : f32
    %div3A_2438 = vector.broadcast %div3A_2437 : f32 to vector<128x256xf32>
    %div3A_2439 = arith.divf %div3A_2438, %max3A_2436 : vector<128x256xf32>
    %mul3A_2440 = arith.mulf %mul3A_2421, %div3A_2439 : vector<128x256xf32>
    %mul3A_2441 = arith.mulf %mul3A_2424, %div3A_2439 : vector<128x256xf32>
    %mul3A_2442 = arith.mulf %mul3A_2427, %div3A_2439 : vector<128x256xf32>
    %mul3A_2443 = arith.mulf %mul3A_2430, %div3A_2439 : vector<128x256xf32>
    %log3A_2444 = math.log %max3A_2436 : vector<128x256xf32>
    %add3A_2445 = arith.addf %add3A_2433, %log3A_2444 : vector<128x256xf32>
    %add3A_2446 = arith.addf %mul3A_2440, %mul3A_2441 : vector<128x256xf32>
    %add3A_2447 = arith.addf %add3A_2446, %mul3A_2442 : vector<128x256xf32>
    %add3A_2448 = arith.addf %add3A_2447, %mul3A_2443 : vector<128x256xf32>
    %log3A_2449 = math.log %add3A_2448 : vector<128x256xf32>
    %add3A_2450 = arith.addf %add3A_2445, %log3A_2449 : vector<128x256xf32>
    %sub3A_2451 = arith.constant 1.38629436 : f32
    %sub3A_2452 = vector.broadcast %sub3A_2451 : f32 to vector<128x256xf32>
    %sub3A_2453 = arith.subf %add3A_2450, %sub3A_2452 : vector<128x256xf32>
    %reduce_sum3A_2454 = arith.constant dense<0.000000e+00> : vector<128xf32>
    %reduce_sum3A_2455 = vector.multi_reduction <add>, %sub3A_2453, %reduce_sum3A_2454 [1] : vector<128x256xf32> to vector<128xf32>
    %broadcast_in_dim3A_2456 = vector.shape_cast %reduce_sum3A_2455 : vector<128xf32> to vector<128x1xf32>
    %broadcast_in_dim3A_2457 = arith.constant 0.000000e+00 : f32
    %broadcast_in_dim3A_2458 = vector.broadcast %broadcast_in_dim3A_2457 : f32 to vector<128x63xf32>
    %concatenate3A_2459 = tpu.concatenate %mul3A_2440, %mul3A_2441, %mul3A_2442, %mul3A_2443, %add3A_2445, %tanh3A_2381, %broadcast_in_dim3A_2456, %broadcast_in_dim3A_2458 in 1 : vector<128x256xf32>, vector<128x256xf32>, vector<128x256xf32>, vector<128x256xf32>, vector<128x256xf32>, vector<128x64xf32>, vector<128x1xf32>, vector<128x63xf32> -> vector<128x1408xf32>
    %convert_element_type3A_2460 = arith.truncf %concatenate3A_2459 : vector<128x1408xf32> to vector<128x1408xbf16>
    %convert_element_type3A_2461 = arith.extf %convert_element_type3A_2460 : vector<128x1408xbf16> to vector<128x1408xf32>
    %sub3A_2462 = arith.subf %concatenate3A_2459, %convert_element_type3A_2461 : vector<128x1408xf32>
    %convert_element_type3A_2463 = arith.truncf %sub3A_2462 : vector<128x1408xf32> to vector<128x1408xbf16>
    %convert_element_type3A_2464 = arith.extf %convert_element_type3A_2463 : vector<128x1408xbf16> to vector<128x1408xf32>
    %sub3A_2465 = arith.subf %sub3A_2462, %convert_element_type3A_2464 : vector<128x1408xf32>
    %convert_element_type3A_2466 = arith.truncf %sub3A_2465 : vector<128x1408xf32> to vector<128x1408xbf16>
    %swap3A_2467 = arith.constant 912 : index
    %swap3A_2468 = arith.constant 0 : index
    %swap3A_2469 = vector.load %arg18[%swap3A_2467, %swap3A_2468] : memref<1936x1408xbf16, #tpu.memory_space<vmem>>, vector<128x1408xbf16>
    tpu.vector_store %arg18[%swap3A_2467, %swap3A_2468], %convert_element_type3A_2460 {strides = array<i32>} : memref<1936x1408xbf16, #tpu.memory_space<vmem>>, vector<128x1408xbf16>,
    %swap3A_2470 = arith.constant 912 : index
    %swap3A_2471 = arith.constant 0 : index
    %swap3A_2472 = vector.load %arg19[%swap3A_2470, %swap3A_2471] : memref<1936x1408xbf16, #tpu.memory_space<vmem>>, vector<128x1408xbf16>
    tpu.vector_store %arg19[%swap3A_2470, %swap3A_2471], %convert_element_type3A_2463 {strides = array<i32>} : memref<1936x1408xbf16, #tpu.memory_space<vmem>>, vector<128x1408xbf16>,
    %swap3A_2473 = arith.constant 912 : index
    %swap3A_2474 = arith.constant 0 : index
    %swap3A_2475 = vector.load %arg20[%swap3A_2473, %swap3A_2474] : memref<1936x1408xbf16, #tpu.memory_space<vmem>>, vector<128x1408xbf16>
    tpu.vector_store %arg20[%swap3A_2473, %swap3A_2474], %convert_element_type3A_2466 {strides = array<i32>} : memref<1936x1408xbf16, #tpu.memory_space<vmem>>, vector<128x1408xbf16>,
    %sub3A_2476 = arith.subf %slice3A_2261, %slice3A_2315 : vector<128x1xf32>
    %sub3A_2477 = arith.subf %sub3A_2476, %slice3A_2316 : vector<128x1xf32>
    %add3A_2478 = arith.addf %sub3A_2477, %broadcast_in_dim3A_2456 : vector<128x1xf32>
    %add3A_2479 = arith.addf %add3A_2351, %add3A_2377 : vector<128x1xf32>
    %div3A_2480 = arith.constant 1.000000e-01 : f32
    %div3A_2481 = vector.broadcast %div3A_2480 : f32 to vector<128x1xf32>
    %div3A_2482 = arith.divf %add3A_2479, %div3A_2481 : vector<128x1xf32>
    %sub3A_2483 = arith.constant 4.60517025 : f32
    %sub3A_2484 = vector.broadcast %sub3A_2483 : f32 to vector<128x1xf32>
    %sub3A_2485 = arith.subf %sub3A_2484, %div3A_2482 : vector<128x1xf32>
    %sub3A_2486 = arith.subf %add3A_2478, %slice3A_2261 : vector<128x1xf32>
    %add3A_2487 = arith.addf %sub3A_2486, %sub3A_2485 : vector<128x1xf32>
    %add3A_2488 = arith.constant 3.58351898 : f32
    %add3A_2489 = vector.broadcast %add3A_2488 : f32 to vector<128x1xf32>
    %add3A_2490 = arith.addf %add3A_2487, %add3A_2489 : vector<128x1xf32>
    %reduce_max3A_2491 = vector.shape_cast %add3A_2490 : vector<128x1xf32> to vector<1x128x1xf32>
    %reduce_max3A_2492 = arith.constant dense<0xFF800000> : vector<1xf32>
    %reduce_max3A_2493 = vector.multi_reduction <maximumf>, %reduce_max3A_2491, %reduce_max3A_2492 [1, 2] : vector<1x128x1xf32> to vector<1xf32>
    %reduce_max3A_2494 = vector.shape_cast %reduce_max3A_2493 : vector<1xf32> to vector<1x1x1xf32>
    %reduce_max3A_2495 = vector.extract %reduce_max3A_2494[0, 0, 0] : f32 from vector<1x1x1xf32>
    %sub3A_2496 = vector.broadcast %reduce_max3A_2495 : f32 to vector<128x1xf32>
    %sub3A_2497 = arith.subf %add3A_2490, %sub3A_2496 : vector<128x1xf32>
    %exp3A_2498 = math.exp %sub3A_2497 : vector<128x1xf32>
    %reduce_sum3A_2499 = vector.shape_cast %exp3A_2498 : vector<128x1xf32> to vector<1x128x1xf32>
    %reduce_sum3A_2500 = arith.constant dense<0.000000e+00> : vector<1xf32>
    %reduce_sum3A_2501 = vector.multi_reduction <add>, %reduce_sum3A_2499, %reduce_sum3A_2500 [1, 2] : vector<1x128x1xf32> to vector<1xf32>
    %reduce_sum3A_2502 = vector.shape_cast %reduce_sum3A_2501 : vector<1xf32> to vector<1x1x1xf32>
    %reduce_sum3A_2503 = vector.extract %reduce_sum3A_2502[0, 0, 0] : f32 from vector<1x1x1xf32>
    %log3A_2504 = math.log %reduce_sum3A_2503 : f32
    %add3A_2505 = arith.addf %reduce_max3A_2495, %log3A_2504 : f32
    %sub3A_2506 = arith.constant 4.85203028 : f32
    %sub3A_2507 = arith.subf %add3A_2505, %sub3A_2506 : f32
    %add3A_2508 = vector.broadcast %sub3A_2507 : f32 to vector<1x1xf32>
    %add3A_2509 = arith.addf %add3A_2204, %add3A_2508 : vector<1x1xf32>
    %slice3A_2510 = vector.extract_strided_slice %round3A_2260 {offsets = [0, 1], sizes = [128, 15], strides = [1, 1]} : vector<128x16xf32> to vector<128x15xf32>
    %slice3A_2511 = vector.extract_strided_slice %round3A_2260 {offsets = [0, 0], sizes = [128, 1], strides = [1, 1]} : vector<128x16xf32> to vector<128x1xf32>
    %concatenate3A_2512 = tpu.concatenate %slice3A_2510, %slice3A_2511 in 1 : vector<128x15xf32>, vector<128x1xf32> -> vector<128x16xf32>
    %slice3A_2513 = vector.extract_strided_slice %round3A_2260 {offsets = [0, 2], sizes = [128, 14], strides = [1, 1]} : vector<128x16xf32> to vector<128x14xf32>
    %slice3A_2514 = vector.extract_strided_slice %round3A_2260 {offsets = [0, 0], sizes = [128, 2], strides = [1, 1]} : vector<128x16xf32> to vector<128x2xf32>
    %concatenate3A_2515 = tpu.concatenate %slice3A_2513, %slice3A_2514 in 1 : vector<128x14xf32>, vector<128x2xf32> -> vector<128x16xf32>
    %lt3A_2516 = vector.broadcast %convert_element_type3A_3 : vector<1x16xf32> to vector<128x16xf32>
    %lt3A_2517 = vector.broadcast %get3A_2264 : vector<128x1xf32> to vector<128x16xf32>
    %lt3A_2518 = arith.cmpf olt, %lt3A_2516, %lt3A_2517 : vector<128x16xf32>
    %sub3A_2519 = arith.constant 1.000000e+00 : f32
    %sub3A_2520 = vector.broadcast %sub3A_2519 : f32 to vector<128x1xf32>
    %sub3A_2521 = arith.subf %get3A_2267, %sub3A_2520 : vector<128x1xf32>
    %lt3A_2522 = vector.broadcast %convert_element_type3A_3 : vector<1x16xf32> to vector<128x16xf32>
    %lt3A_2523 = vector.broadcast %sub3A_2521 : vector<128x1xf32> to vector<128x16xf32>
    %lt3A_2524 = arith.cmpf olt, %lt3A_2522, %lt3A_2523 : vector<128x16xf32>
    %select_n3A_2525 = arith.select %lt3A_2524, %concatenate3A_2512, %concatenate3A_2515 : vector<128x16xi1>, vector<128x16xf32>
    %select_n3A_2526 = arith.select %lt3A_2518, %round3A_2260, %select_n3A_2525 : vector<128x16xi1>, vector<128x16xf32>
    %add3A_2527 = arith.constant 9.120000e+02 : f32
    %add3A_2528 = vector.broadcast %add3A_2527 : f32 to vector<128x1xf32>
    %add3A_2529 = arith.addf %add3A_2528, %convert_element_type3A : vector<128x1xf32>
    %eq3A_2530 = arith.constant 7.000000e+00 : f32
    %eq3A_2531 = vector.broadcast %eq3A_2530 : f32 to vector<1x16xf32>
    %eq3A_2532 = arith.cmpf oeq, %convert_element_type3A_3, %eq3A_2531 : vector<1x16xf32>
    %broadcast_in_dim3A_2533 = vector.shape_cast %eq3A_2532 : vector<1x16xi1> to vector<1x16xi1>
    %broadcast_in_dim3A_2534 = vector.broadcast %broadcast_in_dim3A_2533 : vector<1x16xi1> to vector<128x16xi1>
    %broadcast_in_dim3A_2535 = vector.shape_cast %add3A_2529 : vector<128x1xf32> to vector<128x1xf32>
    %broadcast_in_dim3A_2536 = vector.broadcast %broadcast_in_dim3A_2535 : vector<128x1xf32> to vector<128x16xf32>
    %select_n3A_2537 = arith.select %broadcast_in_dim3A_2534, %broadcast_in_dim3A_2536, %select_n3A_2526 : vector<128x16xi1>, vector<128x16xf32>
    %get3A_2538 = arith.constant 1024 : index
    %get3A_2539 = arith.constant 0 : index
    %get3A_2540 = vector.load %arg0[%get3A_2538, %get3A_2539] : memref<1920x128xf32, #tpu.memory_space<vmem>>, vector<128x128xf32>
    %add3A_2541 = vector.broadcast %add3A_2490 : vector<128x1xf32> to vector<128x128xf32>
    %add3A_2542 = arith.addf %get3A_2540, %add3A_2541 : vector<128x128xf32>
    %reduce_max3A_2543 = arith.constant dense<0xFF800000> : vector<128xf32>
    %reduce_max3A_2544 = vector.multi_reduction <maximumf>, %add3A_2542, %reduce_max3A_2543 [0] : vector<128x128xf32> to vector<128xf32>
    %broadcast_in_dim3A_2545 = vector.shape_cast %reduce_max3A_2544 : vector<128xf32> to vector<1x128xf32>
    %eq3A_2546 = vector.broadcast %broadcast_in_dim3A_2545 : vector<1x128xf32> to vector<128x128xf32>
    %eq3A_2547 = arith.cmpf oeq, %add3A_2542, %eq3A_2546 : vector<128x128xf32>
    %jit3A_2548 = arith.constant 1.280000e+02 : f32
    %broadcast_in_dim3A_2549 = vector.shape_cast %convert_element_type3A : vector<128x1xf32> to vector<128x1xf32>
    %broadcast_in_dim3A_2550 = vector.broadcast %broadcast_in_dim3A_2549 : vector<128x1xf32> to vector<128x128xf32>
    %broadcast_in_dim3A_2551 = vector.broadcast %jit3A_2548 : f32 to vector<128x128xf32>
    %select_n3A_2552 = arith.select %eq3A_2547, %broadcast_in_dim3A_2550, %broadcast_in_dim3A_2551 : vector<128x128xi1>, vector<128x128xf32>
    %reduce_min3A_2553 = arith.constant dense<0x7F800000> : vector<128xf32>
    %reduce_min3A_2554 = vector.multi_reduction <minimumf>, %select_n3A_2552, %reduce_min3A_2553 [0] : vector<128x128xf32> to vector<128xf32>
    %broadcast_in_dim3A_2555 = vector.shape_cast %reduce_min3A_2554 : vector<128xf32> to vector<1x128xf32>
    %eq3A_2556 = vector.broadcast %convert_element_type3A : vector<128x1xf32> to vector<128x128xf32>
    %eq3A_2557 = vector.broadcast %broadcast_in_dim3A_2555 : vector<1x128xf32> to vector<128x128xf32>
    %eq3A_2558 = arith.cmpf oeq, %eq3A_2556, %eq3A_2557 : vector<128x128xf32>
    %convert_element_type3A_2559 = arith.extui %eq3A_2558 : vector<128x128xi1> to vector<128x128xi32>
    %convert_element_type3A_2560 = arith.sitofp %convert_element_type3A_2559 : vector<128x128xi32> to vector<128x128xf32>
    %concatenate3A_2561 = tpu.concatenate %select_n3A_2537, %add3A_2478 in 1 : vector<128x16xf32>, vector<128x1xf32> -> vector<128x17xf32>
    %dot_general3A_2562 = arith.constant dense<0.000000e+00> : vector<128x17xf32>
    %dot_general3A_2563 = tpu.matmul %convert_element_type3A_2560, %concatenate3A_2561, %dot_general3A_2562 {dimension_numbers = #tpu.dot_dimension_numbers<[0], [0], [1], [1], [0, 1, 1, 1], [], []>, precision = #tpu.contract_precision<fp32>, transpose_lhs_hint = false} : vector<128x128xf32>, vector<128x17xf32>, vector<128x17xf32> -> vector<128x17xf32>
    %slice3A_2564 = vector.extract_strided_slice %dot_general3A_2563 {offsets = [0, 0], sizes = [128, 16], strides = [1, 1]} : vector<128x17xf32> to vector<128x16xf32>
    %round3A_2565 = math.roundeven %slice3A_2564 : vector<128x16xf32>
    %slice3A_2566 = vector.extract_strided_slice %dot_general3A_2563 {offsets = [0, 16], sizes = [128, 1], strides = [1, 1]} : vector<128x17xf32> to vector<128x1xf32>
    %get3A_2567 = arith.constant 0 : index
    %get3A_2568 = arith.constant 8 : index
    %get3A_2569 = vector.load %arg1[%get3A_2567, %get3A_2568] : memref<128x16xf32, #tpu.memory_space<vmem>>, vector<128x1xf32>
    %get3A_2570 = arith.constant 0 : index
    %get3A_2571 = arith.constant 8 : index
    %get3A_2572 = vector.load %arg2[%get3A_2570, %get3A_2571] : memref<128x16xf32, #tpu.memory_space<vmem>>, vector<128x1xf32>
    %eq3A_2573 = vector.broadcast %convert_element_type3A_3 : vector<1x16xf32> to vector<128x16xf32>
    %eq3A_2574 = vector.broadcast %get3A_2569 : vector<128x1xf32> to vector<128x16xf32>
    %eq3A_2575 = arith.cmpf oeq, %eq3A_2573, %eq3A_2574 : vector<128x16xf32>
    %convert_element_type3A_2576 = arith.extui %eq3A_2575 : vector<128x16xi1> to vector<128x16xi32>
    %convert_element_type3A_2577 = arith.sitofp %convert_element_type3A_2576 : vector<128x16xi32> to vector<128x16xf32>
    %eq3A_2578 = vector.broadcast %convert_element_type3A_3 : vector<1x16xf32> to vector<128x16xf32>
    %eq3A_2579 = vector.broadcast %get3A_2572 : vector<128x1xf32> to vector<128x16xf32>
    %eq3A_2580 = arith.cmpf oeq, %eq3A_2578, %eq3A_2579 : vector<128x16xf32>
    %convert_element_type3A_2581 = arith.extui %eq3A_2580 : vector<128x16xi1> to vector<128x16xi32>
    %convert_element_type3A_2582 = arith.sitofp %convert_element_type3A_2581 : vector<128x16xi32> to vector<128x16xf32>
    %mul3A_2583 = arith.mulf %convert_element_type3A_2577, %round3A_2565 : vector<128x16xf32>
    %reduce_sum3A_2584 = arith.constant dense<0.000000e+00> : vector<128xf32>
    %reduce_sum3A_2585 = vector.multi_reduction <add>, %mul3A_2583, %reduce_sum3A_2584 [1] : vector<128x16xf32> to vector<128xf32>
    %broadcast_in_dim3A_2586 = vector.shape_cast %reduce_sum3A_2585 : vector<128xf32> to vector<128x1xf32>
    %round3A_2587 = math.roundeven %broadcast_in_dim3A_2586 : vector<128x1xf32>
    %mul3A_2588 = arith.mulf %convert_element_type3A_2582, %round3A_2565 : vector<128x16xf32>
    %reduce_sum3A_2589 = arith.constant dense<0.000000e+00> : vector<128xf32>
    %reduce_sum3A_2590 = vector.multi_reduction <add>, %mul3A_2588, %reduce_sum3A_2589 [1] : vector<128x16xf32> to vector<128xf32>
    %broadcast_in_dim3A_2591 = vector.shape_cast %reduce_sum3A_2590 : vector<128xf32> to vector<128x1xf32>
    %round3A_2592 = math.roundeven %broadcast_in_dim3A_2591 : vector<128x1xf32>
    %concatenate3A_2593 = tpu.concatenate %round3A_2587, %round3A_2592 in 0 : vector<128x1xf32>, vector<128x1xf32> -> vector<256x1xf32>
    %slice3A_2594 = vector.extract_strided_slice %convert_element_type3A_5 {offsets = [0, 0], sizes = [1, 1040], strides = [1, 1]} : vector<1x1936xf32> to vector<1x1040xf32>
    %eq3A_2595 = vector.broadcast %slice3A_2594 : vector<1x1040xf32> to vector<256x1040xf32>
    %eq3A_2596 = vector.broadcast %concatenate3A_2593 : vector<256x1xf32> to vector<256x1040xf32>
    %eq3A_2597 = arith.cmpf oeq, %eq3A_2595, %eq3A_2596 : vector<256x1040xf32>
    %convert_element_type3A_2598 = arith.extui %eq3A_2597 : vector<256x1040xi1> to vector<256x1040xi32>
    %convert_element_type3A_2599 = arith.sitofp %convert_element_type3A_2598 : vector<256x1040xi32> to vector<256x1040xf32>
    %convert_element_type3A_2600 = arith.truncf %convert_element_type3A_2599 : vector<256x1040xf32> to vector<256x1040xbf16>
    %get3A_2601 = arith.constant 0 : index
    %get3A_2602 = arith.constant 0 : index
    %get3A_2603 = vector.load %arg18[%get3A_2601, %get3A_2602] : memref<1936x1408xbf16, #tpu.memory_space<vmem>>, vector<1040x1408xbf16>
    %dot_general3A_2604 = arith.constant dense<0.000000e+00> : vector<256x1408xf32>
    %dot_general3A_2605 = tpu.matmul %convert_element_type3A_2600, %get3A_2603, %dot_general3A_2604 {dimension_numbers = #tpu.dot_dimension_numbers<[1], [0], [0], [1], [0, 0, 1, 1], [], []>, transpose_lhs_hint = false} : vector<256x1040xbf16>, vector<1040x1408xbf16>, vector<256x1408xf32> -> vector<256x1408xf32>
    %get3A_2606 = arith.constant 0 : index
    %get3A_2607 = arith.constant 0 : index
    %get3A_2608 = vector.load %arg19[%get3A_2606, %get3A_2607] : memref<1936x1408xbf16, #tpu.memory_space<vmem>>, vector<1040x1408xbf16>
    %dot_general3A_2609 = arith.constant dense<0.000000e+00> : vector<256x1408xf32>
    %dot_general3A_2610 = tpu.matmul %convert_element_type3A_2600, %get3A_2608, %dot_general3A_2609 {dimension_numbers = #tpu.dot_dimension_numbers<[1], [0], [0], [1], [0, 0, 1, 1], [], []>, transpose_lhs_hint = false} : vector<256x1040xbf16>, vector<1040x1408xbf16>, vector<256x1408xf32> -> vector<256x1408xf32>
    %add3A_2611 = arith.addf %dot_general3A_2605, %dot_general3A_2610 : vector<256x1408xf32>
    %get3A_2612 = arith.constant 0 : index
    %get3A_2613 = arith.constant 0 : index
    %get3A_2614 = vector.load %arg20[%get3A_2612, %get3A_2613] : memref<1936x1408xbf16, #tpu.memory_space<vmem>>, vector<1040x1408xbf16>
    %dot_general3A_2615 = arith.constant dense<0.000000e+00> : vector<256x1408xf32>
    %dot_general3A_2616 = tpu.matmul %convert_element_type3A_2600, %get3A_2614, %dot_general3A_2615 {dimension_numbers = #tpu.dot_dimension_numbers<[1], [0], [0], [1], [0, 0, 1, 1], [], []>, transpose_lhs_hint = false} : vector<256x1040xbf16>, vector<1040x1408xbf16>, vector<256x1408xf32> -> vector<256x1408xf32>
    %add3A_2617 = arith.addf %add3A_2611, %dot_general3A_2616 : vector<256x1408xf32>
    %slice3A_2618 = vector.extract_strided_slice %add3A_2617 {offsets = [0, 1280], sizes = [128, 64], strides = [1, 1]} : vector<256x1408xf32> to vector<128x64xf32>
    %slice3A_2619 = vector.extract_strided_slice %add3A_2617 {offsets = [128, 1280], sizes = [128, 64], strides = [1, 1]} : vector<256x1408xf32> to vector<128x64xf32>
    %slice3A_2620 = vector.extract_strided_slice %add3A_2617 {offsets = [0, 1344], sizes = [128, 1], strides = [1, 1]} : vector<256x1408xf32> to vector<128x1xf32>
    %slice3A_2621 = vector.extract_strided_slice %add3A_2617 {offsets = [128, 1344], sizes = [128, 1], strides = [1, 1]} : vector<256x1408xf32> to vector<128x1xf32>
    %sub3A_2622 = arith.subf %slice3A_2618, %slice3A_2619 : vector<128x64xf32>
    %mul3A_2623 = arith.mulf %sub3A_2622, %sub3A_2622 : vector<128x64xf32>
    %reduce_sum3A_2624 = arith.constant dense<0.000000e+00> : vector<128xf32>
    %reduce_sum3A_2625 = vector.multi_reduction <add>, %mul3A_2623, %reduce_sum3A_2624 [1] : vector<128x64xf32> to vector<128xf32>
    %broadcast_in_dim3A_2626 = vector.shape_cast %reduce_sum3A_2625 : vector<128xf32> to vector<128x1xf32>
    %add3A_2627 = arith.constant 9.99999993E-9 : f32
    %add3A_2628 = vector.broadcast %add3A_2627 : f32 to vector<128x1xf32>
    %add3A_2629 = arith.addf %broadcast_in_dim3A_2626, %add3A_2628 : vector<128x1xf32>
    %sqrt3A_2630 = math.sqrt %add3A_2629 : vector<128x1xf32>
    %mul3A_2631 = vector.broadcast %slice3A_88 : vector<1x1xf32> to vector<128x1xf32>
    %mul3A_2632 = arith.mulf %mul3A_2631, %sqrt3A_2630 : vector<128x1xf32>
    %add3A_2633 = vector.broadcast %slice3A_89 : vector<1x1xf32> to vector<128x1xf32>
    %add3A_2634 = arith.addf %mul3A_2632, %add3A_2633 : vector<128x1xf32>
    %custom_jvp_call3A_2635 = arith.constant 0.000000e+00 : f32
    %max3A_2636 = vector.broadcast %custom_jvp_call3A_2635 : f32 to vector<128x1xf32>
    %max3A_2637 = arith.maximumf %add3A_2634, %max3A_2636 : vector<128x1xf32>
    %sub3A_2638 = vector.broadcast %custom_jvp_call3A_2635 : f32 to vector<128x1xf32>
    %sub3A_2639 = arith.subf %add3A_2634, %sub3A_2638 : vector<128x1xf32>
    %ne3A_2640 = arith.cmpf one, %sub3A_2639, %sub3A_2639 : vector<128x1xf32>
    %add3A_2641 = vector.broadcast %custom_jvp_call3A_2635 : f32 to vector<128x1xf32>
    %add3A_2642 = arith.addf %add3A_2634, %add3A_2641 : vector<128x1xf32>
    %abs3A_2643 = math.absf %sub3A_2639 : vector<128x1xf32>
    %neg3A_2644 = arith.constant 0.000000e+00 : f32
    %neg3A_2645 = vector.broadcast %neg3A_2644 : f32 to vector<128x1xf32>
    %neg3A_2646 = arith.subf %neg3A_2645, %abs3A_2643 : vector<128x1xf32>
    %exp3A_2647 = math.exp %neg3A_2646 : vector<128x1xf32>
    %log1p3A_2648 = math.log1p %exp3A_2647 : vector<128x1xf32>
    %add3A_2649 = arith.addf %max3A_2637, %log1p3A_2648 : vector<128x1xf32>
    %select_n3A_2650 = arith.select %ne3A_2640, %add3A_2642, %add3A_2649 : vector<128x1xi1>, vector<128x1xf32>
    %mul3A_2651 = arith.constant 1.000000e-01 : f32
    %mul3A_2652 = vector.broadcast %mul3A_2651 : f32 to vector<128x1xf32>
    %mul3A_2653 = arith.mulf %select_n3A_2650, %mul3A_2652 : vector<128x1xf32>
    %add3A_2654 = arith.constant 9.99999974E-5 : f32
    %add3A_2655 = vector.broadcast %add3A_2654 : f32 to vector<128x1xf32>
    %add3A_2656 = arith.addf %mul3A_2653, %add3A_2655 : vector<128x1xf32>
    %mul3A_2657 = vector.broadcast %slice3A_90 : vector<1x1xf32> to vector<128x1xf32>
    %mul3A_2658 = arith.mulf %mul3A_2657, %sqrt3A_2630 : vector<128x1xf32>
    %add3A_2659 = vector.broadcast %slice3A_91 : vector<1x1xf32> to vector<128x1xf32>
    %add3A_2660 = arith.addf %mul3A_2658, %add3A_2659 : vector<128x1xf32>
    %custom_jvp_call3A_2661 = arith.constant 0.000000e+00 : f32
    %max3A_2662 = vector.broadcast %custom_jvp_call3A_2661 : f32 to vector<128x1xf32>
    %max3A_2663 = arith.maximumf %add3A_2660, %max3A_2662 : vector<128x1xf32>
    %sub3A_2664 = vector.broadcast %custom_jvp_call3A_2661 : f32 to vector<128x1xf32>
    %sub3A_2665 = arith.subf %add3A_2660, %sub3A_2664 : vector<128x1xf32>
    %ne3A_2666 = arith.cmpf one, %sub3A_2665, %sub3A_2665 : vector<128x1xf32>
    %add3A_2667 = vector.broadcast %custom_jvp_call3A_2661 : f32 to vector<128x1xf32>
    %add3A_2668 = arith.addf %add3A_2660, %add3A_2667 : vector<128x1xf32>
    %abs3A_2669 = math.absf %sub3A_2665 : vector<128x1xf32>
    %neg3A_2670 = arith.constant 0.000000e+00 : f32
    %neg3A_2671 = vector.broadcast %neg3A_2670 : f32 to vector<128x1xf32>
    %neg3A_2672 = arith.subf %neg3A_2671, %abs3A_2669 : vector<128x1xf32>
    %exp3A_2673 = math.exp %neg3A_2672 : vector<128x1xf32>
    %log1p3A_2674 = math.log1p %exp3A_2673 : vector<128x1xf32>
    %add3A_2675 = arith.addf %max3A_2663, %log1p3A_2674 : vector<128x1xf32>
    %select_n3A_2676 = arith.select %ne3A_2666, %add3A_2668, %add3A_2675 : vector<128x1xi1>, vector<128x1xf32>
    %mul3A_2677 = arith.constant 1.000000e-01 : f32
    %mul3A_2678 = vector.broadcast %mul3A_2677 : f32 to vector<128x1xf32>
    %mul3A_2679 = arith.mulf %select_n3A_2676, %mul3A_2678 : vector<128x1xf32>
    %add3A_2680 = arith.constant 9.99999974E-5 : f32
    %add3A_2681 = vector.broadcast %add3A_2680 : f32 to vector<128x1xf32>
    %add3A_2682 = arith.addf %mul3A_2679, %add3A_2681 : vector<128x1xf32>
    %concatenate3A_2683 = tpu.concatenate %slice3A_2618, %slice3A_2619 in 1 : vector<128x64xf32>, vector<128x64xf32> -> vector<128x128xf32>
    %dot_general3A_2684 = arith.constant dense<0.000000e+00> : vector<128x64xf32>
    %dot_general3A_2685 = tpu.matmul %concatenate3A_2683, %get3A_94, %dot_general3A_2684 {dimension_numbers = #tpu.dot_dimension_numbers<[1], [0], [0], [1], [0, 0, 1, 1], [], []>, transpose_lhs_hint = false} : vector<128x128xf32>, vector<128x64xf32>, vector<128x64xf32> -> vector<128x64xf32>
    %tanh3A_2686 = math.tanh %dot_general3A_2685 : vector<128x64xf32>
    %slice3A_2687 = vector.extract_strided_slice %add3A_2617 {offsets = [0, 0], sizes = [256, 256], strides = [1, 1]} : vector<256x1408xf32> to vector<256x256xf32>
    %slice3A_2688 = vector.extract_strided_slice %add3A_2617 {offsets = [0, 256], sizes = [256, 256], strides = [1, 1]} : vector<256x1408xf32> to vector<256x256xf32>
    %slice3A_2689 = vector.extract_strided_slice %add3A_2617 {offsets = [0, 512], sizes = [256, 256], strides = [1, 1]} : vector<256x1408xf32> to vector<256x256xf32>
    %slice3A_2690 = vector.extract_strided_slice %add3A_2617 {offsets = [0, 768], sizes = [256, 256], strides = [1, 1]} : vector<256x1408xf32> to vector<256x256xf32>
    %slice3A_2691 = vector.extract_strided_slice %add3A_2617 {offsets = [0, 1024], sizes = [256, 256], strides = [1, 1]} : vector<256x1408xf32> to vector<256x256xf32>
    %concatenate3A_2692 = tpu.concatenate %add3A_2656, %add3A_2682 in 0 : vector<128x1xf32>, vector<128x1xf32> -> vector<256x1xf32>
    %mul3A_2693 = arith.constant 1.33333337 : f32
    %mul3A_2694 = vector.broadcast %mul3A_2693 : f32 to vector<1x256xf32>
    %mul3A_2695 = arith.mulf %mul3A_2694, %add3A_30 : vector<1x256xf32>
    %mul3A_2696 = vector.broadcast %mul3A_2695 : vector<1x256xf32> to vector<256x256xf32>
    %mul3A_2697 = vector.broadcast %concatenate3A_2692 : vector<256x1xf32> to vector<256x256xf32>
    %mul3A_2698 = arith.mulf %mul3A_2696, %mul3A_2697 : vector<256x256xf32>
    %add3A_2699 = arith.constant 9.99999993E-9 : f32
    %add3A_2700 = vector.broadcast %add3A_2699 : f32 to vector<256x256xf32>
    %add3A_2701 = arith.addf %mul3A_2698, %add3A_2700 : vector<256x256xf32>
    %neg3A_2702 = arith.constant 0.000000e+00 : f32
    %neg3A_2703 = vector.broadcast %neg3A_2702 : f32 to vector<256x256xf32>
    %neg3A_2704 = arith.subf %neg3A_2703, %add3A_2701 : vector<256x256xf32>
    %exp3A_2705 = math.exp %neg3A_2704 : vector<256x256xf32>
    %sub3A_2706 = arith.constant 1.000000e+00 : f32
    %sub3A_2707 = vector.broadcast %sub3A_2706 : f32 to vector<256x256xf32>
    %sub3A_2708 = arith.subf %sub3A_2707, %exp3A_2705 : vector<256x256xf32>
    %mul3A_2709 = arith.constant 2.500000e-01 : f32
    %mul3A_2710 = vector.broadcast %mul3A_2709 : f32 to vector<256x256xf32>
    %mul3A_2711 = arith.mulf %sub3A_2708, %mul3A_2710 : vector<256x256xf32>
    %add3A_2712 = arith.addf %slice3A_2687, %slice3A_2688 : vector<256x256xf32>
    %add3A_2713 = arith.addf %add3A_2712, %slice3A_2689 : vector<256x256xf32>
    %add3A_2714 = arith.addf %add3A_2713, %slice3A_2690 : vector<256x256xf32>
    %mul3A_2715 = arith.mulf %mul3A_2711, %add3A_2714 : vector<256x256xf32>
    %mul3A_2716 = arith.mulf %exp3A_2705, %slice3A_2687 : vector<256x256xf32>
    %add3A_2717 = arith.addf %mul3A_2715, %mul3A_2716 : vector<256x256xf32>
    %mul3A_2718 = arith.mulf %exp3A_2705, %slice3A_2688 : vector<256x256xf32>
    %add3A_2719 = arith.addf %mul3A_2715, %mul3A_2718 : vector<256x256xf32>
    %mul3A_2720 = arith.mulf %exp3A_2705, %slice3A_2689 : vector<256x256xf32>
    %add3A_2721 = arith.addf %mul3A_2715, %mul3A_2720 : vector<256x256xf32>
    %mul3A_2722 = arith.mulf %exp3A_2705, %slice3A_2690 : vector<256x256xf32>
    %add3A_2723 = arith.addf %mul3A_2715, %mul3A_2722 : vector<256x256xf32>
    %slice3A_2724 = vector.extract_strided_slice %add3A_2717 {offsets = [0, 0], sizes = [128, 256], strides = [1, 1]} : vector<256x256xf32> to vector<128x256xf32>
    %slice3A_2725 = vector.extract_strided_slice %add3A_2717 {offsets = [128, 0], sizes = [128, 256], strides = [1, 1]} : vector<256x256xf32> to vector<128x256xf32>
    %mul3A_2726 = arith.mulf %slice3A_2724, %slice3A_2725 : vector<128x256xf32>
    %slice3A_2727 = vector.extract_strided_slice %add3A_2719 {offsets = [0, 0], sizes = [128, 256], strides = [1, 1]} : vector<256x256xf32> to vector<128x256xf32>
    %slice3A_2728 = vector.extract_strided_slice %add3A_2719 {offsets = [128, 0], sizes = [128, 256], strides = [1, 1]} : vector<256x256xf32> to vector<128x256xf32>
    %mul3A_2729 = arith.mulf %slice3A_2727, %slice3A_2728 : vector<128x256xf32>
    %slice3A_2730 = vector.extract_strided_slice %add3A_2721 {offsets = [0, 0], sizes = [128, 256], strides = [1, 1]} : vector<256x256xf32> to vector<128x256xf32>
    %slice3A_2731 = vector.extract_strided_slice %add3A_2721 {offsets = [128, 0], sizes = [128, 256], strides = [1, 1]} : vector<256x256xf32> to vector<128x256xf32>
    %mul3A_2732 = arith.mulf %slice3A_2730, %slice3A_2731 : vector<128x256xf32>
    %slice3A_2733 = vector.extract_strided_slice %add3A_2723 {offsets = [0, 0], sizes = [128, 256], strides = [1, 1]} : vector<256x256xf32> to vector<128x256xf32>
    %slice3A_2734 = vector.extract_strided_slice %add3A_2723 {offsets = [128, 0], sizes = [128, 256], strides = [1, 1]} : vector<256x256xf32> to vector<128x256xf32>
    %mul3A_2735 = arith.mulf %slice3A_2733, %slice3A_2734 : vector<128x256xf32>
    %slice3A_2736 = vector.extract_strided_slice %slice3A_2691 {offsets = [0, 0], sizes = [128, 256], strides = [1, 1]} : vector<256x256xf32> to vector<128x256xf32>
    %slice3A_2737 = vector.extract_strided_slice %slice3A_2691 {offsets = [128, 0], sizes = [128, 256], strides = [1, 1]} : vector<256x256xf32> to vector<128x256xf32>
    %add3A_2738 = arith.addf %slice3A_2736, %slice3A_2737 : vector<128x256xf32>
    %max3A_2739 = arith.maximumf %mul3A_2726, %mul3A_2729 : vector<128x256xf32>
    %max3A_2740 = arith.maximumf %mul3A_2732, %mul3A_2735 : vector<128x256xf32>
    %max3A_2741 = arith.maximumf %max3A_2739, %max3A_2740 : vector<128x256xf32>
    %div3A_2742 = arith.constant 1.000000e+00 : f32
    %div3A_2743 = vector.broadcast %div3A_2742 : f32 to vector<128x256xf32>
    %div3A_2744 = arith.divf %div3A_2743, %max3A_2741 : vector<128x256xf32>
    %mul3A_2745 = arith.mulf %mul3A_2726, %div3A_2744 : vector<128x256xf32>
    %mul3A_2746 = arith.mulf %mul3A_2729, %div3A_2744 : vector<128x256xf32>
    %mul3A_2747 = arith.mulf %mul3A_2732, %div3A_2744 : vector<128x256xf32>
    %mul3A_2748 = arith.mulf %mul3A_2735, %div3A_2744 : vector<128x256xf32>
    %log3A_2749 = math.log %max3A_2741 : vector<128x256xf32>
    %add3A_2750 = arith.addf %add3A_2738, %log3A_2749 : vector<128x256xf32>
    %add3A_2751 = arith.addf %mul3A_2745, %mul3A_2746 : vector<128x256xf32>
    %add3A_2752 = arith.addf %add3A_2751, %mul3A_2747 : vector<128x256xf32>
    %add3A_2753 = arith.addf %add3A_2752, %mul3A_2748 : vector<128x256xf32>
    %log3A_2754 = math.log %add3A_2753 : vector<128x256xf32>
    %add3A_2755 = arith.addf %add3A_2750, %log3A_2754 : vector<128x256xf32>
    %sub3A_2756 = arith.constant 1.38629436 : f32
    %sub3A_2757 = vector.broadcast %sub3A_2756 : f32 to vector<128x256xf32>
    %sub3A_2758 = arith.subf %add3A_2755, %sub3A_2757 : vector<128x256xf32>
    %reduce_sum3A_2759 = arith.constant dense<0.000000e+00> : vector<128xf32>
    %reduce_sum3A_2760 = vector.multi_reduction <add>, %sub3A_2758, %reduce_sum3A_2759 [1] : vector<128x256xf32> to vector<128xf32>
    %broadcast_in_dim3A_2761 = vector.shape_cast %reduce_sum3A_2760 : vector<128xf32> to vector<128x1xf32>
    %broadcast_in_dim3A_2762 = arith.constant 0.000000e+00 : f32
    %broadcast_in_dim3A_2763 = vector.broadcast %broadcast_in_dim3A_2762 : f32 to vector<128x63xf32>
    %concatenate3A_2764 = tpu.concatenate %mul3A_2745, %mul3A_2746, %mul3A_2747, %mul3A_2748, %add3A_2750, %tanh3A_2686, %broadcast_in_dim3A_2761, %broadcast_in_dim3A_2763 in 1 : vector<128x256xf32>, vector<128x256xf32>, vector<128x256xf32>, vector<128x256xf32>, vector<128x256xf32>, vector<128x64xf32>, vector<128x1xf32>, vector<128x63xf32> -> vector<128x1408xf32>
    %convert_element_type3A_2765 = arith.truncf %concatenate3A_2764 : vector<128x1408xf32> to vector<128x1408xbf16>
    %convert_element_type3A_2766 = arith.extf %convert_element_type3A_2765 : vector<128x1408xbf16> to vector<128x1408xf32>
    %sub3A_2767 = arith.subf %concatenate3A_2764, %convert_element_type3A_2766 : vector<128x1408xf32>
    %convert_element_type3A_2768 = arith.truncf %sub3A_2767 : vector<128x1408xf32> to vector<128x1408xbf16>
    %convert_element_type3A_2769 = arith.extf %convert_element_type3A_2768 : vector<128x1408xbf16> to vector<128x1408xf32>
    %sub3A_2770 = arith.subf %sub3A_2767, %convert_element_type3A_2769 : vector<128x1408xf32>
    %convert_element_type3A_2771 = arith.truncf %sub3A_2770 : vector<128x1408xf32> to vector<128x1408xbf16>
    %swap3A_2772 = arith.constant 1040 : index
    %swap3A_2773 = arith.constant 0 : index
    %swap3A_2774 = vector.load %arg18[%swap3A_2772, %swap3A_2773] : memref<1936x1408xbf16, #tpu.memory_space<vmem>>, vector<128x1408xbf16>
    tpu.vector_store %arg18[%swap3A_2772, %swap3A_2773], %convert_element_type3A_2765 {strides = array<i32>} : memref<1936x1408xbf16, #tpu.memory_space<vmem>>, vector<128x1408xbf16>,
    %swap3A_2775 = arith.constant 1040 : index
    %swap3A_2776 = arith.constant 0 : index
    %swap3A_2777 = vector.load %arg19[%swap3A_2775, %swap3A_2776] : memref<1936x1408xbf16, #tpu.memory_space<vmem>>, vector<128x1408xbf16>
    tpu.vector_store %arg19[%swap3A_2775, %swap3A_2776], %convert_element_type3A_2768 {strides = array<i32>} : memref<1936x1408xbf16, #tpu.memory_space<vmem>>, vector<128x1408xbf16>,
    %swap3A_2778 = arith.constant 1040 : index
    %swap3A_2779 = arith.constant 0 : index
    %swap3A_2780 = vector.load %arg20[%swap3A_2778, %swap3A_2779] : memref<1936x1408xbf16, #tpu.memory_space<vmem>>, vector<128x1408xbf16>
    tpu.vector_store %arg20[%swap3A_2778, %swap3A_2779], %convert_element_type3A_2771 {strides = array<i32>} : memref<1936x1408xbf16, #tpu.memory_space<vmem>>, vector<128x1408xbf16>,
    %sub3A_2781 = arith.subf %slice3A_2566, %slice3A_2620 : vector<128x1xf32>
    %sub3A_2782 = arith.subf %sub3A_2781, %slice3A_2621 : vector<128x1xf32>
    %add3A_2783 = arith.addf %sub3A_2782, %broadcast_in_dim3A_2761 : vector<128x1xf32>
    %add3A_2784 = arith.addf %add3A_2656, %add3A_2682 : vector<128x1xf32>
    %div3A_2785 = arith.constant 1.000000e-01 : f32
    %div3A_2786 = vector.broadcast %div3A_2785 : f32 to vector<128x1xf32>
    %div3A_2787 = arith.divf %add3A_2784, %div3A_2786 : vector<128x1xf32>
    %sub3A_2788 = arith.constant 4.60517025 : f32
    %sub3A_2789 = vector.broadcast %sub3A_2788 : f32 to vector<128x1xf32>
    %sub3A_2790 = arith.subf %sub3A_2789, %div3A_2787 : vector<128x1xf32>
    %sub3A_2791 = arith.subf %add3A_2783, %slice3A_2566 : vector<128x1xf32>
    %add3A_2792 = arith.addf %sub3A_2791, %sub3A_2790 : vector<128x1xf32>
    %add3A_2793 = arith.constant 3.33220458 : f32
    %add3A_2794 = vector.broadcast %add3A_2793 : f32 to vector<128x1xf32>
    %add3A_2795 = arith.addf %add3A_2792, %add3A_2794 : vector<128x1xf32>
    %reduce_max3A_2796 = vector.shape_cast %add3A_2795 : vector<128x1xf32> to vector<1x128x1xf32>
    %reduce_max3A_2797 = arith.constant dense<0xFF800000> : vector<1xf32>
    %reduce_max3A_2798 = vector.multi_reduction <maximumf>, %reduce_max3A_2796, %reduce_max3A_2797 [1, 2] : vector<1x128x1xf32> to vector<1xf32>
    %reduce_max3A_2799 = vector.shape_cast %reduce_max3A_2798 : vector<1xf32> to vector<1x1x1xf32>
    %reduce_max3A_2800 = vector.extract %reduce_max3A_2799[0, 0, 0] : f32 from vector<1x1x1xf32>
    %sub3A_2801 = vector.broadcast %reduce_max3A_2800 : f32 to vector<128x1xf32>
    %sub3A_2802 = arith.subf %add3A_2795, %sub3A_2801 : vector<128x1xf32>
    %exp3A_2803 = math.exp %sub3A_2802 : vector<128x1xf32>
    %reduce_sum3A_2804 = vector.shape_cast %exp3A_2803 : vector<128x1xf32> to vector<1x128x1xf32>
    %reduce_sum3A_2805 = arith.constant dense<0.000000e+00> : vector<1xf32>
    %reduce_sum3A_2806 = vector.multi_reduction <add>, %reduce_sum3A_2804, %reduce_sum3A_2805 [1, 2] : vector<1x128x1xf32> to vector<1xf32>
    %reduce_sum3A_2807 = vector.shape_cast %reduce_sum3A_2806 : vector<1xf32> to vector<1x1x1xf32>
    %reduce_sum3A_2808 = vector.extract %reduce_sum3A_2807[0, 0, 0] : f32 from vector<1x1x1xf32>
    %log3A_2809 = math.log %reduce_sum3A_2808 : f32
    %add3A_2810 = arith.addf %reduce_max3A_2800, %log3A_2809 : f32
    %sub3A_2811 = arith.constant 4.85203028 : f32
    %sub3A_2812 = arith.subf %add3A_2810, %sub3A_2811 : f32
    %add3A_2813 = vector.broadcast %sub3A_2812 : f32 to vector<1x1xf32>
    %add3A_2814 = arith.addf %add3A_2509, %add3A_2813 : vector<1x1xf32>
    %slice3A_2815 = vector.extract_strided_slice %round3A_2565 {offsets = [0, 1], sizes = [128, 15], strides = [1, 1]} : vector<128x16xf32> to vector<128x15xf32>
    %slice3A_2816 = vector.extract_strided_slice %round3A_2565 {offsets = [0, 0], sizes = [128, 1], strides = [1, 1]} : vector<128x16xf32> to vector<128x1xf32>
    %concatenate3A_2817 = tpu.concatenate %slice3A_2815, %slice3A_2816 in 1 : vector<128x15xf32>, vector<128x1xf32> -> vector<128x16xf32>
    %slice3A_2818 = vector.extract_strided_slice %round3A_2565 {offsets = [0, 2], sizes = [128, 14], strides = [1, 1]} : vector<128x16xf32> to vector<128x14xf32>
    %slice3A_2819 = vector.extract_strided_slice %round3A_2565 {offsets = [0, 0], sizes = [128, 2], strides = [1, 1]} : vector<128x16xf32> to vector<128x2xf32>
    %concatenate3A_2820 = tpu.concatenate %slice3A_2818, %slice3A_2819 in 1 : vector<128x14xf32>, vector<128x2xf32> -> vector<128x16xf32>
    %lt3A_2821 = vector.broadcast %convert_element_type3A_3 : vector<1x16xf32> to vector<128x16xf32>
    %lt3A_2822 = vector.broadcast %get3A_2569 : vector<128x1xf32> to vector<128x16xf32>
    %lt3A_2823 = arith.cmpf olt, %lt3A_2821, %lt3A_2822 : vector<128x16xf32>
    %sub3A_2824 = arith.constant 1.000000e+00 : f32
    %sub3A_2825 = vector.broadcast %sub3A_2824 : f32 to vector<128x1xf32>
    %sub3A_2826 = arith.subf %get3A_2572, %sub3A_2825 : vector<128x1xf32>
    %lt3A_2827 = vector.broadcast %convert_element_type3A_3 : vector<1x16xf32> to vector<128x16xf32>
    %lt3A_2828 = vector.broadcast %sub3A_2826 : vector<128x1xf32> to vector<128x16xf32>
    %lt3A_2829 = arith.cmpf olt, %lt3A_2827, %lt3A_2828 : vector<128x16xf32>
    %select_n3A_2830 = arith.select %lt3A_2829, %concatenate3A_2817, %concatenate3A_2820 : vector<128x16xi1>, vector<128x16xf32>
    %select_n3A_2831 = arith.select %lt3A_2823, %round3A_2565, %select_n3A_2830 : vector<128x16xi1>, vector<128x16xf32>
    %add3A_2832 = arith.constant 1.040000e+03 : f32
    %add3A_2833 = vector.broadcast %add3A_2832 : f32 to vector<128x1xf32>
    %add3A_2834 = arith.addf %add3A_2833, %convert_element_type3A : vector<128x1xf32>
    %eq3A_2835 = arith.constant 6.000000e+00 : f32
    %eq3A_2836 = vector.broadcast %eq3A_2835 : f32 to vector<1x16xf32>
    %eq3A_2837 = arith.cmpf oeq, %convert_element_type3A_3, %eq3A_2836 : vector<1x16xf32>
    %broadcast_in_dim3A_2838 = vector.shape_cast %eq3A_2837 : vector<1x16xi1> to vector<1x16xi1>
    %broadcast_in_dim3A_2839 = vector.broadcast %broadcast_in_dim3A_2838 : vector<1x16xi1> to vector<128x16xi1>
    %broadcast_in_dim3A_2840 = vector.shape_cast %add3A_2834 : vector<128x1xf32> to vector<128x1xf32>
    %broadcast_in_dim3A_2841 = vector.broadcast %broadcast_in_dim3A_2840 : vector<128x1xf32> to vector<128x16xf32>
    %select_n3A_2842 = arith.select %broadcast_in_dim3A_2839, %broadcast_in_dim3A_2841, %select_n3A_2831 : vector<128x16xi1>, vector<128x16xf32>
    %get3A_2843 = arith.constant 1152 : index
    %get3A_2844 = arith.constant 0 : index
    %get3A_2845 = vector.load %arg0[%get3A_2843, %get3A_2844] : memref<1920x128xf32, #tpu.memory_space<vmem>>, vector<128x128xf32>
    %add3A_2846 = vector.broadcast %add3A_2795 : vector<128x1xf32> to vector<128x128xf32>
    %add3A_2847 = arith.addf %get3A_2845, %add3A_2846 : vector<128x128xf32>
    %reduce_max3A_2848 = arith.constant dense<0xFF800000> : vector<128xf32>
    %reduce_max3A_2849 = vector.multi_reduction <maximumf>, %add3A_2847, %reduce_max3A_2848 [0] : vector<128x128xf32> to vector<128xf32>
    %broadcast_in_dim3A_2850 = vector.shape_cast %reduce_max3A_2849 : vector<128xf32> to vector<1x128xf32>
    %eq3A_2851 = vector.broadcast %broadcast_in_dim3A_2850 : vector<1x128xf32> to vector<128x128xf32>
    %eq3A_2852 = arith.cmpf oeq, %add3A_2847, %eq3A_2851 : vector<128x128xf32>
    %jit3A_2853 = arith.constant 1.280000e+02 : f32
    %broadcast_in_dim3A_2854 = vector.shape_cast %convert_element_type3A : vector<128x1xf32> to vector<128x1xf32>
    %broadcast_in_dim3A_2855 = vector.broadcast %broadcast_in_dim3A_2854 : vector<128x1xf32> to vector<128x128xf32>
    %broadcast_in_dim3A_2856 = vector.broadcast %jit3A_2853 : f32 to vector<128x128xf32>
    %select_n3A_2857 = arith.select %eq3A_2852, %broadcast_in_dim3A_2855, %broadcast_in_dim3A_2856 : vector<128x128xi1>, vector<128x128xf32>
    %reduce_min3A_2858 = arith.constant dense<0x7F800000> : vector<128xf32>
    %reduce_min3A_2859 = vector.multi_reduction <minimumf>, %select_n3A_2857, %reduce_min3A_2858 [0] : vector<128x128xf32> to vector<128xf32>
    %broadcast_in_dim3A_2860 = vector.shape_cast %reduce_min3A_2859 : vector<128xf32> to vector<1x128xf32>
    %eq3A_2861 = vector.broadcast %convert_element_type3A : vector<128x1xf32> to vector<128x128xf32>
    %eq3A_2862 = vector.broadcast %broadcast_in_dim3A_2860 : vector<1x128xf32> to vector<128x128xf32>
    %eq3A_2863 = arith.cmpf oeq, %eq3A_2861, %eq3A_2862 : vector<128x128xf32>
    %convert_element_type3A_2864 = arith.extui %eq3A_2863 : vector<128x128xi1> to vector<128x128xi32>
    %convert_element_type3A_2865 = arith.sitofp %convert_element_type3A_2864 : vector<128x128xi32> to vector<128x128xf32>
    %concatenate3A_2866 = tpu.concatenate %select_n3A_2842, %add3A_2783 in 1 : vector<128x16xf32>, vector<128x1xf32> -> vector<128x17xf32>
    %dot_general3A_2867 = arith.constant dense<0.000000e+00> : vector<128x17xf32>
    %dot_general3A_2868 = tpu.matmul %convert_element_type3A_2865, %concatenate3A_2866, %dot_general3A_2867 {dimension_numbers = #tpu.dot_dimension_numbers<[0], [0], [1], [1], [0, 1, 1, 1], [], []>, precision = #tpu.contract_precision<fp32>, transpose_lhs_hint = false} : vector<128x128xf32>, vector<128x17xf32>, vector<128x17xf32> -> vector<128x17xf32>
    %slice3A_2869 = vector.extract_strided_slice %dot_general3A_2868 {offsets = [0, 0], sizes = [128, 16], strides = [1, 1]} : vector<128x17xf32> to vector<128x16xf32>
    %round3A_2870 = math.roundeven %slice3A_2869 : vector<128x16xf32>
    %slice3A_2871 = vector.extract_strided_slice %dot_general3A_2868 {offsets = [0, 16], sizes = [128, 1], strides = [1, 1]} : vector<128x17xf32> to vector<128x1xf32>
    %get3A_2872 = arith.constant 0 : index
    %get3A_2873 = arith.constant 9 : index
    %get3A_2874 = vector.load %arg1[%get3A_2872, %get3A_2873] : memref<128x16xf32, #tpu.memory_space<vmem>>, vector<128x1xf32>
    %get3A_2875 = arith.constant 0 : index
    %get3A_2876 = arith.constant 9 : index
    %get3A_2877 = vector.load %arg2[%get3A_2875, %get3A_2876] : memref<128x16xf32, #tpu.memory_space<vmem>>, vector<128x1xf32>
    %eq3A_2878 = vector.broadcast %convert_element_type3A_3 : vector<1x16xf32> to vector<128x16xf32>
    %eq3A_2879 = vector.broadcast %get3A_2874 : vector<128x1xf32> to vector<128x16xf32>
    %eq3A_2880 = arith.cmpf oeq, %eq3A_2878, %eq3A_2879 : vector<128x16xf32>
    %convert_element_type3A_2881 = arith.extui %eq3A_2880 : vector<128x16xi1> to vector<128x16xi32>
    %convert_element_type3A_2882 = arith.sitofp %convert_element_type3A_2881 : vector<128x16xi32> to vector<128x16xf32>
    %eq3A_2883 = vector.broadcast %convert_element_type3A_3 : vector<1x16xf32> to vector<128x16xf32>
    %eq3A_2884 = vector.broadcast %get3A_2877 : vector<128x1xf32> to vector<128x16xf32>
    %eq3A_2885 = arith.cmpf oeq, %eq3A_2883, %eq3A_2884 : vector<128x16xf32>
    %convert_element_type3A_2886 = arith.extui %eq3A_2885 : vector<128x16xi1> to vector<128x16xi32>
    %convert_element_type3A_2887 = arith.sitofp %convert_element_type3A_2886 : vector<128x16xi32> to vector<128x16xf32>
    %mul3A_2888 = arith.mulf %convert_element_type3A_2882, %round3A_2870 : vector<128x16xf32>
    %reduce_sum3A_2889 = arith.constant dense<0.000000e+00> : vector<128xf32>
    %reduce_sum3A_2890 = vector.multi_reduction <add>, %mul3A_2888, %reduce_sum3A_2889 [1] : vector<128x16xf32> to vector<128xf32>
    %broadcast_in_dim3A_2891 = vector.shape_cast %reduce_sum3A_2890 : vector<128xf32> to vector<128x1xf32>
    %round3A_2892 = math.roundeven %broadcast_in_dim3A_2891 : vector<128x1xf32>
    %mul3A_2893 = arith.mulf %convert_element_type3A_2887, %round3A_2870 : vector<128x16xf32>
    %reduce_sum3A_2894 = arith.constant dense<0.000000e+00> : vector<128xf32>
    %reduce_sum3A_2895 = vector.multi_reduction <add>, %mul3A_2893, %reduce_sum3A_2894 [1] : vector<128x16xf32> to vector<128xf32>
    %broadcast_in_dim3A_2896 = vector.shape_cast %reduce_sum3A_2895 : vector<128xf32> to vector<128x1xf32>
    %round3A_2897 = math.roundeven %broadcast_in_dim3A_2896 : vector<128x1xf32>
    %concatenate3A_2898 = tpu.concatenate %round3A_2892, %round3A_2897 in 0 : vector<128x1xf32>, vector<128x1xf32> -> vector<256x1xf32>
    %slice3A_2899 = vector.extract_strided_slice %convert_element_type3A_5 {offsets = [0, 0], sizes = [1, 1168], strides = [1, 1]} : vector<1x1936xf32> to vector<1x1168xf32>
    %eq3A_2900 = vector.broadcast %slice3A_2899 : vector<1x1168xf32> to vector<256x1168xf32>
    %eq3A_2901 = vector.broadcast %concatenate3A_2898 : vector<256x1xf32> to vector<256x1168xf32>
    %eq3A_2902 = arith.cmpf oeq, %eq3A_2900, %eq3A_2901 : vector<256x1168xf32>
    %convert_element_type3A_2903 = arith.extui %eq3A_2902 : vector<256x1168xi1> to vector<256x1168xi32>
    %convert_element_type3A_2904 = arith.sitofp %convert_element_type3A_2903 : vector<256x1168xi32> to vector<256x1168xf32>
    %convert_element_type3A_2905 = arith.truncf %convert_element_type3A_2904 : vector<256x1168xf32> to vector<256x1168xbf16>
    %get3A_2906 = arith.constant 0 : index
    %get3A_2907 = arith.constant 0 : index
    %get3A_2908 = vector.load %arg18[%get3A_2906, %get3A_2907] : memref<1936x1408xbf16, #tpu.memory_space<vmem>>, vector<1168x1408xbf16>
    %dot_general3A_2909 = arith.constant dense<0.000000e+00> : vector<256x1408xf32>
    %dot_general3A_2910 = tpu.matmul %convert_element_type3A_2905, %get3A_2908, %dot_general3A_2909 {dimension_numbers = #tpu.dot_dimension_numbers<[1], [0], [0], [1], [0, 0, 1, 1], [], []>, transpose_lhs_hint = false} : vector<256x1168xbf16>, vector<1168x1408xbf16>, vector<256x1408xf32> -> vector<256x1408xf32>
    %get3A_2911 = arith.constant 0 : index
    %get3A_2912 = arith.constant 0 : index
    %get3A_2913 = vector.load %arg19[%get3A_2911, %get3A_2912] : memref<1936x1408xbf16, #tpu.memory_space<vmem>>, vector<1168x1408xbf16>
    %dot_general3A_2914 = arith.constant dense<0.000000e+00> : vector<256x1408xf32>
    %dot_general3A_2915 = tpu.matmul %convert_element_type3A_2905, %get3A_2913, %dot_general3A_2914 {dimension_numbers = #tpu.dot_dimension_numbers<[1], [0], [0], [1], [0, 0, 1, 1], [], []>, transpose_lhs_hint = false} : vector<256x1168xbf16>, vector<1168x1408xbf16>, vector<256x1408xf32> -> vector<256x1408xf32>
    %add3A_2916 = arith.addf %dot_general3A_2910, %dot_general3A_2915 : vector<256x1408xf32>
    %get3A_2917 = arith.constant 0 : index
    %get3A_2918 = arith.constant 0 : index
    %get3A_2919 = vector.load %arg20[%get3A_2917, %get3A_2918] : memref<1936x1408xbf16, #tpu.memory_space<vmem>>, vector<1168x1408xbf16>
    %dot_general3A_2920 = arith.constant dense<0.000000e+00> : vector<256x1408xf32>
    %dot_general3A_2921 = tpu.matmul %convert_element_type3A_2905, %get3A_2919, %dot_general3A_2920 {dimension_numbers = #tpu.dot_dimension_numbers<[1], [0], [0], [1], [0, 0, 1, 1], [], []>, transpose_lhs_hint = false} : vector<256x1168xbf16>, vector<1168x1408xbf16>, vector<256x1408xf32> -> vector<256x1408xf32>
    %add3A_2922 = arith.addf %add3A_2916, %dot_general3A_2921 : vector<256x1408xf32>
    %slice3A_2923 = vector.extract_strided_slice %add3A_2922 {offsets = [0, 1280], sizes = [128, 64], strides = [1, 1]} : vector<256x1408xf32> to vector<128x64xf32>
    %slice3A_2924 = vector.extract_strided_slice %add3A_2922 {offsets = [128, 1280], sizes = [128, 64], strides = [1, 1]} : vector<256x1408xf32> to vector<128x64xf32>
    %slice3A_2925 = vector.extract_strided_slice %add3A_2922 {offsets = [0, 1344], sizes = [128, 1], strides = [1, 1]} : vector<256x1408xf32> to vector<128x1xf32>
    %slice3A_2926 = vector.extract_strided_slice %add3A_2922 {offsets = [128, 1344], sizes = [128, 1], strides = [1, 1]} : vector<256x1408xf32> to vector<128x1xf32>
    %sub3A_2927 = arith.subf %slice3A_2923, %slice3A_2924 : vector<128x64xf32>
    %mul3A_2928 = arith.mulf %sub3A_2927, %sub3A_2927 : vector<128x64xf32>
    %reduce_sum3A_2929 = arith.constant dense<0.000000e+00> : vector<128xf32>
    %reduce_sum3A_2930 = vector.multi_reduction <add>, %mul3A_2928, %reduce_sum3A_2929 [1] : vector<128x64xf32> to vector<128xf32>
    %broadcast_in_dim3A_2931 = vector.shape_cast %reduce_sum3A_2930 : vector<128xf32> to vector<128x1xf32>
    %add3A_2932 = arith.constant 9.99999993E-9 : f32
    %add3A_2933 = vector.broadcast %add3A_2932 : f32 to vector<128x1xf32>
    %add3A_2934 = arith.addf %broadcast_in_dim3A_2931, %add3A_2933 : vector<128x1xf32>
    %sqrt3A_2935 = math.sqrt %add3A_2934 : vector<128x1xf32>
    %mul3A_2936 = vector.broadcast %slice3A_88 : vector<1x1xf32> to vector<128x1xf32>
    %mul3A_2937 = arith.mulf %mul3A_2936, %sqrt3A_2935 : vector<128x1xf32>
    %add3A_2938 = vector.broadcast %slice3A_89 : vector<1x1xf32> to vector<128x1xf32>
    %add3A_2939 = arith.addf %mul3A_2937, %add3A_2938 : vector<128x1xf32>
    %custom_jvp_call3A_2940 = arith.constant 0.000000e+00 : f32
    %max3A_2941 = vector.broadcast %custom_jvp_call3A_2940 : f32 to vector<128x1xf32>
    %max3A_2942 = arith.maximumf %add3A_2939, %max3A_2941 : vector<128x1xf32>
    %sub3A_2943 = vector.broadcast %custom_jvp_call3A_2940 : f32 to vector<128x1xf32>
    %sub3A_2944 = arith.subf %add3A_2939, %sub3A_2943 : vector<128x1xf32>
    %ne3A_2945 = arith.cmpf one, %sub3A_2944, %sub3A_2944 : vector<128x1xf32>
    %add3A_2946 = vector.broadcast %custom_jvp_call3A_2940 : f32 to vector<128x1xf32>
    %add3A_2947 = arith.addf %add3A_2939, %add3A_2946 : vector<128x1xf32>
    %abs3A_2948 = math.absf %sub3A_2944 : vector<128x1xf32>
    %neg3A_2949 = arith.constant 0.000000e+00 : f32
    %neg3A_2950 = vector.broadcast %neg3A_2949 : f32 to vector<128x1xf32>
    %neg3A_2951 = arith.subf %neg3A_2950, %abs3A_2948 : vector<128x1xf32>
    %exp3A_2952 = math.exp %neg3A_2951 : vector<128x1xf32>
    %log1p3A_2953 = math.log1p %exp3A_2952 : vector<128x1xf32>
    %add3A_2954 = arith.addf %max3A_2942, %log1p3A_2953 : vector<128x1xf32>
    %select_n3A_2955 = arith.select %ne3A_2945, %add3A_2947, %add3A_2954 : vector<128x1xi1>, vector<128x1xf32>
    %mul3A_2956 = arith.constant 1.000000e-01 : f32
    %mul3A_2957 = vector.broadcast %mul3A_2956 : f32 to vector<128x1xf32>
    %mul3A_2958 = arith.mulf %select_n3A_2955, %mul3A_2957 : vector<128x1xf32>
    %add3A_2959 = arith.constant 9.99999974E-5 : f32
    %add3A_2960 = vector.broadcast %add3A_2959 : f32 to vector<128x1xf32>
    %add3A_2961 = arith.addf %mul3A_2958, %add3A_2960 : vector<128x1xf32>
    %mul3A_2962 = vector.broadcast %slice3A_90 : vector<1x1xf32> to vector<128x1xf32>
    %mul3A_2963 = arith.mulf %mul3A_2962, %sqrt3A_2935 : vector<128x1xf32>
    %add3A_2964 = vector.broadcast %slice3A_91 : vector<1x1xf32> to vector<128x1xf32>
    %add3A_2965 = arith.addf %mul3A_2963, %add3A_2964 : vector<128x1xf32>
    %custom_jvp_call3A_2966 = arith.constant 0.000000e+00 : f32
    %max3A_2967 = vector.broadcast %custom_jvp_call3A_2966 : f32 to vector<128x1xf32>
    %max3A_2968 = arith.maximumf %add3A_2965, %max3A_2967 : vector<128x1xf32>
    %sub3A_2969 = vector.broadcast %custom_jvp_call3A_2966 : f32 to vector<128x1xf32>
    %sub3A_2970 = arith.subf %add3A_2965, %sub3A_2969 : vector<128x1xf32>
    %ne3A_2971 = arith.cmpf one, %sub3A_2970, %sub3A_2970 : vector<128x1xf32>
    %add3A_2972 = vector.broadcast %custom_jvp_call3A_2966 : f32 to vector<128x1xf32>
    %add3A_2973 = arith.addf %add3A_2965, %add3A_2972 : vector<128x1xf32>
    %abs3A_2974 = math.absf %sub3A_2970 : vector<128x1xf32>
    %neg3A_2975 = arith.constant 0.000000e+00 : f32
    %neg3A_2976 = vector.broadcast %neg3A_2975 : f32 to vector<128x1xf32>
    %neg3A_2977 = arith.subf %neg3A_2976, %abs3A_2974 : vector<128x1xf32>
    %exp3A_2978 = math.exp %neg3A_2977 : vector<128x1xf32>
    %log1p3A_2979 = math.log1p %exp3A_2978 : vector<128x1xf32>
    %add3A_2980 = arith.addf %max3A_2968, %log1p3A_2979 : vector<128x1xf32>
    %select_n3A_2981 = arith.select %ne3A_2971, %add3A_2973, %add3A_2980 : vector<128x1xi1>, vector<128x1xf32>
    %mul3A_2982 = arith.constant 1.000000e-01 : f32
    %mul3A_2983 = vector.broadcast %mul3A_2982 : f32 to vector<128x1xf32>
    %mul3A_2984 = arith.mulf %select_n3A_2981, %mul3A_2983 : vector<128x1xf32>
    %add3A_2985 = arith.constant 9.99999974E-5 : f32
    %add3A_2986 = vector.broadcast %add3A_2985 : f32 to vector<128x1xf32>
    %add3A_2987 = arith.addf %mul3A_2984, %add3A_2986 : vector<128x1xf32>
    %concatenate3A_2988 = tpu.concatenate %slice3A_2923, %slice3A_2924 in 1 : vector<128x64xf32>, vector<128x64xf32> -> vector<128x128xf32>
    %dot_general3A_2989 = arith.constant dense<0.000000e+00> : vector<128x64xf32>
    %dot_general3A_2990 = tpu.matmul %concatenate3A_2988, %get3A_94, %dot_general3A_2989 {dimension_numbers = #tpu.dot_dimension_numbers<[1], [0], [0], [1], [0, 0, 1, 1], [], []>, transpose_lhs_hint = false} : vector<128x128xf32>, vector<128x64xf32>, vector<128x64xf32> -> vector<128x64xf32>
    %tanh3A_2991 = math.tanh %dot_general3A_2990 : vector<128x64xf32>
    %slice3A_2992 = vector.extract_strided_slice %add3A_2922 {offsets = [0, 0], sizes = [256, 256], strides = [1, 1]} : vector<256x1408xf32> to vector<256x256xf32>
    %slice3A_2993 = vector.extract_strided_slice %add3A_2922 {offsets = [0, 256], sizes = [256, 256], strides = [1, 1]} : vector<256x1408xf32> to vector<256x256xf32>
    %slice3A_2994 = vector.extract_strided_slice %add3A_2922 {offsets = [0, 512], sizes = [256, 256], strides = [1, 1]} : vector<256x1408xf32> to vector<256x256xf32>
    %slice3A_2995 = vector.extract_strided_slice %add3A_2922 {offsets = [0, 768], sizes = [256, 256], strides = [1, 1]} : vector<256x1408xf32> to vector<256x256xf32>
    %slice3A_2996 = vector.extract_strided_slice %add3A_2922 {offsets = [0, 1024], sizes = [256, 256], strides = [1, 1]} : vector<256x1408xf32> to vector<256x256xf32>
    %concatenate3A_2997 = tpu.concatenate %add3A_2961, %add3A_2987 in 0 : vector<128x1xf32>, vector<128x1xf32> -> vector<256x1xf32>
    %mul3A_2998 = arith.constant 1.33333337 : f32
    %mul3A_2999 = vector.broadcast %mul3A_2998 : f32 to vector<1x256xf32>
    %mul3A_3000 = arith.mulf %mul3A_2999, %add3A_30 : vector<1x256xf32>
    %mul3A_3001 = vector.broadcast %mul3A_3000 : vector<1x256xf32> to vector<256x256xf32>
    %mul3A_3002 = vector.broadcast %concatenate3A_2997 : vector<256x1xf32> to vector<256x256xf32>
    %mul3A_3003 = arith.mulf %mul3A_3001, %mul3A_3002 : vector<256x256xf32>
    %add3A_3004 = arith.constant 9.99999993E-9 : f32
    %add3A_3005 = vector.broadcast %add3A_3004 : f32 to vector<256x256xf32>
    %add3A_3006 = arith.addf %mul3A_3003, %add3A_3005 : vector<256x256xf32>
    %neg3A_3007 = arith.constant 0.000000e+00 : f32
    %neg3A_3008 = vector.broadcast %neg3A_3007 : f32 to vector<256x256xf32>
    %neg3A_3009 = arith.subf %neg3A_3008, %add3A_3006 : vector<256x256xf32>
    %exp3A_3010 = math.exp %neg3A_3009 : vector<256x256xf32>
    %sub3A_3011 = arith.constant 1.000000e+00 : f32
    %sub3A_3012 = vector.broadcast %sub3A_3011 : f32 to vector<256x256xf32>
    %sub3A_3013 = arith.subf %sub3A_3012, %exp3A_3010 : vector<256x256xf32>
    %mul3A_3014 = arith.constant 2.500000e-01 : f32
    %mul3A_3015 = vector.broadcast %mul3A_3014 : f32 to vector<256x256xf32>
    %mul3A_3016 = arith.mulf %sub3A_3013, %mul3A_3015 : vector<256x256xf32>
    %add3A_3017 = arith.addf %slice3A_2992, %slice3A_2993 : vector<256x256xf32>
    %add3A_3018 = arith.addf %add3A_3017, %slice3A_2994 : vector<256x256xf32>
    %add3A_3019 = arith.addf %add3A_3018, %slice3A_2995 : vector<256x256xf32>
    %mul3A_3020 = arith.mulf %mul3A_3016, %add3A_3019 : vector<256x256xf32>
    %mul3A_3021 = arith.mulf %exp3A_3010, %slice3A_2992 : vector<256x256xf32>
    %add3A_3022 = arith.addf %mul3A_3020, %mul3A_3021 : vector<256x256xf32>
    %mul3A_3023 = arith.mulf %exp3A_3010, %slice3A_2993 : vector<256x256xf32>
    %add3A_3024 = arith.addf %mul3A_3020, %mul3A_3023 : vector<256x256xf32>
    %mul3A_3025 = arith.mulf %exp3A_3010, %slice3A_2994 : vector<256x256xf32>
    %add3A_3026 = arith.addf %mul3A_3020, %mul3A_3025 : vector<256x256xf32>
    %mul3A_3027 = arith.mulf %exp3A_3010, %slice3A_2995 : vector<256x256xf32>
    %add3A_3028 = arith.addf %mul3A_3020, %mul3A_3027 : vector<256x256xf32>
    %slice3A_3029 = vector.extract_strided_slice %add3A_3022 {offsets = [0, 0], sizes = [128, 256], strides = [1, 1]} : vector<256x256xf32> to vector<128x256xf32>
    %slice3A_3030 = vector.extract_strided_slice %add3A_3022 {offsets = [128, 0], sizes = [128, 256], strides = [1, 1]} : vector<256x256xf32> to vector<128x256xf32>
    %mul3A_3031 = arith.mulf %slice3A_3029, %slice3A_3030 : vector<128x256xf32>
    %slice3A_3032 = vector.extract_strided_slice %add3A_3024 {offsets = [0, 0], sizes = [128, 256], strides = [1, 1]} : vector<256x256xf32> to vector<128x256xf32>
    %slice3A_3033 = vector.extract_strided_slice %add3A_3024 {offsets = [128, 0], sizes = [128, 256], strides = [1, 1]} : vector<256x256xf32> to vector<128x256xf32>
    %mul3A_3034 = arith.mulf %slice3A_3032, %slice3A_3033 : vector<128x256xf32>
    %slice3A_3035 = vector.extract_strided_slice %add3A_3026 {offsets = [0, 0], sizes = [128, 256], strides = [1, 1]} : vector<256x256xf32> to vector<128x256xf32>
    %slice3A_3036 = vector.extract_strided_slice %add3A_3026 {offsets = [128, 0], sizes = [128, 256], strides = [1, 1]} : vector<256x256xf32> to vector<128x256xf32>
    %mul3A_3037 = arith.mulf %slice3A_3035, %slice3A_3036 : vector<128x256xf32>
    %slice3A_3038 = vector.extract_strided_slice %add3A_3028 {offsets = [0, 0], sizes = [128, 256], strides = [1, 1]} : vector<256x256xf32> to vector<128x256xf32>
    %slice3A_3039 = vector.extract_strided_slice %add3A_3028 {offsets = [128, 0], sizes = [128, 256], strides = [1, 1]} : vector<256x256xf32> to vector<128x256xf32>
    %mul3A_3040 = arith.mulf %slice3A_3038, %slice3A_3039 : vector<128x256xf32>
    %slice3A_3041 = vector.extract_strided_slice %slice3A_2996 {offsets = [0, 0], sizes = [128, 256], strides = [1, 1]} : vector<256x256xf32> to vector<128x256xf32>
    %slice3A_3042 = vector.extract_strided_slice %slice3A_2996 {offsets = [128, 0], sizes = [128, 256], strides = [1, 1]} : vector<256x256xf32> to vector<128x256xf32>
    %add3A_3043 = arith.addf %slice3A_3041, %slice3A_3042 : vector<128x256xf32>
    %max3A_3044 = arith.maximumf %mul3A_3031, %mul3A_3034 : vector<128x256xf32>
    %max3A_3045 = arith.maximumf %mul3A_3037, %mul3A_3040 : vector<128x256xf32>
    %max3A_3046 = arith.maximumf %max3A_3044, %max3A_3045 : vector<128x256xf32>
    %div3A_3047 = arith.constant 1.000000e+00 : f32
    %div3A_3048 = vector.broadcast %div3A_3047 : f32 to vector<128x256xf32>
    %div3A_3049 = arith.divf %div3A_3048, %max3A_3046 : vector<128x256xf32>
    %mul3A_3050 = arith.mulf %mul3A_3031, %div3A_3049 : vector<128x256xf32>
    %mul3A_3051 = arith.mulf %mul3A_3034, %div3A_3049 : vector<128x256xf32>
    %mul3A_3052 = arith.mulf %mul3A_3037, %div3A_3049 : vector<128x256xf32>
    %mul3A_3053 = arith.mulf %mul3A_3040, %div3A_3049 : vector<128x256xf32>
    %log3A_3054 = math.log %max3A_3046 : vector<128x256xf32>
    %add3A_3055 = arith.addf %add3A_3043, %log3A_3054 : vector<128x256xf32>
    %add3A_3056 = arith.addf %mul3A_3050, %mul3A_3051 : vector<128x256xf32>
    %add3A_3057 = arith.addf %add3A_3056, %mul3A_3052 : vector<128x256xf32>
    %add3A_3058 = arith.addf %add3A_3057, %mul3A_3053 : vector<128x256xf32>
    %log3A_3059 = math.log %add3A_3058 : vector<128x256xf32>
    %add3A_3060 = arith.addf %add3A_3055, %log3A_3059 : vector<128x256xf32>
    %sub3A_3061 = arith.constant 1.38629436 : f32
    %sub3A_3062 = vector.broadcast %sub3A_3061 : f32 to vector<128x256xf32>
    %sub3A_3063 = arith.subf %add3A_3060, %sub3A_3062 : vector<128x256xf32>
    %reduce_sum3A_3064 = arith.constant dense<0.000000e+00> : vector<128xf32>
    %reduce_sum3A_3065 = vector.multi_reduction <add>, %sub3A_3063, %reduce_sum3A_3064 [1] : vector<128x256xf32> to vector<128xf32>
    %broadcast_in_dim3A_3066 = vector.shape_cast %reduce_sum3A_3065 : vector<128xf32> to vector<128x1xf32>
    %broadcast_in_dim3A_3067 = arith.constant 0.000000e+00 : f32
    %broadcast_in_dim3A_3068 = vector.broadcast %broadcast_in_dim3A_3067 : f32 to vector<128x63xf32>
    %concatenate3A_3069 = tpu.concatenate %mul3A_3050, %mul3A_3051, %mul3A_3052, %mul3A_3053, %add3A_3055, %tanh3A_2991, %broadcast_in_dim3A_3066, %broadcast_in_dim3A_3068 in 1 : vector<128x256xf32>, vector<128x256xf32>, vector<128x256xf32>, vector<128x256xf32>, vector<128x256xf32>, vector<128x64xf32>, vector<128x1xf32>, vector<128x63xf32> -> vector<128x1408xf32>
    %convert_element_type3A_3070 = arith.truncf %concatenate3A_3069 : vector<128x1408xf32> to vector<128x1408xbf16>
    %convert_element_type3A_3071 = arith.extf %convert_element_type3A_3070 : vector<128x1408xbf16> to vector<128x1408xf32>
    %sub3A_3072 = arith.subf %concatenate3A_3069, %convert_element_type3A_3071 : vector<128x1408xf32>
    %convert_element_type3A_3073 = arith.truncf %sub3A_3072 : vector<128x1408xf32> to vector<128x1408xbf16>
    %convert_element_type3A_3074 = arith.extf %convert_element_type3A_3073 : vector<128x1408xbf16> to vector<128x1408xf32>
    %sub3A_3075 = arith.subf %sub3A_3072, %convert_element_type3A_3074 : vector<128x1408xf32>
    %convert_element_type3A_3076 = arith.truncf %sub3A_3075 : vector<128x1408xf32> to vector<128x1408xbf16>
    %swap3A_3077 = arith.constant 1168 : index
    %swap3A_3078 = arith.constant 0 : index
    %swap3A_3079 = vector.load %arg18[%swap3A_3077, %swap3A_3078] : memref<1936x1408xbf16, #tpu.memory_space<vmem>>, vector<128x1408xbf16>
    tpu.vector_store %arg18[%swap3A_3077, %swap3A_3078], %convert_element_type3A_3070 {strides = array<i32>} : memref<1936x1408xbf16, #tpu.memory_space<vmem>>, vector<128x1408xbf16>,
    %swap3A_3080 = arith.constant 1168 : index
    %swap3A_3081 = arith.constant 0 : index
    %swap3A_3082 = vector.load %arg19[%swap3A_3080, %swap3A_3081] : memref<1936x1408xbf16, #tpu.memory_space<vmem>>, vector<128x1408xbf16>
    tpu.vector_store %arg19[%swap3A_3080, %swap3A_3081], %convert_element_type3A_3073 {strides = array<i32>} : memref<1936x1408xbf16, #tpu.memory_space<vmem>>, vector<128x1408xbf16>,
    %swap3A_3083 = arith.constant 1168 : index
    %swap3A_3084 = arith.constant 0 : index
    %swap3A_3085 = vector.load %arg20[%swap3A_3083, %swap3A_3084] : memref<1936x1408xbf16, #tpu.memory_space<vmem>>, vector<128x1408xbf16>
    tpu.vector_store %arg20[%swap3A_3083, %swap3A_3084], %convert_element_type3A_3076 {strides = array<i32>} : memref<1936x1408xbf16, #tpu.memory_space<vmem>>, vector<128x1408xbf16>,
    %sub3A_3086 = arith.subf %slice3A_2871, %slice3A_2925 : vector<128x1xf32>
    %sub3A_3087 = arith.subf %sub3A_3086, %slice3A_2926 : vector<128x1xf32>
    %add3A_3088 = arith.addf %sub3A_3087, %broadcast_in_dim3A_3066 : vector<128x1xf32>
    %add3A_3089 = arith.addf %add3A_2961, %add3A_2987 : vector<128x1xf32>
    %div3A_3090 = arith.constant 1.000000e-01 : f32
    %div3A_3091 = vector.broadcast %div3A_3090 : f32 to vector<128x1xf32>
    %div3A_3092 = arith.divf %add3A_3089, %div3A_3091 : vector<128x1xf32>
    %sub3A_3093 = arith.constant 4.60517025 : f32
    %sub3A_3094 = vector.broadcast %sub3A_3093 : f32 to vector<128x1xf32>
    %sub3A_3095 = arith.subf %sub3A_3094, %div3A_3092 : vector<128x1xf32>
    %sub3A_3096 = arith.subf %add3A_3088, %slice3A_2871 : vector<128x1xf32>
    %add3A_3097 = arith.addf %sub3A_3096, %sub3A_3095 : vector<128x1xf32>
    %add3A_3098 = arith.constant 3.04452252 : f32
    %add3A_3099 = vector.broadcast %add3A_3098 : f32 to vector<128x1xf32>
    %add3A_3100 = arith.addf %add3A_3097, %add3A_3099 : vector<128x1xf32>
    %reduce_max3A_3101 = vector.shape_cast %add3A_3100 : vector<128x1xf32> to vector<1x128x1xf32>
    %reduce_max3A_3102 = arith.constant dense<0xFF800000> : vector<1xf32>
    %reduce_max3A_3103 = vector.multi_reduction <maximumf>, %reduce_max3A_3101, %reduce_max3A_3102 [1, 2] : vector<1x128x1xf32> to vector<1xf32>
    %reduce_max3A_3104 = vector.shape_cast %reduce_max3A_3103 : vector<1xf32> to vector<1x1x1xf32>
    %reduce_max3A_3105 = vector.extract %reduce_max3A_3104[0, 0, 0] : f32 from vector<1x1x1xf32>
    %sub3A_3106 = vector.broadcast %reduce_max3A_3105 : f32 to vector<128x1xf32>
    %sub3A_3107 = arith.subf %add3A_3100, %sub3A_3106 : vector<128x1xf32>
    %exp3A_3108 = math.exp %sub3A_3107 : vector<128x1xf32>
    %reduce_sum3A_3109 = vector.shape_cast %exp3A_3108 : vector<128x1xf32> to vector<1x128x1xf32>
    %reduce_sum3A_3110 = arith.constant dense<0.000000e+00> : vector<1xf32>
    %reduce_sum3A_3111 = vector.multi_reduction <add>, %reduce_sum3A_3109, %reduce_sum3A_3110 [1, 2] : vector<1x128x1xf32> to vector<1xf32>
    %reduce_sum3A_3112 = vector.shape_cast %reduce_sum3A_3111 : vector<1xf32> to vector<1x1x1xf32>
    %reduce_sum3A_3113 = vector.extract %reduce_sum3A_3112[0, 0, 0] : f32 from vector<1x1x1xf32>
    %log3A_3114 = math.log %reduce_sum3A_3113 : f32
    %add3A_3115 = arith.addf %reduce_max3A_3105, %log3A_3114 : f32
    %sub3A_3116 = arith.constant 4.85203028 : f32
    %sub3A_3117 = arith.subf %add3A_3115, %sub3A_3116 : f32
    %add3A_3118 = vector.broadcast %sub3A_3117 : f32 to vector<1x1xf32>
    %add3A_3119 = arith.addf %add3A_2814, %add3A_3118 : vector<1x1xf32>
    %slice3A_3120 = vector.extract_strided_slice %round3A_2870 {offsets = [0, 1], sizes = [128, 15], strides = [1, 1]} : vector<128x16xf32> to vector<128x15xf32>
    %slice3A_3121 = vector.extract_strided_slice %round3A_2870 {offsets = [0, 0], sizes = [128, 1], strides = [1, 1]} : vector<128x16xf32> to vector<128x1xf32>
    %concatenate3A_3122 = tpu.concatenate %slice3A_3120, %slice3A_3121 in 1 : vector<128x15xf32>, vector<128x1xf32> -> vector<128x16xf32>
    %slice3A_3123 = vector.extract_strided_slice %round3A_2870 {offsets = [0, 2], sizes = [128, 14], strides = [1, 1]} : vector<128x16xf32> to vector<128x14xf32>
    %slice3A_3124 = vector.extract_strided_slice %round3A_2870 {offsets = [0, 0], sizes = [128, 2], strides = [1, 1]} : vector<128x16xf32> to vector<128x2xf32>
    %concatenate3A_3125 = tpu.concatenate %slice3A_3123, %slice3A_3124 in 1 : vector<128x14xf32>, vector<128x2xf32> -> vector<128x16xf32>
    %lt3A_3126 = vector.broadcast %convert_element_type3A_3 : vector<1x16xf32> to vector<128x16xf32>
    %lt3A_3127 = vector.broadcast %get3A_2874 : vector<128x1xf32> to vector<128x16xf32>
    %lt3A_3128 = arith.cmpf olt, %lt3A_3126, %lt3A_3127 : vector<128x16xf32>
    %sub3A_3129 = arith.constant 1.000000e+00 : f32
    %sub3A_3130 = vector.broadcast %sub3A_3129 : f32 to vector<128x1xf32>
    %sub3A_3131 = arith.subf %get3A_2877, %sub3A_3130 : vector<128x1xf32>
    %lt3A_3132 = vector.broadcast %convert_element_type3A_3 : vector<1x16xf32> to vector<128x16xf32>
    %lt3A_3133 = vector.broadcast %sub3A_3131 : vector<128x1xf32> to vector<128x16xf32>
    %lt3A_3134 = arith.cmpf olt, %lt3A_3132, %lt3A_3133 : vector<128x16xf32>
    %select_n3A_3135 = arith.select %lt3A_3134, %concatenate3A_3122, %concatenate3A_3125 : vector<128x16xi1>, vector<128x16xf32>
    %select_n3A_3136 = arith.select %lt3A_3128, %round3A_2870, %select_n3A_3135 : vector<128x16xi1>, vector<128x16xf32>
    %add3A_3137 = arith.constant 1.168000e+03 : f32
    %add3A_3138 = vector.broadcast %add3A_3137 : f32 to vector<128x1xf32>
    %add3A_3139 = arith.addf %add3A_3138, %convert_element_type3A : vector<128x1xf32>
    %eq3A_3140 = arith.constant 5.000000e+00 : f32
    %eq3A_3141 = vector.broadcast %eq3A_3140 : f32 to vector<1x16xf32>
    %eq3A_3142 = arith.cmpf oeq, %convert_element_type3A_3, %eq3A_3141 : vector<1x16xf32>
    %broadcast_in_dim3A_3143 = vector.shape_cast %eq3A_3142 : vector<1x16xi1> to vector<1x16xi1>
    %broadcast_in_dim3A_3144 = vector.broadcast %broadcast_in_dim3A_3143 : vector<1x16xi1> to vector<128x16xi1>
    %broadcast_in_dim3A_3145 = vector.shape_cast %add3A_3139 : vector<128x1xf32> to vector<128x1xf32>
    %broadcast_in_dim3A_3146 = vector.broadcast %broadcast_in_dim3A_3145 : vector<128x1xf32> to vector<128x16xf32>
    %select_n3A_3147 = arith.select %broadcast_in_dim3A_3144, %broadcast_in_dim3A_3146, %select_n3A_3136 : vector<128x16xi1>, vector<128x16xf32>
    %get3A_3148 = arith.constant 1280 : index
    %get3A_3149 = arith.constant 0 : index
    %get3A_3150 = vector.load %arg0[%get3A_3148, %get3A_3149] : memref<1920x128xf32, #tpu.memory_space<vmem>>, vector<128x128xf32>
    %add3A_3151 = vector.broadcast %add3A_3100 : vector<128x1xf32> to vector<128x128xf32>
    %add3A_3152 = arith.addf %get3A_3150, %add3A_3151 : vector<128x128xf32>
    %reduce_max3A_3153 = arith.constant dense<0xFF800000> : vector<128xf32>
    %reduce_max3A_3154 = vector.multi_reduction <maximumf>, %add3A_3152, %reduce_max3A_3153 [0] : vector<128x128xf32> to vector<128xf32>
    %broadcast_in_dim3A_3155 = vector.shape_cast %reduce_max3A_3154 : vector<128xf32> to vector<1x128xf32>
    %eq3A_3156 = vector.broadcast %broadcast_in_dim3A_3155 : vector<1x128xf32> to vector<128x128xf32>
    %eq3A_3157 = arith.cmpf oeq, %add3A_3152, %eq3A_3156 : vector<128x128xf32>
    %jit3A_3158 = arith.constant 1.280000e+02 : f32
    %broadcast_in_dim3A_3159 = vector.shape_cast %convert_element_type3A : vector<128x1xf32> to vector<128x1xf32>
    %broadcast_in_dim3A_3160 = vector.broadcast %broadcast_in_dim3A_3159 : vector<128x1xf32> to vector<128x128xf32>
    %broadcast_in_dim3A_3161 = vector.broadcast %jit3A_3158 : f32 to vector<128x128xf32>
    %select_n3A_3162 = arith.select %eq3A_3157, %broadcast_in_dim3A_3160, %broadcast_in_dim3A_3161 : vector<128x128xi1>, vector<128x128xf32>
    %reduce_min3A_3163 = arith.constant dense<0x7F800000> : vector<128xf32>
    %reduce_min3A_3164 = vector.multi_reduction <minimumf>, %select_n3A_3162, %reduce_min3A_3163 [0] : vector<128x128xf32> to vector<128xf32>
    %broadcast_in_dim3A_3165 = vector.shape_cast %reduce_min3A_3164 : vector<128xf32> to vector<1x128xf32>
    %eq3A_3166 = vector.broadcast %convert_element_type3A : vector<128x1xf32> to vector<128x128xf32>
    %eq3A_3167 = vector.broadcast %broadcast_in_dim3A_3165 : vector<1x128xf32> to vector<128x128xf32>
    %eq3A_3168 = arith.cmpf oeq, %eq3A_3166, %eq3A_3167 : vector<128x128xf32>
    %convert_element_type3A_3169 = arith.extui %eq3A_3168 : vector<128x128xi1> to vector<128x128xi32>
    %convert_element_type3A_3170 = arith.sitofp %convert_element_type3A_3169 : vector<128x128xi32> to vector<128x128xf32>
    %concatenate3A_3171 = tpu.concatenate %select_n3A_3147, %add3A_3088 in 1 : vector<128x16xf32>, vector<128x1xf32> -> vector<128x17xf32>
    %dot_general3A_3172 = arith.constant dense<0.000000e+00> : vector<128x17xf32>
    %dot_general3A_3173 = tpu.matmul %convert_element_type3A_3170, %concatenate3A_3171, %dot_general3A_3172 {dimension_numbers = #tpu.dot_dimension_numbers<[0], [0], [1], [1], [0, 1, 1, 1], [], []>, precision = #tpu.contract_precision<fp32>, transpose_lhs_hint = false} : vector<128x128xf32>, vector<128x17xf32>, vector<128x17xf32> -> vector<128x17xf32>
    %slice3A_3174 = vector.extract_strided_slice %dot_general3A_3173 {offsets = [0, 0], sizes = [128, 16], strides = [1, 1]} : vector<128x17xf32> to vector<128x16xf32>
    %round3A_3175 = math.roundeven %slice3A_3174 : vector<128x16xf32>
    %slice3A_3176 = vector.extract_strided_slice %dot_general3A_3173 {offsets = [0, 16], sizes = [128, 1], strides = [1, 1]} : vector<128x17xf32> to vector<128x1xf32>
    %get3A_3177 = arith.constant 0 : index
    %get3A_3178 = arith.constant 10 : index
    %get3A_3179 = vector.load %arg1[%get3A_3177, %get3A_3178] : memref<128x16xf32, #tpu.memory_space<vmem>>, vector<128x1xf32>
    %get3A_3180 = arith.constant 0 : index
    %get3A_3181 = arith.constant 10 : index
    %get3A_3182 = vector.load %arg2[%get3A_3180, %get3A_3181] : memref<128x16xf32, #tpu.memory_space<vmem>>, vector<128x1xf32>
    %eq3A_3183 = vector.broadcast %convert_element_type3A_3 : vector<1x16xf32> to vector<128x16xf32>
    %eq3A_3184 = vector.broadcast %get3A_3179 : vector<128x1xf32> to vector<128x16xf32>
    %eq3A_3185 = arith.cmpf oeq, %eq3A_3183, %eq3A_3184 : vector<128x16xf32>
    %convert_element_type3A_3186 = arith.extui %eq3A_3185 : vector<128x16xi1> to vector<128x16xi32>
    %convert_element_type3A_3187 = arith.sitofp %convert_element_type3A_3186 : vector<128x16xi32> to vector<128x16xf32>
    %eq3A_3188 = vector.broadcast %convert_element_type3A_3 : vector<1x16xf32> to vector<128x16xf32>
    %eq3A_3189 = vector.broadcast %get3A_3182 : vector<128x1xf32> to vector<128x16xf32>
    %eq3A_3190 = arith.cmpf oeq, %eq3A_3188, %eq3A_3189 : vector<128x16xf32>
    %convert_element_type3A_3191 = arith.extui %eq3A_3190 : vector<128x16xi1> to vector<128x16xi32>
    %convert_element_type3A_3192 = arith.sitofp %convert_element_type3A_3191 : vector<128x16xi32> to vector<128x16xf32>
    %mul3A_3193 = arith.mulf %convert_element_type3A_3187, %round3A_3175 : vector<128x16xf32>
    %reduce_sum3A_3194 = arith.constant dense<0.000000e+00> : vector<128xf32>
    %reduce_sum3A_3195 = vector.multi_reduction <add>, %mul3A_3193, %reduce_sum3A_3194 [1] : vector<128x16xf32> to vector<128xf32>
    %broadcast_in_dim3A_3196 = vector.shape_cast %reduce_sum3A_3195 : vector<128xf32> to vector<128x1xf32>
    %round3A_3197 = math.roundeven %broadcast_in_dim3A_3196 : vector<128x1xf32>
    %mul3A_3198 = arith.mulf %convert_element_type3A_3192, %round3A_3175 : vector<128x16xf32>
    %reduce_sum3A_3199 = arith.constant dense<0.000000e+00> : vector<128xf32>
    %reduce_sum3A_3200 = vector.multi_reduction <add>, %mul3A_3198, %reduce_sum3A_3199 [1] : vector<128x16xf32> to vector<128xf32>
    %broadcast_in_dim3A_3201 = vector.shape_cast %reduce_sum3A_3200 : vector<128xf32> to vector<128x1xf32>
    %round3A_3202 = math.roundeven %broadcast_in_dim3A_3201 : vector<128x1xf32>
    %concatenate3A_3203 = tpu.concatenate %round3A_3197, %round3A_3202 in 0 : vector<128x1xf32>, vector<128x1xf32> -> vector<256x1xf32>
    %slice3A_3204 = vector.extract_strided_slice %convert_element_type3A_5 {offsets = [0, 0], sizes = [1, 1296], strides = [1, 1]} : vector<1x1936xf32> to vector<1x1296xf32>
    %eq3A_3205 = vector.broadcast %slice3A_3204 : vector<1x1296xf32> to vector<256x1296xf32>
    %eq3A_3206 = vector.broadcast %concatenate3A_3203 : vector<256x1xf32> to vector<256x1296xf32>
    %eq3A_3207 = arith.cmpf oeq, %eq3A_3205, %eq3A_3206 : vector<256x1296xf32>
    %convert_element_type3A_3208 = arith.extui %eq3A_3207 : vector<256x1296xi1> to vector<256x1296xi32>
    %convert_element_type3A_3209 = arith.sitofp %convert_element_type3A_3208 : vector<256x1296xi32> to vector<256x1296xf32>
    %convert_element_type3A_3210 = arith.truncf %convert_element_type3A_3209 : vector<256x1296xf32> to vector<256x1296xbf16>
    %get3A_3211 = arith.constant 0 : index
    %get3A_3212 = arith.constant 0 : index
    %get3A_3213 = vector.load %arg18[%get3A_3211, %get3A_3212] : memref<1936x1408xbf16, #tpu.memory_space<vmem>>, vector<1296x1408xbf16>
    %dot_general3A_3214 = arith.constant dense<0.000000e+00> : vector<256x1408xf32>
    %dot_general3A_3215 = tpu.matmul %convert_element_type3A_3210, %get3A_3213, %dot_general3A_3214 {dimension_numbers = #tpu.dot_dimension_numbers<[1], [0], [0], [1], [0, 0, 1, 1], [], []>, transpose_lhs_hint = false} : vector<256x1296xbf16>, vector<1296x1408xbf16>, vector<256x1408xf32> -> vector<256x1408xf32>
    %get3A_3216 = arith.constant 0 : index
    %get3A_3217 = arith.constant 0 : index
    %get3A_3218 = vector.load %arg19[%get3A_3216, %get3A_3217] : memref<1936x1408xbf16, #tpu.memory_space<vmem>>, vector<1296x1408xbf16>
    %dot_general3A_3219 = arith.constant dense<0.000000e+00> : vector<256x1408xf32>
    %dot_general3A_3220 = tpu.matmul %convert_element_type3A_3210, %get3A_3218, %dot_general3A_3219 {dimension_numbers = #tpu.dot_dimension_numbers<[1], [0], [0], [1], [0, 0, 1, 1], [], []>, transpose_lhs_hint = false} : vector<256x1296xbf16>, vector<1296x1408xbf16>, vector<256x1408xf32> -> vector<256x1408xf32>
    %add3A_3221 = arith.addf %dot_general3A_3215, %dot_general3A_3220 : vector<256x1408xf32>
    %get3A_3222 = arith.constant 0 : index
    %get3A_3223 = arith.constant 0 : index
    %get3A_3224 = vector.load %arg20[%get3A_3222, %get3A_3223] : memref<1936x1408xbf16, #tpu.memory_space<vmem>>, vector<1296x1408xbf16>
    %dot_general3A_3225 = arith.constant dense<0.000000e+00> : vector<256x1408xf32>
    %dot_general3A_3226 = tpu.matmul %convert_element_type3A_3210, %get3A_3224, %dot_general3A_3225 {dimension_numbers = #tpu.dot_dimension_numbers<[1], [0], [0], [1], [0, 0, 1, 1], [], []>, transpose_lhs_hint = false} : vector<256x1296xbf16>, vector<1296x1408xbf16>, vector<256x1408xf32> -> vector<256x1408xf32>
    %add3A_3227 = arith.addf %add3A_3221, %dot_general3A_3226 : vector<256x1408xf32>
    %slice3A_3228 = vector.extract_strided_slice %add3A_3227 {offsets = [0, 1280], sizes = [128, 64], strides = [1, 1]} : vector<256x1408xf32> to vector<128x64xf32>
    %slice3A_3229 = vector.extract_strided_slice %add3A_3227 {offsets = [128, 1280], sizes = [128, 64], strides = [1, 1]} : vector<256x1408xf32> to vector<128x64xf32>
    %slice3A_3230 = vector.extract_strided_slice %add3A_3227 {offsets = [0, 1344], sizes = [128, 1], strides = [1, 1]} : vector<256x1408xf32> to vector<128x1xf32>
    %slice3A_3231 = vector.extract_strided_slice %add3A_3227 {offsets = [128, 1344], sizes = [128, 1], strides = [1, 1]} : vector<256x1408xf32> to vector<128x1xf32>
    %sub3A_3232 = arith.subf %slice3A_3228, %slice3A_3229 : vector<128x64xf32>
    %mul3A_3233 = arith.mulf %sub3A_3232, %sub3A_3232 : vector<128x64xf32>
    %reduce_sum3A_3234 = arith.constant dense<0.000000e+00> : vector<128xf32>
    %reduce_sum3A_3235 = vector.multi_reduction <add>, %mul3A_3233, %reduce_sum3A_3234 [1] : vector<128x64xf32> to vector<128xf32>
    %broadcast_in_dim3A_3236 = vector.shape_cast %reduce_sum3A_3235 : vector<128xf32> to vector<128x1xf32>
    %add3A_3237 = arith.constant 9.99999993E-9 : f32
    %add3A_3238 = vector.broadcast %add3A_3237 : f32 to vector<128x1xf32>
    %add3A_3239 = arith.addf %broadcast_in_dim3A_3236, %add3A_3238 : vector<128x1xf32>
    %sqrt3A_3240 = math.sqrt %add3A_3239 : vector<128x1xf32>
    %mul3A_3241 = vector.broadcast %slice3A_88 : vector<1x1xf32> to vector<128x1xf32>
    %mul3A_3242 = arith.mulf %mul3A_3241, %sqrt3A_3240 : vector<128x1xf32>
    %add3A_3243 = vector.broadcast %slice3A_89 : vector<1x1xf32> to vector<128x1xf32>
    %add3A_3244 = arith.addf %mul3A_3242, %add3A_3243 : vector<128x1xf32>
    %custom_jvp_call3A_3245 = arith.constant 0.000000e+00 : f32
    %max3A_3246 = vector.broadcast %custom_jvp_call3A_3245 : f32 to vector<128x1xf32>
    %max3A_3247 = arith.maximumf %add3A_3244, %max3A_3246 : vector<128x1xf32>
    %sub3A_3248 = vector.broadcast %custom_jvp_call3A_3245 : f32 to vector<128x1xf32>
    %sub3A_3249 = arith.subf %add3A_3244, %sub3A_3248 : vector<128x1xf32>
    %ne3A_3250 = arith.cmpf one, %sub3A_3249, %sub3A_3249 : vector<128x1xf32>
    %add3A_3251 = vector.broadcast %custom_jvp_call3A_3245 : f32 to vector<128x1xf32>
    %add3A_3252 = arith.addf %add3A_3244, %add3A_3251 : vector<128x1xf32>
    %abs3A_3253 = math.absf %sub3A_3249 : vector<128x1xf32>
    %neg3A_3254 = arith.constant 0.000000e+00 : f32
    %neg3A_3255 = vector.broadcast %neg3A_3254 : f32 to vector<128x1xf32>
    %neg3A_3256 = arith.subf %neg3A_3255, %abs3A_3253 : vector<128x1xf32>
    %exp3A_3257 = math.exp %neg3A_3256 : vector<128x1xf32>
    %log1p3A_3258 = math.log1p %exp3A_3257 : vector<128x1xf32>
    %add3A_3259 = arith.addf %max3A_3247, %log1p3A_3258 : vector<128x1xf32>
    %select_n3A_3260 = arith.select %ne3A_3250, %add3A_3252, %add3A_3259 : vector<128x1xi1>, vector<128x1xf32>
    %mul3A_3261 = arith.constant 1.000000e-01 : f32
    %mul3A_3262 = vector.broadcast %mul3A_3261 : f32 to vector<128x1xf32>
    %mul3A_3263 = arith.mulf %select_n3A_3260, %mul3A_3262 : vector<128x1xf32>
    %add3A_3264 = arith.constant 9.99999974E-5 : f32
    %add3A_3265 = vector.broadcast %add3A_3264 : f32 to vector<128x1xf32>
    %add3A_3266 = arith.addf %mul3A_3263, %add3A_3265 : vector<128x1xf32>
    %mul3A_3267 = vector.broadcast %slice3A_90 : vector<1x1xf32> to vector<128x1xf32>
    %mul3A_3268 = arith.mulf %mul3A_3267, %sqrt3A_3240 : vector<128x1xf32>
    %add3A_3269 = vector.broadcast %slice3A_91 : vector<1x1xf32> to vector<128x1xf32>
    %add3A_3270 = arith.addf %mul3A_3268, %add3A_3269 : vector<128x1xf32>
    %custom_jvp_call3A_3271 = arith.constant 0.000000e+00 : f32
    %max3A_3272 = vector.broadcast %custom_jvp_call3A_3271 : f32 to vector<128x1xf32>
    %max3A_3273 = arith.maximumf %add3A_3270, %max3A_3272 : vector<128x1xf32>
    %sub3A_3274 = vector.broadcast %custom_jvp_call3A_3271 : f32 to vector<128x1xf32>
    %sub3A_3275 = arith.subf %add3A_3270, %sub3A_3274 : vector<128x1xf32>
    %ne3A_3276 = arith.cmpf one, %sub3A_3275, %sub3A_3275 : vector<128x1xf32>
    %add3A_3277 = vector.broadcast %custom_jvp_call3A_3271 : f32 to vector<128x1xf32>
    %add3A_3278 = arith.addf %add3A_3270, %add3A_3277 : vector<128x1xf32>
    %abs3A_3279 = math.absf %sub3A_3275 : vector<128x1xf32>
    %neg3A_3280 = arith.constant 0.000000e+00 : f32
    %neg3A_3281 = vector.broadcast %neg3A_3280 : f32 to vector<128x1xf32>
    %neg3A_3282 = arith.subf %neg3A_3281, %abs3A_3279 : vector<128x1xf32>
    %exp3A_3283 = math.exp %neg3A_3282 : vector<128x1xf32>
    %log1p3A_3284 = math.log1p %exp3A_3283 : vector<128x1xf32>
    %add3A_3285 = arith.addf %max3A_3273, %log1p3A_3284 : vector<128x1xf32>
    %select_n3A_3286 = arith.select %ne3A_3276, %add3A_3278, %add3A_3285 : vector<128x1xi1>, vector<128x1xf32>
    %mul3A_3287 = arith.constant 1.000000e-01 : f32
    %mul3A_3288 = vector.broadcast %mul3A_3287 : f32 to vector<128x1xf32>
    %mul3A_3289 = arith.mulf %select_n3A_3286, %mul3A_3288 : vector<128x1xf32>
    %add3A_3290 = arith.constant 9.99999974E-5 : f32
    %add3A_3291 = vector.broadcast %add3A_3290 : f32 to vector<128x1xf32>
    %add3A_3292 = arith.addf %mul3A_3289, %add3A_3291 : vector<128x1xf32>
    %concatenate3A_3293 = tpu.concatenate %slice3A_3228, %slice3A_3229 in 1 : vector<128x64xf32>, vector<128x64xf32> -> vector<128x128xf32>
    %dot_general3A_3294 = arith.constant dense<0.000000e+00> : vector<128x64xf32>
    %dot_general3A_3295 = tpu.matmul %concatenate3A_3293, %get3A_94, %dot_general3A_3294 {dimension_numbers = #tpu.dot_dimension_numbers<[1], [0], [0], [1], [0, 0, 1, 1], [], []>, transpose_lhs_hint = false} : vector<128x128xf32>, vector<128x64xf32>, vector<128x64xf32> -> vector<128x64xf32>
    %tanh3A_3296 = math.tanh %dot_general3A_3295 : vector<128x64xf32>
    %slice3A_3297 = vector.extract_strided_slice %add3A_3227 {offsets = [0, 0], sizes = [256, 256], strides = [1, 1]} : vector<256x1408xf32> to vector<256x256xf32>
    %slice3A_3298 = vector.extract_strided_slice %add3A_3227 {offsets = [0, 256], sizes = [256, 256], strides = [1, 1]} : vector<256x1408xf32> to vector<256x256xf32>
    %slice3A_3299 = vector.extract_strided_slice %add3A_3227 {offsets = [0, 512], sizes = [256, 256], strides = [1, 1]} : vector<256x1408xf32> to vector<256x256xf32>
    %slice3A_3300 = vector.extract_strided_slice %add3A_3227 {offsets = [0, 768], sizes = [256, 256], strides = [1, 1]} : vector<256x1408xf32> to vector<256x256xf32>
    %slice3A_3301 = vector.extract_strided_slice %add3A_3227 {offsets = [0, 1024], sizes = [256, 256], strides = [1, 1]} : vector<256x1408xf32> to vector<256x256xf32>
    %concatenate3A_3302 = tpu.concatenate %add3A_3266, %add3A_3292 in 0 : vector<128x1xf32>, vector<128x1xf32> -> vector<256x1xf32>
    %mul3A_3303 = arith.constant 1.33333337 : f32
    %mul3A_3304 = vector.broadcast %mul3A_3303 : f32 to vector<1x256xf32>
    %mul3A_3305 = arith.mulf %mul3A_3304, %add3A_30 : vector<1x256xf32>
    %mul3A_3306 = vector.broadcast %mul3A_3305 : vector<1x256xf32> to vector<256x256xf32>
    %mul3A_3307 = vector.broadcast %concatenate3A_3302 : vector<256x1xf32> to vector<256x256xf32>
    %mul3A_3308 = arith.mulf %mul3A_3306, %mul3A_3307 : vector<256x256xf32>
    %add3A_3309 = arith.constant 9.99999993E-9 : f32
    %add3A_3310 = vector.broadcast %add3A_3309 : f32 to vector<256x256xf32>
    %add3A_3311 = arith.addf %mul3A_3308, %add3A_3310 : vector<256x256xf32>
    %neg3A_3312 = arith.constant 0.000000e+00 : f32
    %neg3A_3313 = vector.broadcast %neg3A_3312 : f32 to vector<256x256xf32>
    %neg3A_3314 = arith.subf %neg3A_3313, %add3A_3311 : vector<256x256xf32>
    %exp3A_3315 = math.exp %neg3A_3314 : vector<256x256xf32>
    %sub3A_3316 = arith.constant 1.000000e+00 : f32
    %sub3A_3317 = vector.broadcast %sub3A_3316 : f32 to vector<256x256xf32>
    %sub3A_3318 = arith.subf %sub3A_3317, %exp3A_3315 : vector<256x256xf32>
    %mul3A_3319 = arith.constant 2.500000e-01 : f32
    %mul3A_3320 = vector.broadcast %mul3A_3319 : f32 to vector<256x256xf32>
    %mul3A_3321 = arith.mulf %sub3A_3318, %mul3A_3320 : vector<256x256xf32>
    %add3A_3322 = arith.addf %slice3A_3297, %slice3A_3298 : vector<256x256xf32>
    %add3A_3323 = arith.addf %add3A_3322, %slice3A_3299 : vector<256x256xf32>
    %add3A_3324 = arith.addf %add3A_3323, %slice3A_3300 : vector<256x256xf32>
    %mul3A_3325 = arith.mulf %mul3A_3321, %add3A_3324 : vector<256x256xf32>
    %mul3A_3326 = arith.mulf %exp3A_3315, %slice3A_3297 : vector<256x256xf32>
    %add3A_3327 = arith.addf %mul3A_3325, %mul3A_3326 : vector<256x256xf32>
    %mul3A_3328 = arith.mulf %exp3A_3315, %slice3A_3298 : vector<256x256xf32>
    %add3A_3329 = arith.addf %mul3A_3325, %mul3A_3328 : vector<256x256xf32>
    %mul3A_3330 = arith.mulf %exp3A_3315, %slice3A_3299 : vector<256x256xf32>
    %add3A_3331 = arith.addf %mul3A_3325, %mul3A_3330 : vector<256x256xf32>
    %mul3A_3332 = arith.mulf %exp3A_3315, %slice3A_3300 : vector<256x256xf32>
    %add3A_3333 = arith.addf %mul3A_3325, %mul3A_3332 : vector<256x256xf32>
    %slice3A_3334 = vector.extract_strided_slice %add3A_3327 {offsets = [0, 0], sizes = [128, 256], strides = [1, 1]} : vector<256x256xf32> to vector<128x256xf32>
    %slice3A_3335 = vector.extract_strided_slice %add3A_3327 {offsets = [128, 0], sizes = [128, 256], strides = [1, 1]} : vector<256x256xf32> to vector<128x256xf32>
    %mul3A_3336 = arith.mulf %slice3A_3334, %slice3A_3335 : vector<128x256xf32>
    %slice3A_3337 = vector.extract_strided_slice %add3A_3329 {offsets = [0, 0], sizes = [128, 256], strides = [1, 1]} : vector<256x256xf32> to vector<128x256xf32>
    %slice3A_3338 = vector.extract_strided_slice %add3A_3329 {offsets = [128, 0], sizes = [128, 256], strides = [1, 1]} : vector<256x256xf32> to vector<128x256xf32>
    %mul3A_3339 = arith.mulf %slice3A_3337, %slice3A_3338 : vector<128x256xf32>
    %slice3A_3340 = vector.extract_strided_slice %add3A_3331 {offsets = [0, 0], sizes = [128, 256], strides = [1, 1]} : vector<256x256xf32> to vector<128x256xf32>
    %slice3A_3341 = vector.extract_strided_slice %add3A_3331 {offsets = [128, 0], sizes = [128, 256], strides = [1, 1]} : vector<256x256xf32> to vector<128x256xf32>
    %mul3A_3342 = arith.mulf %slice3A_3340, %slice3A_3341 : vector<128x256xf32>
    %slice3A_3343 = vector.extract_strided_slice %add3A_3333 {offsets = [0, 0], sizes = [128, 256], strides = [1, 1]} : vector<256x256xf32> to vector<128x256xf32>
    %slice3A_3344 = vector.extract_strided_slice %add3A_3333 {offsets = [128, 0], sizes = [128, 256], strides = [1, 1]} : vector<256x256xf32> to vector<128x256xf32>
    %mul3A_3345 = arith.mulf %slice3A_3343, %slice3A_3344 : vector<128x256xf32>
    %slice3A_3346 = vector.extract_strided_slice %slice3A_3301 {offsets = [0, 0], sizes = [128, 256], strides = [1, 1]} : vector<256x256xf32> to vector<128x256xf32>
    %slice3A_3347 = vector.extract_strided_slice %slice3A_3301 {offsets = [128, 0], sizes = [128, 256], strides = [1, 1]} : vector<256x256xf32> to vector<128x256xf32>
    %add3A_3348 = arith.addf %slice3A_3346, %slice3A_3347 : vector<128x256xf32>
    %max3A_3349 = arith.maximumf %mul3A_3336, %mul3A_3339 : vector<128x256xf32>
    %max3A_3350 = arith.maximumf %mul3A_3342, %mul3A_3345 : vector<128x256xf32>
    %max3A_3351 = arith.maximumf %max3A_3349, %max3A_3350 : vector<128x256xf32>
    %div3A_3352 = arith.constant 1.000000e+00 : f32
    %div3A_3353 = vector.broadcast %div3A_3352 : f32 to vector<128x256xf32>
    %div3A_3354 = arith.divf %div3A_3353, %max3A_3351 : vector<128x256xf32>
    %mul3A_3355 = arith.mulf %mul3A_3336, %div3A_3354 : vector<128x256xf32>
    %mul3A_3356 = arith.mulf %mul3A_3339, %div3A_3354 : vector<128x256xf32>
    %mul3A_3357 = arith.mulf %mul3A_3342, %div3A_3354 : vector<128x256xf32>
    %mul3A_3358 = arith.mulf %mul3A_3345, %div3A_3354 : vector<128x256xf32>
    %log3A_3359 = math.log %max3A_3351 : vector<128x256xf32>
    %add3A_3360 = arith.addf %add3A_3348, %log3A_3359 : vector<128x256xf32>
    %add3A_3361 = arith.addf %mul3A_3355, %mul3A_3356 : vector<128x256xf32>
    %add3A_3362 = arith.addf %add3A_3361, %mul3A_3357 : vector<128x256xf32>
    %add3A_3363 = arith.addf %add3A_3362, %mul3A_3358 : vector<128x256xf32>
    %log3A_3364 = math.log %add3A_3363 : vector<128x256xf32>
    %add3A_3365 = arith.addf %add3A_3360, %log3A_3364 : vector<128x256xf32>
    %sub3A_3366 = arith.constant 1.38629436 : f32
    %sub3A_3367 = vector.broadcast %sub3A_3366 : f32 to vector<128x256xf32>
    %sub3A_3368 = arith.subf %add3A_3365, %sub3A_3367 : vector<128x256xf32>
    %reduce_sum3A_3369 = arith.constant dense<0.000000e+00> : vector<128xf32>
    %reduce_sum3A_3370 = vector.multi_reduction <add>, %sub3A_3368, %reduce_sum3A_3369 [1] : vector<128x256xf32> to vector<128xf32>
    %broadcast_in_dim3A_3371 = vector.shape_cast %reduce_sum3A_3370 : vector<128xf32> to vector<128x1xf32>
    %broadcast_in_dim3A_3372 = arith.constant 0.000000e+00 : f32
    %broadcast_in_dim3A_3373 = vector.broadcast %broadcast_in_dim3A_3372 : f32 to vector<128x63xf32>
    %concatenate3A_3374 = tpu.concatenate %mul3A_3355, %mul3A_3356, %mul3A_3357, %mul3A_3358, %add3A_3360, %tanh3A_3296, %broadcast_in_dim3A_3371, %broadcast_in_dim3A_3373 in 1 : vector<128x256xf32>, vector<128x256xf32>, vector<128x256xf32>, vector<128x256xf32>, vector<128x256xf32>, vector<128x64xf32>, vector<128x1xf32>, vector<128x63xf32> -> vector<128x1408xf32>
    %convert_element_type3A_3375 = arith.truncf %concatenate3A_3374 : vector<128x1408xf32> to vector<128x1408xbf16>
    %convert_element_type3A_3376 = arith.extf %convert_element_type3A_3375 : vector<128x1408xbf16> to vector<128x1408xf32>
    %sub3A_3377 = arith.subf %concatenate3A_3374, %convert_element_type3A_3376 : vector<128x1408xf32>
    %convert_element_type3A_3378 = arith.truncf %sub3A_3377 : vector<128x1408xf32> to vector<128x1408xbf16>
    %convert_element_type3A_3379 = arith.extf %convert_element_type3A_3378 : vector<128x1408xbf16> to vector<128x1408xf32>
    %sub3A_3380 = arith.subf %sub3A_3377, %convert_element_type3A_3379 : vector<128x1408xf32>
    %convert_element_type3A_3381 = arith.truncf %sub3A_3380 : vector<128x1408xf32> to vector<128x1408xbf16>
    %swap3A_3382 = arith.constant 1296 : index
    %swap3A_3383 = arith.constant 0 : index
    %swap3A_3384 = vector.load %arg18[%swap3A_3382, %swap3A_3383] : memref<1936x1408xbf16, #tpu.memory_space<vmem>>, vector<128x1408xbf16>
    tpu.vector_store %arg18[%swap3A_3382, %swap3A_3383], %convert_element_type3A_3375 {strides = array<i32>} : memref<1936x1408xbf16, #tpu.memory_space<vmem>>, vector<128x1408xbf16>,
    %swap3A_3385 = arith.constant 1296 : index
    %swap3A_3386 = arith.constant 0 : index
    %swap3A_3387 = vector.load %arg19[%swap3A_3385, %swap3A_3386] : memref<1936x1408xbf16, #tpu.memory_space<vmem>>, vector<128x1408xbf16>
    tpu.vector_store %arg19[%swap3A_3385, %swap3A_3386], %convert_element_type3A_3378 {strides = array<i32>} : memref<1936x1408xbf16, #tpu.memory_space<vmem>>, vector<128x1408xbf16>,
    %swap3A_3388 = arith.constant 1296 : index
    %swap3A_3389 = arith.constant 0 : index
    %swap3A_3390 = vector.load %arg20[%swap3A_3388, %swap3A_3389] : memref<1936x1408xbf16, #tpu.memory_space<vmem>>, vector<128x1408xbf16>
    tpu.vector_store %arg20[%swap3A_3388, %swap3A_3389], %convert_element_type3A_3381 {strides = array<i32>} : memref<1936x1408xbf16, #tpu.memory_space<vmem>>, vector<128x1408xbf16>,
    %sub3A_3391 = arith.subf %slice3A_3176, %slice3A_3230 : vector<128x1xf32>
    %sub3A_3392 = arith.subf %sub3A_3391, %slice3A_3231 : vector<128x1xf32>
    %add3A_3393 = arith.addf %sub3A_3392, %broadcast_in_dim3A_3371 : vector<128x1xf32>
    %add3A_3394 = arith.addf %add3A_3266, %add3A_3292 : vector<128x1xf32>
    %div3A_3395 = arith.constant 1.000000e-01 : f32
    %div3A_3396 = vector.broadcast %div3A_3395 : f32 to vector<128x1xf32>
    %div3A_3397 = arith.divf %add3A_3394, %div3A_3396 : vector<128x1xf32>
    %sub3A_3398 = arith.constant 4.60517025 : f32
    %sub3A_3399 = vector.broadcast %sub3A_3398 : f32 to vector<128x1xf32>
    %sub3A_3400 = arith.subf %sub3A_3399, %div3A_3397 : vector<128x1xf32>
    %sub3A_3401 = arith.subf %add3A_3393, %slice3A_3176 : vector<128x1xf32>
    %add3A_3402 = arith.addf %sub3A_3401, %sub3A_3400 : vector<128x1xf32>
    %add3A_3403 = arith.constant 2.70805025 : f32
    %add3A_3404 = vector.broadcast %add3A_3403 : f32 to vector<128x1xf32>
    %add3A_3405 = arith.addf %add3A_3402, %add3A_3404 : vector<128x1xf32>
    %reduce_max3A_3406 = vector.shape_cast %add3A_3405 : vector<128x1xf32> to vector<1x128x1xf32>
    %reduce_max3A_3407 = arith.constant dense<0xFF800000> : vector<1xf32>
    %reduce_max3A_3408 = vector.multi_reduction <maximumf>, %reduce_max3A_3406, %reduce_max3A_3407 [1, 2] : vector<1x128x1xf32> to vector<1xf32>
    %reduce_max3A_3409 = vector.shape_cast %reduce_max3A_3408 : vector<1xf32> to vector<1x1x1xf32>
    %reduce_max3A_3410 = vector.extract %reduce_max3A_3409[0, 0, 0] : f32 from vector<1x1x1xf32>
    %sub3A_3411 = vector.broadcast %reduce_max3A_3410 : f32 to vector<128x1xf32>
    %sub3A_3412 = arith.subf %add3A_3405, %sub3A_3411 : vector<128x1xf32>
    %exp3A_3413 = math.exp %sub3A_3412 : vector<128x1xf32>
    %reduce_sum3A_3414 = vector.shape_cast %exp3A_3413 : vector<128x1xf32> to vector<1x128x1xf32>
    %reduce_sum3A_3415 = arith.constant dense<0.000000e+00> : vector<1xf32>
    %reduce_sum3A_3416 = vector.multi_reduction <add>, %reduce_sum3A_3414, %reduce_sum3A_3415 [1, 2] : vector<1x128x1xf32> to vector<1xf32>
    %reduce_sum3A_3417 = vector.shape_cast %reduce_sum3A_3416 : vector<1xf32> to vector<1x1x1xf32>
    %reduce_sum3A_3418 = vector.extract %reduce_sum3A_3417[0, 0, 0] : f32 from vector<1x1x1xf32>
    %log3A_3419 = math.log %reduce_sum3A_3418 : f32
    %add3A_3420 = arith.addf %reduce_max3A_3410, %log3A_3419 : f32
    %sub3A_3421 = arith.constant 4.85203028 : f32
    %sub3A_3422 = arith.subf %add3A_3420, %sub3A_3421 : f32
    %add3A_3423 = vector.broadcast %sub3A_3422 : f32 to vector<1x1xf32>
    %add3A_3424 = arith.addf %add3A_3119, %add3A_3423 : vector<1x1xf32>
    %slice3A_3425 = vector.extract_strided_slice %round3A_3175 {offsets = [0, 1], sizes = [128, 15], strides = [1, 1]} : vector<128x16xf32> to vector<128x15xf32>
    %slice3A_3426 = vector.extract_strided_slice %round3A_3175 {offsets = [0, 0], sizes = [128, 1], strides = [1, 1]} : vector<128x16xf32> to vector<128x1xf32>
    %concatenate3A_3427 = tpu.concatenate %slice3A_3425, %slice3A_3426 in 1 : vector<128x15xf32>, vector<128x1xf32> -> vector<128x16xf32>
    %slice3A_3428 = vector.extract_strided_slice %round3A_3175 {offsets = [0, 2], sizes = [128, 14], strides = [1, 1]} : vector<128x16xf32> to vector<128x14xf32>
    %slice3A_3429 = vector.extract_strided_slice %round3A_3175 {offsets = [0, 0], sizes = [128, 2], strides = [1, 1]} : vector<128x16xf32> to vector<128x2xf32>
    %concatenate3A_3430 = tpu.concatenate %slice3A_3428, %slice3A_3429 in 1 : vector<128x14xf32>, vector<128x2xf32> -> vector<128x16xf32>
    %lt3A_3431 = vector.broadcast %convert_element_type3A_3 : vector<1x16xf32> to vector<128x16xf32>
    %lt3A_3432 = vector.broadcast %get3A_3179 : vector<128x1xf32> to vector<128x16xf32>
    %lt3A_3433 = arith.cmpf olt, %lt3A_3431, %lt3A_3432 : vector<128x16xf32>
    %sub3A_3434 = arith.constant 1.000000e+00 : f32
    %sub3A_3435 = vector.broadcast %sub3A_3434 : f32 to vector<128x1xf32>
    %sub3A_3436 = arith.subf %get3A_3182, %sub3A_3435 : vector<128x1xf32>
    %lt3A_3437 = vector.broadcast %convert_element_type3A_3 : vector<1x16xf32> to vector<128x16xf32>
    %lt3A_3438 = vector.broadcast %sub3A_3436 : vector<128x1xf32> to vector<128x16xf32>
    %lt3A_3439 = arith.cmpf olt, %lt3A_3437, %lt3A_3438 : vector<128x16xf32>
    %select_n3A_3440 = arith.select %lt3A_3439, %concatenate3A_3427, %concatenate3A_3430 : vector<128x16xi1>, vector<128x16xf32>
    %select_n3A_3441 = arith.select %lt3A_3433, %round3A_3175, %select_n3A_3440 : vector<128x16xi1>, vector<128x16xf32>
    %add3A_3442 = arith.constant 1.296000e+03 : f32
    %add3A_3443 = vector.broadcast %add3A_3442 : f32 to vector<128x1xf32>
    %add3A_3444 = arith.addf %add3A_3443, %convert_element_type3A : vector<128x1xf32>
    %eq3A_3445 = arith.constant 4.000000e+00 : f32
    %eq3A_3446 = vector.broadcast %eq3A_3445 : f32 to vector<1x16xf32>
    %eq3A_3447 = arith.cmpf oeq, %convert_element_type3A_3, %eq3A_3446 : vector<1x16xf32>
    %broadcast_in_dim3A_3448 = vector.shape_cast %eq3A_3447 : vector<1x16xi1> to vector<1x16xi1>
    %broadcast_in_dim3A_3449 = vector.broadcast %broadcast_in_dim3A_3448 : vector<1x16xi1> to vector<128x16xi1>
    %broadcast_in_dim3A_3450 = vector.shape_cast %add3A_3444 : vector<128x1xf32> to vector<128x1xf32>
    %broadcast_in_dim3A_3451 = vector.broadcast %broadcast_in_dim3A_3450 : vector<128x1xf32> to vector<128x16xf32>
    %select_n3A_3452 = arith.select %broadcast_in_dim3A_3449, %broadcast_in_dim3A_3451, %select_n3A_3441 : vector<128x16xi1>, vector<128x16xf32>
    %get3A_3453 = arith.constant 1408 : index
    %get3A_3454 = arith.constant 0 : index
    %get3A_3455 = vector.load %arg0[%get3A_3453, %get3A_3454] : memref<1920x128xf32, #tpu.memory_space<vmem>>, vector<128x128xf32>
    %add3A_3456 = vector.broadcast %add3A_3405 : vector<128x1xf32> to vector<128x128xf32>
    %add3A_3457 = arith.addf %get3A_3455, %add3A_3456 : vector<128x128xf32>
    %reduce_max3A_3458 = arith.constant dense<0xFF800000> : vector<128xf32>
    %reduce_max3A_3459 = vector.multi_reduction <maximumf>, %add3A_3457, %reduce_max3A_3458 [0] : vector<128x128xf32> to vector<128xf32>
    %broadcast_in_dim3A_3460 = vector.shape_cast %reduce_max3A_3459 : vector<128xf32> to vector<1x128xf32>
    %eq3A_3461 = vector.broadcast %broadcast_in_dim3A_3460 : vector<1x128xf32> to vector<128x128xf32>
    %eq3A_3462 = arith.cmpf oeq, %add3A_3457, %eq3A_3461 : vector<128x128xf32>
    %jit3A_3463 = arith.constant 1.280000e+02 : f32
    %broadcast_in_dim3A_3464 = vector.shape_cast %convert_element_type3A : vector<128x1xf32> to vector<128x1xf32>
    %broadcast_in_dim3A_3465 = vector.broadcast %broadcast_in_dim3A_3464 : vector<128x1xf32> to vector<128x128xf32>
    %broadcast_in_dim3A_3466 = vector.broadcast %jit3A_3463 : f32 to vector<128x128xf32>
    %select_n3A_3467 = arith.select %eq3A_3462, %broadcast_in_dim3A_3465, %broadcast_in_dim3A_3466 : vector<128x128xi1>, vector<128x128xf32>
    %reduce_min3A_3468 = arith.constant dense<0x7F800000> : vector<128xf32>
    %reduce_min3A_3469 = vector.multi_reduction <minimumf>, %select_n3A_3467, %reduce_min3A_3468 [0] : vector<128x128xf32> to vector<128xf32>
    %broadcast_in_dim3A_3470 = vector.shape_cast %reduce_min3A_3469 : vector<128xf32> to vector<1x128xf32>
    %eq3A_3471 = vector.broadcast %convert_element_type3A : vector<128x1xf32> to vector<128x128xf32>
    %eq3A_3472 = vector.broadcast %broadcast_in_dim3A_3470 : vector<1x128xf32> to vector<128x128xf32>
    %eq3A_3473 = arith.cmpf oeq, %eq3A_3471, %eq3A_3472 : vector<128x128xf32>
    %convert_element_type3A_3474 = arith.extui %eq3A_3473 : vector<128x128xi1> to vector<128x128xi32>
    %convert_element_type3A_3475 = arith.sitofp %convert_element_type3A_3474 : vector<128x128xi32> to vector<128x128xf32>
    %concatenate3A_3476 = tpu.concatenate %select_n3A_3452, %add3A_3393 in 1 : vector<128x16xf32>, vector<128x1xf32> -> vector<128x17xf32>
    %dot_general3A_3477 = arith.constant dense<0.000000e+00> : vector<128x17xf32>
    %dot_general3A_3478 = tpu.matmul %convert_element_type3A_3475, %concatenate3A_3476, %dot_general3A_3477 {dimension_numbers = #tpu.dot_dimension_numbers<[0], [0], [1], [1], [0, 1, 1, 1], [], []>, precision = #tpu.contract_precision<fp32>, transpose_lhs_hint = false} : vector<128x128xf32>, vector<128x17xf32>, vector<128x17xf32> -> vector<128x17xf32>
    %slice3A_3479 = vector.extract_strided_slice %dot_general3A_3478 {offsets = [0, 0], sizes = [128, 16], strides = [1, 1]} : vector<128x17xf32> to vector<128x16xf32>
    %round3A_3480 = math.roundeven %slice3A_3479 : vector<128x16xf32>
    %slice3A_3481 = vector.extract_strided_slice %dot_general3A_3478 {offsets = [0, 16], sizes = [128, 1], strides = [1, 1]} : vector<128x17xf32> to vector<128x1xf32>
    %get3A_3482 = arith.constant 0 : index
    %get3A_3483 = arith.constant 11 : index
    %get3A_3484 = vector.load %arg1[%get3A_3482, %get3A_3483] : memref<128x16xf32, #tpu.memory_space<vmem>>, vector<128x1xf32>
    %get3A_3485 = arith.constant 0 : index
    %get3A_3486 = arith.constant 11 : index
    %get3A_3487 = vector.load %arg2[%get3A_3485, %get3A_3486] : memref<128x16xf32, #tpu.memory_space<vmem>>, vector<128x1xf32>
    %eq3A_3488 = vector.broadcast %convert_element_type3A_3 : vector<1x16xf32> to vector<128x16xf32>
    %eq3A_3489 = vector.broadcast %get3A_3484 : vector<128x1xf32> to vector<128x16xf32>
    %eq3A_3490 = arith.cmpf oeq, %eq3A_3488, %eq3A_3489 : vector<128x16xf32>
    %convert_element_type3A_3491 = arith.extui %eq3A_3490 : vector<128x16xi1> to vector<128x16xi32>
    %convert_element_type3A_3492 = arith.sitofp %convert_element_type3A_3491 : vector<128x16xi32> to vector<128x16xf32>
    %eq3A_3493 = vector.broadcast %convert_element_type3A_3 : vector<1x16xf32> to vector<128x16xf32>
    %eq3A_3494 = vector.broadcast %get3A_3487 : vector<128x1xf32> to vector<128x16xf32>
    %eq3A_3495 = arith.cmpf oeq, %eq3A_3493, %eq3A_3494 : vector<128x16xf32>
    %convert_element_type3A_3496 = arith.extui %eq3A_3495 : vector<128x16xi1> to vector<128x16xi32>
    %convert_element_type3A_3497 = arith.sitofp %convert_element_type3A_3496 : vector<128x16xi32> to vector<128x16xf32>
    %mul3A_3498 = arith.mulf %convert_element_type3A_3492, %round3A_3480 : vector<128x16xf32>
    %reduce_sum3A_3499 = arith.constant dense<0.000000e+00> : vector<128xf32>
    %reduce_sum3A_3500 = vector.multi_reduction <add>, %mul3A_3498, %reduce_sum3A_3499 [1] : vector<128x16xf32> to vector<128xf32>
    %broadcast_in_dim3A_3501 = vector.shape_cast %reduce_sum3A_3500 : vector<128xf32> to vector<128x1xf32>
    %round3A_3502 = math.roundeven %broadcast_in_dim3A_3501 : vector<128x1xf32>
    %mul3A_3503 = arith.mulf %convert_element_type3A_3497, %round3A_3480 : vector<128x16xf32>
    %reduce_sum3A_3504 = arith.constant dense<0.000000e+00> : vector<128xf32>
    %reduce_sum3A_3505 = vector.multi_reduction <add>, %mul3A_3503, %reduce_sum3A_3504 [1] : vector<128x16xf32> to vector<128xf32>
    %broadcast_in_dim3A_3506 = vector.shape_cast %reduce_sum3A_3505 : vector<128xf32> to vector<128x1xf32>
    %round3A_3507 = math.roundeven %broadcast_in_dim3A_3506 : vector<128x1xf32>
    %concatenate3A_3508 = tpu.concatenate %round3A_3502, %round3A_3507 in 0 : vector<128x1xf32>, vector<128x1xf32> -> vector<256x1xf32>
    %slice3A_3509 = vector.extract_strided_slice %convert_element_type3A_5 {offsets = [0, 0], sizes = [1, 1424], strides = [1, 1]} : vector<1x1936xf32> to vector<1x1424xf32>
    %eq3A_3510 = vector.broadcast %slice3A_3509 : vector<1x1424xf32> to vector<256x1424xf32>
    %eq3A_3511 = vector.broadcast %concatenate3A_3508 : vector<256x1xf32> to vector<256x1424xf32>
    %eq3A_3512 = arith.cmpf oeq, %eq3A_3510, %eq3A_3511 : vector<256x1424xf32>
    %convert_element_type3A_3513 = arith.extui %eq3A_3512 : vector<256x1424xi1> to vector<256x1424xi32>
    %convert_element_type3A_3514 = arith.sitofp %convert_element_type3A_3513 : vector<256x1424xi32> to vector<256x1424xf32>
    %convert_element_type3A_3515 = arith.truncf %convert_element_type3A_3514 : vector<256x1424xf32> to vector<256x1424xbf16>
    %get3A_3516 = arith.constant 0 : index
    %get3A_3517 = arith.constant 0 : index
    %get3A_3518 = vector.load %arg18[%get3A_3516, %get3A_3517] : memref<1936x1408xbf16, #tpu.memory_space<vmem>>, vector<1424x1408xbf16>
    %dot_general3A_3519 = arith.constant dense<0.000000e+00> : vector<256x1408xf32>
    %dot_general3A_3520 = tpu.matmul %convert_element_type3A_3515, %get3A_3518, %dot_general3A_3519 {dimension_numbers = #tpu.dot_dimension_numbers<[1], [0], [0], [1], [0, 0, 1, 1], [], []>, transpose_lhs_hint = false} : vector<256x1424xbf16>, vector<1424x1408xbf16>, vector<256x1408xf32> -> vector<256x1408xf32>
    %get3A_3521 = arith.constant 0 : index
    %get3A_3522 = arith.constant 0 : index
    %get3A_3523 = vector.load %arg19[%get3A_3521, %get3A_3522] : memref<1936x1408xbf16, #tpu.memory_space<vmem>>, vector<1424x1408xbf16>
    %dot_general3A_3524 = arith.constant dense<0.000000e+00> : vector<256x1408xf32>
    %dot_general3A_3525 = tpu.matmul %convert_element_type3A_3515, %get3A_3523, %dot_general3A_3524 {dimension_numbers = #tpu.dot_dimension_numbers<[1], [0], [0], [1], [0, 0, 1, 1], [], []>, transpose_lhs_hint = false} : vector<256x1424xbf16>, vector<1424x1408xbf16>, vector<256x1408xf32> -> vector<256x1408xf32>
    %add3A_3526 = arith.addf %dot_general3A_3520, %dot_general3A_3525 : vector<256x1408xf32>
    %get3A_3527 = arith.constant 0 : index
    %get3A_3528 = arith.constant 0 : index
    %get3A_3529 = vector.load %arg20[%get3A_3527, %get3A_3528] : memref<1936x1408xbf16, #tpu.memory_space<vmem>>, vector<1424x1408xbf16>
    %dot_general3A_3530 = arith.constant dense<0.000000e+00> : vector<256x1408xf32>
    %dot_general3A_3531 = tpu.matmul %convert_element_type3A_3515, %get3A_3529, %dot_general3A_3530 {dimension_numbers = #tpu.dot_dimension_numbers<[1], [0], [0], [1], [0, 0, 1, 1], [], []>, transpose_lhs_hint = false} : vector<256x1424xbf16>, vector<1424x1408xbf16>, vector<256x1408xf32> -> vector<256x1408xf32>
    %add3A_3532 = arith.addf %add3A_3526, %dot_general3A_3531 : vector<256x1408xf32>
    %slice3A_3533 = vector.extract_strided_slice %add3A_3532 {offsets = [0, 1280], sizes = [128, 64], strides = [1, 1]} : vector<256x1408xf32> to vector<128x64xf32>
    %slice3A_3534 = vector.extract_strided_slice %add3A_3532 {offsets = [128, 1280], sizes = [128, 64], strides = [1, 1]} : vector<256x1408xf32> to vector<128x64xf32>
    %slice3A_3535 = vector.extract_strided_slice %add3A_3532 {offsets = [0, 1344], sizes = [128, 1], strides = [1, 1]} : vector<256x1408xf32> to vector<128x1xf32>
    %slice3A_3536 = vector.extract_strided_slice %add3A_3532 {offsets = [128, 1344], sizes = [128, 1], strides = [1, 1]} : vector<256x1408xf32> to vector<128x1xf32>
    %sub3A_3537 = arith.subf %slice3A_3533, %slice3A_3534 : vector<128x64xf32>
    %mul3A_3538 = arith.mulf %sub3A_3537, %sub3A_3537 : vector<128x64xf32>
    %reduce_sum3A_3539 = arith.constant dense<0.000000e+00> : vector<128xf32>
    %reduce_sum3A_3540 = vector.multi_reduction <add>, %mul3A_3538, %reduce_sum3A_3539 [1] : vector<128x64xf32> to vector<128xf32>
    %broadcast_in_dim3A_3541 = vector.shape_cast %reduce_sum3A_3540 : vector<128xf32> to vector<128x1xf32>
    %add3A_3542 = arith.constant 9.99999993E-9 : f32
    %add3A_3543 = vector.broadcast %add3A_3542 : f32 to vector<128x1xf32>
    %add3A_3544 = arith.addf %broadcast_in_dim3A_3541, %add3A_3543 : vector<128x1xf32>
    %sqrt3A_3545 = math.sqrt %add3A_3544 : vector<128x1xf32>
    %mul3A_3546 = vector.broadcast %slice3A_88 : vector<1x1xf32> to vector<128x1xf32>
    %mul3A_3547 = arith.mulf %mul3A_3546, %sqrt3A_3545 : vector<128x1xf32>
    %add3A_3548 = vector.broadcast %slice3A_89 : vector<1x1xf32> to vector<128x1xf32>
    %add3A_3549 = arith.addf %mul3A_3547, %add3A_3548 : vector<128x1xf32>
    %custom_jvp_call3A_3550 = arith.constant 0.000000e+00 : f32
    %max3A_3551 = vector.broadcast %custom_jvp_call3A_3550 : f32 to vector<128x1xf32>
    %max3A_3552 = arith.maximumf %add3A_3549, %max3A_3551 : vector<128x1xf32>
    %sub3A_3553 = vector.broadcast %custom_jvp_call3A_3550 : f32 to vector<128x1xf32>
    %sub3A_3554 = arith.subf %add3A_3549, %sub3A_3553 : vector<128x1xf32>
    %ne3A_3555 = arith.cmpf one, %sub3A_3554, %sub3A_3554 : vector<128x1xf32>
    %add3A_3556 = vector.broadcast %custom_jvp_call3A_3550 : f32 to vector<128x1xf32>
    %add3A_3557 = arith.addf %add3A_3549, %add3A_3556 : vector<128x1xf32>
    %abs3A_3558 = math.absf %sub3A_3554 : vector<128x1xf32>
    %neg3A_3559 = arith.constant 0.000000e+00 : f32
    %neg3A_3560 = vector.broadcast %neg3A_3559 : f32 to vector<128x1xf32>
    %neg3A_3561 = arith.subf %neg3A_3560, %abs3A_3558 : vector<128x1xf32>
    %exp3A_3562 = math.exp %neg3A_3561 : vector<128x1xf32>
    %log1p3A_3563 = math.log1p %exp3A_3562 : vector<128x1xf32>
    %add3A_3564 = arith.addf %max3A_3552, %log1p3A_3563 : vector<128x1xf32>
    %select_n3A_3565 = arith.select %ne3A_3555, %add3A_3557, %add3A_3564 : vector<128x1xi1>, vector<128x1xf32>
    %mul3A_3566 = arith.constant 1.000000e-01 : f32
    %mul3A_3567 = vector.broadcast %mul3A_3566 : f32 to vector<128x1xf32>
    %mul3A_3568 = arith.mulf %select_n3A_3565, %mul3A_3567 : vector<128x1xf32>
    %add3A_3569 = arith.constant 9.99999974E-5 : f32
    %add3A_3570 = vector.broadcast %add3A_3569 : f32 to vector<128x1xf32>
    %add3A_3571 = arith.addf %mul3A_3568, %add3A_3570 : vector<128x1xf32>
    %mul3A_3572 = vector.broadcast %slice3A_90 : vector<1x1xf32> to vector<128x1xf32>
    %mul3A_3573 = arith.mulf %mul3A_3572, %sqrt3A_3545 : vector<128x1xf32>
    %add3A_3574 = vector.broadcast %slice3A_91 : vector<1x1xf32> to vector<128x1xf32>
    %add3A_3575 = arith.addf %mul3A_3573, %add3A_3574 : vector<128x1xf32>
    %custom_jvp_call3A_3576 = arith.constant 0.000000e+00 : f32
    %max3A_3577 = vector.broadcast %custom_jvp_call3A_3576 : f32 to vector<128x1xf32>
    %max3A_3578 = arith.maximumf %add3A_3575, %max3A_3577 : vector<128x1xf32>
    %sub3A_3579 = vector.broadcast %custom_jvp_call3A_3576 : f32 to vector<128x1xf32>
    %sub3A_3580 = arith.subf %add3A_3575, %sub3A_3579 : vector<128x1xf32>
    %ne3A_3581 = arith.cmpf one, %sub3A_3580, %sub3A_3580 : vector<128x1xf32>
    %add3A_3582 = vector.broadcast %custom_jvp_call3A_3576 : f32 to vector<128x1xf32>
    %add3A_3583 = arith.addf %add3A_3575, %add3A_3582 : vector<128x1xf32>
    %abs3A_3584 = math.absf %sub3A_3580 : vector<128x1xf32>
    %neg3A_3585 = arith.constant 0.000000e+00 : f32
    %neg3A_3586 = vector.broadcast %neg3A_3585 : f32 to vector<128x1xf32>
    %neg3A_3587 = arith.subf %neg3A_3586, %abs3A_3584 : vector<128x1xf32>
    %exp3A_3588 = math.exp %neg3A_3587 : vector<128x1xf32>
    %log1p3A_3589 = math.log1p %exp3A_3588 : vector<128x1xf32>
    %add3A_3590 = arith.addf %max3A_3578, %log1p3A_3589 : vector<128x1xf32>
    %select_n3A_3591 = arith.select %ne3A_3581, %add3A_3583, %add3A_3590 : vector<128x1xi1>, vector<128x1xf32>
    %mul3A_3592 = arith.constant 1.000000e-01 : f32
    %mul3A_3593 = vector.broadcast %mul3A_3592 : f32 to vector<128x1xf32>
    %mul3A_3594 = arith.mulf %select_n3A_3591, %mul3A_3593 : vector<128x1xf32>
    %add3A_3595 = arith.constant 9.99999974E-5 : f32
    %add3A_3596 = vector.broadcast %add3A_3595 : f32 to vector<128x1xf32>
    %add3A_3597 = arith.addf %mul3A_3594, %add3A_3596 : vector<128x1xf32>
    %concatenate3A_3598 = tpu.concatenate %slice3A_3533, %slice3A_3534 in 1 : vector<128x64xf32>, vector<128x64xf32> -> vector<128x128xf32>
    %dot_general3A_3599 = arith.constant dense<0.000000e+00> : vector<128x64xf32>
    %dot_general3A_3600 = tpu.matmul %concatenate3A_3598, %get3A_94, %dot_general3A_3599 {dimension_numbers = #tpu.dot_dimension_numbers<[1], [0], [0], [1], [0, 0, 1, 1], [], []>, transpose_lhs_hint = false} : vector<128x128xf32>, vector<128x64xf32>, vector<128x64xf32> -> vector<128x64xf32>
    %tanh3A_3601 = math.tanh %dot_general3A_3600 : vector<128x64xf32>
    %slice3A_3602 = vector.extract_strided_slice %add3A_3532 {offsets = [0, 0], sizes = [256, 256], strides = [1, 1]} : vector<256x1408xf32> to vector<256x256xf32>
    %slice3A_3603 = vector.extract_strided_slice %add3A_3532 {offsets = [0, 256], sizes = [256, 256], strides = [1, 1]} : vector<256x1408xf32> to vector<256x256xf32>
    %slice3A_3604 = vector.extract_strided_slice %add3A_3532 {offsets = [0, 512], sizes = [256, 256], strides = [1, 1]} : vector<256x1408xf32> to vector<256x256xf32>
    %slice3A_3605 = vector.extract_strided_slice %add3A_3532 {offsets = [0, 768], sizes = [256, 256], strides = [1, 1]} : vector<256x1408xf32> to vector<256x256xf32>
    %slice3A_3606 = vector.extract_strided_slice %add3A_3532 {offsets = [0, 1024], sizes = [256, 256], strides = [1, 1]} : vector<256x1408xf32> to vector<256x256xf32>
    %concatenate3A_3607 = tpu.concatenate %add3A_3571, %add3A_3597 in 0 : vector<128x1xf32>, vector<128x1xf32> -> vector<256x1xf32>
    %mul3A_3608 = arith.constant 1.33333337 : f32
    %mul3A_3609 = vector.broadcast %mul3A_3608 : f32 to vector<1x256xf32>
    %mul3A_3610 = arith.mulf %mul3A_3609, %add3A_30 : vector<1x256xf32>
    %mul3A_3611 = vector.broadcast %mul3A_3610 : vector<1x256xf32> to vector<256x256xf32>
    %mul3A_3612 = vector.broadcast %concatenate3A_3607 : vector<256x1xf32> to vector<256x256xf32>
    %mul3A_3613 = arith.mulf %mul3A_3611, %mul3A_3612 : vector<256x256xf32>
    %add3A_3614 = arith.constant 9.99999993E-9 : f32
    %add3A_3615 = vector.broadcast %add3A_3614 : f32 to vector<256x256xf32>
    %add3A_3616 = arith.addf %mul3A_3613, %add3A_3615 : vector<256x256xf32>
    %neg3A_3617 = arith.constant 0.000000e+00 : f32
    %neg3A_3618 = vector.broadcast %neg3A_3617 : f32 to vector<256x256xf32>
    %neg3A_3619 = arith.subf %neg3A_3618, %add3A_3616 : vector<256x256xf32>
    %exp3A_3620 = math.exp %neg3A_3619 : vector<256x256xf32>
    %sub3A_3621 = arith.constant 1.000000e+00 : f32
    %sub3A_3622 = vector.broadcast %sub3A_3621 : f32 to vector<256x256xf32>
    %sub3A_3623 = arith.subf %sub3A_3622, %exp3A_3620 : vector<256x256xf32>
    %mul3A_3624 = arith.constant 2.500000e-01 : f32
    %mul3A_3625 = vector.broadcast %mul3A_3624 : f32 to vector<256x256xf32>
    %mul3A_3626 = arith.mulf %sub3A_3623, %mul3A_3625 : vector<256x256xf32>
    %add3A_3627 = arith.addf %slice3A_3602, %slice3A_3603 : vector<256x256xf32>
    %add3A_3628 = arith.addf %add3A_3627, %slice3A_3604 : vector<256x256xf32>
    %add3A_3629 = arith.addf %add3A_3628, %slice3A_3605 : vector<256x256xf32>
    %mul3A_3630 = arith.mulf %mul3A_3626, %add3A_3629 : vector<256x256xf32>
    %mul3A_3631 = arith.mulf %exp3A_3620, %slice3A_3602 : vector<256x256xf32>
    %add3A_3632 = arith.addf %mul3A_3630, %mul3A_3631 : vector<256x256xf32>
    %mul3A_3633 = arith.mulf %exp3A_3620, %slice3A_3603 : vector<256x256xf32>
    %add3A_3634 = arith.addf %mul3A_3630, %mul3A_3633 : vector<256x256xf32>
    %mul3A_3635 = arith.mulf %exp3A_3620, %slice3A_3604 : vector<256x256xf32>
    %add3A_3636 = arith.addf %mul3A_3630, %mul3A_3635 : vector<256x256xf32>
    %mul3A_3637 = arith.mulf %exp3A_3620, %slice3A_3605 : vector<256x256xf32>
    %add3A_3638 = arith.addf %mul3A_3630, %mul3A_3637 : vector<256x256xf32>
    %slice3A_3639 = vector.extract_strided_slice %add3A_3632 {offsets = [0, 0], sizes = [128, 256], strides = [1, 1]} : vector<256x256xf32> to vector<128x256xf32>
    %slice3A_3640 = vector.extract_strided_slice %add3A_3632 {offsets = [128, 0], sizes = [128, 256], strides = [1, 1]} : vector<256x256xf32> to vector<128x256xf32>
    %mul3A_3641 = arith.mulf %slice3A_3639, %slice3A_3640 : vector<128x256xf32>
    %slice3A_3642 = vector.extract_strided_slice %add3A_3634 {offsets = [0, 0], sizes = [128, 256], strides = [1, 1]} : vector<256x256xf32> to vector<128x256xf32>
    %slice3A_3643 = vector.extract_strided_slice %add3A_3634 {offsets = [128, 0], sizes = [128, 256], strides = [1, 1]} : vector<256x256xf32> to vector<128x256xf32>
    %mul3A_3644 = arith.mulf %slice3A_3642, %slice3A_3643 : vector<128x256xf32>
    %slice3A_3645 = vector.extract_strided_slice %add3A_3636 {offsets = [0, 0], sizes = [128, 256], strides = [1, 1]} : vector<256x256xf32> to vector<128x256xf32>
    %slice3A_3646 = vector.extract_strided_slice %add3A_3636 {offsets = [128, 0], sizes = [128, 256], strides = [1, 1]} : vector<256x256xf32> to vector<128x256xf32>
    %mul3A_3647 = arith.mulf %slice3A_3645, %slice3A_3646 : vector<128x256xf32>
    %slice3A_3648 = vector.extract_strided_slice %add3A_3638 {offsets = [0, 0], sizes = [128, 256], strides = [1, 1]} : vector<256x256xf32> to vector<128x256xf32>
    %slice3A_3649 = vector.extract_strided_slice %add3A_3638 {offsets = [128, 0], sizes = [128, 256], strides = [1, 1]} : vector<256x256xf32> to vector<128x256xf32>
    %mul3A_3650 = arith.mulf %slice3A_3648, %slice3A_3649 : vector<128x256xf32>
    %slice3A_3651 = vector.extract_strided_slice %slice3A_3606 {offsets = [0, 0], sizes = [128, 256], strides = [1, 1]} : vector<256x256xf32> to vector<128x256xf32>
    %slice3A_3652 = vector.extract_strided_slice %slice3A_3606 {offsets = [128, 0], sizes = [128, 256], strides = [1, 1]} : vector<256x256xf32> to vector<128x256xf32>
    %add3A_3653 = arith.addf %slice3A_3651, %slice3A_3652 : vector<128x256xf32>
    %max3A_3654 = arith.maximumf %mul3A_3641, %mul3A_3644 : vector<128x256xf32>
    %max3A_3655 = arith.maximumf %mul3A_3647, %mul3A_3650 : vector<128x256xf32>
    %max3A_3656 = arith.maximumf %max3A_3654, %max3A_3655 : vector<128x256xf32>
    %div3A_3657 = arith.constant 1.000000e+00 : f32
    %div3A_3658 = vector.broadcast %div3A_3657 : f32 to vector<128x256xf32>
    %div3A_3659 = arith.divf %div3A_3658, %max3A_3656 : vector<128x256xf32>
    %mul3A_3660 = arith.mulf %mul3A_3641, %div3A_3659 : vector<128x256xf32>
    %mul3A_3661 = arith.mulf %mul3A_3644, %div3A_3659 : vector<128x256xf32>
    %mul3A_3662 = arith.mulf %mul3A_3647, %div3A_3659 : vector<128x256xf32>
    %mul3A_3663 = arith.mulf %mul3A_3650, %div3A_3659 : vector<128x256xf32>
    %log3A_3664 = math.log %max3A_3656 : vector<128x256xf32>
    %add3A_3665 = arith.addf %add3A_3653, %log3A_3664 : vector<128x256xf32>
    %add3A_3666 = arith.addf %mul3A_3660, %mul3A_3661 : vector<128x256xf32>
    %add3A_3667 = arith.addf %add3A_3666, %mul3A_3662 : vector<128x256xf32>
    %add3A_3668 = arith.addf %add3A_3667, %mul3A_3663 : vector<128x256xf32>
    %log3A_3669 = math.log %add3A_3668 : vector<128x256xf32>
    %add3A_3670 = arith.addf %add3A_3665, %log3A_3669 : vector<128x256xf32>
    %sub3A_3671 = arith.constant 1.38629436 : f32
    %sub3A_3672 = vector.broadcast %sub3A_3671 : f32 to vector<128x256xf32>
    %sub3A_3673 = arith.subf %add3A_3670, %sub3A_3672 : vector<128x256xf32>
    %reduce_sum3A_3674 = arith.constant dense<0.000000e+00> : vector<128xf32>
    %reduce_sum3A_3675 = vector.multi_reduction <add>, %sub3A_3673, %reduce_sum3A_3674 [1] : vector<128x256xf32> to vector<128xf32>
    %broadcast_in_dim3A_3676 = vector.shape_cast %reduce_sum3A_3675 : vector<128xf32> to vector<128x1xf32>
    %broadcast_in_dim3A_3677 = arith.constant 0.000000e+00 : f32
    %broadcast_in_dim3A_3678 = vector.broadcast %broadcast_in_dim3A_3677 : f32 to vector<128x63xf32>
    %concatenate3A_3679 = tpu.concatenate %mul3A_3660, %mul3A_3661, %mul3A_3662, %mul3A_3663, %add3A_3665, %tanh3A_3601, %broadcast_in_dim3A_3676, %broadcast_in_dim3A_3678 in 1 : vector<128x256xf32>, vector<128x256xf32>, vector<128x256xf32>, vector<128x256xf32>, vector<128x256xf32>, vector<128x64xf32>, vector<128x1xf32>, vector<128x63xf32> -> vector<128x1408xf32>
    %convert_element_type3A_3680 = arith.truncf %concatenate3A_3679 : vector<128x1408xf32> to vector<128x1408xbf16>
    %convert_element_type3A_3681 = arith.extf %convert_element_type3A_3680 : vector<128x1408xbf16> to vector<128x1408xf32>
    %sub3A_3682 = arith.subf %concatenate3A_3679, %convert_element_type3A_3681 : vector<128x1408xf32>
    %convert_element_type3A_3683 = arith.truncf %sub3A_3682 : vector<128x1408xf32> to vector<128x1408xbf16>
    %convert_element_type3A_3684 = arith.extf %convert_element_type3A_3683 : vector<128x1408xbf16> to vector<128x1408xf32>
    %sub3A_3685 = arith.subf %sub3A_3682, %convert_element_type3A_3684 : vector<128x1408xf32>
    %convert_element_type3A_3686 = arith.truncf %sub3A_3685 : vector<128x1408xf32> to vector<128x1408xbf16>
    %swap3A_3687 = arith.constant 1424 : index
    %swap3A_3688 = arith.constant 0 : index
    %swap3A_3689 = vector.load %arg18[%swap3A_3687, %swap3A_3688] : memref<1936x1408xbf16, #tpu.memory_space<vmem>>, vector<128x1408xbf16>
    tpu.vector_store %arg18[%swap3A_3687, %swap3A_3688], %convert_element_type3A_3680 {strides = array<i32>} : memref<1936x1408xbf16, #tpu.memory_space<vmem>>, vector<128x1408xbf16>,
    %swap3A_3690 = arith.constant 1424 : index
    %swap3A_3691 = arith.constant 0 : index
    %swap3A_3692 = vector.load %arg19[%swap3A_3690, %swap3A_3691] : memref<1936x1408xbf16, #tpu.memory_space<vmem>>, vector<128x1408xbf16>
    tpu.vector_store %arg19[%swap3A_3690, %swap3A_3691], %convert_element_type3A_3683 {strides = array<i32>} : memref<1936x1408xbf16, #tpu.memory_space<vmem>>, vector<128x1408xbf16>,
    %swap3A_3693 = arith.constant 1424 : index
    %swap3A_3694 = arith.constant 0 : index
    %swap3A_3695 = vector.load %arg20[%swap3A_3693, %swap3A_3694] : memref<1936x1408xbf16, #tpu.memory_space<vmem>>, vector<128x1408xbf16>
    tpu.vector_store %arg20[%swap3A_3693, %swap3A_3694], %convert_element_type3A_3686 {strides = array<i32>} : memref<1936x1408xbf16, #tpu.memory_space<vmem>>, vector<128x1408xbf16>,
    %sub3A_3696 = arith.subf %slice3A_3481, %slice3A_3535 : vector<128x1xf32>
    %sub3A_3697 = arith.subf %sub3A_3696, %slice3A_3536 : vector<128x1xf32>
    %add3A_3698 = arith.addf %sub3A_3697, %broadcast_in_dim3A_3676 : vector<128x1xf32>
    %add3A_3699 = arith.addf %add3A_3571, %add3A_3597 : vector<128x1xf32>
    %div3A_3700 = arith.constant 1.000000e-01 : f32
    %div3A_3701 = vector.broadcast %div3A_3700 : f32 to vector<128x1xf32>
    %div3A_3702 = arith.divf %add3A_3699, %div3A_3701 : vector<128x1xf32>
    %sub3A_3703 = arith.constant 4.60517025 : f32
    %sub3A_3704 = vector.broadcast %sub3A_3703 : f32 to vector<128x1xf32>
    %sub3A_3705 = arith.subf %sub3A_3704, %div3A_3702 : vector<128x1xf32>
    %sub3A_3706 = arith.subf %add3A_3698, %slice3A_3481 : vector<128x1xf32>
    %add3A_3707 = arith.addf %sub3A_3706, %sub3A_3705 : vector<128x1xf32>
    %add3A_3708 = arith.constant 2.30258512 : f32
    %add3A_3709 = vector.broadcast %add3A_3708 : f32 to vector<128x1xf32>
    %add3A_3710 = arith.addf %add3A_3707, %add3A_3709 : vector<128x1xf32>
    %reduce_max3A_3711 = vector.shape_cast %add3A_3710 : vector<128x1xf32> to vector<1x128x1xf32>
    %reduce_max3A_3712 = arith.constant dense<0xFF800000> : vector<1xf32>
    %reduce_max3A_3713 = vector.multi_reduction <maximumf>, %reduce_max3A_3711, %reduce_max3A_3712 [1, 2] : vector<1x128x1xf32> to vector<1xf32>
    %reduce_max3A_3714 = vector.shape_cast %reduce_max3A_3713 : vector<1xf32> to vector<1x1x1xf32>
    %reduce_max3A_3715 = vector.extract %reduce_max3A_3714[0, 0, 0] : f32 from vector<1x1x1xf32>
    %sub3A_3716 = vector.broadcast %reduce_max3A_3715 : f32 to vector<128x1xf32>
    %sub3A_3717 = arith.subf %add3A_3710, %sub3A_3716 : vector<128x1xf32>
    %exp3A_3718 = math.exp %sub3A_3717 : vector<128x1xf32>
    %reduce_sum3A_3719 = vector.shape_cast %exp3A_3718 : vector<128x1xf32> to vector<1x128x1xf32>
    %reduce_sum3A_3720 = arith.constant dense<0.000000e+00> : vector<1xf32>
    %reduce_sum3A_3721 = vector.multi_reduction <add>, %reduce_sum3A_3719, %reduce_sum3A_3720 [1, 2] : vector<1x128x1xf32> to vector<1xf32>
    %reduce_sum3A_3722 = vector.shape_cast %reduce_sum3A_3721 : vector<1xf32> to vector<1x1x1xf32>
    %reduce_sum3A_3723 = vector.extract %reduce_sum3A_3722[0, 0, 0] : f32 from vector<1x1x1xf32>
    %log3A_3724 = math.log %reduce_sum3A_3723 : f32
    %add3A_3725 = arith.addf %reduce_max3A_3715, %log3A_3724 : f32
    %sub3A_3726 = arith.constant 4.85203028 : f32
    %sub3A_3727 = arith.subf %add3A_3725, %sub3A_3726 : f32
    %add3A_3728 = vector.broadcast %sub3A_3727 : f32 to vector<1x1xf32>
    %add3A_3729 = arith.addf %add3A_3424, %add3A_3728 : vector<1x1xf32>
    %slice3A_3730 = vector.extract_strided_slice %round3A_3480 {offsets = [0, 1], sizes = [128, 15], strides = [1, 1]} : vector<128x16xf32> to vector<128x15xf32>
    %slice3A_3731 = vector.extract_strided_slice %round3A_3480 {offsets = [0, 0], sizes = [128, 1], strides = [1, 1]} : vector<128x16xf32> to vector<128x1xf32>
    %concatenate3A_3732 = tpu.concatenate %slice3A_3730, %slice3A_3731 in 1 : vector<128x15xf32>, vector<128x1xf32> -> vector<128x16xf32>
    %slice3A_3733 = vector.extract_strided_slice %round3A_3480 {offsets = [0, 2], sizes = [128, 14], strides = [1, 1]} : vector<128x16xf32> to vector<128x14xf32>
    %slice3A_3734 = vector.extract_strided_slice %round3A_3480 {offsets = [0, 0], sizes = [128, 2], strides = [1, 1]} : vector<128x16xf32> to vector<128x2xf32>
    %concatenate3A_3735 = tpu.concatenate %slice3A_3733, %slice3A_3734 in 1 : vector<128x14xf32>, vector<128x2xf32> -> vector<128x16xf32>
    %lt3A_3736 = vector.broadcast %convert_element_type3A_3 : vector<1x16xf32> to vector<128x16xf32>
    %lt3A_3737 = vector.broadcast %get3A_3484 : vector<128x1xf32> to vector<128x16xf32>
    %lt3A_3738 = arith.cmpf olt, %lt3A_3736, %lt3A_3737 : vector<128x16xf32>
    %sub3A_3739 = arith.constant 1.000000e+00 : f32
    %sub3A_3740 = vector.broadcast %sub3A_3739 : f32 to vector<128x1xf32>
    %sub3A_3741 = arith.subf %get3A_3487, %sub3A_3740 : vector<128x1xf32>
    %lt3A_3742 = vector.broadcast %convert_element_type3A_3 : vector<1x16xf32> to vector<128x16xf32>
    %lt3A_3743 = vector.broadcast %sub3A_3741 : vector<128x1xf32> to vector<128x16xf32>
    %lt3A_3744 = arith.cmpf olt, %lt3A_3742, %lt3A_3743 : vector<128x16xf32>
    %select_n3A_3745 = arith.select %lt3A_3744, %concatenate3A_3732, %concatenate3A_3735 : vector<128x16xi1>, vector<128x16xf32>
    %select_n3A_3746 = arith.select %lt3A_3738, %round3A_3480, %select_n3A_3745 : vector<128x16xi1>, vector<128x16xf32>
    %add3A_3747 = arith.constant 1.424000e+03 : f32
    %add3A_3748 = vector.broadcast %add3A_3747 : f32 to vector<128x1xf32>
    %add3A_3749 = arith.addf %add3A_3748, %convert_element_type3A : vector<128x1xf32>
    %eq3A_3750 = arith.constant 3.000000e+00 : f32
    %eq3A_3751 = vector.broadcast %eq3A_3750 : f32 to vector<1x16xf32>
    %eq3A_3752 = arith.cmpf oeq, %convert_element_type3A_3, %eq3A_3751 : vector<1x16xf32>
    %broadcast_in_dim3A_3753 = vector.shape_cast %eq3A_3752 : vector<1x16xi1> to vector<1x16xi1>
    %broadcast_in_dim3A_3754 = vector.broadcast %broadcast_in_dim3A_3753 : vector<1x16xi1> to vector<128x16xi1>
    %broadcast_in_dim3A_3755 = vector.shape_cast %add3A_3749 : vector<128x1xf32> to vector<128x1xf32>
    %broadcast_in_dim3A_3756 = vector.broadcast %broadcast_in_dim3A_3755 : vector<128x1xf32> to vector<128x16xf32>
    %select_n3A_3757 = arith.select %broadcast_in_dim3A_3754, %broadcast_in_dim3A_3756, %select_n3A_3746 : vector<128x16xi1>, vector<128x16xf32>
    %get3A_3758 = arith.constant 1536 : index
    %get3A_3759 = arith.constant 0 : index
    %get3A_3760 = vector.load %arg0[%get3A_3758, %get3A_3759] : memref<1920x128xf32, #tpu.memory_space<vmem>>, vector<128x128xf32>
    %add3A_3761 = vector.broadcast %add3A_3710 : vector<128x1xf32> to vector<128x128xf32>
    %add3A_3762 = arith.addf %get3A_3760, %add3A_3761 : vector<128x128xf32>
    %reduce_max3A_3763 = arith.constant dense<0xFF800000> : vector<128xf32>
    %reduce_max3A_3764 = vector.multi_reduction <maximumf>, %add3A_3762, %reduce_max3A_3763 [0] : vector<128x128xf32> to vector<128xf32>
    %broadcast_in_dim3A_3765 = vector.shape_cast %reduce_max3A_3764 : vector<128xf32> to vector<1x128xf32>
    %eq3A_3766 = vector.broadcast %broadcast_in_dim3A_3765 : vector<1x128xf32> to vector<128x128xf32>
    %eq3A_3767 = arith.cmpf oeq, %add3A_3762, %eq3A_3766 : vector<128x128xf32>
    %jit3A_3768 = arith.constant 1.280000e+02 : f32
    %broadcast_in_dim3A_3769 = vector.shape_cast %convert_element_type3A : vector<128x1xf32> to vector<128x1xf32>
    %broadcast_in_dim3A_3770 = vector.broadcast %broadcast_in_dim3A_3769 : vector<128x1xf32> to vector<128x128xf32>
    %broadcast_in_dim3A_3771 = vector.broadcast %jit3A_3768 : f32 to vector<128x128xf32>
    %select_n3A_3772 = arith.select %eq3A_3767, %broadcast_in_dim3A_3770, %broadcast_in_dim3A_3771 : vector<128x128xi1>, vector<128x128xf32>
    %reduce_min3A_3773 = arith.constant dense<0x7F800000> : vector<128xf32>
    %reduce_min3A_3774 = vector.multi_reduction <minimumf>, %select_n3A_3772, %reduce_min3A_3773 [0] : vector<128x128xf32> to vector<128xf32>
    %broadcast_in_dim3A_3775 = vector.shape_cast %reduce_min3A_3774 : vector<128xf32> to vector<1x128xf32>
    %eq3A_3776 = vector.broadcast %convert_element_type3A : vector<128x1xf32> to vector<128x128xf32>
    %eq3A_3777 = vector.broadcast %broadcast_in_dim3A_3775 : vector<1x128xf32> to vector<128x128xf32>
    %eq3A_3778 = arith.cmpf oeq, %eq3A_3776, %eq3A_3777 : vector<128x128xf32>
    %convert_element_type3A_3779 = arith.extui %eq3A_3778 : vector<128x128xi1> to vector<128x128xi32>
    %convert_element_type3A_3780 = arith.sitofp %convert_element_type3A_3779 : vector<128x128xi32> to vector<128x128xf32>
    %concatenate3A_3781 = tpu.concatenate %select_n3A_3757, %add3A_3698 in 1 : vector<128x16xf32>, vector<128x1xf32> -> vector<128x17xf32>
    %dot_general3A_3782 = arith.constant dense<0.000000e+00> : vector<128x17xf32>
    %dot_general3A_3783 = tpu.matmul %convert_element_type3A_3780, %concatenate3A_3781, %dot_general3A_3782 {dimension_numbers = #tpu.dot_dimension_numbers<[0], [0], [1], [1], [0, 1, 1, 1], [], []>, precision = #tpu.contract_precision<fp32>, transpose_lhs_hint = false} : vector<128x128xf32>, vector<128x17xf32>, vector<128x17xf32> -> vector<128x17xf32>
    %slice3A_3784 = vector.extract_strided_slice %dot_general3A_3783 {offsets = [0, 0], sizes = [128, 16], strides = [1, 1]} : vector<128x17xf32> to vector<128x16xf32>
    %round3A_3785 = math.roundeven %slice3A_3784 : vector<128x16xf32>
    %slice3A_3786 = vector.extract_strided_slice %dot_general3A_3783 {offsets = [0, 16], sizes = [128, 1], strides = [1, 1]} : vector<128x17xf32> to vector<128x1xf32>
    %get3A_3787 = arith.constant 0 : index
    %get3A_3788 = arith.constant 12 : index
    %get3A_3789 = vector.load %arg1[%get3A_3787, %get3A_3788] : memref<128x16xf32, #tpu.memory_space<vmem>>, vector<128x1xf32>
    %get3A_3790 = arith.constant 0 : index
    %get3A_3791 = arith.constant 12 : index
    %get3A_3792 = vector.load %arg2[%get3A_3790, %get3A_3791] : memref<128x16xf32, #tpu.memory_space<vmem>>, vector<128x1xf32>
    %eq3A_3793 = vector.broadcast %convert_element_type3A_3 : vector<1x16xf32> to vector<128x16xf32>
    %eq3A_3794 = vector.broadcast %get3A_3789 : vector<128x1xf32> to vector<128x16xf32>
    %eq3A_3795 = arith.cmpf oeq, %eq3A_3793, %eq3A_3794 : vector<128x16xf32>
    %convert_element_type3A_3796 = arith.extui %eq3A_3795 : vector<128x16xi1> to vector<128x16xi32>
    %convert_element_type3A_3797 = arith.sitofp %convert_element_type3A_3796 : vector<128x16xi32> to vector<128x16xf32>
    %eq3A_3798 = vector.broadcast %convert_element_type3A_3 : vector<1x16xf32> to vector<128x16xf32>
    %eq3A_3799 = vector.broadcast %get3A_3792 : vector<128x1xf32> to vector<128x16xf32>
    %eq3A_3800 = arith.cmpf oeq, %eq3A_3798, %eq3A_3799 : vector<128x16xf32>
    %convert_element_type3A_3801 = arith.extui %eq3A_3800 : vector<128x16xi1> to vector<128x16xi32>
    %convert_element_type3A_3802 = arith.sitofp %convert_element_type3A_3801 : vector<128x16xi32> to vector<128x16xf32>
    %mul3A_3803 = arith.mulf %convert_element_type3A_3797, %round3A_3785 : vector<128x16xf32>
    %reduce_sum3A_3804 = arith.constant dense<0.000000e+00> : vector<128xf32>
    %reduce_sum3A_3805 = vector.multi_reduction <add>, %mul3A_3803, %reduce_sum3A_3804 [1] : vector<128x16xf32> to vector<128xf32>
    %broadcast_in_dim3A_3806 = vector.shape_cast %reduce_sum3A_3805 : vector<128xf32> to vector<128x1xf32>
    %round3A_3807 = math.roundeven %broadcast_in_dim3A_3806 : vector<128x1xf32>
    %mul3A_3808 = arith.mulf %convert_element_type3A_3802, %round3A_3785 : vector<128x16xf32>
    %reduce_sum3A_3809 = arith.constant dense<0.000000e+00> : vector<128xf32>
    %reduce_sum3A_3810 = vector.multi_reduction <add>, %mul3A_3808, %reduce_sum3A_3809 [1] : vector<128x16xf32> to vector<128xf32>
    %broadcast_in_dim3A_3811 = vector.shape_cast %reduce_sum3A_3810 : vector<128xf32> to vector<128x1xf32>
    %round3A_3812 = math.roundeven %broadcast_in_dim3A_3811 : vector<128x1xf32>
    %concatenate3A_3813 = tpu.concatenate %round3A_3807, %round3A_3812 in 0 : vector<128x1xf32>, vector<128x1xf32> -> vector<256x1xf32>
    %slice3A_3814 = vector.extract_strided_slice %convert_element_type3A_5 {offsets = [0, 0], sizes = [1, 1552], strides = [1, 1]} : vector<1x1936xf32> to vector<1x1552xf32>
    %eq3A_3815 = vector.broadcast %slice3A_3814 : vector<1x1552xf32> to vector<256x1552xf32>
    %eq3A_3816 = vector.broadcast %concatenate3A_3813 : vector<256x1xf32> to vector<256x1552xf32>
    %eq3A_3817 = arith.cmpf oeq, %eq3A_3815, %eq3A_3816 : vector<256x1552xf32>
    %convert_element_type3A_3818 = arith.extui %eq3A_3817 : vector<256x1552xi1> to vector<256x1552xi32>
    %convert_element_type3A_3819 = arith.sitofp %convert_element_type3A_3818 : vector<256x1552xi32> to vector<256x1552xf32>
    %convert_element_type3A_3820 = arith.truncf %convert_element_type3A_3819 : vector<256x1552xf32> to vector<256x1552xbf16>
    %get3A_3821 = arith.constant 0 : index
    %get3A_3822 = arith.constant 0 : index
    %get3A_3823 = vector.load %arg18[%get3A_3821, %get3A_3822] : memref<1936x1408xbf16, #tpu.memory_space<vmem>>, vector<1552x1408xbf16>
    %dot_general3A_3824 = arith.constant dense<0.000000e+00> : vector<256x1408xf32>
    %dot_general3A_3825 = tpu.matmul %convert_element_type3A_3820, %get3A_3823, %dot_general3A_3824 {dimension_numbers = #tpu.dot_dimension_numbers<[1], [0], [0], [1], [0, 0, 1, 1], [], []>, transpose_lhs_hint = false} : vector<256x1552xbf16>, vector<1552x1408xbf16>, vector<256x1408xf32> -> vector<256x1408xf32>
    %get3A_3826 = arith.constant 0 : index
    %get3A_3827 = arith.constant 0 : index
    %get3A_3828 = vector.load %arg19[%get3A_3826, %get3A_3827] : memref<1936x1408xbf16, #tpu.memory_space<vmem>>, vector<1552x1408xbf16>
    %dot_general3A_3829 = arith.constant dense<0.000000e+00> : vector<256x1408xf32>
    %dot_general3A_3830 = tpu.matmul %convert_element_type3A_3820, %get3A_3828, %dot_general3A_3829 {dimension_numbers = #tpu.dot_dimension_numbers<[1], [0], [0], [1], [0, 0, 1, 1], [], []>, transpose_lhs_hint = false} : vector<256x1552xbf16>, vector<1552x1408xbf16>, vector<256x1408xf32> -> vector<256x1408xf32>
    %add3A_3831 = arith.addf %dot_general3A_3825, %dot_general3A_3830 : vector<256x1408xf32>
    %get3A_3832 = arith.constant 0 : index
    %get3A_3833 = arith.constant 0 : index
    %get3A_3834 = vector.load %arg20[%get3A_3832, %get3A_3833] : memref<1936x1408xbf16, #tpu.memory_space<vmem>>, vector<1552x1408xbf16>
    %dot_general3A_3835 = arith.constant dense<0.000000e+00> : vector<256x1408xf32>
    %dot_general3A_3836 = tpu.matmul %convert_element_type3A_3820, %get3A_3834, %dot_general3A_3835 {dimension_numbers = #tpu.dot_dimension_numbers<[1], [0], [0], [1], [0, 0, 1, 1], [], []>, transpose_lhs_hint = false} : vector<256x1552xbf16>, vector<1552x1408xbf16>, vector<256x1408xf32> -> vector<256x1408xf32>
    %add3A_3837 = arith.addf %add3A_3831, %dot_general3A_3836 : vector<256x1408xf32>
    %slice3A_3838 = vector.extract_strided_slice %add3A_3837 {offsets = [0, 1280], sizes = [128, 64], strides = [1, 1]} : vector<256x1408xf32> to vector<128x64xf32>
    %slice3A_3839 = vector.extract_strided_slice %add3A_3837 {offsets = [128, 1280], sizes = [128, 64], strides = [1, 1]} : vector<256x1408xf32> to vector<128x64xf32>
    %slice3A_3840 = vector.extract_strided_slice %add3A_3837 {offsets = [0, 1344], sizes = [128, 1], strides = [1, 1]} : vector<256x1408xf32> to vector<128x1xf32>
    %slice3A_3841 = vector.extract_strided_slice %add3A_3837 {offsets = [128, 1344], sizes = [128, 1], strides = [1, 1]} : vector<256x1408xf32> to vector<128x1xf32>
    %sub3A_3842 = arith.subf %slice3A_3838, %slice3A_3839 : vector<128x64xf32>
    %mul3A_3843 = arith.mulf %sub3A_3842, %sub3A_3842 : vector<128x64xf32>
    %reduce_sum3A_3844 = arith.constant dense<0.000000e+00> : vector<128xf32>
    %reduce_sum3A_3845 = vector.multi_reduction <add>, %mul3A_3843, %reduce_sum3A_3844 [1] : vector<128x64xf32> to vector<128xf32>
    %broadcast_in_dim3A_3846 = vector.shape_cast %reduce_sum3A_3845 : vector<128xf32> to vector<128x1xf32>
    %add3A_3847 = arith.constant 9.99999993E-9 : f32
    %add3A_3848 = vector.broadcast %add3A_3847 : f32 to vector<128x1xf32>
    %add3A_3849 = arith.addf %broadcast_in_dim3A_3846, %add3A_3848 : vector<128x1xf32>
    %sqrt3A_3850 = math.sqrt %add3A_3849 : vector<128x1xf32>
    %mul3A_3851 = vector.broadcast %slice3A_88 : vector<1x1xf32> to vector<128x1xf32>
    %mul3A_3852 = arith.mulf %mul3A_3851, %sqrt3A_3850 : vector<128x1xf32>
    %add3A_3853 = vector.broadcast %slice3A_89 : vector<1x1xf32> to vector<128x1xf32>
    %add3A_3854 = arith.addf %mul3A_3852, %add3A_3853 : vector<128x1xf32>
    %custom_jvp_call3A_3855 = arith.constant 0.000000e+00 : f32
    %max3A_3856 = vector.broadcast %custom_jvp_call3A_3855 : f32 to vector<128x1xf32>
    %max3A_3857 = arith.maximumf %add3A_3854, %max3A_3856 : vector<128x1xf32>
    %sub3A_3858 = vector.broadcast %custom_jvp_call3A_3855 : f32 to vector<128x1xf32>
    %sub3A_3859 = arith.subf %add3A_3854, %sub3A_3858 : vector<128x1xf32>
    %ne3A_3860 = arith.cmpf one, %sub3A_3859, %sub3A_3859 : vector<128x1xf32>
    %add3A_3861 = vector.broadcast %custom_jvp_call3A_3855 : f32 to vector<128x1xf32>
    %add3A_3862 = arith.addf %add3A_3854, %add3A_3861 : vector<128x1xf32>
    %abs3A_3863 = math.absf %sub3A_3859 : vector<128x1xf32>
    %neg3A_3864 = arith.constant 0.000000e+00 : f32
    %neg3A_3865 = vector.broadcast %neg3A_3864 : f32 to vector<128x1xf32>
    %neg3A_3866 = arith.subf %neg3A_3865, %abs3A_3863 : vector<128x1xf32>
    %exp3A_3867 = math.exp %neg3A_3866 : vector<128x1xf32>
    %log1p3A_3868 = math.log1p %exp3A_3867 : vector<128x1xf32>
    %add3A_3869 = arith.addf %max3A_3857, %log1p3A_3868 : vector<128x1xf32>
    %select_n3A_3870 = arith.select %ne3A_3860, %add3A_3862, %add3A_3869 : vector<128x1xi1>, vector<128x1xf32>
    %mul3A_3871 = arith.constant 1.000000e-01 : f32
    %mul3A_3872 = vector.broadcast %mul3A_3871 : f32 to vector<128x1xf32>
    %mul3A_3873 = arith.mulf %select_n3A_3870, %mul3A_3872 : vector<128x1xf32>
    %add3A_3874 = arith.constant 9.99999974E-5 : f32
    %add3A_3875 = vector.broadcast %add3A_3874 : f32 to vector<128x1xf32>
    %add3A_3876 = arith.addf %mul3A_3873, %add3A_3875 : vector<128x1xf32>
    %mul3A_3877 = vector.broadcast %slice3A_90 : vector<1x1xf32> to vector<128x1xf32>
    %mul3A_3878 = arith.mulf %mul3A_3877, %sqrt3A_3850 : vector<128x1xf32>
    %add3A_3879 = vector.broadcast %slice3A_91 : vector<1x1xf32> to vector<128x1xf32>
    %add3A_3880 = arith.addf %mul3A_3878, %add3A_3879 : vector<128x1xf32>
    %custom_jvp_call3A_3881 = arith.constant 0.000000e+00 : f32
    %max3A_3882 = vector.broadcast %custom_jvp_call3A_3881 : f32 to vector<128x1xf32>
    %max3A_3883 = arith.maximumf %add3A_3880, %max3A_3882 : vector<128x1xf32>
    %sub3A_3884 = vector.broadcast %custom_jvp_call3A_3881 : f32 to vector<128x1xf32>
    %sub3A_3885 = arith.subf %add3A_3880, %sub3A_3884 : vector<128x1xf32>
    %ne3A_3886 = arith.cmpf one, %sub3A_3885, %sub3A_3885 : vector<128x1xf32>
    %add3A_3887 = vector.broadcast %custom_jvp_call3A_3881 : f32 to vector<128x1xf32>
    %add3A_3888 = arith.addf %add3A_3880, %add3A_3887 : vector<128x1xf32>
    %abs3A_3889 = math.absf %sub3A_3885 : vector<128x1xf32>
    %neg3A_3890 = arith.constant 0.000000e+00 : f32
    %neg3A_3891 = vector.broadcast %neg3A_3890 : f32 to vector<128x1xf32>
    %neg3A_3892 = arith.subf %neg3A_3891, %abs3A_3889 : vector<128x1xf32>
    %exp3A_3893 = math.exp %neg3A_3892 : vector<128x1xf32>
    %log1p3A_3894 = math.log1p %exp3A_3893 : vector<128x1xf32>
    %add3A_3895 = arith.addf %max3A_3883, %log1p3A_3894 : vector<128x1xf32>
    %select_n3A_3896 = arith.select %ne3A_3886, %add3A_3888, %add3A_3895 : vector<128x1xi1>, vector<128x1xf32>
    %mul3A_3897 = arith.constant 1.000000e-01 : f32
    %mul3A_3898 = vector.broadcast %mul3A_3897 : f32 to vector<128x1xf32>
    %mul3A_3899 = arith.mulf %select_n3A_3896, %mul3A_3898 : vector<128x1xf32>
    %add3A_3900 = arith.constant 9.99999974E-5 : f32
    %add3A_3901 = vector.broadcast %add3A_3900 : f32 to vector<128x1xf32>
    %add3A_3902 = arith.addf %mul3A_3899, %add3A_3901 : vector<128x1xf32>
    %concatenate3A_3903 = tpu.concatenate %slice3A_3838, %slice3A_3839 in 1 : vector<128x64xf32>, vector<128x64xf32> -> vector<128x128xf32>
    %dot_general3A_3904 = arith.constant dense<0.000000e+00> : vector<128x64xf32>
    %dot_general3A_3905 = tpu.matmul %concatenate3A_3903, %get3A_94, %dot_general3A_3904 {dimension_numbers = #tpu.dot_dimension_numbers<[1], [0], [0], [1], [0, 0, 1, 1], [], []>, transpose_lhs_hint = false} : vector<128x128xf32>, vector<128x64xf32>, vector<128x64xf32> -> vector<128x64xf32>
    %tanh3A_3906 = math.tanh %dot_general3A_3905 : vector<128x64xf32>
    %slice3A_3907 = vector.extract_strided_slice %add3A_3837 {offsets = [0, 0], sizes = [256, 256], strides = [1, 1]} : vector<256x1408xf32> to vector<256x256xf32>
    %slice3A_3908 = vector.extract_strided_slice %add3A_3837 {offsets = [0, 256], sizes = [256, 256], strides = [1, 1]} : vector<256x1408xf32> to vector<256x256xf32>
    %slice3A_3909 = vector.extract_strided_slice %add3A_3837 {offsets = [0, 512], sizes = [256, 256], strides = [1, 1]} : vector<256x1408xf32> to vector<256x256xf32>
    %slice3A_3910 = vector.extract_strided_slice %add3A_3837 {offsets = [0, 768], sizes = [256, 256], strides = [1, 1]} : vector<256x1408xf32> to vector<256x256xf32>
    %slice3A_3911 = vector.extract_strided_slice %add3A_3837 {offsets = [0, 1024], sizes = [256, 256], strides = [1, 1]} : vector<256x1408xf32> to vector<256x256xf32>
    %concatenate3A_3912 = tpu.concatenate %add3A_3876, %add3A_3902 in 0 : vector<128x1xf32>, vector<128x1xf32> -> vector<256x1xf32>
    %mul3A_3913 = arith.constant 1.33333337 : f32
    %mul3A_3914 = vector.broadcast %mul3A_3913 : f32 to vector<1x256xf32>
    %mul3A_3915 = arith.mulf %mul3A_3914, %add3A_30 : vector<1x256xf32>
    %mul3A_3916 = vector.broadcast %mul3A_3915 : vector<1x256xf32> to vector<256x256xf32>
    %mul3A_3917 = vector.broadcast %concatenate3A_3912 : vector<256x1xf32> to vector<256x256xf32>
    %mul3A_3918 = arith.mulf %mul3A_3916, %mul3A_3917 : vector<256x256xf32>
    %add3A_3919 = arith.constant 9.99999993E-9 : f32
    %add3A_3920 = vector.broadcast %add3A_3919 : f32 to vector<256x256xf32>
    %add3A_3921 = arith.addf %mul3A_3918, %add3A_3920 : vector<256x256xf32>
    %neg3A_3922 = arith.constant 0.000000e+00 : f32
    %neg3A_3923 = vector.broadcast %neg3A_3922 : f32 to vector<256x256xf32>
    %neg3A_3924 = arith.subf %neg3A_3923, %add3A_3921 : vector<256x256xf32>
    %exp3A_3925 = math.exp %neg3A_3924 : vector<256x256xf32>
    %sub3A_3926 = arith.constant 1.000000e+00 : f32
    %sub3A_3927 = vector.broadcast %sub3A_3926 : f32 to vector<256x256xf32>
    %sub3A_3928 = arith.subf %sub3A_3927, %exp3A_3925 : vector<256x256xf32>
    %mul3A_3929 = arith.constant 2.500000e-01 : f32
    %mul3A_3930 = vector.broadcast %mul3A_3929 : f32 to vector<256x256xf32>
    %mul3A_3931 = arith.mulf %sub3A_3928, %mul3A_3930 : vector<256x256xf32>
    %add3A_3932 = arith.addf %slice3A_3907, %slice3A_3908 : vector<256x256xf32>
    %add3A_3933 = arith.addf %add3A_3932, %slice3A_3909 : vector<256x256xf32>
    %add3A_3934 = arith.addf %add3A_3933, %slice3A_3910 : vector<256x256xf32>
    %mul3A_3935 = arith.mulf %mul3A_3931, %add3A_3934 : vector<256x256xf32>
    %mul3A_3936 = arith.mulf %exp3A_3925, %slice3A_3907 : vector<256x256xf32>
    %add3A_3937 = arith.addf %mul3A_3935, %mul3A_3936 : vector<256x256xf32>
    %mul3A_3938 = arith.mulf %exp3A_3925, %slice3A_3908 : vector<256x256xf32>
    %add3A_3939 = arith.addf %mul3A_3935, %mul3A_3938 : vector<256x256xf32>
    %mul3A_3940 = arith.mulf %exp3A_3925, %slice3A_3909 : vector<256x256xf32>
    %add3A_3941 = arith.addf %mul3A_3935, %mul3A_3940 : vector<256x256xf32>
    %mul3A_3942 = arith.mulf %exp3A_3925, %slice3A_3910 : vector<256x256xf32>
    %add3A_3943 = arith.addf %mul3A_3935, %mul3A_3942 : vector<256x256xf32>
    %slice3A_3944 = vector.extract_strided_slice %add3A_3937 {offsets = [0, 0], sizes = [128, 256], strides = [1, 1]} : vector<256x256xf32> to vector<128x256xf32>
    %slice3A_3945 = vector.extract_strided_slice %add3A_3937 {offsets = [128, 0], sizes = [128, 256], strides = [1, 1]} : vector<256x256xf32> to vector<128x256xf32>
    %mul3A_3946 = arith.mulf %slice3A_3944, %slice3A_3945 : vector<128x256xf32>
    %slice3A_3947 = vector.extract_strided_slice %add3A_3939 {offsets = [0, 0], sizes = [128, 256], strides = [1, 1]} : vector<256x256xf32> to vector<128x256xf32>
    %slice3A_3948 = vector.extract_strided_slice %add3A_3939 {offsets = [128, 0], sizes = [128, 256], strides = [1, 1]} : vector<256x256xf32> to vector<128x256xf32>
    %mul3A_3949 = arith.mulf %slice3A_3947, %slice3A_3948 : vector<128x256xf32>
    %slice3A_3950 = vector.extract_strided_slice %add3A_3941 {offsets = [0, 0], sizes = [128, 256], strides = [1, 1]} : vector<256x256xf32> to vector<128x256xf32>
    %slice3A_3951 = vector.extract_strided_slice %add3A_3941 {offsets = [128, 0], sizes = [128, 256], strides = [1, 1]} : vector<256x256xf32> to vector<128x256xf32>
    %mul3A_3952 = arith.mulf %slice3A_3950, %slice3A_3951 : vector<128x256xf32>
    %slice3A_3953 = vector.extract_strided_slice %add3A_3943 {offsets = [0, 0], sizes = [128, 256], strides = [1, 1]} : vector<256x256xf32> to vector<128x256xf32>
    %slice3A_3954 = vector.extract_strided_slice %add3A_3943 {offsets = [128, 0], sizes = [128, 256], strides = [1, 1]} : vector<256x256xf32> to vector<128x256xf32>
    %mul3A_3955 = arith.mulf %slice3A_3953, %slice3A_3954 : vector<128x256xf32>
    %slice3A_3956 = vector.extract_strided_slice %slice3A_3911 {offsets = [0, 0], sizes = [128, 256], strides = [1, 1]} : vector<256x256xf32> to vector<128x256xf32>
    %slice3A_3957 = vector.extract_strided_slice %slice3A_3911 {offsets = [128, 0], sizes = [128, 256], strides = [1, 1]} : vector<256x256xf32> to vector<128x256xf32>
    %add3A_3958 = arith.addf %slice3A_3956, %slice3A_3957 : vector<128x256xf32>
    %max3A_3959 = arith.maximumf %mul3A_3946, %mul3A_3949 : vector<128x256xf32>
    %max3A_3960 = arith.maximumf %mul3A_3952, %mul3A_3955 : vector<128x256xf32>
    %max3A_3961 = arith.maximumf %max3A_3959, %max3A_3960 : vector<128x256xf32>
    %div3A_3962 = arith.constant 1.000000e+00 : f32
    %div3A_3963 = vector.broadcast %div3A_3962 : f32 to vector<128x256xf32>
    %div3A_3964 = arith.divf %div3A_3963, %max3A_3961 : vector<128x256xf32>
    %mul3A_3965 = arith.mulf %mul3A_3946, %div3A_3964 : vector<128x256xf32>
    %mul3A_3966 = arith.mulf %mul3A_3949, %div3A_3964 : vector<128x256xf32>
    %mul3A_3967 = arith.mulf %mul3A_3952, %div3A_3964 : vector<128x256xf32>
    %mul3A_3968 = arith.mulf %mul3A_3955, %div3A_3964 : vector<128x256xf32>
    %log3A_3969 = math.log %max3A_3961 : vector<128x256xf32>
    %add3A_3970 = arith.addf %add3A_3958, %log3A_3969 : vector<128x256xf32>
    %add3A_3971 = arith.addf %mul3A_3965, %mul3A_3966 : vector<128x256xf32>
    %add3A_3972 = arith.addf %add3A_3971, %mul3A_3967 : vector<128x256xf32>
    %add3A_3973 = arith.addf %add3A_3972, %mul3A_3968 : vector<128x256xf32>
    %log3A_3974 = math.log %add3A_3973 : vector<128x256xf32>
    %add3A_3975 = arith.addf %add3A_3970, %log3A_3974 : vector<128x256xf32>
    %sub3A_3976 = arith.constant 1.38629436 : f32
    %sub3A_3977 = vector.broadcast %sub3A_3976 : f32 to vector<128x256xf32>
    %sub3A_3978 = arith.subf %add3A_3975, %sub3A_3977 : vector<128x256xf32>
    %reduce_sum3A_3979 = arith.constant dense<0.000000e+00> : vector<128xf32>
    %reduce_sum3A_3980 = vector.multi_reduction <add>, %sub3A_3978, %reduce_sum3A_3979 [1] : vector<128x256xf32> to vector<128xf32>
    %broadcast_in_dim3A_3981 = vector.shape_cast %reduce_sum3A_3980 : vector<128xf32> to vector<128x1xf32>
    %broadcast_in_dim3A_3982 = arith.constant 0.000000e+00 : f32
    %broadcast_in_dim3A_3983 = vector.broadcast %broadcast_in_dim3A_3982 : f32 to vector<128x63xf32>
    %concatenate3A_3984 = tpu.concatenate %mul3A_3965, %mul3A_3966, %mul3A_3967, %mul3A_3968, %add3A_3970, %tanh3A_3906, %broadcast_in_dim3A_3981, %broadcast_in_dim3A_3983 in 1 : vector<128x256xf32>, vector<128x256xf32>, vector<128x256xf32>, vector<128x256xf32>, vector<128x256xf32>, vector<128x64xf32>, vector<128x1xf32>, vector<128x63xf32> -> vector<128x1408xf32>
    %convert_element_type3A_3985 = arith.truncf %concatenate3A_3984 : vector<128x1408xf32> to vector<128x1408xbf16>
    %convert_element_type3A_3986 = arith.extf %convert_element_type3A_3985 : vector<128x1408xbf16> to vector<128x1408xf32>
    %sub3A_3987 = arith.subf %concatenate3A_3984, %convert_element_type3A_3986 : vector<128x1408xf32>
    %convert_element_type3A_3988 = arith.truncf %sub3A_3987 : vector<128x1408xf32> to vector<128x1408xbf16>
    %convert_element_type3A_3989 = arith.extf %convert_element_type3A_3988 : vector<128x1408xbf16> to vector<128x1408xf32>
    %sub3A_3990 = arith.subf %sub3A_3987, %convert_element_type3A_3989 : vector<128x1408xf32>
    %convert_element_type3A_3991 = arith.truncf %sub3A_3990 : vector<128x1408xf32> to vector<128x1408xbf16>
    %swap3A_3992 = arith.constant 1552 : index
    %swap3A_3993 = arith.constant 0 : index
    %swap3A_3994 = vector.load %arg18[%swap3A_3992, %swap3A_3993] : memref<1936x1408xbf16, #tpu.memory_space<vmem>>, vector<128x1408xbf16>
    tpu.vector_store %arg18[%swap3A_3992, %swap3A_3993], %convert_element_type3A_3985 {strides = array<i32>} : memref<1936x1408xbf16, #tpu.memory_space<vmem>>, vector<128x1408xbf16>,
    %swap3A_3995 = arith.constant 1552 : index
    %swap3A_3996 = arith.constant 0 : index
    %swap3A_3997 = vector.load %arg19[%swap3A_3995, %swap3A_3996] : memref<1936x1408xbf16, #tpu.memory_space<vmem>>, vector<128x1408xbf16>
    tpu.vector_store %arg19[%swap3A_3995, %swap3A_3996], %convert_element_type3A_3988 {strides = array<i32>} : memref<1936x1408xbf16, #tpu.memory_space<vmem>>, vector<128x1408xbf16>,
    %swap3A_3998 = arith.constant 1552 : index
    %swap3A_3999 = arith.constant 0 : index
    %swap3A_4000 = vector.load %arg20[%swap3A_3998, %swap3A_3999] : memref<1936x1408xbf16, #tpu.memory_space<vmem>>, vector<128x1408xbf16>
    tpu.vector_store %arg20[%swap3A_3998, %swap3A_3999], %convert_element_type3A_3991 {strides = array<i32>} : memref<1936x1408xbf16, #tpu.memory_space<vmem>>, vector<128x1408xbf16>,
    %sub3A_4001 = arith.subf %slice3A_3786, %slice3A_3840 : vector<128x1xf32>
    %sub3A_4002 = arith.subf %sub3A_4001, %slice3A_3841 : vector<128x1xf32>
    %add3A_4003 = arith.addf %sub3A_4002, %broadcast_in_dim3A_3981 : vector<128x1xf32>
    %add3A_4004 = arith.addf %add3A_3876, %add3A_3902 : vector<128x1xf32>
    %div3A_4005 = arith.constant 1.000000e-01 : f32
    %div3A_4006 = vector.broadcast %div3A_4005 : f32 to vector<128x1xf32>
    %div3A_4007 = arith.divf %add3A_4004, %div3A_4006 : vector<128x1xf32>
    %sub3A_4008 = arith.constant 4.60517025 : f32
    %sub3A_4009 = vector.broadcast %sub3A_4008 : f32 to vector<128x1xf32>
    %sub3A_4010 = arith.subf %sub3A_4009, %div3A_4007 : vector<128x1xf32>
    %sub3A_4011 = arith.subf %add3A_4003, %slice3A_3786 : vector<128x1xf32>
    %add3A_4012 = arith.addf %sub3A_4011, %sub3A_4010 : vector<128x1xf32>
    %add3A_4013 = arith.constant 1.79175949 : f32
    %add3A_4014 = vector.broadcast %add3A_4013 : f32 to vector<128x1xf32>
    %add3A_4015 = arith.addf %add3A_4012, %add3A_4014 : vector<128x1xf32>
    %reduce_max3A_4016 = vector.shape_cast %add3A_4015 : vector<128x1xf32> to vector<1x128x1xf32>
    %reduce_max3A_4017 = arith.constant dense<0xFF800000> : vector<1xf32>
    %reduce_max3A_4018 = vector.multi_reduction <maximumf>, %reduce_max3A_4016, %reduce_max3A_4017 [1, 2] : vector<1x128x1xf32> to vector<1xf32>
    %reduce_max3A_4019 = vector.shape_cast %reduce_max3A_4018 : vector<1xf32> to vector<1x1x1xf32>
    %reduce_max3A_4020 = vector.extract %reduce_max3A_4019[0, 0, 0] : f32 from vector<1x1x1xf32>
    %sub3A_4021 = vector.broadcast %reduce_max3A_4020 : f32 to vector<128x1xf32>
    %sub3A_4022 = arith.subf %add3A_4015, %sub3A_4021 : vector<128x1xf32>
    %exp3A_4023 = math.exp %sub3A_4022 : vector<128x1xf32>
    %reduce_sum3A_4024 = vector.shape_cast %exp3A_4023 : vector<128x1xf32> to vector<1x128x1xf32>
    %reduce_sum3A_4025 = arith.constant dense<0.000000e+00> : vector<1xf32>
    %reduce_sum3A_4026 = vector.multi_reduction <add>, %reduce_sum3A_4024, %reduce_sum3A_4025 [1, 2] : vector<1x128x1xf32> to vector<1xf32>
    %reduce_sum3A_4027 = vector.shape_cast %reduce_sum3A_4026 : vector<1xf32> to vector<1x1x1xf32>
    %reduce_sum3A_4028 = vector.extract %reduce_sum3A_4027[0, 0, 0] : f32 from vector<1x1x1xf32>
    %log3A_4029 = math.log %reduce_sum3A_4028 : f32
    %add3A_4030 = arith.addf %reduce_max3A_4020, %log3A_4029 : f32
    %sub3A_4031 = arith.constant 4.85203028 : f32
    %sub3A_4032 = arith.subf %add3A_4030, %sub3A_4031 : f32
    %add3A_4033 = vector.broadcast %sub3A_4032 : f32 to vector<1x1xf32>
    %add3A_4034 = arith.addf %add3A_3729, %add3A_4033 : vector<1x1xf32>
    %slice3A_4035 = vector.extract_strided_slice %round3A_3785 {offsets = [0, 1], sizes = [128, 15], strides = [1, 1]} : vector<128x16xf32> to vector<128x15xf32>
    %slice3A_4036 = vector.extract_strided_slice %round3A_3785 {offsets = [0, 0], sizes = [128, 1], strides = [1, 1]} : vector<128x16xf32> to vector<128x1xf32>
    %concatenate3A_4037 = tpu.concatenate %slice3A_4035, %slice3A_4036 in 1 : vector<128x15xf32>, vector<128x1xf32> -> vector<128x16xf32>
    %slice3A_4038 = vector.extract_strided_slice %round3A_3785 {offsets = [0, 2], sizes = [128, 14], strides = [1, 1]} : vector<128x16xf32> to vector<128x14xf32>
    %slice3A_4039 = vector.extract_strided_slice %round3A_3785 {offsets = [0, 0], sizes = [128, 2], strides = [1, 1]} : vector<128x16xf32> to vector<128x2xf32>
    %concatenate3A_4040 = tpu.concatenate %slice3A_4038, %slice3A_4039 in 1 : vector<128x14xf32>, vector<128x2xf32> -> vector<128x16xf32>
    %lt3A_4041 = vector.broadcast %convert_element_type3A_3 : vector<1x16xf32> to vector<128x16xf32>
    %lt3A_4042 = vector.broadcast %get3A_3789 : vector<128x1xf32> to vector<128x16xf32>
    %lt3A_4043 = arith.cmpf olt, %lt3A_4041, %lt3A_4042 : vector<128x16xf32>
    %sub3A_4044 = arith.constant 1.000000e+00 : f32
    %sub3A_4045 = vector.broadcast %sub3A_4044 : f32 to vector<128x1xf32>
    %sub3A_4046 = arith.subf %get3A_3792, %sub3A_4045 : vector<128x1xf32>
    %lt3A_4047 = vector.broadcast %convert_element_type3A_3 : vector<1x16xf32> to vector<128x16xf32>
    %lt3A_4048 = vector.broadcast %sub3A_4046 : vector<128x1xf32> to vector<128x16xf32>
    %lt3A_4049 = arith.cmpf olt, %lt3A_4047, %lt3A_4048 : vector<128x16xf32>
    %select_n3A_4050 = arith.select %lt3A_4049, %concatenate3A_4037, %concatenate3A_4040 : vector<128x16xi1>, vector<128x16xf32>
    %select_n3A_4051 = arith.select %lt3A_4043, %round3A_3785, %select_n3A_4050 : vector<128x16xi1>, vector<128x16xf32>
    %add3A_4052 = arith.constant 1.552000e+03 : f32
    %add3A_4053 = vector.broadcast %add3A_4052 : f32 to vector<128x1xf32>
    %add3A_4054 = arith.addf %add3A_4053, %convert_element_type3A : vector<128x1xf32>
    %eq3A_4055 = arith.constant 2.000000e+00 : f32
    %eq3A_4056 = vector.broadcast %eq3A_4055 : f32 to vector<1x16xf32>
    %eq3A_4057 = arith.cmpf oeq, %convert_element_type3A_3, %eq3A_4056 : vector<1x16xf32>
    %broadcast_in_dim3A_4058 = vector.shape_cast %eq3A_4057 : vector<1x16xi1> to vector<1x16xi1>
    %broadcast_in_dim3A_4059 = vector.broadcast %broadcast_in_dim3A_4058 : vector<1x16xi1> to vector<128x16xi1>
    %broadcast_in_dim3A_4060 = vector.shape_cast %add3A_4054 : vector<128x1xf32> to vector<128x1xf32>
    %broadcast_in_dim3A_4061 = vector.broadcast %broadcast_in_dim3A_4060 : vector<128x1xf32> to vector<128x16xf32>
    %select_n3A_4062 = arith.select %broadcast_in_dim3A_4059, %broadcast_in_dim3A_4061, %select_n3A_4051 : vector<128x16xi1>, vector<128x16xf32>
    %get3A_4063 = arith.constant 1664 : index
    %get3A_4064 = arith.constant 0 : index
    %get3A_4065 = vector.load %arg0[%get3A_4063, %get3A_4064] : memref<1920x128xf32, #tpu.memory_space<vmem>>, vector<128x128xf32>
    %add3A_4066 = vector.broadcast %add3A_4015 : vector<128x1xf32> to vector<128x128xf32>
    %add3A_4067 = arith.addf %get3A_4065, %add3A_4066 : vector<128x128xf32>
    %reduce_max3A_4068 = arith.constant dense<0xFF800000> : vector<128xf32>
    %reduce_max3A_4069 = vector.multi_reduction <maximumf>, %add3A_4067, %reduce_max3A_4068 [0] : vector<128x128xf32> to vector<128xf32>
    %broadcast_in_dim3A_4070 = vector.shape_cast %reduce_max3A_4069 : vector<128xf32> to vector<1x128xf32>
    %eq3A_4071 = vector.broadcast %broadcast_in_dim3A_4070 : vector<1x128xf32> to vector<128x128xf32>
    %eq3A_4072 = arith.cmpf oeq, %add3A_4067, %eq3A_4071 : vector<128x128xf32>
    %jit3A_4073 = arith.constant 1.280000e+02 : f32
    %broadcast_in_dim3A_4074 = vector.shape_cast %convert_element_type3A : vector<128x1xf32> to vector<128x1xf32>
    %broadcast_in_dim3A_4075 = vector.broadcast %broadcast_in_dim3A_4074 : vector<128x1xf32> to vector<128x128xf32>
    %broadcast_in_dim3A_4076 = vector.broadcast %jit3A_4073 : f32 to vector<128x128xf32>
    %select_n3A_4077 = arith.select %eq3A_4072, %broadcast_in_dim3A_4075, %broadcast_in_dim3A_4076 : vector<128x128xi1>, vector<128x128xf32>
    %reduce_min3A_4078 = arith.constant dense<0x7F800000> : vector<128xf32>
    %reduce_min3A_4079 = vector.multi_reduction <minimumf>, %select_n3A_4077, %reduce_min3A_4078 [0] : vector<128x128xf32> to vector<128xf32>
    %broadcast_in_dim3A_4080 = vector.shape_cast %reduce_min3A_4079 : vector<128xf32> to vector<1x128xf32>
    %eq3A_4081 = vector.broadcast %convert_element_type3A : vector<128x1xf32> to vector<128x128xf32>
    %eq3A_4082 = vector.broadcast %broadcast_in_dim3A_4080 : vector<1x128xf32> to vector<128x128xf32>
    %eq3A_4083 = arith.cmpf oeq, %eq3A_4081, %eq3A_4082 : vector<128x128xf32>
    %convert_element_type3A_4084 = arith.extui %eq3A_4083 : vector<128x128xi1> to vector<128x128xi32>
    %convert_element_type3A_4085 = arith.sitofp %convert_element_type3A_4084 : vector<128x128xi32> to vector<128x128xf32>
    %concatenate3A_4086 = tpu.concatenate %select_n3A_4062, %add3A_4003 in 1 : vector<128x16xf32>, vector<128x1xf32> -> vector<128x17xf32>
    %dot_general3A_4087 = arith.constant dense<0.000000e+00> : vector<128x17xf32>
    %dot_general3A_4088 = tpu.matmul %convert_element_type3A_4085, %concatenate3A_4086, %dot_general3A_4087 {dimension_numbers = #tpu.dot_dimension_numbers<[0], [0], [1], [1], [0, 1, 1, 1], [], []>, precision = #tpu.contract_precision<fp32>, transpose_lhs_hint = false} : vector<128x128xf32>, vector<128x17xf32>, vector<128x17xf32> -> vector<128x17xf32>
    %slice3A_4089 = vector.extract_strided_slice %dot_general3A_4088 {offsets = [0, 0], sizes = [128, 16], strides = [1, 1]} : vector<128x17xf32> to vector<128x16xf32>
    %round3A_4090 = math.roundeven %slice3A_4089 : vector<128x16xf32>
    %slice3A_4091 = vector.extract_strided_slice %dot_general3A_4088 {offsets = [0, 16], sizes = [128, 1], strides = [1, 1]} : vector<128x17xf32> to vector<128x1xf32>
    %get3A_4092 = arith.constant 0 : index
    %get3A_4093 = arith.constant 13 : index
    %get3A_4094 = vector.load %arg1[%get3A_4092, %get3A_4093] : memref<128x16xf32, #tpu.memory_space<vmem>>, vector<128x1xf32>
    %get3A_4095 = arith.constant 0 : index
    %get3A_4096 = arith.constant 13 : index
    %get3A_4097 = vector.load %arg2[%get3A_4095, %get3A_4096] : memref<128x16xf32, #tpu.memory_space<vmem>>, vector<128x1xf32>
    %eq3A_4098 = vector.broadcast %convert_element_type3A_3 : vector<1x16xf32> to vector<128x16xf32>
    %eq3A_4099 = vector.broadcast %get3A_4094 : vector<128x1xf32> to vector<128x16xf32>
    %eq3A_4100 = arith.cmpf oeq, %eq3A_4098, %eq3A_4099 : vector<128x16xf32>
    %convert_element_type3A_4101 = arith.extui %eq3A_4100 : vector<128x16xi1> to vector<128x16xi32>
    %convert_element_type3A_4102 = arith.sitofp %convert_element_type3A_4101 : vector<128x16xi32> to vector<128x16xf32>
    %eq3A_4103 = vector.broadcast %convert_element_type3A_3 : vector<1x16xf32> to vector<128x16xf32>
    %eq3A_4104 = vector.broadcast %get3A_4097 : vector<128x1xf32> to vector<128x16xf32>
    %eq3A_4105 = arith.cmpf oeq, %eq3A_4103, %eq3A_4104 : vector<128x16xf32>
    %convert_element_type3A_4106 = arith.extui %eq3A_4105 : vector<128x16xi1> to vector<128x16xi32>
    %convert_element_type3A_4107 = arith.sitofp %convert_element_type3A_4106 : vector<128x16xi32> to vector<128x16xf32>
    %mul3A_4108 = arith.mulf %convert_element_type3A_4102, %round3A_4090 : vector<128x16xf32>
    %reduce_sum3A_4109 = arith.constant dense<0.000000e+00> : vector<128xf32>
    %reduce_sum3A_4110 = vector.multi_reduction <add>, %mul3A_4108, %reduce_sum3A_4109 [1] : vector<128x16xf32> to vector<128xf32>
    %broadcast_in_dim3A_4111 = vector.shape_cast %reduce_sum3A_4110 : vector<128xf32> to vector<128x1xf32>
    %round3A_4112 = math.roundeven %broadcast_in_dim3A_4111 : vector<128x1xf32>
    %mul3A_4113 = arith.mulf %convert_element_type3A_4107, %round3A_4090 : vector<128x16xf32>
    %reduce_sum3A_4114 = arith.constant dense<0.000000e+00> : vector<128xf32>
    %reduce_sum3A_4115 = vector.multi_reduction <add>, %mul3A_4113, %reduce_sum3A_4114 [1] : vector<128x16xf32> to vector<128xf32>
    %broadcast_in_dim3A_4116 = vector.shape_cast %reduce_sum3A_4115 : vector<128xf32> to vector<128x1xf32>
    %round3A_4117 = math.roundeven %broadcast_in_dim3A_4116 : vector<128x1xf32>
    %concatenate3A_4118 = tpu.concatenate %round3A_4112, %round3A_4117 in 0 : vector<128x1xf32>, vector<128x1xf32> -> vector<256x1xf32>
    %slice3A_4119 = vector.extract_strided_slice %convert_element_type3A_5 {offsets = [0, 0], sizes = [1, 1680], strides = [1, 1]} : vector<1x1936xf32> to vector<1x1680xf32>
    %eq3A_4120 = vector.broadcast %slice3A_4119 : vector<1x1680xf32> to vector<256x1680xf32>
    %eq3A_4121 = vector.broadcast %concatenate3A_4118 : vector<256x1xf32> to vector<256x1680xf32>
    %eq3A_4122 = arith.cmpf oeq, %eq3A_4120, %eq3A_4121 : vector<256x1680xf32>
    %convert_element_type3A_4123 = arith.extui %eq3A_4122 : vector<256x1680xi1> to vector<256x1680xi32>
    %convert_element_type3A_4124 = arith.sitofp %convert_element_type3A_4123 : vector<256x1680xi32> to vector<256x1680xf32>
    %convert_element_type3A_4125 = arith.truncf %convert_element_type3A_4124 : vector<256x1680xf32> to vector<256x1680xbf16>
    %get3A_4126 = arith.constant 0 : index
    %get3A_4127 = arith.constant 0 : index
    %get3A_4128 = vector.load %arg18[%get3A_4126, %get3A_4127] : memref<1936x1408xbf16, #tpu.memory_space<vmem>>, vector<1680x1408xbf16>
    %dot_general3A_4129 = arith.constant dense<0.000000e+00> : vector<256x1408xf32>
    %dot_general3A_4130 = tpu.matmul %convert_element_type3A_4125, %get3A_4128, %dot_general3A_4129 {dimension_numbers = #tpu.dot_dimension_numbers<[1], [0], [0], [1], [0, 0, 1, 1], [], []>, transpose_lhs_hint = false} : vector<256x1680xbf16>, vector<1680x1408xbf16>, vector<256x1408xf32> -> vector<256x1408xf32>
    %get3A_4131 = arith.constant 0 : index
    %get3A_4132 = arith.constant 0 : index
    %get3A_4133 = vector.load %arg19[%get3A_4131, %get3A_4132] : memref<1936x1408xbf16, #tpu.memory_space<vmem>>, vector<1680x1408xbf16>
    %dot_general3A_4134 = arith.constant dense<0.000000e+00> : vector<256x1408xf32>
    %dot_general3A_4135 = tpu.matmul %convert_element_type3A_4125, %get3A_4133, %dot_general3A_4134 {dimension_numbers = #tpu.dot_dimension_numbers<[1], [0], [0], [1], [0, 0, 1, 1], [], []>, transpose_lhs_hint = false} : vector<256x1680xbf16>, vector<1680x1408xbf16>, vector<256x1408xf32> -> vector<256x1408xf32>
    %add3A_4136 = arith.addf %dot_general3A_4130, %dot_general3A_4135 : vector<256x1408xf32>
    %get3A_4137 = arith.constant 0 : index
    %get3A_4138 = arith.constant 0 : index
    %get3A_4139 = vector.load %arg20[%get3A_4137, %get3A_4138] : memref<1936x1408xbf16, #tpu.memory_space<vmem>>, vector<1680x1408xbf16>
    %dot_general3A_4140 = arith.constant dense<0.000000e+00> : vector<256x1408xf32>
    %dot_general3A_4141 = tpu.matmul %convert_element_type3A_4125, %get3A_4139, %dot_general3A_4140 {dimension_numbers = #tpu.dot_dimension_numbers<[1], [0], [0], [1], [0, 0, 1, 1], [], []>, transpose_lhs_hint = false} : vector<256x1680xbf16>, vector<1680x1408xbf16>, vector<256x1408xf32> -> vector<256x1408xf32>
    %add3A_4142 = arith.addf %add3A_4136, %dot_general3A_4141 : vector<256x1408xf32>
    %slice3A_4143 = vector.extract_strided_slice %add3A_4142 {offsets = [0, 1280], sizes = [128, 64], strides = [1, 1]} : vector<256x1408xf32> to vector<128x64xf32>
    %slice3A_4144 = vector.extract_strided_slice %add3A_4142 {offsets = [128, 1280], sizes = [128, 64], strides = [1, 1]} : vector<256x1408xf32> to vector<128x64xf32>
    %slice3A_4145 = vector.extract_strided_slice %add3A_4142 {offsets = [0, 1344], sizes = [128, 1], strides = [1, 1]} : vector<256x1408xf32> to vector<128x1xf32>
    %slice3A_4146 = vector.extract_strided_slice %add3A_4142 {offsets = [128, 1344], sizes = [128, 1], strides = [1, 1]} : vector<256x1408xf32> to vector<128x1xf32>
    %sub3A_4147 = arith.subf %slice3A_4143, %slice3A_4144 : vector<128x64xf32>
    %mul3A_4148 = arith.mulf %sub3A_4147, %sub3A_4147 : vector<128x64xf32>
    %reduce_sum3A_4149 = arith.constant dense<0.000000e+00> : vector<128xf32>
    %reduce_sum3A_4150 = vector.multi_reduction <add>, %mul3A_4148, %reduce_sum3A_4149 [1] : vector<128x64xf32> to vector<128xf32>
    %broadcast_in_dim3A_4151 = vector.shape_cast %reduce_sum3A_4150 : vector<128xf32> to vector<128x1xf32>
    %add3A_4152 = arith.constant 9.99999993E-9 : f32
    %add3A_4153 = vector.broadcast %add3A_4152 : f32 to vector<128x1xf32>
    %add3A_4154 = arith.addf %broadcast_in_dim3A_4151, %add3A_4153 : vector<128x1xf32>
    %sqrt3A_4155 = math.sqrt %add3A_4154 : vector<128x1xf32>
    %mul3A_4156 = vector.broadcast %slice3A_88 : vector<1x1xf32> to vector<128x1xf32>
    %mul3A_4157 = arith.mulf %mul3A_4156, %sqrt3A_4155 : vector<128x1xf32>
    %add3A_4158 = vector.broadcast %slice3A_89 : vector<1x1xf32> to vector<128x1xf32>
    %add3A_4159 = arith.addf %mul3A_4157, %add3A_4158 : vector<128x1xf32>
    %custom_jvp_call3A_4160 = arith.constant 0.000000e+00 : f32
    %max3A_4161 = vector.broadcast %custom_jvp_call3A_4160 : f32 to vector<128x1xf32>
    %max3A_4162 = arith.maximumf %add3A_4159, %max3A_4161 : vector<128x1xf32>
    %sub3A_4163 = vector.broadcast %custom_jvp_call3A_4160 : f32 to vector<128x1xf32>
    %sub3A_4164 = arith.subf %add3A_4159, %sub3A_4163 : vector<128x1xf32>
    %ne3A_4165 = arith.cmpf one, %sub3A_4164, %sub3A_4164 : vector<128x1xf32>
    %add3A_4166 = vector.broadcast %custom_jvp_call3A_4160 : f32 to vector<128x1xf32>
    %add3A_4167 = arith.addf %add3A_4159, %add3A_4166 : vector<128x1xf32>
    %abs3A_4168 = math.absf %sub3A_4164 : vector<128x1xf32>
    %neg3A_4169 = arith.constant 0.000000e+00 : f32
    %neg3A_4170 = vector.broadcast %neg3A_4169 : f32 to vector<128x1xf32>
    %neg3A_4171 = arith.subf %neg3A_4170, %abs3A_4168 : vector<128x1xf32>
    %exp3A_4172 = math.exp %neg3A_4171 : vector<128x1xf32>
    %log1p3A_4173 = math.log1p %exp3A_4172 : vector<128x1xf32>
    %add3A_4174 = arith.addf %max3A_4162, %log1p3A_4173 : vector<128x1xf32>
    %select_n3A_4175 = arith.select %ne3A_4165, %add3A_4167, %add3A_4174 : vector<128x1xi1>, vector<128x1xf32>
    %mul3A_4176 = arith.constant 1.000000e-01 : f32
    %mul3A_4177 = vector.broadcast %mul3A_4176 : f32 to vector<128x1xf32>
    %mul3A_4178 = arith.mulf %select_n3A_4175, %mul3A_4177 : vector<128x1xf32>
    %add3A_4179 = arith.constant 9.99999974E-5 : f32
    %add3A_4180 = vector.broadcast %add3A_4179 : f32 to vector<128x1xf32>
    %add3A_4181 = arith.addf %mul3A_4178, %add3A_4180 : vector<128x1xf32>
    %mul3A_4182 = vector.broadcast %slice3A_90 : vector<1x1xf32> to vector<128x1xf32>
    %mul3A_4183 = arith.mulf %mul3A_4182, %sqrt3A_4155 : vector<128x1xf32>
    %add3A_4184 = vector.broadcast %slice3A_91 : vector<1x1xf32> to vector<128x1xf32>
    %add3A_4185 = arith.addf %mul3A_4183, %add3A_4184 : vector<128x1xf32>
    %custom_jvp_call3A_4186 = arith.constant 0.000000e+00 : f32
    %max3A_4187 = vector.broadcast %custom_jvp_call3A_4186 : f32 to vector<128x1xf32>
    %max3A_4188 = arith.maximumf %add3A_4185, %max3A_4187 : vector<128x1xf32>
    %sub3A_4189 = vector.broadcast %custom_jvp_call3A_4186 : f32 to vector<128x1xf32>
    %sub3A_4190 = arith.subf %add3A_4185, %sub3A_4189 : vector<128x1xf32>
    %ne3A_4191 = arith.cmpf one, %sub3A_4190, %sub3A_4190 : vector<128x1xf32>
    %add3A_4192 = vector.broadcast %custom_jvp_call3A_4186 : f32 to vector<128x1xf32>
    %add3A_4193 = arith.addf %add3A_4185, %add3A_4192 : vector<128x1xf32>
    %abs3A_4194 = math.absf %sub3A_4190 : vector<128x1xf32>
    %neg3A_4195 = arith.constant 0.000000e+00 : f32
    %neg3A_4196 = vector.broadcast %neg3A_4195 : f32 to vector<128x1xf32>
    %neg3A_4197 = arith.subf %neg3A_4196, %abs3A_4194 : vector<128x1xf32>
    %exp3A_4198 = math.exp %neg3A_4197 : vector<128x1xf32>
    %log1p3A_4199 = math.log1p %exp3A_4198 : vector<128x1xf32>
    %add3A_4200 = arith.addf %max3A_4188, %log1p3A_4199 : vector<128x1xf32>
    %select_n3A_4201 = arith.select %ne3A_4191, %add3A_4193, %add3A_4200 : vector<128x1xi1>, vector<128x1xf32>
    %mul3A_4202 = arith.constant 1.000000e-01 : f32
    %mul3A_4203 = vector.broadcast %mul3A_4202 : f32 to vector<128x1xf32>
    %mul3A_4204 = arith.mulf %select_n3A_4201, %mul3A_4203 : vector<128x1xf32>
    %add3A_4205 = arith.constant 9.99999974E-5 : f32
    %add3A_4206 = vector.broadcast %add3A_4205 : f32 to vector<128x1xf32>
    %add3A_4207 = arith.addf %mul3A_4204, %add3A_4206 : vector<128x1xf32>
    %concatenate3A_4208 = tpu.concatenate %slice3A_4143, %slice3A_4144 in 1 : vector<128x64xf32>, vector<128x64xf32> -> vector<128x128xf32>
    %dot_general3A_4209 = arith.constant dense<0.000000e+00> : vector<128x64xf32>
    %dot_general3A_4210 = tpu.matmul %concatenate3A_4208, %get3A_94, %dot_general3A_4209 {dimension_numbers = #tpu.dot_dimension_numbers<[1], [0], [0], [1], [0, 0, 1, 1], [], []>, transpose_lhs_hint = false} : vector<128x128xf32>, vector<128x64xf32>, vector<128x64xf32> -> vector<128x64xf32>
    %tanh3A_4211 = math.tanh %dot_general3A_4210 : vector<128x64xf32>
    %slice3A_4212 = vector.extract_strided_slice %add3A_4142 {offsets = [0, 0], sizes = [256, 256], strides = [1, 1]} : vector<256x1408xf32> to vector<256x256xf32>
    %slice3A_4213 = vector.extract_strided_slice %add3A_4142 {offsets = [0, 256], sizes = [256, 256], strides = [1, 1]} : vector<256x1408xf32> to vector<256x256xf32>
    %slice3A_4214 = vector.extract_strided_slice %add3A_4142 {offsets = [0, 512], sizes = [256, 256], strides = [1, 1]} : vector<256x1408xf32> to vector<256x256xf32>
    %slice3A_4215 = vector.extract_strided_slice %add3A_4142 {offsets = [0, 768], sizes = [256, 256], strides = [1, 1]} : vector<256x1408xf32> to vector<256x256xf32>
    %slice3A_4216 = vector.extract_strided_slice %add3A_4142 {offsets = [0, 1024], sizes = [256, 256], strides = [1, 1]} : vector<256x1408xf32> to vector<256x256xf32>
    %concatenate3A_4217 = tpu.concatenate %add3A_4181, %add3A_4207 in 0 : vector<128x1xf32>, vector<128x1xf32> -> vector<256x1xf32>
    %mul3A_4218 = arith.constant 1.33333337 : f32
    %mul3A_4219 = vector.broadcast %mul3A_4218 : f32 to vector<1x256xf32>
    %mul3A_4220 = arith.mulf %mul3A_4219, %add3A_30 : vector<1x256xf32>
    %mul3A_4221 = vector.broadcast %mul3A_4220 : vector<1x256xf32> to vector<256x256xf32>
    %mul3A_4222 = vector.broadcast %concatenate3A_4217 : vector<256x1xf32> to vector<256x256xf32>
    %mul3A_4223 = arith.mulf %mul3A_4221, %mul3A_4222 : vector<256x256xf32>
    %add3A_4224 = arith.constant 9.99999993E-9 : f32
    %add3A_4225 = vector.broadcast %add3A_4224 : f32 to vector<256x256xf32>
    %add3A_4226 = arith.addf %mul3A_4223, %add3A_4225 : vector<256x256xf32>
    %neg3A_4227 = arith.constant 0.000000e+00 : f32
    %neg3A_4228 = vector.broadcast %neg3A_4227 : f32 to vector<256x256xf32>
    %neg3A_4229 = arith.subf %neg3A_4228, %add3A_4226 : vector<256x256xf32>
    %exp3A_4230 = math.exp %neg3A_4229 : vector<256x256xf32>
    %sub3A_4231 = arith.constant 1.000000e+00 : f32
    %sub3A_4232 = vector.broadcast %sub3A_4231 : f32 to vector<256x256xf32>
    %sub3A_4233 = arith.subf %sub3A_4232, %exp3A_4230 : vector<256x256xf32>
    %mul3A_4234 = arith.constant 2.500000e-01 : f32
    %mul3A_4235 = vector.broadcast %mul3A_4234 : f32 to vector<256x256xf32>
    %mul3A_4236 = arith.mulf %sub3A_4233, %mul3A_4235 : vector<256x256xf32>
    %add3A_4237 = arith.addf %slice3A_4212, %slice3A_4213 : vector<256x256xf32>
    %add3A_4238 = arith.addf %add3A_4237, %slice3A_4214 : vector<256x256xf32>
    %add3A_4239 = arith.addf %add3A_4238, %slice3A_4215 : vector<256x256xf32>
    %mul3A_4240 = arith.mulf %mul3A_4236, %add3A_4239 : vector<256x256xf32>
    %mul3A_4241 = arith.mulf %exp3A_4230, %slice3A_4212 : vector<256x256xf32>
    %add3A_4242 = arith.addf %mul3A_4240, %mul3A_4241 : vector<256x256xf32>
    %mul3A_4243 = arith.mulf %exp3A_4230, %slice3A_4213 : vector<256x256xf32>
    %add3A_4244 = arith.addf %mul3A_4240, %mul3A_4243 : vector<256x256xf32>
    %mul3A_4245 = arith.mulf %exp3A_4230, %slice3A_4214 : vector<256x256xf32>
    %add3A_4246 = arith.addf %mul3A_4240, %mul3A_4245 : vector<256x256xf32>
    %mul3A_4247 = arith.mulf %exp3A_4230, %slice3A_4215 : vector<256x256xf32>
    %add3A_4248 = arith.addf %mul3A_4240, %mul3A_4247 : vector<256x256xf32>
    %slice3A_4249 = vector.extract_strided_slice %add3A_4242 {offsets = [0, 0], sizes = [128, 256], strides = [1, 1]} : vector<256x256xf32> to vector<128x256xf32>
    %slice3A_4250 = vector.extract_strided_slice %add3A_4242 {offsets = [128, 0], sizes = [128, 256], strides = [1, 1]} : vector<256x256xf32> to vector<128x256xf32>
    %mul3A_4251 = arith.mulf %slice3A_4249, %slice3A_4250 : vector<128x256xf32>
    %slice3A_4252 = vector.extract_strided_slice %add3A_4244 {offsets = [0, 0], sizes = [128, 256], strides = [1, 1]} : vector<256x256xf32> to vector<128x256xf32>
    %slice3A_4253 = vector.extract_strided_slice %add3A_4244 {offsets = [128, 0], sizes = [128, 256], strides = [1, 1]} : vector<256x256xf32> to vector<128x256xf32>
    %mul3A_4254 = arith.mulf %slice3A_4252, %slice3A_4253 : vector<128x256xf32>
    %slice3A_4255 = vector.extract_strided_slice %add3A_4246 {offsets = [0, 0], sizes = [128, 256], strides = [1, 1]} : vector<256x256xf32> to vector<128x256xf32>
    %slice3A_4256 = vector.extract_strided_slice %add3A_4246 {offsets = [128, 0], sizes = [128, 256], strides = [1, 1]} : vector<256x256xf32> to vector<128x256xf32>
    %mul3A_4257 = arith.mulf %slice3A_4255, %slice3A_4256 : vector<128x256xf32>
    %slice3A_4258 = vector.extract_strided_slice %add3A_4248 {offsets = [0, 0], sizes = [128, 256], strides = [1, 1]} : vector<256x256xf32> to vector<128x256xf32>
    %slice3A_4259 = vector.extract_strided_slice %add3A_4248 {offsets = [128, 0], sizes = [128, 256], strides = [1, 1]} : vector<256x256xf32> to vector<128x256xf32>
    %mul3A_4260 = arith.mulf %slice3A_4258, %slice3A_4259 : vector<128x256xf32>
    %slice3A_4261 = vector.extract_strided_slice %slice3A_4216 {offsets = [0, 0], sizes = [128, 256], strides = [1, 1]} : vector<256x256xf32> to vector<128x256xf32>
    %slice3A_4262 = vector.extract_strided_slice %slice3A_4216 {offsets = [128, 0], sizes = [128, 256], strides = [1, 1]} : vector<256x256xf32> to vector<128x256xf32>
    %add3A_4263 = arith.addf %slice3A_4261, %slice3A_4262 : vector<128x256xf32>
    %max3A_4264 = arith.maximumf %mul3A_4251, %mul3A_4254 : vector<128x256xf32>
    %max3A_4265 = arith.maximumf %mul3A_4257, %mul3A_4260 : vector<128x256xf32>
    %max3A_4266 = arith.maximumf %max3A_4264, %max3A_4265 : vector<128x256xf32>
    %div3A_4267 = arith.constant 1.000000e+00 : f32
    %div3A_4268 = vector.broadcast %div3A_4267 : f32 to vector<128x256xf32>
    %div3A_4269 = arith.divf %div3A_4268, %max3A_4266 : vector<128x256xf32>
    %mul3A_4270 = arith.mulf %mul3A_4251, %div3A_4269 : vector<128x256xf32>
    %mul3A_4271 = arith.mulf %mul3A_4254, %div3A_4269 : vector<128x256xf32>
    %mul3A_4272 = arith.mulf %mul3A_4257, %div3A_4269 : vector<128x256xf32>
    %mul3A_4273 = arith.mulf %mul3A_4260, %div3A_4269 : vector<128x256xf32>
    %log3A_4274 = math.log %max3A_4266 : vector<128x256xf32>
    %add3A_4275 = arith.addf %add3A_4263, %log3A_4274 : vector<128x256xf32>
    %add3A_4276 = arith.addf %mul3A_4270, %mul3A_4271 : vector<128x256xf32>
    %add3A_4277 = arith.addf %add3A_4276, %mul3A_4272 : vector<128x256xf32>
    %add3A_4278 = arith.addf %add3A_4277, %mul3A_4273 : vector<128x256xf32>
    %log3A_4279 = math.log %add3A_4278 : vector<128x256xf32>
    %add3A_4280 = arith.addf %add3A_4275, %log3A_4279 : vector<128x256xf32>
    %sub3A_4281 = arith.constant 1.38629436 : f32
    %sub3A_4282 = vector.broadcast %sub3A_4281 : f32 to vector<128x256xf32>
    %sub3A_4283 = arith.subf %add3A_4280, %sub3A_4282 : vector<128x256xf32>
    %reduce_sum3A_4284 = arith.constant dense<0.000000e+00> : vector<128xf32>
    %reduce_sum3A_4285 = vector.multi_reduction <add>, %sub3A_4283, %reduce_sum3A_4284 [1] : vector<128x256xf32> to vector<128xf32>
    %broadcast_in_dim3A_4286 = vector.shape_cast %reduce_sum3A_4285 : vector<128xf32> to vector<128x1xf32>
    %broadcast_in_dim3A_4287 = arith.constant 0.000000e+00 : f32
    %broadcast_in_dim3A_4288 = vector.broadcast %broadcast_in_dim3A_4287 : f32 to vector<128x63xf32>
    %concatenate3A_4289 = tpu.concatenate %mul3A_4270, %mul3A_4271, %mul3A_4272, %mul3A_4273, %add3A_4275, %tanh3A_4211, %broadcast_in_dim3A_4286, %broadcast_in_dim3A_4288 in 1 : vector<128x256xf32>, vector<128x256xf32>, vector<128x256xf32>, vector<128x256xf32>, vector<128x256xf32>, vector<128x64xf32>, vector<128x1xf32>, vector<128x63xf32> -> vector<128x1408xf32>
    %convert_element_type3A_4290 = arith.truncf %concatenate3A_4289 : vector<128x1408xf32> to vector<128x1408xbf16>
    %convert_element_type3A_4291 = arith.extf %convert_element_type3A_4290 : vector<128x1408xbf16> to vector<128x1408xf32>
    %sub3A_4292 = arith.subf %concatenate3A_4289, %convert_element_type3A_4291 : vector<128x1408xf32>
    %convert_element_type3A_4293 = arith.truncf %sub3A_4292 : vector<128x1408xf32> to vector<128x1408xbf16>
    %convert_element_type3A_4294 = arith.extf %convert_element_type3A_4293 : vector<128x1408xbf16> to vector<128x1408xf32>
    %sub3A_4295 = arith.subf %sub3A_4292, %convert_element_type3A_4294 : vector<128x1408xf32>
    %convert_element_type3A_4296 = arith.truncf %sub3A_4295 : vector<128x1408xf32> to vector<128x1408xbf16>
    %swap3A_4297 = arith.constant 1680 : index
    %swap3A_4298 = arith.constant 0 : index
    %swap3A_4299 = vector.load %arg18[%swap3A_4297, %swap3A_4298] : memref<1936x1408xbf16, #tpu.memory_space<vmem>>, vector<128x1408xbf16>
    tpu.vector_store %arg18[%swap3A_4297, %swap3A_4298], %convert_element_type3A_4290 {strides = array<i32>} : memref<1936x1408xbf16, #tpu.memory_space<vmem>>, vector<128x1408xbf16>,
    %swap3A_4300 = arith.constant 1680 : index
    %swap3A_4301 = arith.constant 0 : index
    %swap3A_4302 = vector.load %arg19[%swap3A_4300, %swap3A_4301] : memref<1936x1408xbf16, #tpu.memory_space<vmem>>, vector<128x1408xbf16>
    tpu.vector_store %arg19[%swap3A_4300, %swap3A_4301], %convert_element_type3A_4293 {strides = array<i32>} : memref<1936x1408xbf16, #tpu.memory_space<vmem>>, vector<128x1408xbf16>,
    %swap3A_4303 = arith.constant 1680 : index
    %swap3A_4304 = arith.constant 0 : index
    %swap3A_4305 = vector.load %arg20[%swap3A_4303, %swap3A_4304] : memref<1936x1408xbf16, #tpu.memory_space<vmem>>, vector<128x1408xbf16>
    tpu.vector_store %arg20[%swap3A_4303, %swap3A_4304], %convert_element_type3A_4296 {strides = array<i32>} : memref<1936x1408xbf16, #tpu.memory_space<vmem>>, vector<128x1408xbf16>,
    %sub3A_4306 = arith.subf %slice3A_4091, %slice3A_4145 : vector<128x1xf32>
    %sub3A_4307 = arith.subf %sub3A_4306, %slice3A_4146 : vector<128x1xf32>
    %add3A_4308 = arith.addf %sub3A_4307, %broadcast_in_dim3A_4286 : vector<128x1xf32>
    %add3A_4309 = arith.addf %add3A_4181, %add3A_4207 : vector<128x1xf32>
    %div3A_4310 = arith.constant 1.000000e-01 : f32
    %div3A_4311 = vector.broadcast %div3A_4310 : f32 to vector<128x1xf32>
    %div3A_4312 = arith.divf %add3A_4309, %div3A_4311 : vector<128x1xf32>
    %sub3A_4313 = arith.constant 4.60517025 : f32
    %sub3A_4314 = vector.broadcast %sub3A_4313 : f32 to vector<128x1xf32>
    %sub3A_4315 = arith.subf %sub3A_4314, %div3A_4312 : vector<128x1xf32>
    %sub3A_4316 = arith.subf %add3A_4308, %slice3A_4091 : vector<128x1xf32>
    %add3A_4317 = arith.addf %sub3A_4316, %sub3A_4315 : vector<128x1xf32>
    %add3A_4318 = arith.constant 1.09861231 : f32
    %add3A_4319 = vector.broadcast %add3A_4318 : f32 to vector<128x1xf32>
    %add3A_4320 = arith.addf %add3A_4317, %add3A_4319 : vector<128x1xf32>
    %reduce_max3A_4321 = vector.shape_cast %add3A_4320 : vector<128x1xf32> to vector<1x128x1xf32>
    %reduce_max3A_4322 = arith.constant dense<0xFF800000> : vector<1xf32>
    %reduce_max3A_4323 = vector.multi_reduction <maximumf>, %reduce_max3A_4321, %reduce_max3A_4322 [1, 2] : vector<1x128x1xf32> to vector<1xf32>
    %reduce_max3A_4324 = vector.shape_cast %reduce_max3A_4323 : vector<1xf32> to vector<1x1x1xf32>
    %reduce_max3A_4325 = vector.extract %reduce_max3A_4324[0, 0, 0] : f32 from vector<1x1x1xf32>
    %sub3A_4326 = vector.broadcast %reduce_max3A_4325 : f32 to vector<128x1xf32>
    %sub3A_4327 = arith.subf %add3A_4320, %sub3A_4326 : vector<128x1xf32>
    %exp3A_4328 = math.exp %sub3A_4327 : vector<128x1xf32>
    %reduce_sum3A_4329 = vector.shape_cast %exp3A_4328 : vector<128x1xf32> to vector<1x128x1xf32>
    %reduce_sum3A_4330 = arith.constant dense<0.000000e+00> : vector<1xf32>
    %reduce_sum3A_4331 = vector.multi_reduction <add>, %reduce_sum3A_4329, %reduce_sum3A_4330 [1, 2] : vector<1x128x1xf32> to vector<1xf32>
    %reduce_sum3A_4332 = vector.shape_cast %reduce_sum3A_4331 : vector<1xf32> to vector<1x1x1xf32>
    %reduce_sum3A_4333 = vector.extract %reduce_sum3A_4332[0, 0, 0] : f32 from vector<1x1x1xf32>
    %log3A_4334 = math.log %reduce_sum3A_4333 : f32
    %add3A_4335 = arith.addf %reduce_max3A_4325, %log3A_4334 : f32
    %sub3A_4336 = arith.constant 4.85203028 : f32
    %sub3A_4337 = arith.subf %add3A_4335, %sub3A_4336 : f32
    %add3A_4338 = vector.broadcast %sub3A_4337 : f32 to vector<1x1xf32>
    %add3A_4339 = arith.addf %add3A_4034, %add3A_4338 : vector<1x1xf32>
    %slice3A_4340 = vector.extract_strided_slice %round3A_4090 {offsets = [0, 1], sizes = [128, 15], strides = [1, 1]} : vector<128x16xf32> to vector<128x15xf32>
    %slice3A_4341 = vector.extract_strided_slice %round3A_4090 {offsets = [0, 0], sizes = [128, 1], strides = [1, 1]} : vector<128x16xf32> to vector<128x1xf32>
    %concatenate3A_4342 = tpu.concatenate %slice3A_4340, %slice3A_4341 in 1 : vector<128x15xf32>, vector<128x1xf32> -> vector<128x16xf32>
    %slice3A_4343 = vector.extract_strided_slice %round3A_4090 {offsets = [0, 2], sizes = [128, 14], strides = [1, 1]} : vector<128x16xf32> to vector<128x14xf32>
    %slice3A_4344 = vector.extract_strided_slice %round3A_4090 {offsets = [0, 0], sizes = [128, 2], strides = [1, 1]} : vector<128x16xf32> to vector<128x2xf32>
    %concatenate3A_4345 = tpu.concatenate %slice3A_4343, %slice3A_4344 in 1 : vector<128x14xf32>, vector<128x2xf32> -> vector<128x16xf32>
    %lt3A_4346 = vector.broadcast %convert_element_type3A_3 : vector<1x16xf32> to vector<128x16xf32>
    %lt3A_4347 = vector.broadcast %get3A_4094 : vector<128x1xf32> to vector<128x16xf32>
    %lt3A_4348 = arith.cmpf olt, %lt3A_4346, %lt3A_4347 : vector<128x16xf32>
    %sub3A_4349 = arith.constant 1.000000e+00 : f32
    %sub3A_4350 = vector.broadcast %sub3A_4349 : f32 to vector<128x1xf32>
    %sub3A_4351 = arith.subf %get3A_4097, %sub3A_4350 : vector<128x1xf32>
    %lt3A_4352 = vector.broadcast %convert_element_type3A_3 : vector<1x16xf32> to vector<128x16xf32>
    %lt3A_4353 = vector.broadcast %sub3A_4351 : vector<128x1xf32> to vector<128x16xf32>
    %lt3A_4354 = arith.cmpf olt, %lt3A_4352, %lt3A_4353 : vector<128x16xf32>
    %select_n3A_4355 = arith.select %lt3A_4354, %concatenate3A_4342, %concatenate3A_4345 : vector<128x16xi1>, vector<128x16xf32>
    %select_n3A_4356 = arith.select %lt3A_4348, %round3A_4090, %select_n3A_4355 : vector<128x16xi1>, vector<128x16xf32>
    %add3A_4357 = arith.constant 1.680000e+03 : f32
    %add3A_4358 = vector.broadcast %add3A_4357 : f32 to vector<128x1xf32>
    %add3A_4359 = arith.addf %add3A_4358, %convert_element_type3A : vector<128x1xf32>
    %eq3A_4360 = arith.constant 1.000000e+00 : f32
    %eq3A_4361 = vector.broadcast %eq3A_4360 : f32 to vector<1x16xf32>
    %eq3A_4362 = arith.cmpf oeq, %convert_element_type3A_3, %eq3A_4361 : vector<1x16xf32>
    %broadcast_in_dim3A_4363 = vector.shape_cast %eq3A_4362 : vector<1x16xi1> to vector<1x16xi1>
    %broadcast_in_dim3A_4364 = vector.broadcast %broadcast_in_dim3A_4363 : vector<1x16xi1> to vector<128x16xi1>
    %broadcast_in_dim3A_4365 = vector.shape_cast %add3A_4359 : vector<128x1xf32> to vector<128x1xf32>
    %broadcast_in_dim3A_4366 = vector.broadcast %broadcast_in_dim3A_4365 : vector<128x1xf32> to vector<128x16xf32>
    %select_n3A_4367 = arith.select %broadcast_in_dim3A_4364, %broadcast_in_dim3A_4366, %select_n3A_4356 : vector<128x16xi1>, vector<128x16xf32>
    %get3A_4368 = arith.constant 1792 : index
    %get3A_4369 = arith.constant 0 : index
    %get3A_4370 = vector.load %arg0[%get3A_4368, %get3A_4369] : memref<1920x128xf32, #tpu.memory_space<vmem>>, vector<128x128xf32>
    %add3A_4371 = vector.broadcast %add3A_4320 : vector<128x1xf32> to vector<128x128xf32>
    %add3A_4372 = arith.addf %get3A_4370, %add3A_4371 : vector<128x128xf32>
    %reduce_max3A_4373 = arith.constant dense<0xFF800000> : vector<128xf32>
    %reduce_max3A_4374 = vector.multi_reduction <maximumf>, %add3A_4372, %reduce_max3A_4373 [0] : vector<128x128xf32> to vector<128xf32>
    %broadcast_in_dim3A_4375 = vector.shape_cast %reduce_max3A_4374 : vector<128xf32> to vector<1x128xf32>
    %eq3A_4376 = vector.broadcast %broadcast_in_dim3A_4375 : vector<1x128xf32> to vector<128x128xf32>
    %eq3A_4377 = arith.cmpf oeq, %add3A_4372, %eq3A_4376 : vector<128x128xf32>
    %jit3A_4378 = arith.constant 1.280000e+02 : f32
    %broadcast_in_dim3A_4379 = vector.shape_cast %convert_element_type3A : vector<128x1xf32> to vector<128x1xf32>
    %broadcast_in_dim3A_4380 = vector.broadcast %broadcast_in_dim3A_4379 : vector<128x1xf32> to vector<128x128xf32>
    %broadcast_in_dim3A_4381 = vector.broadcast %jit3A_4378 : f32 to vector<128x128xf32>
    %select_n3A_4382 = arith.select %eq3A_4377, %broadcast_in_dim3A_4380, %broadcast_in_dim3A_4381 : vector<128x128xi1>, vector<128x128xf32>
    %reduce_min3A_4383 = arith.constant dense<0x7F800000> : vector<128xf32>
    %reduce_min3A_4384 = vector.multi_reduction <minimumf>, %select_n3A_4382, %reduce_min3A_4383 [0] : vector<128x128xf32> to vector<128xf32>
    %broadcast_in_dim3A_4385 = vector.shape_cast %reduce_min3A_4384 : vector<128xf32> to vector<1x128xf32>
    %eq3A_4386 = vector.broadcast %convert_element_type3A : vector<128x1xf32> to vector<128x128xf32>
    %eq3A_4387 = vector.broadcast %broadcast_in_dim3A_4385 : vector<1x128xf32> to vector<128x128xf32>
    %eq3A_4388 = arith.cmpf oeq, %eq3A_4386, %eq3A_4387 : vector<128x128xf32>
    %convert_element_type3A_4389 = arith.extui %eq3A_4388 : vector<128x128xi1> to vector<128x128xi32>
    %convert_element_type3A_4390 = arith.sitofp %convert_element_type3A_4389 : vector<128x128xi32> to vector<128x128xf32>
    %concatenate3A_4391 = tpu.concatenate %select_n3A_4367, %add3A_4308 in 1 : vector<128x16xf32>, vector<128x1xf32> -> vector<128x17xf32>
    %dot_general3A_4392 = arith.constant dense<0.000000e+00> : vector<128x17xf32>
    %dot_general3A_4393 = tpu.matmul %convert_element_type3A_4390, %concatenate3A_4391, %dot_general3A_4392 {dimension_numbers = #tpu.dot_dimension_numbers<[0], [0], [1], [1], [0, 1, 1, 1], [], []>, precision = #tpu.contract_precision<fp32>, transpose_lhs_hint = false} : vector<128x128xf32>, vector<128x17xf32>, vector<128x17xf32> -> vector<128x17xf32>
    %slice3A_4394 = vector.extract_strided_slice %dot_general3A_4393 {offsets = [0, 0], sizes = [128, 16], strides = [1, 1]} : vector<128x17xf32> to vector<128x16xf32>
    %round3A_4395 = math.roundeven %slice3A_4394 : vector<128x16xf32>
    %slice3A_4396 = vector.extract_strided_slice %dot_general3A_4393 {offsets = [0, 16], sizes = [128, 1], strides = [1, 1]} : vector<128x17xf32> to vector<128x1xf32>
    %get3A_4397 = arith.constant 0 : index
    %get3A_4398 = arith.constant 14 : index
    %get3A_4399 = vector.load %arg1[%get3A_4397, %get3A_4398] : memref<128x16xf32, #tpu.memory_space<vmem>>, vector<128x1xf32>
    %get3A_4400 = arith.constant 0 : index
    %get3A_4401 = arith.constant 14 : index
    %get3A_4402 = vector.load %arg2[%get3A_4400, %get3A_4401] : memref<128x16xf32, #tpu.memory_space<vmem>>, vector<128x1xf32>
    %eq3A_4403 = vector.broadcast %convert_element_type3A_3 : vector<1x16xf32> to vector<128x16xf32>
    %eq3A_4404 = vector.broadcast %get3A_4399 : vector<128x1xf32> to vector<128x16xf32>
    %eq3A_4405 = arith.cmpf oeq, %eq3A_4403, %eq3A_4404 : vector<128x16xf32>
    %convert_element_type3A_4406 = arith.extui %eq3A_4405 : vector<128x16xi1> to vector<128x16xi32>
    %convert_element_type3A_4407 = arith.sitofp %convert_element_type3A_4406 : vector<128x16xi32> to vector<128x16xf32>
    %eq3A_4408 = vector.broadcast %convert_element_type3A_3 : vector<1x16xf32> to vector<128x16xf32>
    %eq3A_4409 = vector.broadcast %get3A_4402 : vector<128x1xf32> to vector<128x16xf32>
    %eq3A_4410 = arith.cmpf oeq, %eq3A_4408, %eq3A_4409 : vector<128x16xf32>
    %convert_element_type3A_4411 = arith.extui %eq3A_4410 : vector<128x16xi1> to vector<128x16xi32>
    %convert_element_type3A_4412 = arith.sitofp %convert_element_type3A_4411 : vector<128x16xi32> to vector<128x16xf32>
    %mul3A_4413 = arith.mulf %convert_element_type3A_4407, %round3A_4395 : vector<128x16xf32>
    %reduce_sum3A_4414 = arith.constant dense<0.000000e+00> : vector<128xf32>
    %reduce_sum3A_4415 = vector.multi_reduction <add>, %mul3A_4413, %reduce_sum3A_4414 [1] : vector<128x16xf32> to vector<128xf32>
    %broadcast_in_dim3A_4416 = vector.shape_cast %reduce_sum3A_4415 : vector<128xf32> to vector<128x1xf32>
    %round3A_4417 = math.roundeven %broadcast_in_dim3A_4416 : vector<128x1xf32>
    %mul3A_4418 = arith.mulf %convert_element_type3A_4412, %round3A_4395 : vector<128x16xf32>
    %reduce_sum3A_4419 = arith.constant dense<0.000000e+00> : vector<128xf32>
    %reduce_sum3A_4420 = vector.multi_reduction <add>, %mul3A_4418, %reduce_sum3A_4419 [1] : vector<128x16xf32> to vector<128xf32>
    %broadcast_in_dim3A_4421 = vector.shape_cast %reduce_sum3A_4420 : vector<128xf32> to vector<128x1xf32>
    %round3A_4422 = math.roundeven %broadcast_in_dim3A_4421 : vector<128x1xf32>
    %concatenate3A_4423 = tpu.concatenate %round3A_4417, %round3A_4422 in 0 : vector<128x1xf32>, vector<128x1xf32> -> vector<256x1xf32>
    %slice3A_4424 = vector.extract_strided_slice %convert_element_type3A_5 {offsets = [0, 0], sizes = [1, 1808], strides = [1, 1]} : vector<1x1936xf32> to vector<1x1808xf32>
    %eq3A_4425 = vector.broadcast %slice3A_4424 : vector<1x1808xf32> to vector<256x1808xf32>
    %eq3A_4426 = vector.broadcast %concatenate3A_4423 : vector<256x1xf32> to vector<256x1808xf32>
    %eq3A_4427 = arith.cmpf oeq, %eq3A_4425, %eq3A_4426 : vector<256x1808xf32>
    %convert_element_type3A_4428 = arith.extui %eq3A_4427 : vector<256x1808xi1> to vector<256x1808xi32>
    %convert_element_type3A_4429 = arith.sitofp %convert_element_type3A_4428 : vector<256x1808xi32> to vector<256x1808xf32>
    %convert_element_type3A_4430 = arith.truncf %convert_element_type3A_4429 : vector<256x1808xf32> to vector<256x1808xbf16>
    %get3A_4431 = arith.constant 0 : index
    %get3A_4432 = arith.constant 0 : index
    %get3A_4433 = vector.load %arg18[%get3A_4431, %get3A_4432] : memref<1936x1408xbf16, #tpu.memory_space<vmem>>, vector<1808x1408xbf16>
    %dot_general3A_4434 = arith.constant dense<0.000000e+00> : vector<256x1408xf32>
    %dot_general3A_4435 = tpu.matmul %convert_element_type3A_4430, %get3A_4433, %dot_general3A_4434 {dimension_numbers = #tpu.dot_dimension_numbers<[1], [0], [0], [1], [0, 0, 1, 1], [], []>, transpose_lhs_hint = false} : vector<256x1808xbf16>, vector<1808x1408xbf16>, vector<256x1408xf32> -> vector<256x1408xf32>
    %get3A_4436 = arith.constant 0 : index
    %get3A_4437 = arith.constant 0 : index
    %get3A_4438 = vector.load %arg19[%get3A_4436, %get3A_4437] : memref<1936x1408xbf16, #tpu.memory_space<vmem>>, vector<1808x1408xbf16>
    %dot_general3A_4439 = arith.constant dense<0.000000e+00> : vector<256x1408xf32>
    %dot_general3A_4440 = tpu.matmul %convert_element_type3A_4430, %get3A_4438, %dot_general3A_4439 {dimension_numbers = #tpu.dot_dimension_numbers<[1], [0], [0], [1], [0, 0, 1, 1], [], []>, transpose_lhs_hint = false} : vector<256x1808xbf16>, vector<1808x1408xbf16>, vector<256x1408xf32> -> vector<256x1408xf32>
    %add3A_4441 = arith.addf %dot_general3A_4435, %dot_general3A_4440 : vector<256x1408xf32>
    %get3A_4442 = arith.constant 0 : index
    %get3A_4443 = arith.constant 0 : index
    %get3A_4444 = vector.load %arg20[%get3A_4442, %get3A_4443] : memref<1936x1408xbf16, #tpu.memory_space<vmem>>, vector<1808x1408xbf16>
    %dot_general3A_4445 = arith.constant dense<0.000000e+00> : vector<256x1408xf32>
    %dot_general3A_4446 = tpu.matmul %convert_element_type3A_4430, %get3A_4444, %dot_general3A_4445 {dimension_numbers = #tpu.dot_dimension_numbers<[1], [0], [0], [1], [0, 0, 1, 1], [], []>, transpose_lhs_hint = false} : vector<256x1808xbf16>, vector<1808x1408xbf16>, vector<256x1408xf32> -> vector<256x1408xf32>
    %add3A_4447 = arith.addf %add3A_4441, %dot_general3A_4446 : vector<256x1408xf32>
    %slice3A_4448 = vector.extract_strided_slice %add3A_4447 {offsets = [0, 1280], sizes = [128, 64], strides = [1, 1]} : vector<256x1408xf32> to vector<128x64xf32>
    %slice3A_4449 = vector.extract_strided_slice %add3A_4447 {offsets = [128, 1280], sizes = [128, 64], strides = [1, 1]} : vector<256x1408xf32> to vector<128x64xf32>
    %slice3A_4450 = vector.extract_strided_slice %add3A_4447 {offsets = [0, 1344], sizes = [128, 1], strides = [1, 1]} : vector<256x1408xf32> to vector<128x1xf32>
    %slice3A_4451 = vector.extract_strided_slice %add3A_4447 {offsets = [128, 1344], sizes = [128, 1], strides = [1, 1]} : vector<256x1408xf32> to vector<128x1xf32>
    %sub3A_4452 = arith.subf %slice3A_4448, %slice3A_4449 : vector<128x64xf32>
    %mul3A_4453 = arith.mulf %sub3A_4452, %sub3A_4452 : vector<128x64xf32>
    %reduce_sum3A_4454 = arith.constant dense<0.000000e+00> : vector<128xf32>
    %reduce_sum3A_4455 = vector.multi_reduction <add>, %mul3A_4453, %reduce_sum3A_4454 [1] : vector<128x64xf32> to vector<128xf32>
    %broadcast_in_dim3A_4456 = vector.shape_cast %reduce_sum3A_4455 : vector<128xf32> to vector<128x1xf32>
    %add3A_4457 = arith.constant 9.99999993E-9 : f32
    %add3A_4458 = vector.broadcast %add3A_4457 : f32 to vector<128x1xf32>
    %add3A_4459 = arith.addf %broadcast_in_dim3A_4456, %add3A_4458 : vector<128x1xf32>
    %sqrt3A_4460 = math.sqrt %add3A_4459 : vector<128x1xf32>
    %mul3A_4461 = vector.broadcast %slice3A_88 : vector<1x1xf32> to vector<128x1xf32>
    %mul3A_4462 = arith.mulf %mul3A_4461, %sqrt3A_4460 : vector<128x1xf32>
    %add3A_4463 = vector.broadcast %slice3A_89 : vector<1x1xf32> to vector<128x1xf32>
    %add3A_4464 = arith.addf %mul3A_4462, %add3A_4463 : vector<128x1xf32>
    %custom_jvp_call3A_4465 = arith.constant 0.000000e+00 : f32
    %max3A_4466 = vector.broadcast %custom_jvp_call3A_4465 : f32 to vector<128x1xf32>
    %max3A_4467 = arith.maximumf %add3A_4464, %max3A_4466 : vector<128x1xf32>
    %sub3A_4468 = vector.broadcast %custom_jvp_call3A_4465 : f32 to vector<128x1xf32>
    %sub3A_4469 = arith.subf %add3A_4464, %sub3A_4468 : vector<128x1xf32>
    %ne3A_4470 = arith.cmpf one, %sub3A_4469, %sub3A_4469 : vector<128x1xf32>
    %add3A_4471 = vector.broadcast %custom_jvp_call3A_4465 : f32 to vector<128x1xf32>
    %add3A_4472 = arith.addf %add3A_4464, %add3A_4471 : vector<128x1xf32>
    %abs3A_4473 = math.absf %sub3A_4469 : vector<128x1xf32>
    %neg3A_4474 = arith.constant 0.000000e+00 : f32
    %neg3A_4475 = vector.broadcast %neg3A_4474 : f32 to vector<128x1xf32>
    %neg3A_4476 = arith.subf %neg3A_4475, %abs3A_4473 : vector<128x1xf32>
    %exp3A_4477 = math.exp %neg3A_4476 : vector<128x1xf32>
    %log1p3A_4478 = math.log1p %exp3A_4477 : vector<128x1xf32>
    %add3A_4479 = arith.addf %max3A_4467, %log1p3A_4478 : vector<128x1xf32>
    %select_n3A_4480 = arith.select %ne3A_4470, %add3A_4472, %add3A_4479 : vector<128x1xi1>, vector<128x1xf32>
    %mul3A_4481 = arith.constant 1.000000e-01 : f32
    %mul3A_4482 = vector.broadcast %mul3A_4481 : f32 to vector<128x1xf32>
    %mul3A_4483 = arith.mulf %select_n3A_4480, %mul3A_4482 : vector<128x1xf32>
    %add3A_4484 = arith.constant 9.99999974E-5 : f32
    %add3A_4485 = vector.broadcast %add3A_4484 : f32 to vector<128x1xf32>
    %add3A_4486 = arith.addf %mul3A_4483, %add3A_4485 : vector<128x1xf32>
    %mul3A_4487 = vector.broadcast %slice3A_90 : vector<1x1xf32> to vector<128x1xf32>
    %mul3A_4488 = arith.mulf %mul3A_4487, %sqrt3A_4460 : vector<128x1xf32>
    %add3A_4489 = vector.broadcast %slice3A_91 : vector<1x1xf32> to vector<128x1xf32>
    %add3A_4490 = arith.addf %mul3A_4488, %add3A_4489 : vector<128x1xf32>
    %custom_jvp_call3A_4491 = arith.constant 0.000000e+00 : f32
    %max3A_4492 = vector.broadcast %custom_jvp_call3A_4491 : f32 to vector<128x1xf32>
    %max3A_4493 = arith.maximumf %add3A_4490, %max3A_4492 : vector<128x1xf32>
    %sub3A_4494 = vector.broadcast %custom_jvp_call3A_4491 : f32 to vector<128x1xf32>
    %sub3A_4495 = arith.subf %add3A_4490, %sub3A_4494 : vector<128x1xf32>
    %ne3A_4496 = arith.cmpf one, %sub3A_4495, %sub3A_4495 : vector<128x1xf32>
    %add3A_4497 = vector.broadcast %custom_jvp_call3A_4491 : f32 to vector<128x1xf32>
    %add3A_4498 = arith.addf %add3A_4490, %add3A_4497 : vector<128x1xf32>
    %abs3A_4499 = math.absf %sub3A_4495 : vector<128x1xf32>
    %neg3A_4500 = arith.constant 0.000000e+00 : f32
    %neg3A_4501 = vector.broadcast %neg3A_4500 : f32 to vector<128x1xf32>
    %neg3A_4502 = arith.subf %neg3A_4501, %abs3A_4499 : vector<128x1xf32>
    %exp3A_4503 = math.exp %neg3A_4502 : vector<128x1xf32>
    %log1p3A_4504 = math.log1p %exp3A_4503 : vector<128x1xf32>
    %add3A_4505 = arith.addf %max3A_4493, %log1p3A_4504 : vector<128x1xf32>
    %select_n3A_4506 = arith.select %ne3A_4496, %add3A_4498, %add3A_4505 : vector<128x1xi1>, vector<128x1xf32>
    %mul3A_4507 = arith.constant 1.000000e-01 : f32
    %mul3A_4508 = vector.broadcast %mul3A_4507 : f32 to vector<128x1xf32>
    %mul3A_4509 = arith.mulf %select_n3A_4506, %mul3A_4508 : vector<128x1xf32>
    %add3A_4510 = arith.constant 9.99999974E-5 : f32
    %add3A_4511 = vector.broadcast %add3A_4510 : f32 to vector<128x1xf32>
    %add3A_4512 = arith.addf %mul3A_4509, %add3A_4511 : vector<128x1xf32>
    %concatenate3A_4513 = tpu.concatenate %slice3A_4448, %slice3A_4449 in 1 : vector<128x64xf32>, vector<128x64xf32> -> vector<128x128xf32>
    %dot_general3A_4514 = arith.constant dense<0.000000e+00> : vector<128x64xf32>
    %dot_general3A_4515 = tpu.matmul %concatenate3A_4513, %get3A_94, %dot_general3A_4514 {dimension_numbers = #tpu.dot_dimension_numbers<[1], [0], [0], [1], [0, 0, 1, 1], [], []>, transpose_lhs_hint = false} : vector<128x128xf32>, vector<128x64xf32>, vector<128x64xf32> -> vector<128x64xf32>
    %tanh3A_4516 = math.tanh %dot_general3A_4515 : vector<128x64xf32>
    %slice3A_4517 = vector.extract_strided_slice %add3A_4447 {offsets = [0, 0], sizes = [256, 256], strides = [1, 1]} : vector<256x1408xf32> to vector<256x256xf32>
    %slice3A_4518 = vector.extract_strided_slice %add3A_4447 {offsets = [0, 256], sizes = [256, 256], strides = [1, 1]} : vector<256x1408xf32> to vector<256x256xf32>
    %slice3A_4519 = vector.extract_strided_slice %add3A_4447 {offsets = [0, 512], sizes = [256, 256], strides = [1, 1]} : vector<256x1408xf32> to vector<256x256xf32>
    %slice3A_4520 = vector.extract_strided_slice %add3A_4447 {offsets = [0, 768], sizes = [256, 256], strides = [1, 1]} : vector<256x1408xf32> to vector<256x256xf32>
    %slice3A_4521 = vector.extract_strided_slice %add3A_4447 {offsets = [0, 1024], sizes = [256, 256], strides = [1, 1]} : vector<256x1408xf32> to vector<256x256xf32>
    %concatenate3A_4522 = tpu.concatenate %add3A_4486, %add3A_4512 in 0 : vector<128x1xf32>, vector<128x1xf32> -> vector<256x1xf32>
    %mul3A_4523 = arith.constant 1.33333337 : f32
    %mul3A_4524 = vector.broadcast %mul3A_4523 : f32 to vector<1x256xf32>
    %mul3A_4525 = arith.mulf %mul3A_4524, %add3A_30 : vector<1x256xf32>
    %mul3A_4526 = vector.broadcast %mul3A_4525 : vector<1x256xf32> to vector<256x256xf32>
    %mul3A_4527 = vector.broadcast %concatenate3A_4522 : vector<256x1xf32> to vector<256x256xf32>
    %mul3A_4528 = arith.mulf %mul3A_4526, %mul3A_4527 : vector<256x256xf32>
    %add3A_4529 = arith.constant 9.99999993E-9 : f32
    %add3A_4530 = vector.broadcast %add3A_4529 : f32 to vector<256x256xf32>
    %add3A_4531 = arith.addf %mul3A_4528, %add3A_4530 : vector<256x256xf32>
    %neg3A_4532 = arith.constant 0.000000e+00 : f32
    %neg3A_4533 = vector.broadcast %neg3A_4532 : f32 to vector<256x256xf32>
    %neg3A_4534 = arith.subf %neg3A_4533, %add3A_4531 : vector<256x256xf32>
    %exp3A_4535 = math.exp %neg3A_4534 : vector<256x256xf32>
    %sub3A_4536 = arith.constant 1.000000e+00 : f32
    %sub3A_4537 = vector.broadcast %sub3A_4536 : f32 to vector<256x256xf32>
    %sub3A_4538 = arith.subf %sub3A_4537, %exp3A_4535 : vector<256x256xf32>
    %mul3A_4539 = arith.constant 2.500000e-01 : f32
    %mul3A_4540 = vector.broadcast %mul3A_4539 : f32 to vector<256x256xf32>
    %mul3A_4541 = arith.mulf %sub3A_4538, %mul3A_4540 : vector<256x256xf32>
    %add3A_4542 = arith.addf %slice3A_4517, %slice3A_4518 : vector<256x256xf32>
    %add3A_4543 = arith.addf %add3A_4542, %slice3A_4519 : vector<256x256xf32>
    %add3A_4544 = arith.addf %add3A_4543, %slice3A_4520 : vector<256x256xf32>
    %mul3A_4545 = arith.mulf %mul3A_4541, %add3A_4544 : vector<256x256xf32>
    %mul3A_4546 = arith.mulf %exp3A_4535, %slice3A_4517 : vector<256x256xf32>
    %add3A_4547 = arith.addf %mul3A_4545, %mul3A_4546 : vector<256x256xf32>
    %mul3A_4548 = arith.mulf %exp3A_4535, %slice3A_4518 : vector<256x256xf32>
    %add3A_4549 = arith.addf %mul3A_4545, %mul3A_4548 : vector<256x256xf32>
    %mul3A_4550 = arith.mulf %exp3A_4535, %slice3A_4519 : vector<256x256xf32>
    %add3A_4551 = arith.addf %mul3A_4545, %mul3A_4550 : vector<256x256xf32>
    %mul3A_4552 = arith.mulf %exp3A_4535, %slice3A_4520 : vector<256x256xf32>
    %add3A_4553 = arith.addf %mul3A_4545, %mul3A_4552 : vector<256x256xf32>
    %slice3A_4554 = vector.extract_strided_slice %add3A_4547 {offsets = [0, 0], sizes = [128, 256], strides = [1, 1]} : vector<256x256xf32> to vector<128x256xf32>
    %slice3A_4555 = vector.extract_strided_slice %add3A_4547 {offsets = [128, 0], sizes = [128, 256], strides = [1, 1]} : vector<256x256xf32> to vector<128x256xf32>
    %mul3A_4556 = arith.mulf %slice3A_4554, %slice3A_4555 : vector<128x256xf32>
    %slice3A_4557 = vector.extract_strided_slice %add3A_4549 {offsets = [0, 0], sizes = [128, 256], strides = [1, 1]} : vector<256x256xf32> to vector<128x256xf32>
    %slice3A_4558 = vector.extract_strided_slice %add3A_4549 {offsets = [128, 0], sizes = [128, 256], strides = [1, 1]} : vector<256x256xf32> to vector<128x256xf32>
    %mul3A_4559 = arith.mulf %slice3A_4557, %slice3A_4558 : vector<128x256xf32>
    %slice3A_4560 = vector.extract_strided_slice %add3A_4551 {offsets = [0, 0], sizes = [128, 256], strides = [1, 1]} : vector<256x256xf32> to vector<128x256xf32>
    %slice3A_4561 = vector.extract_strided_slice %add3A_4551 {offsets = [128, 0], sizes = [128, 256], strides = [1, 1]} : vector<256x256xf32> to vector<128x256xf32>
    %mul3A_4562 = arith.mulf %slice3A_4560, %slice3A_4561 : vector<128x256xf32>
    %slice3A_4563 = vector.extract_strided_slice %add3A_4553 {offsets = [0, 0], sizes = [128, 256], strides = [1, 1]} : vector<256x256xf32> to vector<128x256xf32>
    %slice3A_4564 = vector.extract_strided_slice %add3A_4553 {offsets = [128, 0], sizes = [128, 256], strides = [1, 1]} : vector<256x256xf32> to vector<128x256xf32>
    %mul3A_4565 = arith.mulf %slice3A_4563, %slice3A_4564 : vector<128x256xf32>
    %slice3A_4566 = vector.extract_strided_slice %slice3A_4521 {offsets = [0, 0], sizes = [128, 256], strides = [1, 1]} : vector<256x256xf32> to vector<128x256xf32>
    %slice3A_4567 = vector.extract_strided_slice %slice3A_4521 {offsets = [128, 0], sizes = [128, 256], strides = [1, 1]} : vector<256x256xf32> to vector<128x256xf32>
    %add3A_4568 = arith.addf %slice3A_4566, %slice3A_4567 : vector<128x256xf32>
    %max3A_4569 = arith.maximumf %mul3A_4556, %mul3A_4559 : vector<128x256xf32>
    %max3A_4570 = arith.maximumf %mul3A_4562, %mul3A_4565 : vector<128x256xf32>
    %max3A_4571 = arith.maximumf %max3A_4569, %max3A_4570 : vector<128x256xf32>
    %div3A_4572 = arith.constant 1.000000e+00 : f32
    %div3A_4573 = vector.broadcast %div3A_4572 : f32 to vector<128x256xf32>
    %div3A_4574 = arith.divf %div3A_4573, %max3A_4571 : vector<128x256xf32>
    %mul3A_4575 = arith.mulf %mul3A_4556, %div3A_4574 : vector<128x256xf32>
    %mul3A_4576 = arith.mulf %mul3A_4559, %div3A_4574 : vector<128x256xf32>
    %mul3A_4577 = arith.mulf %mul3A_4562, %div3A_4574 : vector<128x256xf32>
    %mul3A_4578 = arith.mulf %mul3A_4565, %div3A_4574 : vector<128x256xf32>
    %log3A_4579 = math.log %max3A_4571 : vector<128x256xf32>
    %add3A_4580 = arith.addf %add3A_4568, %log3A_4579 : vector<128x256xf32>
    %add3A_4581 = arith.addf %mul3A_4575, %mul3A_4576 : vector<128x256xf32>
    %add3A_4582 = arith.addf %add3A_4581, %mul3A_4577 : vector<128x256xf32>
    %add3A_4583 = arith.addf %add3A_4582, %mul3A_4578 : vector<128x256xf32>
    %log3A_4584 = math.log %add3A_4583 : vector<128x256xf32>
    %add3A_4585 = arith.addf %add3A_4580, %log3A_4584 : vector<128x256xf32>
    %sub3A_4586 = arith.constant 1.38629436 : f32
    %sub3A_4587 = vector.broadcast %sub3A_4586 : f32 to vector<128x256xf32>
    %sub3A_4588 = arith.subf %add3A_4585, %sub3A_4587 : vector<128x256xf32>
    %reduce_sum3A_4589 = arith.constant dense<0.000000e+00> : vector<128xf32>
    %reduce_sum3A_4590 = vector.multi_reduction <add>, %sub3A_4588, %reduce_sum3A_4589 [1] : vector<128x256xf32> to vector<128xf32>
    %broadcast_in_dim3A_4591 = vector.shape_cast %reduce_sum3A_4590 : vector<128xf32> to vector<128x1xf32>
    %broadcast_in_dim3A_4592 = arith.constant 0.000000e+00 : f32
    %broadcast_in_dim3A_4593 = vector.broadcast %broadcast_in_dim3A_4592 : f32 to vector<128x63xf32>
    %concatenate3A_4594 = tpu.concatenate %mul3A_4575, %mul3A_4576, %mul3A_4577, %mul3A_4578, %add3A_4580, %tanh3A_4516, %broadcast_in_dim3A_4591, %broadcast_in_dim3A_4593 in 1 : vector<128x256xf32>, vector<128x256xf32>, vector<128x256xf32>, vector<128x256xf32>, vector<128x256xf32>, vector<128x64xf32>, vector<128x1xf32>, vector<128x63xf32> -> vector<128x1408xf32>
    %convert_element_type3A_4595 = arith.truncf %concatenate3A_4594 : vector<128x1408xf32> to vector<128x1408xbf16>
    %convert_element_type3A_4596 = arith.extf %convert_element_type3A_4595 : vector<128x1408xbf16> to vector<128x1408xf32>
    %sub3A_4597 = arith.subf %concatenate3A_4594, %convert_element_type3A_4596 : vector<128x1408xf32>
    %convert_element_type3A_4598 = arith.truncf %sub3A_4597 : vector<128x1408xf32> to vector<128x1408xbf16>
    %convert_element_type3A_4599 = arith.extf %convert_element_type3A_4598 : vector<128x1408xbf16> to vector<128x1408xf32>
    %sub3A_4600 = arith.subf %sub3A_4597, %convert_element_type3A_4599 : vector<128x1408xf32>
    %convert_element_type3A_4601 = arith.truncf %sub3A_4600 : vector<128x1408xf32> to vector<128x1408xbf16>
    %swap3A_4602 = arith.constant 1808 : index
    %swap3A_4603 = arith.constant 0 : index
    %swap3A_4604 = vector.load %arg18[%swap3A_4602, %swap3A_4603] : memref<1936x1408xbf16, #tpu.memory_space<vmem>>, vector<128x1408xbf16>
    tpu.vector_store %arg18[%swap3A_4602, %swap3A_4603], %convert_element_type3A_4595 {strides = array<i32>} : memref<1936x1408xbf16, #tpu.memory_space<vmem>>, vector<128x1408xbf16>,
    %swap3A_4605 = arith.constant 1808 : index
    %swap3A_4606 = arith.constant 0 : index
    %swap3A_4607 = vector.load %arg19[%swap3A_4605, %swap3A_4606] : memref<1936x1408xbf16, #tpu.memory_space<vmem>>, vector<128x1408xbf16>
    tpu.vector_store %arg19[%swap3A_4605, %swap3A_4606], %convert_element_type3A_4598 {strides = array<i32>} : memref<1936x1408xbf16, #tpu.memory_space<vmem>>, vector<128x1408xbf16>,
    %swap3A_4608 = arith.constant 1808 : index
    %swap3A_4609 = arith.constant 0 : index
    %swap3A_4610 = vector.load %arg20[%swap3A_4608, %swap3A_4609] : memref<1936x1408xbf16, #tpu.memory_space<vmem>>, vector<128x1408xbf16>
    tpu.vector_store %arg20[%swap3A_4608, %swap3A_4609], %convert_element_type3A_4601 {strides = array<i32>} : memref<1936x1408xbf16, #tpu.memory_space<vmem>>, vector<128x1408xbf16>,
    %sub3A_4611 = arith.subf %slice3A_4396, %slice3A_4450 : vector<128x1xf32>
    %sub3A_4612 = arith.subf %sub3A_4611, %slice3A_4451 : vector<128x1xf32>
    %add3A_4613 = arith.addf %sub3A_4612, %broadcast_in_dim3A_4591 : vector<128x1xf32>
    %add3A_4614 = arith.addf %add3A_4486, %add3A_4512 : vector<128x1xf32>
    %div3A_4615 = arith.constant 1.000000e-01 : f32
    %div3A_4616 = vector.broadcast %div3A_4615 : f32 to vector<128x1xf32>
    %div3A_4617 = arith.divf %add3A_4614, %div3A_4616 : vector<128x1xf32>
    %sub3A_4618 = arith.constant 4.60517025 : f32
    %sub3A_4619 = vector.broadcast %sub3A_4618 : f32 to vector<128x1xf32>
    %sub3A_4620 = arith.subf %sub3A_4619, %div3A_4617 : vector<128x1xf32>
    %sub3A_4621 = arith.subf %add3A_4613, %slice3A_4396 : vector<128x1xf32>
    %add3A_4622 = arith.addf %sub3A_4621, %sub3A_4620 : vector<128x1xf32>
    %add3A_4623 = arith.constant 0.000000e+00 : f32
    %add3A_4624 = vector.broadcast %add3A_4623 : f32 to vector<128x1xf32>
    %add3A_4625 = arith.addf %add3A_4622, %add3A_4624 : vector<128x1xf32>
    %reduce_max3A_4626 = vector.shape_cast %add3A_4625 : vector<128x1xf32> to vector<1x128x1xf32>
    %reduce_max3A_4627 = arith.constant dense<0xFF800000> : vector<1xf32>
    %reduce_max3A_4628 = vector.multi_reduction <maximumf>, %reduce_max3A_4626, %reduce_max3A_4627 [1, 2] : vector<1x128x1xf32> to vector<1xf32>
    %reduce_max3A_4629 = vector.shape_cast %reduce_max3A_4628 : vector<1xf32> to vector<1x1x1xf32>
    %reduce_max3A_4630 = vector.extract %reduce_max3A_4629[0, 0, 0] : f32 from vector<1x1x1xf32>
    %sub3A_4631 = vector.broadcast %reduce_max3A_4630 : f32 to vector<128x1xf32>
    %sub3A_4632 = arith.subf %add3A_4625, %sub3A_4631 : vector<128x1xf32>
    %exp3A_4633 = math.exp %sub3A_4632 : vector<128x1xf32>
    %reduce_sum3A_4634 = vector.shape_cast %exp3A_4633 : vector<128x1xf32> to vector<1x128x1xf32>
    %reduce_sum3A_4635 = arith.constant dense<0.000000e+00> : vector<1xf32>
    %reduce_sum3A_4636 = vector.multi_reduction <add>, %reduce_sum3A_4634, %reduce_sum3A_4635 [1, 2] : vector<1x128x1xf32> to vector<1xf32>
    %reduce_sum3A_4637 = vector.shape_cast %reduce_sum3A_4636 : vector<1xf32> to vector<1x1x1xf32>
    %reduce_sum3A_4638 = vector.extract %reduce_sum3A_4637[0, 0, 0] : f32 from vector<1x1x1xf32>
    %log3A_4639 = math.log %reduce_sum3A_4638 : f32
    %add3A_4640 = arith.addf %reduce_max3A_4630, %log3A_4639 : f32
    %sub3A_4641 = arith.constant 4.85203028 : f32
    %sub3A_4642 = arith.subf %add3A_4640, %sub3A_4641 : f32
    %add3A_4643 = vector.broadcast %sub3A_4642 : f32 to vector<1x1xf32>
    %add3A_4644 = arith.addf %add3A_4339, %add3A_4643 : vector<1x1xf32>
    %swap3A_4645 = arith.constant 0 : index
    %swap3A_4646 = arith.constant 0 : index
    %swap3A_4647 = vector.load %arg12[%swap3A_4645, %swap3A_4646] : memref<128x1xf32, #tpu.memory_space<vmem>>, vector<128x1xf32>
    tpu.vector_store %arg12[%swap3A_4645, %swap3A_4646], %add3A_4613 {strides = array<i32>} : memref<128x1xf32, #tpu.memory_space<vmem>>, vector<128x1xf32>,
    %swap3A_4648 = arith.constant 0 : index
    %swap3A_4649 = arith.constant 0 : index
    %swap3A_4650 = vector.load %arg11[%swap3A_4648, %swap3A_4649] : memref<1x1xf32, #tpu.memory_space<vmem>>, vector<1x1xf32>
    tpu.vector_store %arg11[%swap3A_4648, %swap3A_4649], %add3A_4644 {strides = array<i32>} : memref<1x1xf32, #tpu.memory_space<vmem>>, vector<1x1xf32>,
    %mul3A_4651 = vector.broadcast %add3A_4613 : vector<128x1xf32> to vector<128x128xf32>
    %mul3A_4652 = arith.mulf %convert_element_type3A_9, %mul3A_4651 : vector<128x128xf32>
    %dot_general3A_4653 = arith.constant dense<0.000000e+00> : vector<1x128xf32>
    %dot_general3A_4654 = tpu.matmul %broadcast_in_dim3A_10, %mul3A_4652, %dot_general3A_4653 {dimension_numbers = #tpu.dot_dimension_numbers<[1], [0], [0], [1], [0, 0, 1, 1], [], []>, precision = #tpu.contract_precision<fp32>, transpose_lhs_hint = false} : vector<1x128xf32>, vector<128x128xf32>, vector<1x128xf32> -> vector<1x128xf32>
    %reduce_max3A_4655 = arith.constant dense<0xFF800000> : vector<1xf32>
    %reduce_max3A_4656 = vector.multi_reduction <maximumf>, %dot_general3A_4654, %reduce_max3A_4655 [1] : vector<1x128xf32> to vector<1xf32>
    %broadcast_in_dim3A_4657 = vector.shape_cast %reduce_max3A_4656 : vector<1xf32> to vector<1x1xf32>
    %eq3A_4658 = vector.broadcast %broadcast_in_dim3A_4657 : vector<1x1xf32> to vector<1x128xf32>
    %eq3A_4659 = arith.cmpf oeq, %dot_general3A_4654, %eq3A_4658 : vector<1x128xf32>
    %jit3A_4660 = arith.constant 1.280000e+02 : f32
    %broadcast_in_dim3A_4661 = vector.broadcast %jit3A_4660 : f32 to vector<1x128xf32>
    %select_n3A_4662 = arith.select %eq3A_4659, %convert_element_type3A_1, %broadcast_in_dim3A_4661 : vector<1x128xi1>, vector<1x128xf32>
    %reduce_min3A_4663 = arith.constant dense<0x7F800000> : vector<1xf32>
    %reduce_min3A_4664 = vector.multi_reduction <minimumf>, %select_n3A_4662, %reduce_min3A_4663 [1] : vector<1x128xf32> to vector<1xf32>
    %broadcast_in_dim3A_4665 = vector.shape_cast %reduce_min3A_4664 : vector<1xf32> to vector<1x1xf32>
    %eq3A_4666 = vector.broadcast %broadcast_in_dim3A_4665 : vector<1x1xf32> to vector<1x128xf32>
    %eq3A_4667 = arith.cmpf oeq, %convert_element_type3A_1, %eq3A_4666 : vector<1x128xf32>
    %convert_element_type3A_4668 = arith.extui %eq3A_4667 : vector<1x128xi1> to vector<1x128xi32>
    %convert_element_type3A_4669 = arith.sitofp %convert_element_type3A_4668 : vector<1x128xi32> to vector<1x128xf32>
    %add3A_4670 = arith.constant 1.808000e+03 : f32
    %add3A_4671 = vector.broadcast %add3A_4670 : f32 to vector<1x1xf32>
    %add3A_4672 = arith.addf %add3A_4671, %broadcast_in_dim3A_4665 : vector<1x1xf32>
    %mul3A_4673 = arith.mulf %convert_element_type3A_4669, %broadcast_in_dim3A_4385 : vector<1x128xf32>
    %reduce_sum3A_4674 = arith.constant dense<0.000000e+00> : vector<1xf32>
    %reduce_sum3A_4675 = vector.multi_reduction <add>, %mul3A_4673, %reduce_sum3A_4674 [1] : vector<1x128xf32> to vector<1xf32>
    %broadcast_in_dim3A_4676 = vector.shape_cast %reduce_sum3A_4675 : vector<1xf32> to vector<1x1xf32>
    %round3A_4677 = math.roundeven %broadcast_in_dim3A_4676 : vector<1x1xf32>
    %eq3A_4678 = vector.broadcast %round3A_4677 : vector<1x1xf32> to vector<1x128xf32>
    %eq3A_4679 = arith.cmpf oeq, %convert_element_type3A_1, %eq3A_4678 : vector<1x128xf32>
    %convert_element_type3A_4680 = arith.extui %eq3A_4679 : vector<1x128xi1> to vector<1x128xi32>
    %convert_element_type3A_4681 = arith.sitofp %convert_element_type3A_4680 : vector<1x128xi32> to vector<1x128xf32>
    %add3A_4682 = arith.constant 1.680000e+03 : f32
    %add3A_4683 = vector.broadcast %add3A_4682 : f32 to vector<1x1xf32>
    %add3A_4684 = arith.addf %add3A_4683, %round3A_4677 : vector<1x1xf32>
    %mul3A_4685 = arith.mulf %convert_element_type3A_4681, %broadcast_in_dim3A_4080 : vector<1x128xf32>
    %reduce_sum3A_4686 = arith.constant dense<0.000000e+00> : vector<1xf32>
    %reduce_sum3A_4687 = vector.multi_reduction <add>, %mul3A_4685, %reduce_sum3A_4686 [1] : vector<1x128xf32> to vector<1xf32>
    %broadcast_in_dim3A_4688 = vector.shape_cast %reduce_sum3A_4687 : vector<1xf32> to vector<1x1xf32>
    %round3A_4689 = math.roundeven %broadcast_in_dim3A_4688 : vector<1x1xf32>
    %eq3A_4690 = vector.broadcast %round3A_4689 : vector<1x1xf32> to vector<1x128xf32>
    %eq3A_4691 = arith.cmpf oeq, %convert_element_type3A_1, %eq3A_4690 : vector<1x128xf32>
    %convert_element_type3A_4692 = arith.extui %eq3A_4691 : vector<1x128xi1> to vector<1x128xi32>
    %convert_element_type3A_4693 = arith.sitofp %convert_element_type3A_4692 : vector<1x128xi32> to vector<1x128xf32>
    %add3A_4694 = arith.constant 1.552000e+03 : f32
    %add3A_4695 = vector.broadcast %add3A_4694 : f32 to vector<1x1xf32>
    %add3A_4696 = arith.addf %add3A_4695, %round3A_4689 : vector<1x1xf32>
    %mul3A_4697 = arith.mulf %convert_element_type3A_4693, %broadcast_in_dim3A_3775 : vector<1x128xf32>
    %reduce_sum3A_4698 = arith.constant dense<0.000000e+00> : vector<1xf32>
    %reduce_sum3A_4699 = vector.multi_reduction <add>, %mul3A_4697, %reduce_sum3A_4698 [1] : vector<1x128xf32> to vector<1xf32>
    %broadcast_in_dim3A_4700 = vector.shape_cast %reduce_sum3A_4699 : vector<1xf32> to vector<1x1xf32>
    %round3A_4701 = math.roundeven %broadcast_in_dim3A_4700 : vector<1x1xf32>
    %eq3A_4702 = vector.broadcast %round3A_4701 : vector<1x1xf32> to vector<1x128xf32>
    %eq3A_4703 = arith.cmpf oeq, %convert_element_type3A_1, %eq3A_4702 : vector<1x128xf32>
    %convert_element_type3A_4704 = arith.extui %eq3A_4703 : vector<1x128xi1> to vector<1x128xi32>
    %convert_element_type3A_4705 = arith.sitofp %convert_element_type3A_4704 : vector<1x128xi32> to vector<1x128xf32>
    %add3A_4706 = arith.constant 1.424000e+03 : f32
    %add3A_4707 = vector.broadcast %add3A_4706 : f32 to vector<1x1xf32>
    %add3A_4708 = arith.addf %add3A_4707, %round3A_4701 : vector<1x1xf32>
    %mul3A_4709 = arith.mulf %convert_element_type3A_4705, %broadcast_in_dim3A_3470 : vector<1x128xf32>
    %reduce_sum3A_4710 = arith.constant dense<0.000000e+00> : vector<1xf32>
    %reduce_sum3A_4711 = vector.multi_reduction <add>, %mul3A_4709, %reduce_sum3A_4710 [1] : vector<1x128xf32> to vector<1xf32>
    %broadcast_in_dim3A_4712 = vector.shape_cast %reduce_sum3A_4711 : vector<1xf32> to vector<1x1xf32>
    %round3A_4713 = math.roundeven %broadcast_in_dim3A_4712 : vector<1x1xf32>
    %eq3A_4714 = vector.broadcast %round3A_4713 : vector<1x1xf32> to vector<1x128xf32>
    %eq3A_4715 = arith.cmpf oeq, %convert_element_type3A_1, %eq3A_4714 : vector<1x128xf32>
    %convert_element_type3A_4716 = arith.extui %eq3A_4715 : vector<1x128xi1> to vector<1x128xi32>
    %convert_element_type3A_4717 = arith.sitofp %convert_element_type3A_4716 : vector<1x128xi32> to vector<1x128xf32>
    %add3A_4718 = arith.constant 1.296000e+03 : f32
    %add3A_4719 = vector.broadcast %add3A_4718 : f32 to vector<1x1xf32>
    %add3A_4720 = arith.addf %add3A_4719, %round3A_4713 : vector<1x1xf32>
    %mul3A_4721 = arith.mulf %convert_element_type3A_4717, %broadcast_in_dim3A_3165 : vector<1x128xf32>
    %reduce_sum3A_4722 = arith.constant dense<0.000000e+00> : vector<1xf32>
    %reduce_sum3A_4723 = vector.multi_reduction <add>, %mul3A_4721, %reduce_sum3A_4722 [1] : vector<1x128xf32> to vector<1xf32>
    %broadcast_in_dim3A_4724 = vector.shape_cast %reduce_sum3A_4723 : vector<1xf32> to vector<1x1xf32>
    %round3A_4725 = math.roundeven %broadcast_in_dim3A_4724 : vector<1x1xf32>
    %eq3A_4726 = vector.broadcast %round3A_4725 : vector<1x1xf32> to vector<1x128xf32>
    %eq3A_4727 = arith.cmpf oeq, %convert_element_type3A_1, %eq3A_4726 : vector<1x128xf32>
    %convert_element_type3A_4728 = arith.extui %eq3A_4727 : vector<1x128xi1> to vector<1x128xi32>
    %convert_element_type3A_4729 = arith.sitofp %convert_element_type3A_4728 : vector<1x128xi32> to vector<1x128xf32>
    %add3A_4730 = arith.constant 1.168000e+03 : f32
    %add3A_4731 = vector.broadcast %add3A_4730 : f32 to vector<1x1xf32>
    %add3A_4732 = arith.addf %add3A_4731, %round3A_4725 : vector<1x1xf32>
    %mul3A_4733 = arith.mulf %convert_element_type3A_4729, %broadcast_in_dim3A_2860 : vector<1x128xf32>
    %reduce_sum3A_4734 = arith.constant dense<0.000000e+00> : vector<1xf32>
    %reduce_sum3A_4735 = vector.multi_reduction <add>, %mul3A_4733, %reduce_sum3A_4734 [1] : vector<1x128xf32> to vector<1xf32>
    %broadcast_in_dim3A_4736 = vector.shape_cast %reduce_sum3A_4735 : vector<1xf32> to vector<1x1xf32>
    %round3A_4737 = math.roundeven %broadcast_in_dim3A_4736 : vector<1x1xf32>
    %eq3A_4738 = vector.broadcast %round3A_4737 : vector<1x1xf32> to vector<1x128xf32>
    %eq3A_4739 = arith.cmpf oeq, %convert_element_type3A_1, %eq3A_4738 : vector<1x128xf32>
    %convert_element_type3A_4740 = arith.extui %eq3A_4739 : vector<1x128xi1> to vector<1x128xi32>
    %convert_element_type3A_4741 = arith.sitofp %convert_element_type3A_4740 : vector<1x128xi32> to vector<1x128xf32>
    %add3A_4742 = arith.constant 1.040000e+03 : f32
    %add3A_4743 = vector.broadcast %add3A_4742 : f32 to vector<1x1xf32>
    %add3A_4744 = arith.addf %add3A_4743, %round3A_4737 : vector<1x1xf32>
    %mul3A_4745 = arith.mulf %convert_element_type3A_4741, %broadcast_in_dim3A_2555 : vector<1x128xf32>
    %reduce_sum3A_4746 = arith.constant dense<0.000000e+00> : vector<1xf32>
    %reduce_sum3A_4747 = vector.multi_reduction <add>, %mul3A_4745, %reduce_sum3A_4746 [1] : vector<1x128xf32> to vector<1xf32>
    %broadcast_in_dim3A_4748 = vector.shape_cast %reduce_sum3A_4747 : vector<1xf32> to vector<1x1xf32>
    %round3A_4749 = math.roundeven %broadcast_in_dim3A_4748 : vector<1x1xf32>
    %eq3A_4750 = vector.broadcast %round3A_4749 : vector<1x1xf32> to vector<1x128xf32>
    %eq3A_4751 = arith.cmpf oeq, %convert_element_type3A_1, %eq3A_4750 : vector<1x128xf32>
    %convert_element_type3A_4752 = arith.extui %eq3A_4751 : vector<1x128xi1> to vector<1x128xi32>
    %convert_element_type3A_4753 = arith.sitofp %convert_element_type3A_4752 : vector<1x128xi32> to vector<1x128xf32>
    %add3A_4754 = arith.constant 9.120000e+02 : f32
    %add3A_4755 = vector.broadcast %add3A_4754 : f32 to vector<1x1xf32>
    %add3A_4756 = arith.addf %add3A_4755, %round3A_4749 : vector<1x1xf32>
    %mul3A_4757 = arith.mulf %convert_element_type3A_4753, %broadcast_in_dim3A_2250 : vector<1x128xf32>
    %reduce_sum3A_4758 = arith.constant dense<0.000000e+00> : vector<1xf32>
    %reduce_sum3A_4759 = vector.multi_reduction <add>, %mul3A_4757, %reduce_sum3A_4758 [1] : vector<1x128xf32> to vector<1xf32>
    %broadcast_in_dim3A_4760 = vector.shape_cast %reduce_sum3A_4759 : vector<1xf32> to vector<1x1xf32>
    %round3A_4761 = math.roundeven %broadcast_in_dim3A_4760 : vector<1x1xf32>
    %eq3A_4762 = vector.broadcast %round3A_4761 : vector<1x1xf32> to vector<1x128xf32>
    %eq3A_4763 = arith.cmpf oeq, %convert_element_type3A_1, %eq3A_4762 : vector<1x128xf32>
    %convert_element_type3A_4764 = arith.extui %eq3A_4763 : vector<1x128xi1> to vector<1x128xi32>
    %convert_element_type3A_4765 = arith.sitofp %convert_element_type3A_4764 : vector<1x128xi32> to vector<1x128xf32>
    %add3A_4766 = arith.constant 7.840000e+02 : f32
    %add3A_4767 = vector.broadcast %add3A_4766 : f32 to vector<1x1xf32>
    %add3A_4768 = arith.addf %add3A_4767, %round3A_4761 : vector<1x1xf32>
    %mul3A_4769 = arith.mulf %convert_element_type3A_4765, %broadcast_in_dim3A_1945 : vector<1x128xf32>
    %reduce_sum3A_4770 = arith.constant dense<0.000000e+00> : vector<1xf32>
    %reduce_sum3A_4771 = vector.multi_reduction <add>, %mul3A_4769, %reduce_sum3A_4770 [1] : vector<1x128xf32> to vector<1xf32>
    %broadcast_in_dim3A_4772 = vector.shape_cast %reduce_sum3A_4771 : vector<1xf32> to vector<1x1xf32>
    %round3A_4773 = math.roundeven %broadcast_in_dim3A_4772 : vector<1x1xf32>
    %eq3A_4774 = vector.broadcast %round3A_4773 : vector<1x1xf32> to vector<1x128xf32>
    %eq3A_4775 = arith.cmpf oeq, %convert_element_type3A_1, %eq3A_4774 : vector<1x128xf32>
    %convert_element_type3A_4776 = arith.extui %eq3A_4775 : vector<1x128xi1> to vector<1x128xi32>
    %convert_element_type3A_4777 = arith.sitofp %convert_element_type3A_4776 : vector<1x128xi32> to vector<1x128xf32>
    %add3A_4778 = arith.constant 6.560000e+02 : f32
    %add3A_4779 = vector.broadcast %add3A_4778 : f32 to vector<1x1xf32>
    %add3A_4780 = arith.addf %add3A_4779, %round3A_4773 : vector<1x1xf32>
    %mul3A_4781 = arith.mulf %convert_element_type3A_4777, %broadcast_in_dim3A_1640 : vector<1x128xf32>
    %reduce_sum3A_4782 = arith.constant dense<0.000000e+00> : vector<1xf32>
    %reduce_sum3A_4783 = vector.multi_reduction <add>, %mul3A_4781, %reduce_sum3A_4782 [1] : vector<1x128xf32> to vector<1xf32>
    %broadcast_in_dim3A_4784 = vector.shape_cast %reduce_sum3A_4783 : vector<1xf32> to vector<1x1xf32>
    %round3A_4785 = math.roundeven %broadcast_in_dim3A_4784 : vector<1x1xf32>
    %eq3A_4786 = vector.broadcast %round3A_4785 : vector<1x1xf32> to vector<1x128xf32>
    %eq3A_4787 = arith.cmpf oeq, %convert_element_type3A_1, %eq3A_4786 : vector<1x128xf32>
    %convert_element_type3A_4788 = arith.extui %eq3A_4787 : vector<1x128xi1> to vector<1x128xi32>
    %convert_element_type3A_4789 = arith.sitofp %convert_element_type3A_4788 : vector<1x128xi32> to vector<1x128xf32>
    %add3A_4790 = arith.constant 5.280000e+02 : f32
    %add3A_4791 = vector.broadcast %add3A_4790 : f32 to vector<1x1xf32>
    %add3A_4792 = arith.addf %add3A_4791, %round3A_4785 : vector<1x1xf32>
    %mul3A_4793 = arith.mulf %convert_element_type3A_4789, %broadcast_in_dim3A_1335 : vector<1x128xf32>
    %reduce_sum3A_4794 = arith.constant dense<0.000000e+00> : vector<1xf32>
    %reduce_sum3A_4795 = vector.multi_reduction <add>, %mul3A_4793, %reduce_sum3A_4794 [1] : vector<1x128xf32> to vector<1xf32>
    %broadcast_in_dim3A_4796 = vector.shape_cast %reduce_sum3A_4795 : vector<1xf32> to vector<1x1xf32>
    %round3A_4797 = math.roundeven %broadcast_in_dim3A_4796 : vector<1x1xf32>
    %eq3A_4798 = vector.broadcast %round3A_4797 : vector<1x1xf32> to vector<1x128xf32>
    %eq3A_4799 = arith.cmpf oeq, %convert_element_type3A_1, %eq3A_4798 : vector<1x128xf32>
    %convert_element_type3A_4800 = arith.extui %eq3A_4799 : vector<1x128xi1> to vector<1x128xi32>
    %convert_element_type3A_4801 = arith.sitofp %convert_element_type3A_4800 : vector<1x128xi32> to vector<1x128xf32>
    %add3A_4802 = arith.constant 4.000000e+02 : f32
    %add3A_4803 = vector.broadcast %add3A_4802 : f32 to vector<1x1xf32>
    %add3A_4804 = arith.addf %add3A_4803, %round3A_4797 : vector<1x1xf32>
    %mul3A_4805 = arith.mulf %convert_element_type3A_4801, %broadcast_in_dim3A_1030 : vector<1x128xf32>
    %reduce_sum3A_4806 = arith.constant dense<0.000000e+00> : vector<1xf32>
    %reduce_sum3A_4807 = vector.multi_reduction <add>, %mul3A_4805, %reduce_sum3A_4806 [1] : vector<1x128xf32> to vector<1xf32>
    %broadcast_in_dim3A_4808 = vector.shape_cast %reduce_sum3A_4807 : vector<1xf32> to vector<1x1xf32>
    %round3A_4809 = math.roundeven %broadcast_in_dim3A_4808 : vector<1x1xf32>
    %eq3A_4810 = vector.broadcast %round3A_4809 : vector<1x1xf32> to vector<1x128xf32>
    %eq3A_4811 = arith.cmpf oeq, %convert_element_type3A_1, %eq3A_4810 : vector<1x128xf32>
    %convert_element_type3A_4812 = arith.extui %eq3A_4811 : vector<1x128xi1> to vector<1x128xi32>
    %convert_element_type3A_4813 = arith.sitofp %convert_element_type3A_4812 : vector<1x128xi32> to vector<1x128xf32>
    %add3A_4814 = arith.constant 2.720000e+02 : f32
    %add3A_4815 = vector.broadcast %add3A_4814 : f32 to vector<1x1xf32>
    %add3A_4816 = arith.addf %add3A_4815, %round3A_4809 : vector<1x1xf32>
    %mul3A_4817 = arith.mulf %convert_element_type3A_4813, %broadcast_in_dim3A_725 : vector<1x128xf32>
    %reduce_sum3A_4818 = arith.constant dense<0.000000e+00> : vector<1xf32>
    %reduce_sum3A_4819 = vector.multi_reduction <add>, %mul3A_4817, %reduce_sum3A_4818 [1] : vector<1x128xf32> to vector<1xf32>
    %broadcast_in_dim3A_4820 = vector.shape_cast %reduce_sum3A_4819 : vector<1xf32> to vector<1x1xf32>
    %round3A_4821 = math.roundeven %broadcast_in_dim3A_4820 : vector<1x1xf32>
    %eq3A_4822 = vector.broadcast %round3A_4821 : vector<1x1xf32> to vector<1x128xf32>
    %eq3A_4823 = arith.cmpf oeq, %convert_element_type3A_1, %eq3A_4822 : vector<1x128xf32>
    %convert_element_type3A_4824 = arith.extui %eq3A_4823 : vector<1x128xi1> to vector<1x128xi32>
    %convert_element_type3A_4825 = arith.sitofp %convert_element_type3A_4824 : vector<1x128xi32> to vector<1x128xf32>
    %add3A_4826 = arith.constant 1.440000e+02 : f32
    %add3A_4827 = vector.broadcast %add3A_4826 : f32 to vector<1x1xf32>
    %add3A_4828 = arith.addf %add3A_4827, %round3A_4821 : vector<1x1xf32>
    %mul3A_4829 = arith.mulf %convert_element_type3A_4825, %broadcast_in_dim3A_420 : vector<1x128xf32>
    %reduce_sum3A_4830 = arith.constant dense<0.000000e+00> : vector<1xf32>
    %reduce_sum3A_4831 = vector.multi_reduction <add>, %mul3A_4829, %reduce_sum3A_4830 [1] : vector<1x128xf32> to vector<1xf32>
    %broadcast_in_dim3A_4832 = vector.shape_cast %reduce_sum3A_4831 : vector<1xf32> to vector<1x1xf32>
    %round3A_4833 = math.roundeven %broadcast_in_dim3A_4832 : vector<1x1xf32>
    %eq3A_4834 = vector.broadcast %round3A_4833 : vector<1x1xf32> to vector<1x128xf32>
    %eq3A_4835 = arith.cmpf oeq, %convert_element_type3A_1, %eq3A_4834 : vector<1x128xf32>
    %convert_element_type3A_4836 = arith.extui %eq3A_4835 : vector<1x128xi1> to vector<1x128xi32>
    %convert_element_type3A_4837 = arith.sitofp %convert_element_type3A_4836 : vector<1x128xi32> to vector<1x128xf32>
    %add3A_4838 = arith.constant 1.600000e+01 : f32
    %add3A_4839 = vector.broadcast %add3A_4838 : f32 to vector<1x1xf32>
    %add3A_4840 = arith.addf %add3A_4839, %round3A_4833 : vector<1x1xf32>
    %broadcast_in_dim3A_4841 = arith.constant 0.000000e+00 : f32
    %broadcast_in_dim3A_4842 = vector.broadcast %broadcast_in_dim3A_4841 : f32 to vector<1x128xf32>
    %concatenate3A_4843 = tpu.concatenate %convert_element_type3A_4837, %convert_element_type3A_4825, %convert_element_type3A_4813, %convert_element_type3A_4801, %convert_element_type3A_4789, %convert_element_type3A_4777, %convert_element_type3A_4765, %convert_element_type3A_4753, %convert_element_type3A_4741, %convert_element_type3A_4729, %convert_element_type3A_4717, %convert_element_type3A_4705, %convert_element_type3A_4693, %convert_element_type3A_4681, %convert_element_type3A_4669, %broadcast_in_dim3A_4842 in 0 : vector<1x128xf32>, vector<1x128xf32>, vector<1x128xf32>, vector<1x128xf32>, vector<1x128xf32>, vector<1x128xf32>, vector<1x128xf32>, vector<1x128xf32>, vector<1x128xf32>, vector<1x128xf32>, vector<1x128xf32>, vector<1x128xf32>, vector<1x128xf32>, vector<1x128xf32>, vector<1x128xf32>, vector<1x128xf32> -> vector<16x128xf32>
    %get3A_4844 = arith.constant 0 : index
    %get3A_4845 = arith.constant 0 : index
    %get3A_4846 = vector.load %arg1[%get3A_4844, %get3A_4845] : memref<128x16xf32, #tpu.memory_space<vmem>>, vector<128x16xf32>
    %get3A_4847 = arith.constant 0 : index
    %get3A_4848 = arith.constant 0 : index
    %get3A_4849 = vector.load %arg2[%get3A_4847, %get3A_4848] : memref<128x16xf32, #tpu.memory_space<vmem>>, vector<128x16xf32>
    %concatenate3A_4850 = tpu.concatenate %add3A_216, %add3A_521, %add3A_826, %add3A_1131, %add3A_1436, %add3A_1741, %add3A_2046, %add3A_2351, %add3A_2656, %add3A_2961, %add3A_3266, %add3A_3571, %add3A_3876, %add3A_4181, %add3A_4486 in 1 : vector<128x1xf32>, vector<128x1xf32>, vector<128x1xf32>, vector<128x1xf32>, vector<128x1xf32>, vector<128x1xf32>, vector<128x1xf32>, vector<128x1xf32>, vector<128x1xf32>, vector<128x1xf32>, vector<128x1xf32>, vector<128x1xf32>, vector<128x1xf32>, vector<128x1xf32>, vector<128x1xf32> -> vector<128x15xf32>
    %concatenate3A_4851 = tpu.concatenate %add3A_242, %add3A_547, %add3A_852, %add3A_1157, %add3A_1462, %add3A_1767, %add3A_2072, %add3A_2377, %add3A_2682, %add3A_2987, %add3A_3292, %add3A_3597, %add3A_3902, %add3A_4207, %add3A_4512 in 1 : vector<128x1xf32>, vector<128x1xf32>, vector<128x1xf32>, vector<128x1xf32>, vector<128x1xf32>, vector<128x1xf32>, vector<128x1xf32>, vector<128x1xf32>, vector<128x1xf32>, vector<128x1xf32>, vector<128x1xf32>, vector<128x1xf32>, vector<128x1xf32>, vector<128x1xf32>, vector<128x1xf32> -> vector<128x15xf32>
    %concatenate3A_4852 = tpu.concatenate %get3A_4846, %get3A_4849, %concatenate3A_4850, %concatenate3A_4851 in 1 : vector<128x16xf32>, vector<128x16xf32>, vector<128x15xf32>, vector<128x15xf32> -> vector<128x62xf32>
    %dot_general3A_4853 = arith.constant dense<0.000000e+00> : vector<16x62xf32>
    %dot_general3A_4854 = tpu.matmul %concatenate3A_4843, %concatenate3A_4852, %dot_general3A_4853 {dimension_numbers = #tpu.dot_dimension_numbers<[1], [0], [0], [1], [0, 0, 1, 1], [], []>, precision = #tpu.contract_precision<fp32>, transpose_lhs_hint = false} : vector<16x128xf32>, vector<128x62xf32>, vector<16x62xf32> -> vector<16x62xf32>
    %iota3A_4855 = tpu.iota {dimensions = array<i32: 0>} : vector<16x16xi32>
    %iota3A_4856 = tpu.iota {dimensions = array<i32: 1>} : vector<16x16xi32>
    %eq3A_4857 = arith.cmpi eq, %iota3A_4855, %iota3A_4856 : vector<16x16xi32>
    %convert_element_type3A_4858 = arith.extui %eq3A_4857 : vector<16x16xi1> to vector<16x16xi32>
    %convert_element_type3A_4859 = arith.sitofp %convert_element_type3A_4858 : vector<16x16xi32> to vector<16x16xf32>
    %iota3A_4860 = tpu.iota {dimensions = array<i32: 0>} : vector<16x15xi32>
    %iota3A_4861 = tpu.iota {dimensions = array<i32: 1>} : vector<16x15xi32>
    %eq3A_4862 = arith.cmpi eq, %iota3A_4860, %iota3A_4861 : vector<16x15xi32>
    %convert_element_type3A_4863 = arith.extui %eq3A_4862 : vector<16x15xi1> to vector<16x15xi32>
    %convert_element_type3A_4864 = arith.sitofp %convert_element_type3A_4863 : vector<16x15xi32> to vector<16x15xf32>
    %slice3A_4865 = vector.extract_strided_slice %dot_general3A_4854 {offsets = [0, 0], sizes = [16, 16], strides = [1, 1]} : vector<16x62xf32> to vector<16x16xf32>
    %mul3A_4866 = arith.mulf %slice3A_4865, %convert_element_type3A_4859 : vector<16x16xf32>
    %reduce_sum3A_4867 = arith.constant dense<0.000000e+00> : vector<16xf32>
    %reduce_sum3A_4868 = vector.multi_reduction <add>, %mul3A_4866, %reduce_sum3A_4867 [0] : vector<16x16xf32> to vector<16xf32>
    %broadcast_in_dim3A_4869 = vector.shape_cast %reduce_sum3A_4868 : vector<16xf32> to vector<1x16xf32>
    %swap3A_4870 = arith.constant 0 : index
    %swap3A_4871 = arith.constant 0 : index
    %swap3A_4872 = vector.load %arg13[%swap3A_4870, %swap3A_4871] : memref<1x16xf32, #tpu.memory_space<vmem>>, vector<1x16xf32>
    tpu.vector_store %arg13[%swap3A_4870, %swap3A_4871], %broadcast_in_dim3A_4869 {strides = array<i32>} : memref<1x16xf32, #tpu.memory_space<vmem>>, vector<1x16xf32>,
    %slice3A_4873 = vector.extract_strided_slice %dot_general3A_4854 {offsets = [0, 16], sizes = [16, 16], strides = [1, 1]} : vector<16x62xf32> to vector<16x16xf32>
    %mul3A_4874 = arith.mulf %slice3A_4873, %convert_element_type3A_4859 : vector<16x16xf32>
    %reduce_sum3A_4875 = arith.constant dense<0.000000e+00> : vector<16xf32>
    %reduce_sum3A_4876 = vector.multi_reduction <add>, %mul3A_4874, %reduce_sum3A_4875 [0] : vector<16x16xf32> to vector<16xf32>
    %broadcast_in_dim3A_4877 = vector.shape_cast %reduce_sum3A_4876 : vector<16xf32> to vector<1x16xf32>
    %swap3A_4878 = arith.constant 0 : index
    %swap3A_4879 = arith.constant 0 : index
    %swap3A_4880 = vector.load %arg14[%swap3A_4878, %swap3A_4879] : memref<1x16xf32, #tpu.memory_space<vmem>>, vector<1x16xf32>
    tpu.vector_store %arg14[%swap3A_4878, %swap3A_4879], %broadcast_in_dim3A_4877 {strides = array<i32>} : memref<1x16xf32, #tpu.memory_space<vmem>>, vector<1x16xf32>,
    %slice3A_4881 = vector.extract_strided_slice %dot_general3A_4854 {offsets = [0, 32], sizes = [16, 15], strides = [1, 1]} : vector<16x62xf32> to vector<16x15xf32>
    %mul3A_4882 = arith.mulf %slice3A_4881, %convert_element_type3A_4864 : vector<16x15xf32>
    %reduce_sum3A_4883 = arith.constant dense<0.000000e+00> : vector<15xf32>
    %reduce_sum3A_4884 = vector.multi_reduction <add>, %mul3A_4882, %reduce_sum3A_4883 [0] : vector<16x15xf32> to vector<15xf32>
    %broadcast_in_dim3A_4885 = vector.shape_cast %reduce_sum3A_4884 : vector<15xf32> to vector<1x15xf32>
    %swap3A_4886 = arith.constant 0 : index
    %swap3A_4887 = arith.constant 0 : index
    %swap3A_4888 = vector.load %arg15[%swap3A_4886, %swap3A_4887] : memref<1x16xf32, #tpu.memory_space<vmem>>, vector<1x15xf32>
    tpu.vector_store %arg15[%swap3A_4886, %swap3A_4887], %broadcast_in_dim3A_4885 {strides = array<i32>} : memref<1x16xf32, #tpu.memory_space<vmem>>, vector<1x15xf32>,
    %slice3A_4889 = vector.extract_strided_slice %dot_general3A_4854 {offsets = [0, 47], sizes = [16, 15], strides = [1, 1]} : vector<16x62xf32> to vector<16x15xf32>
    %mul3A_4890 = arith.mulf %slice3A_4889, %convert_element_type3A_4864 : vector<16x15xf32>
    %reduce_sum3A_4891 = arith.constant dense<0.000000e+00> : vector<15xf32>
    %reduce_sum3A_4892 = vector.multi_reduction <add>, %mul3A_4890, %reduce_sum3A_4891 [0] : vector<16x15xf32> to vector<15xf32>
    %broadcast_in_dim3A_4893 = vector.shape_cast %reduce_sum3A_4892 : vector<15xf32> to vector<1x15xf32>
    %swap3A_4894 = arith.constant 0 : index
    %swap3A_4895 = arith.constant 0 : index
    %swap3A_4896 = vector.load %arg16[%swap3A_4894, %swap3A_4895] : memref<1x16xf32, #tpu.memory_space<vmem>>, vector<1x15xf32>
    tpu.vector_store %arg16[%swap3A_4894, %swap3A_4895], %broadcast_in_dim3A_4893 {strides = array<i32>} : memref<1x16xf32, #tpu.memory_space<vmem>>, vector<1x15xf32>,
    %broadcast_in_dim3A_4897 = arith.constant -1.000000e+00 : f32
    %broadcast_in_dim3A_4898 = vector.broadcast %broadcast_in_dim3A_4897 : f32 to vector<1x1xf32>
    %concatenate3A_4899 = tpu.concatenate %add3A_4840, %add3A_4828, %add3A_4816, %add3A_4804, %add3A_4792, %add3A_4780, %add3A_4768, %add3A_4756, %add3A_4744, %add3A_4732, %add3A_4720, %add3A_4708, %add3A_4696, %add3A_4684, %add3A_4672, %broadcast_in_dim3A_4898 in 0 : vector<1x1xf32>, vector<1x1xf32>, vector<1x1xf32>, vector<1x1xf32>, vector<1x1xf32>, vector<1x1xf32>, vector<1x1xf32>, vector<1x1xf32>, vector<1x1xf32>, vector<1x1xf32>, vector<1x1xf32>, vector<1x1xf32>, vector<1x1xf32>, vector<1x1xf32>, vector<1x1xf32>, vector<1x1xf32> -> vector<16x1xf32>
    %eq3A_4900 = vector.broadcast %convert_element_type3A_5 : vector<1x1936xf32> to vector<16x1936xf32>
    %eq3A_4901 = vector.broadcast %concatenate3A_4899 : vector<16x1xf32> to vector<16x1936xf32>
    %eq3A_4902 = arith.cmpf oeq, %eq3A_4900, %eq3A_4901 : vector<16x1936xf32>
    %convert_element_type3A_4903 = arith.extui %eq3A_4902 : vector<16x1936xi1> to vector<16x1936xi32>
    %convert_element_type3A_4904 = arith.sitofp %convert_element_type3A_4903 : vector<16x1936xi32> to vector<16x1936xf32>
    %convert_element_type3A_4905 = arith.truncf %convert_element_type3A_4904 : vector<16x1936xf32> to vector<16x1936xbf16>
    %get3A_4906 = arith.constant 0 : index
    %get3A_4907 = arith.constant 1280 : index
    %get3A_4908 = vector.load %arg18[%get3A_4906, %get3A_4907] : memref<1936x1408xbf16, #tpu.memory_space<vmem>>, vector<1936x64xbf16>
    %dot_general3A_4909 = arith.constant dense<0.000000e+00> : vector<16x64xf32>
    %dot_general3A_4910 = tpu.matmul %convert_element_type3A_4905, %get3A_4908, %dot_general3A_4909 {dimension_numbers = #tpu.dot_dimension_numbers<[1], [0], [0], [1], [0, 0, 1, 1], [], []>, transpose_lhs_hint = false} : vector<16x1936xbf16>, vector<1936x64xbf16>, vector<16x64xf32> -> vector<16x64xf32>
    %get3A_4911 = arith.constant 0 : index
    %get3A_4912 = arith.constant 1280 : index
    %get3A_4913 = vector.load %arg19[%get3A_4911, %get3A_4912] : memref<1936x1408xbf16, #tpu.memory_space<vmem>>, vector<1936x64xbf16>
    %dot_general3A_4914 = arith.constant dense<0.000000e+00> : vector<16x64xf32>
    %dot_general3A_4915 = tpu.matmul %convert_element_type3A_4905, %get3A_4913, %dot_general3A_4914 {dimension_numbers = #tpu.dot_dimension_numbers<[1], [0], [0], [1], [0, 0, 1, 1], [], []>, transpose_lhs_hint = false} : vector<16x1936xbf16>, vector<1936x64xbf16>, vector<16x64xf32> -> vector<16x64xf32>
    %add3A_4916 = arith.addf %dot_general3A_4910, %dot_general3A_4915 : vector<16x64xf32>
    %get3A_4917 = arith.constant 0 : index
    %get3A_4918 = arith.constant 1280 : index
    %get3A_4919 = vector.load %arg20[%get3A_4917, %get3A_4918] : memref<1936x1408xbf16, #tpu.memory_space<vmem>>, vector<1936x64xbf16>
    %dot_general3A_4920 = arith.constant dense<0.000000e+00> : vector<16x64xf32>
    %dot_general3A_4921 = tpu.matmul %convert_element_type3A_4905, %get3A_4919, %dot_general3A_4920 {dimension_numbers = #tpu.dot_dimension_numbers<[1], [0], [0], [1], [0, 0, 1, 1], [], []>, transpose_lhs_hint = false} : vector<16x1936xbf16>, vector<1936x64xbf16>, vector<16x64xf32> -> vector<16x64xf32>
    %add3A_4922 = arith.addf %add3A_4916, %dot_general3A_4921 : vector<16x64xf32>
    %swap3A_4923 = arith.constant 0 : index
    %swap3A_4924 = arith.constant 0 : index
    %swap3A_4925 = vector.load %arg17[%swap3A_4923, %swap3A_4924] : memref<16x64xf32, #tpu.memory_space<vmem>>, vector<16x64xf32>
    tpu.vector_store %arg17[%swap3A_4923, %swap3A_4924], %add3A_4922 {strides = array<i32>} : memref<16x64xf32, #tpu.memory_space<vmem>>, vector<16x64xf32>,
    return
  }
}

</mosaic_0001>

<sc_bundles>
// kernel: gather_offload_async_start.1
scs
__scs_entry_jumppad:
0x0: {  	(pc) =	sbr.rel $0x88, $3  }
0x1: {  	(tag) =	ssettag $0x0;
	lr =	simm.s32 $0x1  }
0x2: {  	[smem:$0x3F99] =	sst lr;
	_ =	strace $0xD0000000  }
0x3: {  	_ = 	snop  }
0x4: {  	_ = 	snop  }
0x5: {  	_ = 	snop  }
0x6: {  	_ = 	snop  }
0x7: {  	_ = 	snop  }
__scs_overlays_trampoline_lowered:
0x8: {  	[smem:$0x3FA8] =	sst s0  }
0x9: {  	[smem:$0x3FA9] =	sst s1  }
0xa: {  	[smem:$0x3FAA] =	sst s2  }
0xb: {  	[smem:$0x3FAB] =	sst s3  }
0xc: {  	[smem:$0x3FAC] =	sst s4  }
0xd: {  	[smem:$0x3FAD] =	sst s5  }
0xe: {  	[smem:$0x3FAE] =	sst s6  }
0xf: {  	[smem:$0x3FAF] =	sst s7  }
0x10: {  	[smem:$0x3FB0] =	sst s8  }
0x11: {  	[smem:$0x3FB1] =	sst s9;
	s0 =	simm.s32 @!p0 $0x0  }
0x12: {  	s1 =	sld [smem:$0x3F97];
	s0 =	simm.s32 @p0 $0x1  }
0x13: {  	[smem:$0x3FB2] =	sst s0;
	s0 =	simm.s32 @!p1 $0x0  }
0x14: {  	s2 =	sld [smem:$0x3F96];
	s0 =	simm.s32 @p1 $0x1  }
0x15: {  	[smem:$0x3FB3] =	sst s0;
	s0 =	simm.s32 @!p2 $0x0  }
0x16: {  	s3 =	sld [smem:$0x3FDB];
	s0 =	simm.s32 @p2 $0x1  }
0x17: {  	s4 =	simm.s32 $0x1BF5;
	[smem:$0x3FB5] =	sst s0  }
0x18: {  	s0 =	sld [smem:$0x3F98];
	_ =	swait.ge [sflag:s4], $0x0  }
0x19: {  	s7 =	sld [smem:$0x3F99]  }
0x1a: {  	s8 =	sadd.s32 $0xFFFFE003, lr  }
0x1b: {  	s9 =	sadd.s32 $0xFFFFFEF7, lr;
	s5 =	simm.s32 $0xFFFFFFFF;
	p2 =	slt.u32 s8, $0xFFFFF086  }
0x1c: {  	p1 =	slt.u32 s9, $0xF7A;
	s5 =	simm.s32 @!p2 $0x0  }
0x1d: {  	s5 =	simm.s32 @p1 $0x1;
	p0 =	seq.s32 s7, s2  }
0x1e: {  	s7 =	smul.u32 @!p0 $0xF7A, s2;
	p2 =	seq.s32 @!p0 s5, $0x0  }
0x1f: {  	s9 =	smul.u32 $0xF7A, s1;
	s8 =	simm.s32 @!p0 $0x1BF5;
	p2 =	por !p2, p0  }
0x20: {  	[sflag:s8] =	ssyncset.s32 @!p0 $0xFFFFF086;
	s6 =	sadd.s32 @!p0 s3, s7;
	s7 =	simm.s32 @!p0 $0x108  }
0x21: {  	s3 =	sadd.s32 s3, s9;
	s6 =	sadd.s32 @!p0 $0x88, s6;
	s7 =	simm.s32 @p2 $0x1082  }
0x22: {  	[simem:s7], [sflag:s8] =	dma.local @!p0 [hbm:s6], $0xF7A  }
0x23: {  	s9 =	sor.u32 $0xD0000000, s2;
	s6 =	simm.s32 $0x108;
	_ =	swait.ge @!p0 [sflag:s8], $0x0  }
0x24: {  	s3 =	sadd.s32 $0x88, s3;
	s6 =	simm.s32 @!p1 $0x1082;
	[sflag:s4] =	ssyncset.s32 $0xFFFFF086  }
0x25: {  	[simem:s6], [sflag:s4] =	dma.local [hbm:s3], $0xF7A  }
0x26: {  	[smem:$0x3F99] =	sst s1;
	(tag) =	ssettag s2;
	_ =	strace s9  }
0x27: {  	s1 =	sld [smem:$0x3FA9]  }
0x28: {  	s2 =	sld [smem:$0x3FAA]  }
0x29: {  	s4 =	sld [smem:$0x3FAC]  }
0x2a: {  	p0 =	seq.s32 s5, $0x0;
	s5 =	sld [smem:$0x3FAD]  }
0x2b: {  	s6 =	sld [smem:$0x3FAE]  }
0x2c: {  	s7 =	sld [smem:$0x3FAF]  }
0x2d: {  	s3 =	simm.s32 $0x108;
	s8 =	sld [smem:$0x3FB0]  }
0x2e: {  	s3 =	simm.s32 @!p0 $0x1082;
	s9 =	sld [smem:$0x3FB1]  }
0x2f: {  	lr =	sadd.s32 s0, s3;
	s0 =	sld [smem:$0x3FA8]  }
0x30: {  	s3 =	sld [smem:$0x3FAB]  }
0x31: {  	[smem:$0x3FB4] =	sst s10  }
0x32: {  	s10 =	sld [smem:$0x3FB2];
	_ =	sdelay $0x3  }
0x33: {  	p0 =	seq.s32 s10, $0x1;
	s10 =	sld [smem:$0x3FB4];
	_ =	sdelay $0x3  }
0x34: {  	[smem:$0x3FB4] =	sst s10  }
0x35: {  	s10 =	sld [smem:$0x3FB3];
	_ =	sdelay $0x3  }
0x36: {  	p1 =	seq.s32 s10, $0x1;
	s10 =	sld [smem:$0x3FB4];
	_ =	sdelay $0x3  }
0x37: {  	[smem:$0x3FB4] =	sst s10  }
0x38: {  	s10 =	sld [smem:$0x3FB5]  }
0x39: {  	_ = 	snop;
	(pc) =	sbr.ind lr, $3  }
0x3a: {  	_ = 	snop  }
0x3b: {  	_ = 	snop  }
0x3c: {  	p2 =	seq.s32 s10, $0x1;
	s10 =	sld [smem:$0x3FB4]  }
0x3d: {  	_ =	shalt  }
0x3e: {  	_ =	shalt  }
0x3f: {  	_ =	shalt  }
0x40: {  	_ =	shalt  }
0x41: {  	_ =	shalt  }
0x42: {  	_ =	shalt  }
0x43: {  	_ =	shalt  }
0x44: {  	_ =	shalt  }
0x45: {  	_ =	shalt  }
0x46: {  	_ =	shalt  }
0x47: {  	_ =	shalt  }
0x48: {  	_ =	shalt  }
0x49: {  	_ =	shalt  }
0x4a: {  	_ =	shalt  }
0x4b: {  	_ =	shalt  }
0x4c: {  	_ =	shalt  }
0x4d: {  	_ =	shalt  }
0x4e: {  	_ =	shalt  }
0x4f: {  	_ =	shalt  }
0x50: {  	_ =	shalt  }
0x51: {  	_ =	shalt  }
0x52: {  	_ =	shalt  }
0x53: {  	_ =	shalt  }
0x54: {  	_ =	shalt  }
0x55: {  	_ =	shalt  }
0x56: {  	_ =	shalt  }
0x57: {  	_ =	shalt  }
0x58: {  	_ =	shalt  }
0x59: {  	_ =	shalt  }
0x5a: {  	_ =	shalt  }
0x5b: {  	_ =	shalt  }
0x5c: {  	_ =	shalt  }
0x5d: {  	_ =	shalt  }
0x5e: {  	_ =	shalt  }
0x5f: {  	_ =	shalt  }
0x60: {  	_ =	shalt  }
0x61: {  	_ =	shalt  }
0x62: {  	_ =	shalt  }
0x63: {  	_ =	shalt  }
0x64: {  	_ =	shalt  }
0x65: {  	_ =	shalt  }
0x66: {  	_ =	shalt  }
0x67: {  	_ =	shalt  }
0x68: {  	_ =	shalt  }
0x69: {  	_ =	shalt  }
0x6a: {  	_ =	shalt  }
0x6b: {  	_ =	shalt  }
0x6c: {  	_ =	shalt  }
0x6d: {  	_ =	shalt  }
0x6e: {  	_ =	shalt  }
0x6f: {  	_ =	shalt  }
0x70: {  	_ =	shalt  }
0x71: {  	_ =	shalt  }
0x72: {  	_ =	shalt  }
0x73: {  	_ =	shalt  }
0x74: {  	_ =	shalt  }
0x75: {  	_ =	shalt  }
0x76: {  	_ =	shalt  }
0x77: {  	_ =	shalt  }
0x78: {  	_ =	shalt  }
0x79: {  	_ =	shalt  }
0x7a: {  	_ =	shalt  }
0x7b: {  	_ =	shalt  }
0x7c: {  	_ =	shalt  }
0x7d: {  	_ =	shalt  }
0x7e: {  	_ =	shalt  }
0x7f: {  	_ =	shalt  }
0x80: {  	_ =	shalt  }
0x81: {  	_ =	shalt  }
0x82: {  	_ =	shalt  }
0x83: {  	_ =	shalt  }
0x84: {  	_ =	shalt  }
0x85: {  	_ =	shalt  }
0x86: {  	_ =	shalt  }
0x87: {  	_ =	shalt  }
.Lfunc_end0:
.L_simem_size_0:
called_computation.1_lowered:
.L_overlay_start_0:
0x88: {  	s2 =	sld [smem:$0x3FD9]  }
0x89: {  	s3 =	sld [smem:$0x3FFE];
	_ =	sdelay $0x1  }
0x8a: {  	s1 =	srdreg.scid  }
0x8b: {  	s0 =	sand.u32 $0x1, s1  }
0x8c: {  	s14 =	sshll.u32 s0, $0xA;
	s2 =	sadd.s32 s3, s2  }
0x8d: {  	s2 =	sadd.s32 s2, s14  }
0x8e: {  	[smem:$0x3FC0] =	sst s2  }
0x8f: {  	_ = 	snop  }
0x90: {  	s2 =	sld [smem:$0x3FD0];
	_ =	sdelay $0x2  }
0x91: {  	s15 =	simm.s32 $0xB;
	s4 =	simm.s32 $0x10  }
0x92: {  	[smem:s4], [sflag:s15] =	dma.local [hbm:s2], $0x1  }
0x93: {  	_ =	swait.eq [sflag:s15], $0x1  }
0x94: {  	[sflag:s15] =	ssyncset.done $0x0  }
0x95: {  	[sflag:s15] =	ssyncadd.s32 $0xFFFFFFFF  }
0x96: {  	s16 =	sld [smem:$0x16];
	(tm) =	ssettm $0x1  }
0x97: {  	s17 =	sld [smem:$0x3FFB];
	_ =	sdelay $0x3  }
0x98: {  	_ =	strace s17  }
0x99: {  	s3 =	sld [smem:$0x3FFC];
	_ =	sdelay $0x3  }
0x9a: {  	_ =	strace s3  }
0x9b: {  	s3 =	sld [smem:$0x3FFD];
	_ =	sdelay $0x3  }
0x9c: {  	_ =	strace s3  }
0x9d: {  	_ =	strace $0x8FFFFFFF  }
0x9e: {  	s18 =	sld [smem:$0x3FDB];
	_ =	sdelay $0x1  }
0x9f: {  	s19 =	simm.s32 $_scs_section_size  }
0xa0: {  	s5 =	simm.s32 $_size__tile_overlayer_lowered;
	s6 =	simm.s32 $_tile_overlayer_lowered  }
0xa1: {  	s22 =	simm.s32 $0x1BFF;
	s21 =	sshll.u32 s6, $0x1;
	s3 =	sadd.s32 s19, s18  }
0xa2: {  	s7 =	simm.s32 $0x0;
	s20 =	sshll.u32 s5, $0x1;
	s5 =	sadd.s32 s21, s3  }
0xa3: {  	[timem:s7], [sflag:s22] =	dma.local [hbm:s5], s20  }
0xa4: {  	_ =	swait.ge [sflag:s22], s20  }
0xa5: {  	s4 =	ssub.s32 $0x0, s20;
	[sflag:s22] =	ssyncset.done $0x0  }
0xa6: {  	[sflag:s22] =	ssyncadd.s32 s4;
	_ =	sdelay $0x1  }
0xa7: {  	s23 =	simm.s32 $0x1B8B  }
0xa8: {  	_ =	swait.ge [sflag:s23], $0x1  }
0xa9: {  	[sflag:s23] =	ssyncset.done $0x0  }
0xaa: {  	s25 =	simm.s32 $0x1B8E;
	s24 =	sld [smem:$0x3FFE];
	[sflag:s23] =	ssyncadd.s32 $0xFFFFFFFF  }
0xab: {  	s26 =	simm.s32 $execute0_lowered;
	[smem:$0x3FD2] =	sst s25  }
0xac: {  	s5 =	sshll.u32 s26, $0x1;
	_ =	strace $0x80000046;
	[dreg:$0x1] =	wrdreg $0xFFFFFFFF  }
0xad: {  	s28 =	simm.s32 $_size_execute0_lowered;
	s3 =	sadd.s32 s3, s5;
	[dreg:$0x0] =	wrdreg $0x0  }
0xae: {  	s5 =	sshll.u32 s28, $0x1;
	[dreg:$0x2] =	wrdreg s3  }
0xaf: {  	[dreg:$0x3] =	wrdreg s5  }
0xb0: {  	[dreg:$0x4] =	wrdreg $0xC0  }
0xb1: {  	_ =	task [dreg:s7], $0x5FFFF  }
0xb2: {  	[dreg:$0x1] =	wrdreg $0xFFFFFFFF  }
0xb3: {  	[dreg:$0x0] =	wrdreg $0x60  }
0xb4: {  	[dreg:$0x2] =	wrdreg s16  }
0xb5: {  	[dreg:$0x3] =	wrdreg s24  }
0xb6: {  	[dreg:$0x4] =	wrdreg $0xA  }
0xb7: {  	_ =	task.clear_ibuf [dreg:s7], $0x5FFFF;
	_ =	strace $0x90000046  }
0xb8: {  	s29 =	simm.s32 $0xA;
	_ =	strace $0x80000048  }
0xb9: {  	_ =	swait.ge [sflag:s29], $0x1  }
0xba: {  	[sflag:s29] =	ssyncadd.s32 $0xFFFFFFFF  }
0xbb: {  	_ =	strace $0x90000048  }
0xbc: {  	_ =	sfence  }
0xbd: {  	s30 =	sld [smem:$0x0];
	_ =	sdelay $0x2  }
0xbe: {  	s31 =	sshll.u32 s1, $0xD;
	s1 =	sshrl.u32 s1, $0x2  }
0xbf: {  	s3 =	sand.u32 $0x4000, s31;
	s1 =	sadd.s32 s1, s30  }
0xc0: {  	s0 =	sor.u32 s3, s0;
	s1 =	sshll.u32 s1, $0x11  }
0xc1: {  	s0 =	sor.u32 s1, s0  }
0xc2: {  	s0 =	sadd.s32 $0x8F2B, s0  }
0xc3: {  	[sflag:s0] =	ssyncadd.remote.s32 $0x1  }
0xc4: {  	_ =	sfence.sel $0xFFFF  }
0xc5: {  	[dreg:$0x0] =	wrdreg $0xFFFFFFFF;
	(pc) =	sbr.abs _section_cstart, $3  }
0xc6: {  	[dreg:$0x1] =	wrdreg $0xFFFFFFFF  }
0xc7: {  	_ =	task.clear_ibuf [dreg:s7], $0x2FFFF;
	_ =	strace $0x9FFFFFFF  }
0xc8: {  	(tm) =	ssettm $0x7FFFFFFF  }
0xc9: {  	_ =	shalt  }
tec
execute0_lowered:
.L_overlay_start_1:
0x0: {  	(tag) =	ssettag $0x1  }
0x1: {  	s2 =	rddreg [dreg:$0x0];
	s0 =	stileid.u32  }
0x2: {  	s1 =	srdreg.scid;
	s8 =	rddreg [dreg:$0x1]  }
0x3: {  	s5 =	simm.s32 $0x1;
	s9 =	simm.s32 $0x1;
	s10 =	simm.s32 $0x3  }
0x4: {  	s13 =	simm.s32 $0x0;
	s3 =	sand.u32 $0x1, s1;
	s4 =	sshll.u32 s0, $0x1  }
0x5: {  	s12 =	simm.s32 $0x0;
	s1 =	rddreg [dreg:$0x2];
	s6 =	sor.u32 s4, s3  }
0x6: {  	_ =	strace $0x80000047;
	s3 =	sadd.s32 $0x3200, s8;
	s4 =	smul.u32 $0x30, s6  }
0x7: {  	[sflag:s5] =	ssyncpa.u1 $0x0;
	p0 =	slt.u32 s6, $0x9;
	s6 =	simm.s32 $0x600  }
.Ltmp0:
0x8: {  	s6 =	simm.s32 @!p0 $0x0;
	s7 =	ssub.s32 $0x780, s4;
	(pc) =	sbr.rel .LBB2_1-.Ltmp0, $4  }
0x9: {  	s9 =	simm.s32 @!p0 $0x0;
	p0 =	sne.s32 s7, s6;
	s7 =	simm.s32 $0x1  }
0xa: {  	s8 =	sadd.s32 $0x3400, s8;
	s6 =	simm.s32 $0x2;
	s7 =	simm.s32 @!p0 $0x0  }
0xb: {  	s11 =	smov.u32 s4;
	[sflag:s6] =	ssyncpa.u1 $0x0;
	s7 =	sadd.s32 s9, s7  }
0xc: {  	vm0 =	vmmov $0xffff;
	[sflag:s10] =	ssyncpa.u1 $0x0;
	s10 =	simm.s32 $0x0;
	s9 =	sadd.s32 $0x1, s7  }
.LBB2_4:
0xd: {  	v2 =	vand.u32 $0xFFFFFC00, v1;
	v3 =	vand.u32 $0xFFFFFC00, v0  }
0xe: {  	v62 =	vand.u32 $0x380, v1;
	v2 =	vadd.s32 v3, v2  }
0xf: {  	v63 =	vand.u32 $0x7F, v0;
	v1 =	vor.u32 v62, v2  }
0x10: {  	v0 =	vor.u32 v63, v1;
	_ =	sdelay $0x3  }
0x11: {  	(ifvalue) =	ssetifvalue $0x7FFFFFFF;
	s15 =	sadd.s32 $0x10, s15  }
0x12: {  	[tilespmem:s15], [sflag:$0x1] =	stream.indirect_vreg.gather [hbm4b:s2+s10], $0x1, v0, vm0, $0x4038;
	[tilespmem:$0xC0] =	vst v63  }
0x13: {  	_ =	swait.ge [sflag:s5], $0x30  }
0x14: {  	s30 =	sshrl.u32 s13, $0x3;
	[sflag:s5] =	ssyncset.done $0x0  }
0x15: {  	s31 =	sand.u32 $0x7, s13;
	s15 =	sadd.s32 s8, s30;
	[sflag:s5] =	ssyncadd.s32 $0xFFFFFFD0  }
0x16: {  	[hbm4b:s15+s31] =	stream.linear.scatter [tilespmem:s14], [sflag:$0x3], $0x30, $0x38;
	[tilespmem:$0xC0] =	vst v63  }
.LBB2_5:
0x17: {  	s15 =	sadd.s32 $0x600, s11  }
0x18: {  	p1 =	sgt.s32 s15, $0x77F  }
0x19: {  	s15 =	smov.u32 @p1 s4;
	p1 =	sne.s32 s12, s9  }
.Ltmp1:
0x1a: {  	p0 =	slt.u32 s12, $0x2;
	(pc) =	sbr.rel @!p1 .LBB2_6-.Ltmp1, $4  }
0x1b: {  	s14 =	simm.s32 @!p0 $0x3  }
0x1c: {  	_ =	swait.ge @!p0 [sflag:s14], $0x30  }
0x1d: {  	s16 =	sadd.s32 $0x1, s12;
	s13 =	smov.u32 s11;
	[sflag:s14] =	ssyncset.done @!p0 $0x0  }
0x1e: {  	s12 =	smov.u32 s16;
	s11 =	smov.u32 s15;
	[sflag:s14] =	ssyncadd.s32 @!p0 $0xFFFFFFD0  }
.LBB2_1:
0x1f: {  	p0 =	sge.u32 s12, s7  }
0x20: {  	s14 =	sxor.u32 @!p0 $0x1, s12  }
0x21: {  	s14 =	smul.u32 @!p0 $0xC0, s14  }
0x22: {  	s31 =	sadd.s32 $0xFFFFFFFF, s12;
	s15 =	sshrl.u32 @!p0 s11, $0x3  }
0x23: {  	s16 =	sand.u32 @!p0 $0x7, s11;
	s15 =	sadd.s32 @!p0 s3, s15;
	s14 =	sshra.s32 @!p0 s14, $0x2  }
0x24: {  	[tilespmem:s14], [sflag:$0x2] =	stream.linear.gather @!p0 [hbm4b:s15+s16], $0x30, $0x38;
	[tilespmem:$0xC0] =	vst v63  }
0x25: {  	p0 =	sge.u32 s31, s7  }
.Ltmp2:
0x26: {  	_ = 	snop;
	(pc) =	sbr.rel @p0 .LBB2_5-.Ltmp2, $1  }
0x27: {  	_ =	sdelay $0x3  }
0x28: {  	s14 =	sand.u32 $0x1, s12  }
0x29: {  	_ =	swait.ge [sflag:s6], $0x30;
	p0 =	seq.s32 s14, $0x1;
	s14 =	simm.s32 $0x30  }
0x2a: {  	[sflag:s6] =	ssyncset.done $0x0;
	s14 =	simm.s32 @!p0 $0x0  }
0x2b: {  	[sflag:s6] =	ssyncadd.s32 $0xFFFFFFD0;
	(ifvalue) =	ssetifvalue $0x7FFFFFFF;
	v0 =	vld.msk [tilespmem:s14+$0x0 ss:$0x1], $0xffff;
	_ =	sdelay $0x4  }
0x2c: {  	v1 =	vshrl.u32 v0, $0x4;
	v2 =	vshll.u32 v0, $0x7  }
0x2d: {  	vm1 =	veq.s32 v0, $0x80000000;
	v0 =	vand.u32 $0x7F, v1;
	v1 =	vand.u32 $0x780, v2  }
0x2e: {  	v0 =	vsel vm1, $0xFFFFFFFF, v0;
	v1 =	vsel vm1, $0xFFFFFF80, v1  }
0x2f: {  	v2 =	vand.u32 $0xFFFFFC00, v1;
	v3 =	vand.u32 $0xFFFFFC00, v0  }
0x30: {  	s15 =	sadd.s32 $0x10, s14;
	v1 =	vand.u32 $0x380, v1;
	v2 =	vadd.s32 v3, v2  }
0x31: {  	v0 =	vand.u32 $0x7F, v0;
	v1 =	vor.u32 v1, v2;
	v2 =	vld.msk [tilespmem:s15+$0x0 ss:$0x1], $0xffff  }
0x32: {  	v0 =	vor.u32 v0, v1;
	_ =	sdelay $0x3  }
0x33: {  	s14 =	sadd.s32 $0x60, s14;
	(ifvalue) =	ssetifvalue $0x7FFFFFFF;
	v1 =	vshrl.u32 v2, $0x4;
	v3 =	vshll.u32 v2, $0x7  }
0x34: {  	vm1 =	veq.s32 v2, $0x80000000;
	[tilespmem:s14], [sflag:$0x1] =	stream.indirect_vreg.gather [hbm4b:s2+s10], $0x1, v0, vm0, $0x4038;
	v0 =	vand.u32 $0x7F, v1;
	v1 =	vand.u32 $0x780, v3;
	[tilespmem:$0xC0] =	vst v63  }
0x35: {  	s16 =	simm.s32 $0x10;
	s17 =	sadd.s32 $0x10, s15;
	s15 =	smov.u32 s14;
	v0 =	vsel vm1, $0xFFFFFFFF, v0;
	v1 =	vsel vm1, $0xFFFFFF80, v1  }
.LBB2_3:
0x36: {  	v2 =	vld.msk [tilespmem:s17+$0x0 ss:$0x1], $0xffff;
	s16 =	sadd.s32 $0x10, s16;
	v3 =	vand.u32 $0xFFFFFC00, v1;
	v4 =	vand.u32 $0xFFFFFC00, v0  }
0x37: {  	v1 =	vand.u32 $0x380, v1;
	p0 =	slt.u32 s16, $0x20;
	v3 =	vadd.s32 v4, v3  }
0x38: {  	v0 =	vand.u32 $0x7F, v0;
	v1 =	vor.u32 v1, v3  }
0x39: {  	v3 =	vor.u32 v0, v1  }
.Ltmp3:
0x3a: {  	(pc) =	sbr.rel @p0 .LBB2_3-.Ltmp3, $4  }
0x3b: {  	_ = 	snop  }
0x3c: {  	v0 =	vshrl.u32 v2, $0x4;
	v1 =	vshll.u32 v2, $0x7  }
0x3d: {  	s17 =	sadd.s32 $0x10, s17;
	s15 =	sadd.s32 $0x10, s15;
	vm1 =	veq.s32 v2, $0x80000000;
	v0 =	vand.u32 $0x7F, v0;
	v1 =	vand.u32 $0x780, v1;
	(ifvalue) =	ssetifvalue $0x7FFFFFFF  }
0x3e: {  	v0 =	vsel vm1, $0xFFFFFFFF, v0;
	v1 =	vsel vm1, $0xFFFFFF80, v1;
	[tilespmem:s15], [sflag:$0x1] =	stream.indirect_vreg.gather [hbm4b:s2+s10], $0x1, v3, vm0, $0x4038;
	[tilespmem:$0xC0] =	vst v63  }
.Ltmp4:
0x3f: {  	_ = 	snop;
	(pc) =	sbr.rel .LBB2_4-.Ltmp4, $1  }
0x40: {  	_ =	sdelay $0x3  }
.LBB2_6:
0x41: {  	_ =	sfence.sel $0x180000  }
0x42: {  	s2 =	simm.s32 $0x2;
	[bflag:$0x0] =	sbarrier.arrive $0xFFFF  }
0x43: {  	s30 =	simm.s32 $0x3;
	[sflag:s2] =	ssyncpa.u1 $0x1  }
0x44: {  	s31 =	simm.s32 $0x1;
	[sflag:s30] =	ssyncpa.u1 $0x1  }
0x45: {  	[sflag:s31] =	ssyncpa.u1 $0x1  }
0x46: {  	p0 =	sne.s32 s0, $0x0;
	_ =	strace $0x90000047  }
0x47: {  	s0 =	sadd.s32 @!p0 $0x100000, s1;
	[bflag:$0x2] =	sbarrier.arrive $0xFFFF  }
0x48: {  	[sflag:s0] =	ssyncadd.tile.s32 @!p0 $0x1;
	_ =	shalt  }
.Lfunc_end2:
_tile_overlayer_lowered:
.L_overlay_start_2:
0x49: {  	(tag) =	ssettag $0x2  }
0x4a: {  	s0 =	rddreg [dreg:$0x0];
	s2 =	stileid.u32  }
0x4b: {  	s1 =	rddreg [dreg:$0x1];
	p0 =	sne.s32 s2, $0x0  }
0x4c: {  	s3 =	rddreg [dreg:$0x2];
	[bflag:$0x3] =	sbarrier.arrive $0xFFFF;
	s2 =	simm.s32 @!p0 $0x1C01  }
0x4d: {  	[timem:s3], [sflag:s2] =	dma.local @!p0 [hbm:s0], s1  }
0x4e: {  	s0 =	simm.s32 @!p0 $0x1  }
0x4f: {  	_ =	swait.ge @!p0 [sflag:s0], s1  }
0x50: {  	s1 =	ssub.s32 @!p0 $0x0, s1;
	[sflag:s0] =	ssyncset.done @!p0 $0x0  }
0x51: {  	[sflag:s0] =	ssyncadd.s32 @!p0 s1  }
0x52: {  	[bflag:$0x3] =	sbarrier.arrive $0xFFFF  }
0x53: {  	_ =	shalt  }

// kernel: gather_offload_async_start
scs
__scs_entry_jumppad:
0x0: {  	(pc) =	sbr.rel $0x88, $3  }
0x1: {  	(tag) =	ssettag $0x0;
	lr =	simm.s32 $0x1  }
0x2: {  	[smem:$0x3F99] =	sst lr;
	_ =	strace $0xD0000000  }
0x3: {  	_ = 	snop  }
0x4: {  	_ = 	snop  }
0x5: {  	_ = 	snop  }
0x6: {  	_ = 	snop  }
0x7: {  	_ = 	snop  }
__scs_overlays_trampoline_lowered:
0x8: {  	[smem:$0x3FA8] =	sst s0  }
0x9: {  	[smem:$0x3FA9] =	sst s1  }
0xa: {  	[smem:$0x3FAA] =	sst s2  }
0xb: {  	[smem:$0x3FAB] =	sst s3  }
0xc: {  	[smem:$0x3FAC] =	sst s4  }
0xd: {  	[smem:$0x3FAD] =	sst s5  }
0xe: {  	[smem:$0x3FAE] =	sst s6  }
0xf: {  	[smem:$0x3FAF] =	sst s7  }
0x10: {  	[smem:$0x3FB0] =	sst s8  }
0x11: {  	[smem:$0x3FB1] =	sst s9;
	s0 =	simm.s32 @!p0 $0x0  }
0x12: {  	s1 =	sld [smem:$0x3F97];
	s0 =	simm.s32 @p0 $0x1  }
0x13: {  	[smem:$0x3FB2] =	sst s0;
	s0 =	simm.s32 @!p1 $0x0  }
0x14: {  	s2 =	sld [smem:$0x3F96];
	s0 =	simm.s32 @p1 $0x1  }
0x15: {  	[smem:$0x3FB3] =	sst s0;
	s0 =	simm.s32 @!p2 $0x0  }
0x16: {  	s3 =	sld [smem:$0x3FDB];
	s0 =	simm.s32 @p2 $0x1  }
0x17: {  	s4 =	simm.s32 $0x1BF5;
	[smem:$0x3FB5] =	sst s0  }
0x18: {  	s0 =	sld [smem:$0x3F98];
	_ =	swait.ge [sflag:s4], $0x0  }
0x19: {  	s7 =	sld [smem:$0x3F99]  }
0x1a: {  	s8 =	sadd.s32 $0xFFFFE003, lr  }
0x1b: {  	s9 =	sadd.s32 $0xFFFFFEF7, lr;
	s5 =	simm.s32 $0xFFFFFFFF;
	p2 =	slt.u32 s8, $0xFFFFF086  }
0x1c: {  	p1 =	slt.u32 s9, $0xF7A;
	s5 =	simm.s32 @!p2 $0x0  }
0x1d: {  	s5 =	simm.s32 @p1 $0x1;
	p0 =	seq.s32 s7, s2  }
0x1e: {  	s7 =	smul.u32 @!p0 $0xF7A, s2;
	p2 =	seq.s32 @!p0 s5, $0x0  }
0x1f: {  	s9 =	smul.u32 $0xF7A, s1;
	s8 =	simm.s32 @!p0 $0x1BF5;
	p2 =	por !p2, p0  }
0x20: {  	[sflag:s8] =	ssyncset.s32 @!p0 $0xFFFFF086;
	s6 =	sadd.s32 @!p0 s3, s7;
	s7 =	simm.s32 @!p0 $0x108  }
0x21: {  	s3 =	sadd.s32 s3, s9;
	s6 =	sadd.s32 @!p0 $0x88, s6;
	s7 =	simm.s32 @p2 $0x1082  }
0x22: {  	[simem:s7], [sflag:s8] =	dma.local @!p0 [hbm:s6], $0xF7A  }
0x23: {  	s9 =	sor.u32 $0xD0000000, s2;
	s6 =	simm.s32 $0x108;
	_ =	swait.ge @!p0 [sflag:s8], $0x0  }
0x24: {  	s3 =	sadd.s32 $0x88, s3;
	s6 =	simm.s32 @!p1 $0x1082;
	[sflag:s4] =	ssyncset.s32 $0xFFFFF086  }
0x25: {  	[simem:s6], [sflag:s4] =	dma.local [hbm:s3], $0xF7A  }
0x26: {  	[smem:$0x3F99] =	sst s1;
	(tag) =	ssettag s2;
	_ =	strace s9  }
0x27: {  	s1 =	sld [smem:$0x3FA9]  }
0x28: {  	s2 =	sld [smem:$0x3FAA]  }
0x29: {  	s4 =	sld [smem:$0x3FAC]  }
0x2a: {  	p0 =	seq.s32 s5, $0x0;
	s5 =	sld [smem:$0x3FAD]  }
0x2b: {  	s6 =	sld [smem:$0x3FAE]  }
0x2c: {  	s7 =	sld [smem:$0x3FAF]  }
0x2d: {  	s3 =	simm.s32 $0x108;
	s8 =	sld [smem:$0x3FB0]  }
0x2e: {  	s3 =	simm.s32 @!p0 $0x1082;
	s9 =	sld [smem:$0x3FB1]  }
0x2f: {  	lr =	sadd.s32 s0, s3;
	s0 =	sld [smem:$0x3FA8]  }
0x30: {  	s3 =	sld [smem:$0x3FAB]  }
0x31: {  	[smem:$0x3FB4] =	sst s10  }
0x32: {  	s10 =	sld [smem:$0x3FB2];
	_ =	sdelay $0x3  }
0x33: {  	p0 =	seq.s32 s10, $0x1;
	s10 =	sld [smem:$0x3FB4];
	_ =	sdelay $0x3  }
0x34: {  	[smem:$0x3FB4] =	sst s10  }
0x35: {  	s10 =	sld [smem:$0x3FB3];
	_ =	sdelay $0x3  }
0x36: {  	p1 =	seq.s32 s10, $0x1;
	s10 =	sld [smem:$0x3FB4];
	_ =	sdelay $0x3  }
0x37: {  	[smem:$0x3FB4] =	sst s10  }
0x38: {  	s10 =	sld [smem:$0x3FB5]  }
0x39: {  	_ = 	snop;
	(pc) =	sbr.ind lr, $3  }
0x3a: {  	_ = 	snop  }
0x3b: {  	_ = 	snop  }
0x3c: {  	p2 =	seq.s32 s10, $0x1;
	s10 =	sld [smem:$0x3FB4]  }
0x3d: {  	_ =	shalt  }
0x3e: {  	_ =	shalt  }
0x3f: {  	_ =	shalt  }
0x40: {  	_ =	shalt  }
0x41: {  	_ =	shalt  }
0x42: {  	_ =	shalt  }
0x43: {  	_ =	shalt  }
0x44: {  	_ =	shalt  }
0x45: {  	_ =	shalt  }
0x46: {  	_ =	shalt  }
0x47: {  	_ =	shalt  }
0x48: {  	_ =	shalt  }
0x49: {  	_ =	shalt  }
0x4a: {  	_ =	shalt  }
0x4b: {  	_ =	shalt  }
0x4c: {  	_ =	shalt  }
0x4d: {  	_ =	shalt  }
0x4e: {  	_ =	shalt  }
0x4f: {  	_ =	shalt  }
0x50: {  	_ =	shalt  }
0x51: {  	_ =	shalt  }
0x52: {  	_ =	shalt  }
0x53: {  	_ =	shalt  }
0x54: {  	_ =	shalt  }
0x55: {  	_ =	shalt  }
0x56: {  	_ =	shalt  }
0x57: {  	_ =	shalt  }
0x58: {  	_ =	shalt  }
0x59: {  	_ =	shalt  }
0x5a: {  	_ =	shalt  }
0x5b: {  	_ =	shalt  }
0x5c: {  	_ =	shalt  }
0x5d: {  	_ =	shalt  }
0x5e: {  	_ =	shalt  }
0x5f: {  	_ =	shalt  }
0x60: {  	_ =	shalt  }
0x61: {  	_ =	shalt  }
0x62: {  	_ =	shalt  }
0x63: {  	_ =	shalt  }
0x64: {  	_ =	shalt  }
0x65: {  	_ =	shalt  }
0x66: {  	_ =	shalt  }
0x67: {  	_ =	shalt  }
0x68: {  	_ =	shalt  }
0x69: {  	_ =	shalt  }
0x6a: {  	_ =	shalt  }
0x6b: {  	_ =	shalt  }
0x6c: {  	_ =	shalt  }
0x6d: {  	_ =	shalt  }
0x6e: {  	_ =	shalt  }
0x6f: {  	_ =	shalt  }
0x70: {  	_ =	shalt  }
0x71: {  	_ =	shalt  }
0x72: {  	_ =	shalt  }
0x73: {  	_ =	shalt  }
0x74: {  	_ =	shalt  }
0x75: {  	_ =	shalt  }
0x76: {  	_ =	shalt  }
0x77: {  	_ =	shalt  }
0x78: {  	_ =	shalt  }
0x79: {  	_ =	shalt  }
0x7a: {  	_ =	shalt  }
0x7b: {  	_ =	shalt  }
0x7c: {  	_ =	shalt  }
0x7d: {  	_ =	shalt  }
0x7e: {  	_ =	shalt  }
0x7f: {  	_ =	shalt  }
0x80: {  	_ =	shalt  }
0x81: {  	_ =	shalt  }
0x82: {  	_ =	shalt  }
0x83: {  	_ =	shalt  }
0x84: {  	_ =	shalt  }
0x85: {  	_ =	shalt  }
0x86: {  	_ =	shalt  }
0x87: {  	_ =	shalt  }
.Lfunc_end0:
.L_simem_size_0:
called_computation_lowered:
.L_overlay_start_0:
0x88: {  	s2 =	sld [smem:$0x3FD9]  }
0x89: {  	s3 =	sld [smem:$0x3FFE];
	_ =	sdelay $0x1  }
0x8a: {  	s1 =	srdreg.scid  }
0x8b: {  	s0 =	sand.u32 $0x1, s1  }
0x8c: {  	s17 =	sshll.u32 s0, $0xA;
	s2 =	sadd.s32 s3, s2  }
0x8d: {  	s2 =	sadd.s32 s2, s17  }
0x8e: {  	[smem:$0x3FC0] =	sst s2  }
0x8f: {  	_ = 	snop  }
0x90: {  	(tm) =	ssettm $0x1  }
0x91: {  	s18 =	sld [smem:$0x3FFB];
	_ =	sdelay $0x3  }
0x92: {  	_ =	strace s18  }
0x93: {  	s2 =	sld [smem:$0x3FFC];
	_ =	sdelay $0x3  }
0x94: {  	_ =	strace s2  }
0x95: {  	s2 =	sld [smem:$0x3FFD];
	_ =	sdelay $0x3  }
0x96: {  	_ =	strace s2  }
0x97: {  	_ =	strace $0x8FFFFFFF  }
0x98: {  	s19 =	sld [smem:$0x3FDB];
	_ =	sdelay $0x1  }
0x99: {  	s20 =	simm.s32 $_scs_section_size  }
0x9a: {  	s4 =	simm.s32 $_size__tile_overlayer_lowered;
	s5 =	simm.s32 $_tile_overlayer_lowered  }
0x9b: {  	s6 =	simm.s32 $0x1BFF;
	s21 =	sshll.u32 s5, $0x1;
	s3 =	sadd.s32 s20, s19  }
0x9c: {  	s22 =	simm.s32 $0x0;
	s4 =	sshll.u32 s4, $0x1;
	s5 =	sadd.s32 s21, s3  }
0x9d: {  	[timem:s22], [sflag:s6] =	dma.local [hbm:s5], s4  }
0x9e: {  	_ =	swait.ge [sflag:s6], s4  }
0x9f: {  	s4 =	ssub.s32 $0x0, s4;
	[sflag:s6] =	ssyncset.done $0x0  }
0xa0: {  	[sflag:s6] =	ssyncadd.s32 s4;
	_ =	sdelay $0x1  }
0xa1: {  	s23 =	simm.s32 $0x1B8B  }
0xa2: {  	_ =	swait.ge [sflag:s23], $0x1  }
0xa3: {  	[sflag:s23] =	ssyncset.done $0x0  }
0xa4: {  	[sflag:s23] =	ssyncadd.s32 $0xFFFFFFFF  }
0xa5: {  	s4 =	sld [smem:$0x0]  }
0xa6: {  	s5 =	sand.u32 $0xFFFFFFFE, s1  }
0xa7: {  	p0 =	sne.s32 s1, s5  }
0xa8: {  	s5 =	sshll.u32 @p0 s5, $0xE  }
0xa9: {  	s5 =	sadd.s32 @p0 $0x11B8D, s5;
	s6 =	sshll.u32 @p0 s4, $0x11  }
0xaa: {  	s5 =	sor.u32 @p0 s6, s5  }
0xab: {  	[sflag:s5] =	ssyncadd.remote.s32 @p0 $0x1;
	_ =	sdelay $0x1  }
0xac: {  	s5 =	simm.s32 @p0 $0x1B8D  }
0xad: {  	_ =	swait.eq @p0 [sflag:s5], $0x1  }
0xae: {  	[sflag:s5] =	ssyncadd.s32 @p0 $0xFFFFFFFF  }
0xaf: {  	s6 =	sshll.u32 @!p0 s1, $0xE  }
0xb0: {  	s6 =	sor.u32 @!p0 $0x4000, s6;
	s5 =	simm.s32 @!p0 $0x1B8D  }
0xb1: {  	s4 =	sshll.u32 @!p0 s4, $0x11;
	s6 =	sadd.s32 @!p0 $0x11B8D, s6;
	_ =	swait.eq @!p0 [sflag:s5], $0x1  }
0xb2: {  	s4 =	sor.u32 @!p0 s4, s6;
	[sflag:s5] =	ssyncadd.s32 @!p0 $0xFFFFFFFF  }
0xb3: {  	s25 =	simm.s32 $0x1B8E;
	s24 =	sld [smem:$0x3FFE];
	[sflag:s4] =	ssyncadd.remote.s32 @!p0 $0x1  }
0xb4: {  	s26 =	simm.s32 $execute0_lowered;
	[smem:$0x3FD2] =	sst s25  }
0xb5: {  	s5 =	sshll.u32 s26, $0x1;
	_ =	strace $0x80000049;
	[dreg:$0x1] =	wrdreg $0xFFFFFFFF  }
0xb6: {  	s28 =	simm.s32 $_size_execute0_lowered;
	s3 =	sadd.s32 s3, s5;
	[dreg:$0x0] =	wrdreg $0x0  }
0xb7: {  	s5 =	sshll.u32 s28, $0x1;
	[dreg:$0x2] =	wrdreg s3  }
0xb8: {  	[dreg:$0x3] =	wrdreg s5  }
0xb9: {  	[dreg:$0x4] =	wrdreg $0xC0  }
0xba: {  	_ =	task [dreg:s22], $0x5FFFF  }
0xbb: {  	[dreg:$0x1] =	wrdreg $0xFFFFFFFF  }
0xbc: {  	[dreg:$0x0] =	wrdreg $0x60  }
0xbd: {  	[dreg:$0x2] =	wrdreg s24  }
0xbe: {  	[dreg:$0x3] =	wrdreg $0x9  }
0xbf: {  	_ =	task.clear_ibuf [dreg:s22], $0x4FFFF;
	_ =	strace $0x90000049  }
0xc0: {  	s29 =	simm.s32 $0x9;
	_ =	strace $0x8000004B  }
0xc1: {  	_ =	swait.ge [sflag:s29], $0x1  }
0xc2: {  	[sflag:s29] =	ssyncadd.s32 $0xFFFFFFFF  }
0xc3: {  	_ =	strace $0x9000004B  }
0xc4: {  	_ =	sfence  }
0xc5: {  	s30 =	sld [smem:$0x0];
	_ =	sdelay $0x2  }
0xc6: {  	s31 =	sshll.u32 s1, $0xD;
	s1 =	sshrl.u32 s1, $0x2  }
0xc7: {  	s4 =	sand.u32 $0x4000, s31;
	s1 =	sadd.s32 s1, s30  }
0xc8: {  	s0 =	sor.u32 s4, s0;
	s1 =	sshll.u32 s1, $0x11  }
0xc9: {  	s0 =	sor.u32 s1, s0  }
0xca: {  	s0 =	sadd.s32 $0x8F2B, s0  }
0xcb: {  	[sflag:s0] =	ssyncadd.remote.s32 $0x1  }
0xcc: {  	_ =	sfence.sel $0xFFFF  }
0xcd: {  	[dreg:$0x0] =	wrdreg $0xFFFFFFFF;
	(pc) =	sbr.abs _section_cstart, $3  }
0xce: {  	[dreg:$0x1] =	wrdreg $0xFFFFFFFF  }
0xcf: {  	_ =	task.clear_ibuf [dreg:s22], $0x2FFFF;
	_ =	strace $0x9FFFFFFF  }
0xd0: {  	(tm) =	ssettm $0x7FFFFFFF  }
0xd1: {  	_ =	shalt  }
tec
execute0_lowered:
.L_overlay_start_1:
0x0: {  	(tag) =	ssettag $0x1  }
0x1: {  	s8 =	rddreg [dreg:$0x0];
	s1 =	stileid.u32  }
0x2: {  	s2 =	srdreg.scid;
	s0 =	rddreg [dreg:$0x1]  }
0x3: {  	_ =	strace $0x8000004A;
	s5 =	simm.s32 $0x1;
	s9 =	simm.s32 $0x1  }
0x4: {  	s10 =	simm.s32 $0x3;
	s2 =	sand.u32 $0x1, s2;
	s3 =	sshll.u32 s1, $0x1  }
0x5: {  	s13 =	simm.s32 $0x0;
	s12 =	simm.s32 $0x0;
	s6 =	sor.u32 s3, s2  }
0x6: {  	[sflag:s5] =	ssyncpa.u1 $0x0;
	s2 =	sadd.s32 $0x3600, s8;
	s4 =	smul.u32 $0x30, s6  }
0x7: {  	s3 =	sadd.s32 $0x3200, s8;
	p0 =	slt.u32 s6, $0x9;
	s6 =	simm.s32 $0x600  }
.Ltmp0:
0x8: {  	s6 =	simm.s32 @!p0 $0x0;
	s7 =	ssub.s32 $0x780, s4;
	(pc) =	sbr.rel .LBB2_1-.Ltmp0, $4  }
0x9: {  	s9 =	simm.s32 @!p0 $0x0;
	p0 =	sne.s32 s7, s6;
	s7 =	simm.s32 $0x1  }
0xa: {  	s8 =	sadd.s32 $0x3800, s8;
	s6 =	simm.s32 $0x2;
	s7 =	simm.s32 @!p0 $0x0  }
0xb: {  	s11 =	smov.u32 s4;
	[sflag:s6] =	ssyncpa.u1 $0x0;
	s7 =	sadd.s32 s9, s7  }
0xc: {  	vm0 =	vmmov $0xffff;
	[sflag:s10] =	ssyncpa.u1 $0x0;
	s10 =	simm.s32 $0x0;
	s9 =	sadd.s32 $0x1, s7  }
.LBB2_4:
0xd: {  	v2 =	vand.u32 $0xFFFFFC00, v1;
	v3 =	vand.u32 $0xFFFFFC00, v0  }
0xe: {  	v62 =	vand.u32 $0x380, v1;
	v2 =	vadd.s32 v3, v2  }
0xf: {  	v63 =	vand.u32 $0x7F, v0;
	v1 =	vor.u32 v62, v2  }
0x10: {  	v0 =	vor.u32 v63, v1;
	_ =	sdelay $0x3  }
0x11: {  	(ifvalue) =	ssetifvalue $0x7FFFFFFF;
	s15 =	sadd.s32 $0x10, s15  }
0x12: {  	[tilespmem:s15], [sflag:$0x1] =	stream.indirect_vreg.gather [hbm4b:s2+s10], $0x1, v0, vm0, $0x4038;
	[tilespmem:$0xC0] =	vst v63  }
0x13: {  	_ =	swait.ge [sflag:s5], $0x30  }
0x14: {  	s30 =	sshrl.u32 s13, $0x3;
	[sflag:s5] =	ssyncset.done $0x0  }
0x15: {  	s31 =	sand.u32 $0x7, s13;
	s15 =	sadd.s32 s8, s30;
	[sflag:s5] =	ssyncadd.s32 $0xFFFFFFD0  }
0x16: {  	[hbm4b:s15+s31] =	stream.linear.scatter [tilespmem:s14], [sflag:$0x3], $0x30, $0x38;
	[tilespmem:$0xC0] =	vst v63  }
.LBB2_5:
0x17: {  	s15 =	sadd.s32 $0x600, s11  }
0x18: {  	p1 =	sgt.s32 s15, $0x77F  }
0x19: {  	s15 =	smov.u32 @p1 s4;
	p1 =	sne.s32 s12, s9  }
.Ltmp1:
0x1a: {  	p0 =	slt.u32 s12, $0x2;
	(pc) =	sbr.rel @!p1 .LBB2_6-.Ltmp1, $4  }
0x1b: {  	s14 =	simm.s32 @!p0 $0x3  }
0x1c: {  	_ =	swait.ge @!p0 [sflag:s14], $0x30  }
0x1d: {  	s16 =	sadd.s32 $0x1, s12;
	s13 =	smov.u32 s11;
	[sflag:s14] =	ssyncset.done @!p0 $0x0  }
0x1e: {  	s12 =	smov.u32 s16;
	s11 =	smov.u32 s15;
	[sflag:s14] =	ssyncadd.s32 @!p0 $0xFFFFFFD0  }
.LBB2_1:
0x1f: {  	p0 =	sge.u32 s12, s7  }
0x20: {  	s14 =	sxor.u32 @!p0 $0x1, s12  }
0x21: {  	s14 =	smul.u32 @!p0 $0xC0, s14  }
0x22: {  	s31 =	sadd.s32 $0xFFFFFFFF, s12;
	s15 =	sshrl.u32 @!p0 s11, $0x3  }
0x23: {  	s16 =	sand.u32 @!p0 $0x7, s11;
	s15 =	sadd.s32 @!p0 s3, s15;
	s14 =	sshra.s32 @!p0 s14, $0x2  }
0x24: {  	[tilespmem:s14], [sflag:$0x2] =	stream.linear.gather @!p0 [hbm4b:s15+s16], $0x30, $0x38;
	[tilespmem:$0xC0] =	vst v63  }
0x25: {  	p0 =	sge.u32 s31, s7  }
.Ltmp2:
0x26: {  	_ = 	snop;
	(pc) =	sbr.rel @p0 .LBB2_5-.Ltmp2, $1  }
0x27: {  	_ =	sdelay $0x3  }
0x28: {  	s14 =	sand.u32 $0x1, s12  }
0x29: {  	_ =	swait.ge [sflag:s6], $0x30;
	p0 =	seq.s32 s14, $0x1;
	s14 =	simm.s32 $0x30  }
0x2a: {  	[sflag:s6] =	ssyncset.done $0x0;
	s14 =	simm.s32 @!p0 $0x0  }
0x2b: {  	[sflag:s6] =	ssyncadd.s32 $0xFFFFFFD0;
	(ifvalue) =	ssetifvalue $0x7FFFFFFF;
	v0 =	vld.msk [tilespmem:s14+$0x0 ss:$0x1], $0xffff;
	_ =	sdelay $0x4  }
0x2c: {  	v1 =	vshrl.u32 v0, $0x4;
	v2 =	vshll.u32 v0, $0x7  }
0x2d: {  	vm1 =	veq.s32 v0, $0x80000000;
	v0 =	vand.u32 $0x7F, v1;
	v1 =	vand.u32 $0x780, v2  }
0x2e: {  	v0 =	vsel vm1, $0xFFFFFFFF, v0;
	v1 =	vsel vm1, $0xFFFFFF80, v1  }
0x2f: {  	v2 =	vand.u32 $0xFFFFFC00, v1;
	v3 =	vand.u32 $0xFFFFFC00, v0  }
0x30: {  	s15 =	sadd.s32 $0x10, s14;
	v1 =	vand.u32 $0x380, v1;
	v2 =	vadd.s32 v3, v2  }
0x31: {  	v0 =	vand.u32 $0x7F, v0;
	v1 =	vor.u32 v1, v2;
	v2 =	vld.msk [tilespmem:s15+$0x0 ss:$0x1], $0xffff  }
0x32: {  	v0 =	vor.u32 v0, v1;
	_ =	sdelay $0x3  }
0x33: {  	s14 =	sadd.s32 $0x60, s14;
	(ifvalue) =	ssetifvalue $0x7FFFFFFF;
	v1 =	vshrl.u32 v2, $0x4;
	v3 =	vshll.u32 v2, $0x7  }
0x34: {  	vm1 =	veq.s32 v2, $0x80000000;
	[tilespmem:s14], [sflag:$0x1] =	stream.indirect_vreg.gather [hbm4b:s2+s10], $0x1, v0, vm0, $0x4038;
	v0 =	vand.u32 $0x7F, v1;
	v1 =	vand.u32 $0x780, v3;
	[tilespmem:$0xC0] =	vst v63  }
0x35: {  	s16 =	simm.s32 $0x10;
	s17 =	sadd.s32 $0x10, s15;
	s15 =	smov.u32 s14;
	v0 =	vsel vm1, $0xFFFFFFFF, v0;
	v1 =	vsel vm1, $0xFFFFFF80, v1  }
.LBB2_3:
0x36: {  	v2 =	vld.msk [tilespmem:s17+$0x0 ss:$0x1], $0xffff;
	s16 =	sadd.s32 $0x10, s16;
	v3 =	vand.u32 $0xFFFFFC00, v1;
	v4 =	vand.u32 $0xFFFFFC00, v0  }
0x37: {  	v1 =	vand.u32 $0x380, v1;
	p0 =	slt.u32 s16, $0x20;
	v3 =	vadd.s32 v4, v3  }
0x38: {  	v0 =	vand.u32 $0x7F, v0;
	v1 =	vor.u32 v1, v3  }
0x39: {  	v3 =	vor.u32 v0, v1  }
.Ltmp3:
0x3a: {  	(pc) =	sbr.rel @p0 .LBB2_3-.Ltmp3, $4  }
0x3b: {  	_ = 	snop  }
0x3c: {  	v0 =	vshrl.u32 v2, $0x4;
	v1 =	vshll.u32 v2, $0x7  }
0x3d: {  	s17 =	sadd.s32 $0x10, s17;
	s15 =	sadd.s32 $0x10, s15;
	vm1 =	veq.s32 v2, $0x80000000;
	v0 =	vand.u32 $0x7F, v0;
	v1 =	vand.u32 $0x780, v1;
	(ifvalue) =	ssetifvalue $0x7FFFFFFF  }
0x3e: {  	v0 =	vsel vm1, $0xFFFFFFFF, v0;
	v1 =	vsel vm1, $0xFFFFFF80, v1;
	[tilespmem:s15], [sflag:$0x1] =	stream.indirect_vreg.gather [hbm4b:s2+s10], $0x1, v3, vm0, $0x4038;
	[tilespmem:$0xC0] =	vst v63  }
.Ltmp4:
0x3f: {  	_ = 	snop;
	(pc) =	sbr.rel .LBB2_4-.Ltmp4, $1  }
0x40: {  	_ =	sdelay $0x3  }
.LBB2_6:
0x41: {  	_ =	sfence.sel $0x180000  }
0x42: {  	s2 =	simm.s32 $0x2;
	[bflag:$0x0] =	sbarrier.arrive $0xFFFF  }
0x43: {  	s30 =	simm.s32 $0x3;
	[sflag:s2] =	ssyncpa.u1 $0x1  }
0x44: {  	s31 =	simm.s32 $0x1;
	[sflag:s30] =	ssyncpa.u1 $0x1  }
0x45: {  	[sflag:s31] =	ssyncpa.u1 $0x1  }
0x46: {  	p0 =	sne.s32 s1, $0x0;
	_ =	strace $0x9000004A  }
0x47: {  	s0 =	sadd.s32 @!p0 $0x100000, s0;
	[bflag:$0x2] =	sbarrier.arrive $0xFFFF  }
0x48: {  	[sflag:s0] =	ssyncadd.tile.s32 @!p0 $0x1;
	_ =	shalt  }
.Lfunc_end2:
_tile_overlayer_lowered:
.L_overlay_start_2:
0x49: {  	(tag) =	ssettag $0x2  }
0x4a: {  	s0 =	rddreg [dreg:$0x0];
	s2 =	stileid.u32  }
0x4b: {  	s1 =	rddreg [dreg:$0x1];
	p0 =	sne.s32 s2, $0x0  }
0x4c: {  	s3 =	rddreg [dreg:$0x2];
	[bflag:$0x3] =	sbarrier.arrive $0xFFFF;
	s2 =	simm.s32 @!p0 $0x1C01  }
0x4d: {  	[timem:s3], [sflag:s2] =	dma.local @!p0 [hbm:s0], s1  }
0x4e: {  	s0 =	simm.s32 @!p0 $0x1  }
0x4f: {  	_ =	swait.ge @!p0 [sflag:s0], s1  }
0x50: {  	s1 =	ssub.s32 @!p0 $0x0, s1;
	[sflag:s0] =	ssyncset.done @!p0 $0x0  }
0x51: {  	[sflag:s0] =	ssyncadd.s32 @!p0 s1  }
0x52: {  	[bflag:$0x3] =	sbarrier.arrive $0xFFFF  }
0x53: {  	_ =	shalt  }

</sc_bundles>
